<compile_context>
chip_gen: v7x
topology: tpu7x:2x2x1
jax: 0.10.2.dev20260603
libtpu: 0.0.44.dev20260713+nightly
codegen_flags: <defaults>
</compile_context>

<pallas_src>
import jax
import jax.numpy as jnp
from jax import lax
from jax.experimental import pallas as pl
from jax.experimental.pallas import tpu as pltpu
from jax.experimental.pallas import tpu_sc as plsc

_R, _N = 128, 32768
_RSC = 32
_ROFF = _R - _RSC
_L = 16
_B = _N // 2
_C = _B // _L
_G = _C // _L
_T = _G // _L
_NC, _NS = 2, 16
_NW = _NC * _NS
_RPW = _RSC // _NW
_NB = _RPW * 2
_RT = _ROFF
_RTB = 96
_SUB = 256
_NSUB = 32
_BT = _SUB * _NSUB


def _sc_body(x_hbm, m_hbm, o_hbm, xv, mv, ov, sums, sg, go, off, sems):
    wid = lax.axis_index("s") * _NC + lax.axis_index("c")
    lane = lax.iota(jnp.int32, _L)

    def start_in(b):
        p = b % 2
        row = wid * _RPW + b // 2
        return (
            pltpu.async_copy(
                x_hbm.at[_ROFF + row, pl.ds((b % 2) * _B, _B)],
                xv.at[p],
                sems.at[p],
            ),
            pltpu.async_copy(
                m_hbm.at[row, pl.ds((b % 2) * _B, _B)],
                mv.at[p],
                sems.at[2 + p],
            ),
        )

    def compute_block(p, base):
        pidx = jnp.full((_L,), p, jnp.int32)

        @plsc.parallel_loop(0, _C, unroll=8)
        def _(i):
            o = i * _L
            ov[p, pl.ds(o, _L)] = jnp.cumsum(
                xv[p, pl.ds(o, _L)] * mv[p, pl.ds(o, _L)]
            )

        @plsc.parallel_loop(0, _G, unroll=4)
        def _(g):
            idx = (g * _L + lane) * _L + (_L - 1)
            sums[pl.ds(g * _L, _L)] = plsc.load_gather(ov, [pidx, idx])

        @plsc.parallel_loop(0, _G, unroll=4)
        def _(g):
            sg[pl.ds(g * _L, _L)] = jnp.cumsum(sums[pl.ds(g * _L, _L)])

        def p3(t, carry):
            idx = (t * _L + lane) * _L + (_L - 1)
            gt = plsc.load_gather(sg, [idx])
            st = jnp.cumsum(gt)
            go[pl.ds(t * _L, _L)] = st - gt + carry
            return carry + jnp.sum(gt)
        total = lax.fori_loop(0, _T, p3, base)

        @plsc.parallel_loop(0, _T)
        def _(t):
            gov = go[pl.ds(t * _L, _L)]
            for j in range(_L):
                o = (t * _L + j) * _L
                off[pl.ds(o, _L)] = (
                    sg[pl.ds(o, _L)] - sums[pl.ds(o, _L)] + gov[j]
                )

        @plsc.parallel_loop(0, _G, unroll=4)
        def _(g):
            offv = off[pl.ds(g * _L, _L)]
            for j in range(_L):
                o = (g * _L + j) * _L
                ov[p, pl.ds(o, _L)] = ov[p, pl.ds(o, _L)] + offv[j]

        return total

    in_cps = {0: start_in(0), 1: start_in(1)}
    out_cps = {}
    base = jnp.float32(0.0)
    for b in range(_NB):
        p = b % 2
        if b >= 2:
            out_cps.pop(b - 2).wait()
        for cp in in_cps.pop(b):
            cp.wait()
        if b % 2 == 0:
            base = jnp.float32(0.0)
        base = compute_block(p, base)
        if b + 2 < _NB:
            in_cps[b + 2] = start_in(b + 2)
        row = wid * _RPW + b // 2
        out_cps[b] = pltpu.async_copy(
            ov.at[p], o_hbm.at[row, pl.ds((b % 2) * _B, _B)], sems.at[4 + p]
        )
    for cp in out_cps.values():
        cp.wait()


def _sc_call(x, maskf):
    f = pl.kernel(
        _sc_body,
        out_type=jax.ShapeDtypeStruct((_RSC, _N), jnp.float32),
        mesh=plsc.VectorSubcoreMesh(core_axis_name="c", subcore_axis_name="s"),
        scratch_types=[
            pltpu.VMEM((2, _B), jnp.float32),
            pltpu.VMEM((2, _B), jnp.float32),
            pltpu.VMEM((2, _B), jnp.float32),
            pltpu.VMEM((_C,), jnp.float32),
            pltpu.VMEM((_C,), jnp.float32),
            pltpu.VMEM((_G,), jnp.float32),
            pltpu.VMEM((_C,), jnp.float32),
            pltpu.SemaphoreType.DMA((6,)),
        ],
        compiler_params=pltpu.CompilerParams(needs_layout_passes=False),
    )
    return f(x, maskf)


def _tc_body(x_ref, m_ref, tri_ref, o_ref, carry_ref):
    i = pl.program_id(0)

    @pl.when(i == 0)
    def _():
        carry_ref[...] = jnp.zeros_like(carry_ref)

    masked = jnp.where(m_ref[...], x_ref[...], 0.0)
    run = carry_ref[:, :1]
    offs = []
    for s in range(_NSUB):
        offs.append(run)
        sub_tot = jnp.sum(
            masked[:, s * _SUB : (s + 1) * _SUB], axis=1, keepdims=True
        )
        run = run + sub_tot
    carry_ref[...] = jnp.broadcast_to(run, carry_ref.shape)
    tri = tri_ref[...]
    for s in range(_NSUB):
        intra = lax.dot_general(
            masked[:, s * _SUB : (s + 1) * _SUB],
            tri,
            (((1,), (0,)), ((), ())),
            preferred_element_type=jnp.float32,
        )
        o_ref[:, s * _SUB : (s + 1) * _SUB] = intra + offs[s]


def _tc_call(x, mask, tri):
    return pl.pallas_call(
        _tc_body,
        grid=(_N // _BT,),
        in_specs=[
            pl.BlockSpec((_RTB, _BT), lambda i: (0, i)),
            pl.BlockSpec((_RTB, _BT), lambda i: (0, i)),
            pl.BlockSpec((_SUB, _SUB), lambda i: (0, 0)),
        ],
        out_specs=pl.BlockSpec((_RTB, _BT), lambda i: (0, i)),
        out_shape=jax.ShapeDtypeStruct((_R, _N), jnp.float32),
        scratch_shapes=[pltpu.VMEM((_RTB, 128), jnp.float32)],
        compiler_params=pltpu.CompilerParams(
            dimension_semantics=("arbitrary",),
        ),
    )(x, mask, tri)


def kernel(x, mask):
    maskf = mask[_ROFF:].astype(jnp.float32)
    tri = jnp.triu(jnp.ones((_SUB, _SUB), jnp.float32))
    sc_out = _sc_call(x, maskf)
    tc_out = _tc_call(x, mask, tri)
    return lax.dynamic_update_slice(tc_out, sc_out, (_ROFF, 0))

# --- scband reference (transcript-rebuilt; emitter-appended) ---
"""Pipeline reference for scband-model-new-10548439679732 (READ-ONLY COPY).

The authoritative reference and input builder live on the scoring server;
editing this copy changes nothing except your own understanding.
"""

import jax, jax.numpy as jnp
import numpy as np

def setup_inputs(seed: int = 0) -> dict:
    key = jax.random.key(seed)
    k1, k2 = jax.random.split(key)
    x = jax.random.normal(k1, (128, 32768), dtype=jnp.float32)
    mask = jax.random.randint(k2, (128, 32768), 0, 2).astype(jnp.bool_)
    return {"x": x, "mask": mask}

def reference(x, mask):
    # Masked cumulative sum along dim=1: elements where mask is False contribute 0.
    masked = jnp.where(mask, x, jnp.zeros_like(x))
    return jnp.cumsum(masked, axis=1)

if __name__ == "__main__":
    import jax
    _d = setup_inputs()
    print(jax.jit(kernel)(*tuple(_d.values())))

</pallas_src>

<mosaic_0001>
#map = affine_map<(d0, d1) -> (0, 0)>
module attributes {stable_mosaic.version = 14 : i64} {
  func.func @_sc_body(%arg0: i32, %arg1: i32, %arg2: memref<128x32768xf32, #tpu.memory_space<hbm>>, %arg3: memref<32x32768xf32, #tpu.memory_space<hbm>>, %arg4: memref<32x32768xf32, #tpu.memory_space<hbm>>, %arg5: memref<2x16384xf32, #tpu.memory_space<vmem>>, %arg6: memref<2x16384xf32, #tpu.memory_space<vmem>>, %arg7: memref<2x16384xf32, #tpu.memory_space<vmem>>, %arg8: memref<1024xf32, #tpu.memory_space<vmem>>, %arg9: memref<1024xf32, #tpu.memory_space<vmem>>, %arg10: memref<64xf32, #tpu.memory_space<vmem>>, %arg11: memref<1024xf32, #tpu.memory_space<vmem>>, %arg12: memref<6x!tpu.dma_semaphore, #tpu.memory_space<semaphore_mem>>) attributes {dimension_semantics = [#tpu.dimension_semantics<core_parallel>, #tpu.dimension_semantics<subcore_parallel>], iteration_bounds = array<i64: 2, 16>, scalar_prefetch = 0 : i64, scratch_operands = 8 : i64, tpu.core_type = #tpu.core_type<sc_vector_subcore>, window_params = [{transform_indices = #map}, {transform_indices = #map}, {transform_indices = #map}]} {
    %mul3A = arith.constant 2 : i32
    %mul3A_0 = arith.muli %arg1, %mul3A : i32
    %add3A = arith.addi %mul3A_0, %arg0 : i32
    %iota3A = tpu.iota {dimensions = array<i32: 0>} : vector<16xi32>
    %mul3A_1 = arith.constant 1 : i32
    %mul3A_2 = arith.muli %add3A, %mul3A_1 : i32
    %add3A_3 = arith.constant 0 : i32
    %add3A_4 = arith.addi %mul3A_2, %add3A_3 : i32
    %add3A_5 = arith.constant 96 : i32
    %add3A_6 = arith.addi %add3A_5, %add3A_4 : i32
    %dma_start3A = arith.constant 0 : i32
    %dma_start3A_7 = arith.constant 0 : i32
    %dma_start3A_8 = arith.constant 0 : i32
    %dma_start3A_9 = tpu.memref_slice %arg5[%dma_start3A, %dma_start3A_8] : memref<2x16384xf32, #tpu.memory_space<vmem>> -> memref<1x16384xf32, #tpu.memory_space<vmem>>
    %dma_start3A_10 = tpu.memref_squeeze %dma_start3A_9 : memref<1x16384xf32, #tpu.memory_space<vmem>> -> memref<16384xf32, #tpu.memory_space<vmem>>
    %dma_start3A_11 = arith.constant 0 : i32
    %dma_start3A_12 = tpu.memref_slice %arg2[%add3A_6, %dma_start3A_11] : memref<128x32768xf32, #tpu.memory_space<hbm>> -> memref<1x16384xf32, #tpu.memory_space<hbm>>
    %dma_start3A_13 = tpu.memref_squeeze %dma_start3A_12 : memref<1x16384xf32, #tpu.memory_space<hbm>> -> memref<16384xf32, #tpu.memory_space<hbm>>
    %dma_start3A_14 = tpu.memref_slice %arg12[%dma_start3A_7] : memref<6x!tpu.dma_semaphore, #tpu.memory_space<semaphore_mem>> -> memref<1x!tpu.dma_semaphore, #tpu.memory_space<semaphore_mem>>
    %dma_start3A_15 = tpu.memref_squeeze %dma_start3A_14 : memref<1x!tpu.dma_semaphore, #tpu.memory_space<semaphore_mem>> -> memref<!tpu.dma_semaphore, #tpu.memory_space<semaphore_mem>>
    %dma_start3A_16 = arith.constant 0 : i32
    %dma_start3A_17 = tpu.memref_slice %arg5[%dma_start3A, %dma_start3A_16] : memref<2x16384xf32, #tpu.memory_space<vmem>> -> memref<1x16384xf32, #tpu.memory_space<vmem>>
    %dma_start3A_18 = tpu.memref_squeeze %dma_start3A_17 : memref<1x16384xf32, #tpu.memory_space<vmem>> -> memref<16384xf32, #tpu.memory_space<vmem>>
    %dma_start3A_19 = arith.constant 0 : i32
    %dma_start3A_20 = tpu.memref_slice %arg2[%add3A_6, %dma_start3A_19] : memref<128x32768xf32, #tpu.memory_space<hbm>> -> memref<1x16384xf32, #tpu.memory_space<hbm>>
    %dma_start3A_21 = tpu.memref_squeeze %dma_start3A_20 : memref<1x16384xf32, #tpu.memory_space<hbm>> -> memref<16384xf32, #tpu.memory_space<hbm>>
    tpu.enqueue_dma source(%dma_start3A_21 : memref<16384xf32, #tpu.memory_space<hbm>>) target(%dma_start3A_18 : memref<16384xf32, #tpu.memory_space<vmem>>) target_semaphore(%dma_start3A_15 : memref<!tpu.dma_semaphore, #tpu.memory_space<semaphore_mem>>)
    %dma_start3A_22 = arith.constant 0 : i32
    %dma_start3A_23 = arith.constant 2 : i32
    %dma_start3A_24 = arith.constant 0 : i32
    %dma_start3A_25 = tpu.memref_slice %arg6[%dma_start3A_22, %dma_start3A_24] : memref<2x16384xf32, #tpu.memory_space<vmem>> -> memref<1x16384xf32, #tpu.memory_space<vmem>>
    %dma_start3A_26 = tpu.memref_squeeze %dma_start3A_25 : memref<1x16384xf32, #tpu.memory_space<vmem>> -> memref<16384xf32, #tpu.memory_space<vmem>>
    %dma_start3A_27 = arith.constant 0 : i32
    %dma_start3A_28 = tpu.memref_slice %arg3[%add3A_4, %dma_start3A_27] : memref<32x32768xf32, #tpu.memory_space<hbm>> -> memref<1x16384xf32, #tpu.memory_space<hbm>>
    %dma_start3A_29 = tpu.memref_squeeze %dma_start3A_28 : memref<1x16384xf32, #tpu.memory_space<hbm>> -> memref<16384xf32, #tpu.memory_space<hbm>>
    %dma_start3A_30 = tpu.memref_slice %arg12[%dma_start3A_23] : memref<6x!tpu.dma_semaphore, #tpu.memory_space<semaphore_mem>> -> memref<1x!tpu.dma_semaphore, #tpu.memory_space<semaphore_mem>>
    %dma_start3A_31 = tpu.memref_squeeze %dma_start3A_30 : memref<1x!tpu.dma_semaphore, #tpu.memory_space<semaphore_mem>> -> memref<!tpu.dma_semaphore, #tpu.memory_space<semaphore_mem>>
    %dma_start3A_32 = arith.constant 0 : i32
    %dma_start3A_33 = tpu.memref_slice %arg6[%dma_start3A_22, %dma_start3A_32] : memref<2x16384xf32, #tpu.memory_space<vmem>> -> memref<1x16384xf32, #tpu.memory_space<vmem>>
    %dma_start3A_34 = tpu.memref_squeeze %dma_start3A_33 : memref<1x16384xf32, #tpu.memory_space<vmem>> -> memref<16384xf32, #tpu.memory_space<vmem>>
    %dma_start3A_35 = arith.constant 0 : i32
    %dma_start3A_36 = tpu.memref_slice %arg3[%add3A_4, %dma_start3A_35] : memref<32x32768xf32, #tpu.memory_space<hbm>> -> memref<1x16384xf32, #tpu.memory_space<hbm>>
    %dma_start3A_37 = tpu.memref_squeeze %dma_start3A_36 : memref<1x16384xf32, #tpu.memory_space<hbm>> -> memref<16384xf32, #tpu.memory_space<hbm>>
    tpu.enqueue_dma source(%dma_start3A_37 : memref<16384xf32, #tpu.memory_space<hbm>>) target(%dma_start3A_34 : memref<16384xf32, #tpu.memory_space<vmem>>) target_semaphore(%dma_start3A_31 : memref<!tpu.dma_semaphore, #tpu.memory_space<semaphore_mem>>)
    %mul3A_38 = arith.constant 1 : i32
    %mul3A_39 = arith.muli %add3A, %mul3A_38 : i32
    %add3A_40 = arith.constant 0 : i32
    %add3A_41 = arith.addi %mul3A_39, %add3A_40 : i32
    %add3A_42 = arith.constant 96 : i32
    %add3A_43 = arith.addi %add3A_42, %add3A_41 : i32
    %dma_start3A_44 = arith.constant 1 : i32
    %dma_start3A_45 = arith.constant 1 : i32
    %dma_start3A_46 = arith.constant 0 : i32
    %dma_start3A_47 = tpu.memref_slice %arg5[%dma_start3A_44, %dma_start3A_46] : memref<2x16384xf32, #tpu.memory_space<vmem>> -> memref<1x16384xf32, #tpu.memory_space<vmem>>
    %dma_start3A_48 = tpu.memref_squeeze %dma_start3A_47 : memref<1x16384xf32, #tpu.memory_space<vmem>> -> memref<16384xf32, #tpu.memory_space<vmem>>
    %dma_start3A_49 = arith.constant 16384 : i32
    %dma_start3A_50 = tpu.memref_slice %arg2[%add3A_43, %dma_start3A_49] : memref<128x32768xf32, #tpu.memory_space<hbm>> -> memref<1x16384xf32, #tpu.memory_space<hbm>>
    %dma_start3A_51 = tpu.memref_squeeze %dma_start3A_50 : memref<1x16384xf32, #tpu.memory_space<hbm>> -> memref<16384xf32, #tpu.memory_space<hbm>>
    %dma_start3A_52 = tpu.memref_slice %arg12[%dma_start3A_45] : memref<6x!tpu.dma_semaphore, #tpu.memory_space<semaphore_mem>> -> memref<1x!tpu.dma_semaphore, #tpu.memory_space<semaphore_mem>>
    %dma_start3A_53 = tpu.memref_squeeze %dma_start3A_52 : memref<1x!tpu.dma_semaphore, #tpu.memory_space<semaphore_mem>> -> memref<!tpu.dma_semaphore, #tpu.memory_space<semaphore_mem>>
    %dma_start3A_54 = arith.constant 0 : i32
    %dma_start3A_55 = tpu.memref_slice %arg5[%dma_start3A_44, %dma_start3A_54] : memref<2x16384xf32, #tpu.memory_space<vmem>> -> memref<1x16384xf32, #tpu.memory_space<vmem>>
    %dma_start3A_56 = tpu.memref_squeeze %dma_start3A_55 : memref<1x16384xf32, #tpu.memory_space<vmem>> -> memref<16384xf32, #tpu.memory_space<vmem>>
    %dma_start3A_57 = arith.constant 16384 : i32
    %dma_start3A_58 = tpu.memref_slice %arg2[%add3A_43, %dma_start3A_57] : memref<128x32768xf32, #tpu.memory_space<hbm>> -> memref<1x16384xf32, #tpu.memory_space<hbm>>
    %dma_start3A_59 = tpu.memref_squeeze %dma_start3A_58 : memref<1x16384xf32, #tpu.memory_space<hbm>> -> memref<16384xf32, #tpu.memory_space<hbm>>
    tpu.enqueue_dma source(%dma_start3A_59 : memref<16384xf32, #tpu.memory_space<hbm>>) target(%dma_start3A_56 : memref<16384xf32, #tpu.memory_space<vmem>>) target_semaphore(%dma_start3A_53 : memref<!tpu.dma_semaphore, #tpu.memory_space<semaphore_mem>>)
    %dma_start3A_60 = arith.constant 1 : i32
    %dma_start3A_61 = arith.constant 3 : i32
    %dma_start3A_62 = arith.constant 0 : i32
    %dma_start3A_63 = tpu.memref_slice %arg6[%dma_start3A_60, %dma_start3A_62] : memref<2x16384xf32, #tpu.memory_space<vmem>> -> memref<1x16384xf32, #tpu.memory_space<vmem>>
    %dma_start3A_64 = tpu.memref_squeeze %dma_start3A_63 : memref<1x16384xf32, #tpu.memory_space<vmem>> -> memref<16384xf32, #tpu.memory_space<vmem>>
    %dma_start3A_65 = arith.constant 16384 : i32
    %dma_start3A_66 = tpu.memref_slice %arg3[%add3A_41, %dma_start3A_65] : memref<32x32768xf32, #tpu.memory_space<hbm>> -> memref<1x16384xf32, #tpu.memory_space<hbm>>
    %dma_start3A_67 = tpu.memref_squeeze %dma_start3A_66 : memref<1x16384xf32, #tpu.memory_space<hbm>> -> memref<16384xf32, #tpu.memory_space<hbm>>
    %dma_start3A_68 = tpu.memref_slice %arg12[%dma_start3A_61] : memref<6x!tpu.dma_semaphore, #tpu.memory_space<semaphore_mem>> -> memref<1x!tpu.dma_semaphore, #tpu.memory_space<semaphore_mem>>
    %dma_start3A_69 = tpu.memref_squeeze %dma_start3A_68 : memref<1x!tpu.dma_semaphore, #tpu.memory_space<semaphore_mem>> -> memref<!tpu.dma_semaphore, #tpu.memory_space<semaphore_mem>>
    %dma_start3A_70 = arith.constant 0 : i32
    %dma_start3A_71 = tpu.memref_slice %arg6[%dma_start3A_60, %dma_start3A_70] : memref<2x16384xf32, #tpu.memory_space<vmem>> -> memref<1x16384xf32, #tpu.memory_space<vmem>>
    %dma_start3A_72 = tpu.memref_squeeze %dma_start3A_71 : memref<1x16384xf32, #tpu.memory_space<vmem>> -> memref<16384xf32, #tpu.memory_space<vmem>>
    %dma_start3A_73 = arith.constant 16384 : i32
    %dma_start3A_74 = tpu.memref_slice %arg3[%add3A_41, %dma_start3A_73] : memref<32x32768xf32, #tpu.memory_space<hbm>> -> memref<1x16384xf32, #tpu.memory_space<hbm>>
    %dma_start3A_75 = tpu.memref_squeeze %dma_start3A_74 : memref<1x16384xf32, #tpu.memory_space<hbm>> -> memref<16384xf32, #tpu.memory_space<hbm>>
    tpu.enqueue_dma source(%dma_start3A_75 : memref<16384xf32, #tpu.memory_space<hbm>>) target(%dma_start3A_72 : memref<16384xf32, #tpu.memory_space<vmem>>) target_semaphore(%dma_start3A_69 : memref<!tpu.dma_semaphore, #tpu.memory_space<semaphore_mem>>)
    %dma_wait3A = arith.constant 0 : i32
    %dma_wait3A_76 = arith.constant 0 : i32
    %dma_wait3A_77 = arith.constant 0 : i32
    %dma_wait3A_78 = tpu.memref_slice %arg5[%dma_wait3A, %dma_wait3A_77] : memref<2x16384xf32, #tpu.memory_space<vmem>> -> memref<1x16384xf32, #tpu.memory_space<vmem>>
    %dma_wait3A_79 = tpu.memref_squeeze %dma_wait3A_78 : memref<1x16384xf32, #tpu.memory_space<vmem>> -> memref<16384xf32, #tpu.memory_space<vmem>>
    %dma_wait3A_80 = arith.constant 0 : i32
    %dma_wait3A_81 = tpu.memref_slice %arg2[%add3A_6, %dma_wait3A_80] : memref<128x32768xf32, #tpu.memory_space<hbm>> -> memref<1x16384xf32, #tpu.memory_space<hbm>>
    %dma_wait3A_82 = tpu.memref_squeeze %dma_wait3A_81 : memref<1x16384xf32, #tpu.memory_space<hbm>> -> memref<16384xf32, #tpu.memory_space<hbm>>
    %dma_wait3A_83 = tpu.memref_slice %arg12[%dma_wait3A_76] : memref<6x!tpu.dma_semaphore, #tpu.memory_space<semaphore_mem>> -> memref<1x!tpu.dma_semaphore, #tpu.memory_space<semaphore_mem>>
    %dma_wait3A_84 = tpu.memref_squeeze %dma_wait3A_83 : memref<1x!tpu.dma_semaphore, #tpu.memory_space<semaphore_mem>> -> memref<!tpu.dma_semaphore, #tpu.memory_space<semaphore_mem>>
    %dma_wait3A_85 = arith.constant 0 : i32
    %dma_wait3A_86 = tpu.memref_slice %arg5[%dma_wait3A, %dma_wait3A_85] : memref<2x16384xf32, #tpu.memory_space<vmem>> -> memref<1x16384xf32, #tpu.memory_space<vmem>>
    %dma_wait3A_87 = tpu.memref_squeeze %dma_wait3A_86 : memref<1x16384xf32, #tpu.memory_space<vmem>> -> memref<16384xf32, #tpu.memory_space<vmem>>
    %dma_wait3A_88 = arith.constant 0 : i32
    %dma_wait3A_89 = tpu.memref_slice %arg2[%add3A_6, %dma_wait3A_88] : memref<128x32768xf32, #tpu.memory_space<hbm>> -> memref<1x16384xf32, #tpu.memory_space<hbm>>
    %dma_wait3A_90 = tpu.memref_squeeze %dma_wait3A_89 : memref<1x16384xf32, #tpu.memory_space<hbm>> -> memref<16384xf32, #tpu.memory_space<hbm>>
    tpu.wait_dma2 semaphore(%dma_wait3A_84 : memref<!tpu.dma_semaphore, #tpu.memory_space<semaphore_mem>>) src(%dma_wait3A_90 : memref<16384xf32, #tpu.memory_space<hbm>>) dst(%dma_wait3A_87 : memref<16384xf32, #tpu.memory_space<vmem>>)
    %dma_wait3A_91 = arith.constant 0 : i32
    %dma_wait3A_92 = arith.constant 2 : i32
    %dma_wait3A_93 = arith.constant 0 : i32
    %dma_wait3A_94 = tpu.memref_slice %arg6[%dma_wait3A_91, %dma_wait3A_93] : memref<2x16384xf32, #tpu.memory_space<vmem>> -> memref<1x16384xf32, #tpu.memory_space<vmem>>
    %dma_wait3A_95 = tpu.memref_squeeze %dma_wait3A_94 : memref<1x16384xf32, #tpu.memory_space<vmem>> -> memref<16384xf32, #tpu.memory_space<vmem>>
    %dma_wait3A_96 = arith.constant 0 : i32
    %dma_wait3A_97 = tpu.memref_slice %arg3[%add3A_4, %dma_wait3A_96] : memref<32x32768xf32, #tpu.memory_space<hbm>> -> memref<1x16384xf32, #tpu.memory_space<hbm>>
    %dma_wait3A_98 = tpu.memref_squeeze %dma_wait3A_97 : memref<1x16384xf32, #tpu.memory_space<hbm>> -> memref<16384xf32, #tpu.memory_space<hbm>>
    %dma_wait3A_99 = tpu.memref_slice %arg12[%dma_wait3A_92] : memref<6x!tpu.dma_semaphore, #tpu.memory_space<semaphore_mem>> -> memref<1x!tpu.dma_semaphore, #tpu.memory_space<semaphore_mem>>
    %dma_wait3A_100 = tpu.memref_squeeze %dma_wait3A_99 : memref<1x!tpu.dma_semaphore, #tpu.memory_space<semaphore_mem>> -> memref<!tpu.dma_semaphore, #tpu.memory_space<semaphore_mem>>
    %dma_wait3A_101 = arith.constant 0 : i32
    %dma_wait3A_102 = tpu.memref_slice %arg6[%dma_wait3A_91, %dma_wait3A_101] : memref<2x16384xf32, #tpu.memory_space<vmem>> -> memref<1x16384xf32, #tpu.memory_space<vmem>>
    %dma_wait3A_103 = tpu.memref_squeeze %dma_wait3A_102 : memref<1x16384xf32, #tpu.memory_space<vmem>> -> memref<16384xf32, #tpu.memory_space<vmem>>
    %dma_wait3A_104 = arith.constant 0 : i32
    %dma_wait3A_105 = tpu.memref_slice %arg3[%add3A_4, %dma_wait3A_104] : memref<32x32768xf32, #tpu.memory_space<hbm>> -> memref<1x16384xf32, #tpu.memory_space<hbm>>
    %dma_wait3A_106 = tpu.memref_squeeze %dma_wait3A_105 : memref<1x16384xf32, #tpu.memory_space<hbm>> -> memref<16384xf32, #tpu.memory_space<hbm>>
    tpu.wait_dma2 semaphore(%dma_wait3A_100 : memref<!tpu.dma_semaphore, #tpu.memory_space<semaphore_mem>>) src(%dma_wait3A_106 : memref<16384xf32, #tpu.memory_space<hbm>>) dst(%dma_wait3A_103 : memref<16384xf32, #tpu.memory_space<vmem>>)
    %broadcast_in_dim3A = arith.constant 0 : i32
    %broadcast_in_dim3A_107 = vector.broadcast %broadcast_in_dim3A : i32 to vector<16xi32>
    %parallel_loop3A = arith.constant 0 : i32
    %parallel_loop3A_108 = arith.constant 1024 : i32
    %parallel_loop3A_109 = arith.constant 1 : i32
    scf.for %parallel_loop3A_255 = %parallel_loop3A to %parallel_loop3A_108 step %parallel_loop3A_109  : i32 {
      %parallel_loop3A_256 = arith.constant 16 : i32
      %parallel_loop3A_257 = arith.muli %parallel_loop3A_255, %parallel_loop3A_256 : i32
      %parallel_loop3A_258 = arith.constant 0 : i32
      %parallel_loop3A_259 = arith.index_cast %parallel_loop3A_258 : i32 to index
      %parallel_loop3A_260 = arith.index_cast %parallel_loop3A_257 : i32 to index
      %parallel_loop3A_261 = tpu.vector_load %arg5[%parallel_loop3A_259, %parallel_loop3A_260] {strides = array<i32>} : memref<2x16384xf32, #tpu.memory_space<vmem>>, vector<16xf32>,
      %parallel_loop3A_262 = arith.constant 0 : i32
      %parallel_loop3A_263 = arith.index_cast %parallel_loop3A_262 : i32 to index
      %parallel_loop3A_264 = arith.index_cast %parallel_loop3A_257 : i32 to index
      %parallel_loop3A_265 = tpu.vector_load %arg6[%parallel_loop3A_263, %parallel_loop3A_264] {strides = array<i32>} : memref<2x16384xf32, #tpu.memory_space<vmem>>, vector<16xf32>,
      %parallel_loop3A_266 = arith.mulf %parallel_loop3A_261, %parallel_loop3A_265 : vector<16xf32>
      %parallel_loop3A_267 = arith.constant true
      %parallel_loop3A_268 = vector.broadcast %parallel_loop3A_267 : i1 to vector<16xi1>
      %parallel_loop3A_269 = tpu.scan <sum>, %parallel_loop3A_266 masked %parallel_loop3A_268 : vector<16xf32>, vector<16xi1> -> vector<16xf32>
      %parallel_loop3A_270 = arith.constant 0 : i32
      %parallel_loop3A_271 = arith.index_cast %parallel_loop3A_270 : i32 to index
      %parallel_loop3A_272 = arith.index_cast %parallel_loop3A_257 : i32 to index
      %parallel_loop3A_273 = tpu.vector_load %arg7[%parallel_loop3A_271, %parallel_loop3A_272] {strides = array<i32>} : memref<2x16384xf32, #tpu.memory_space<vmem>>, vector<16xf32>,
      tpu.vector_store %arg7[%parallel_loop3A_271, %parallel_loop3A_272], %parallel_loop3A_269 {strides = array<i32>} : memref<2x16384xf32, #tpu.memory_space<vmem>>, vector<16xf32>,
    } {sc.loop_unroll_factor = 8 : i64, sc.parallel_access}
    %parallel_loop3A_110 = arith.constant 0 : i32
    %parallel_loop3A_111 = arith.constant 64 : i32
    %parallel_loop3A_112 = arith.constant 1 : i32
    scf.for %parallel_loop3A_255 = %parallel_loop3A_110 to %parallel_loop3A_111 step %parallel_loop3A_112  : i32 {
      %parallel_loop3A_256 = arith.constant 16 : i32
      %parallel_loop3A_257 = arith.muli %parallel_loop3A_255, %parallel_loop3A_256 : i32
      %parallel_loop3A_258 = vector.broadcast %parallel_loop3A_257 : i32 to vector<16xi32>
      %parallel_loop3A_259 = arith.addi %parallel_loop3A_258, %iota3A : vector<16xi32>
      %parallel_loop3A_260 = arith.constant 16 : i32
      %parallel_loop3A_261 = vector.broadcast %parallel_loop3A_260 : i32 to vector<16xi32>
      %parallel_loop3A_262 = arith.muli %parallel_loop3A_259, %parallel_loop3A_261 : vector<16xi32>
      %parallel_loop3A_263 = arith.constant 15 : i32
      %parallel_loop3A_264 = vector.broadcast %parallel_loop3A_263 : i32 to vector<16xi32>
      %parallel_loop3A_265 = arith.addi %parallel_loop3A_262, %parallel_loop3A_264 : vector<16xi32>
      %parallel_loop3A_266 = tpu.vector_load_idx %arg7[%broadcast_in_dim3A_107, %parallel_loop3A_265] : memref<2x16384xf32, #tpu.memory_space<vmem>>[vector<16xi32>, vector<16xi32>], vector<16xf32>,
      %parallel_loop3A_267 = arith.constant 16 : i32
      %parallel_loop3A_268 = arith.muli %parallel_loop3A_255, %parallel_loop3A_267 : i32
      %parallel_loop3A_269 = arith.index_cast %parallel_loop3A_268 : i32 to index
      %parallel_loop3A_270 = tpu.vector_load %arg8[%parallel_loop3A_269] {strides = array<i32>} : memref<1024xf32, #tpu.memory_space<vmem>>, vector<16xf32>,
      tpu.vector_store %arg8[%parallel_loop3A_269], %parallel_loop3A_266 {strides = array<i32>} : memref<1024xf32, #tpu.memory_space<vmem>>, vector<16xf32>,
    } {sc.loop_unroll_factor = 4 : i64, sc.parallel_access}
    %parallel_loop3A_113 = arith.constant 0 : i32
    %parallel_loop3A_114 = arith.constant 64 : i32
    %parallel_loop3A_115 = arith.constant 1 : i32
    scf.for %parallel_loop3A_255 = %parallel_loop3A_113 to %parallel_loop3A_114 step %parallel_loop3A_115  : i32 {
      %parallel_loop3A_256 = arith.constant 16 : i32
      %parallel_loop3A_257 = arith.muli %parallel_loop3A_255, %parallel_loop3A_256 : i32
      %parallel_loop3A_258 = arith.index_cast %parallel_loop3A_257 : i32 to index
      %parallel_loop3A_259 = tpu.vector_load %arg8[%parallel_loop3A_258] {strides = array<i32>} : memref<1024xf32, #tpu.memory_space<vmem>>, vector<16xf32>,
      %parallel_loop3A_260 = arith.constant true
      %parallel_loop3A_261 = vector.broadcast %parallel_loop3A_260 : i1 to vector<16xi1>
      %parallel_loop3A_262 = tpu.scan <sum>, %parallel_loop3A_259 masked %parallel_loop3A_261 : vector<16xf32>, vector<16xi1> -> vector<16xf32>
      %parallel_loop3A_263 = arith.constant 16 : i32
      %parallel_loop3A_264 = arith.muli %parallel_loop3A_255, %parallel_loop3A_263 : i32
      %parallel_loop3A_265 = arith.index_cast %parallel_loop3A_264 : i32 to index
      %parallel_loop3A_266 = tpu.vector_load %arg9[%parallel_loop3A_265] {strides = array<i32>} : memref<1024xf32, #tpu.memory_space<vmem>>, vector<16xf32>,
      tpu.vector_store %arg9[%parallel_loop3A_265], %parallel_loop3A_262 {strides = array<i32>} : memref<1024xf32, #tpu.memory_space<vmem>>, vector<16xf32>,
    } {sc.loop_unroll_factor = 4 : i64, sc.parallel_access}
    %scan3A = arith.constant 0.000000e+00 : f32
    %scan3A_116 = arith.constant 0 : i32
    %scan3A_117 = arith.constant 4 : i32
    %scan3A_118 = arith.addi %scan3A_116, %scan3A_117 : i32
    %scan3A_119 = arith.constant 1 : i32
    %scan3A_120 = scf.for %scan3A_255 = %scan3A_116 to %scan3A_118 step %scan3A_119 iter_args(%scan3A_256 = %scan3A) -> (f32)  : i32 {
      %mul3A_257 = arith.constant 16 : i32
      %mul3A_258 = arith.muli %scan3A_255, %mul3A_257 : i32
      %add3A_259 = vector.broadcast %mul3A_258 : i32 to vector<16xi32>
      %add3A_260 = arith.addi %add3A_259, %iota3A : vector<16xi32>
      %mul3A_261 = arith.constant 16 : i32
      %mul3A_262 = vector.broadcast %mul3A_261 : i32 to vector<16xi32>
      %mul3A_263 = arith.muli %add3A_260, %mul3A_262 : vector<16xi32>
      %add3A_264 = arith.constant 15 : i32
      %add3A_265 = vector.broadcast %add3A_264 : i32 to vector<16xi32>
      %add3A_266 = arith.addi %mul3A_263, %add3A_265 : vector<16xi32>
      %gather3A = tpu.vector_load_idx %arg9[%add3A_266] : memref<1024xf32, #tpu.memory_space<vmem>>[vector<16xi32>], vector<16xf32>,
      %cumsum3A = arith.constant true
      %cumsum3A_267 = vector.broadcast %cumsum3A : i1 to vector<16xi1>
      %cumsum3A_268 = tpu.scan <sum>, %gather3A masked %cumsum3A_267 : vector<16xf32>, vector<16xi1> -> vector<16xf32>
      %sub3A = arith.subf %cumsum3A_268, %gather3A : vector<16xf32>
      %add3A_269 = vector.broadcast %scan3A_256 : f32 to vector<16xf32>
      %add3A_270 = arith.addf %sub3A, %add3A_269 : vector<16xf32>
      %mul3A_271 = arith.constant 16 : i32
      %mul3A_272 = arith.muli %scan3A_255, %mul3A_271 : i32
      %swap3A = arith.index_cast %mul3A_272 : i32 to index
      %swap3A_273 = tpu.vector_load %arg10[%swap3A] {strides = array<i32>} : memref<64xf32, #tpu.memory_space<vmem>>, vector<16xf32>,
      tpu.vector_store %arg10[%swap3A], %add3A_270 {strides = array<i32>} : memref<64xf32, #tpu.memory_space<vmem>>, vector<16xf32>,
      %reduce_sum3A = arith.constant true
      %reduce_sum3A_274 = vector.broadcast %reduce_sum3A : i1 to vector<16xi1>
      %reduce_sum3A_275 = tpu.scan <sum>, %gather3A masked %reduce_sum3A_274 : vector<16xf32>, vector<16xi1> -> vector<16xf32>
      %reduce_sum3A_276 = vector.extract %reduce_sum3A_275[15] : f32 from vector<16xf32>
      %add3A_277 = arith.addf %scan3A_256, %reduce_sum3A_276 : f32
      scf.yield %add3A_277 : f32
    }
    %scan3A_121 = arith.constant 4 : i32
    %parallel_loop3A_122 = arith.constant 0 : i32
    %parallel_loop3A_123 = arith.constant 4 : i32
    %parallel_loop3A_124 = arith.constant 1 : i32
    scf.for %parallel_loop3A_255 = %parallel_loop3A_122 to %parallel_loop3A_123 step %parallel_loop3A_124  : i32 {
      %parallel_loop3A_256 = arith.constant 16 : i32
      %parallel_loop3A_257 = arith.muli %parallel_loop3A_255, %parallel_loop3A_256 : i32
      %parallel_loop3A_258 = arith.index_cast %parallel_loop3A_257 : i32 to index
      %parallel_loop3A_259 = tpu.vector_load %arg10[%parallel_loop3A_258] {strides = array<i32>} : memref<64xf32, #tpu.memory_space<vmem>>, vector<16xf32>,
      %parallel_loop3A_260 = arith.constant 16 : i32
      %parallel_loop3A_261 = arith.muli %parallel_loop3A_255, %parallel_loop3A_260 : i32
      %parallel_loop3A_262 = arith.constant 0 : i32
      %parallel_loop3A_263 = arith.addi %parallel_loop3A_261, %parallel_loop3A_262 : i32
      %parallel_loop3A_264 = arith.constant 16 : i32
      %parallel_loop3A_265 = arith.muli %parallel_loop3A_263, %parallel_loop3A_264 : i32
      %parallel_loop3A_266 = arith.index_cast %parallel_loop3A_265 : i32 to index
      %parallel_loop3A_267 = tpu.vector_load %arg9[%parallel_loop3A_266] {strides = array<i32>} : memref<1024xf32, #tpu.memory_space<vmem>>, vector<16xf32>,
      %parallel_loop3A_268 = arith.index_cast %parallel_loop3A_265 : i32 to index
      %parallel_loop3A_269 = tpu.vector_load %arg8[%parallel_loop3A_268] {strides = array<i32>} : memref<1024xf32, #tpu.memory_space<vmem>>, vector<16xf32>,
      %parallel_loop3A_270 = arith.subf %parallel_loop3A_267, %parallel_loop3A_269 : vector<16xf32>
      %parallel_loop3A_271 = vector.extract_strided_slice %parallel_loop3A_259 {offsets = [0], sizes = [1], strides = [1]} : vector<16xf32> to vector<1xf32>
      %parallel_loop3A_272 = vector.extract %parallel_loop3A_271[0] : f32 from vector<1xf32>
      %parallel_loop3A_273 = vector.broadcast %parallel_loop3A_272 : f32 to vector<16xf32>
      %parallel_loop3A_274 = arith.addf %parallel_loop3A_270, %parallel_loop3A_273 : vector<16xf32>
      %parallel_loop3A_275 = arith.index_cast %parallel_loop3A_265 : i32 to index
      %parallel_loop3A_276 = tpu.vector_load %arg11[%parallel_loop3A_275] {strides = array<i32>} : memref<1024xf32, #tpu.memory_space<vmem>>, vector<16xf32>,
      tpu.vector_store %arg11[%parallel_loop3A_275], %parallel_loop3A_274 {strides = array<i32>} : memref<1024xf32, #tpu.memory_space<vmem>>, vector<16xf32>,
      %parallel_loop3A_277 = arith.constant 16 : i32
      %parallel_loop3A_278 = arith.muli %parallel_loop3A_255, %parallel_loop3A_277 : i32
      %parallel_loop3A_279 = arith.constant 1 : i32
      %parallel_loop3A_280 = arith.addi %parallel_loop3A_278, %parallel_loop3A_279 : i32
      %parallel_loop3A_281 = arith.constant 16 : i32
      %parallel_loop3A_282 = arith.muli %parallel_loop3A_280, %parallel_loop3A_281 : i32
      %parallel_loop3A_283 = arith.index_cast %parallel_loop3A_282 : i32 to index
      %parallel_loop3A_284 = tpu.vector_load %arg9[%parallel_loop3A_283] {strides = array<i32>} : memref<1024xf32, #tpu.memory_space<vmem>>, vector<16xf32>,
      %parallel_loop3A_285 = arith.index_cast %parallel_loop3A_282 : i32 to index
      %parallel_loop3A_286 = tpu.vector_load %arg8[%parallel_loop3A_285] {strides = array<i32>} : memref<1024xf32, #tpu.memory_space<vmem>>, vector<16xf32>,
      %parallel_loop3A_287 = arith.subf %parallel_loop3A_284, %parallel_loop3A_286 : vector<16xf32>
      %parallel_loop3A_288 = vector.extract_strided_slice %parallel_loop3A_259 {offsets = [1], sizes = [1], strides = [1]} : vector<16xf32> to vector<1xf32>
      %parallel_loop3A_289 = vector.extract %parallel_loop3A_288[0] : f32 from vector<1xf32>
      %parallel_loop3A_290 = vector.broadcast %parallel_loop3A_289 : f32 to vector<16xf32>
      %parallel_loop3A_291 = arith.addf %parallel_loop3A_287, %parallel_loop3A_290 : vector<16xf32>
      %parallel_loop3A_292 = arith.index_cast %parallel_loop3A_282 : i32 to index
      %parallel_loop3A_293 = tpu.vector_load %arg11[%parallel_loop3A_292] {strides = array<i32>} : memref<1024xf32, #tpu.memory_space<vmem>>, vector<16xf32>,
      tpu.vector_store %arg11[%parallel_loop3A_292], %parallel_loop3A_291 {strides = array<i32>} : memref<1024xf32, #tpu.memory_space<vmem>>, vector<16xf32>,
      %parallel_loop3A_294 = arith.constant 16 : i32
      %parallel_loop3A_295 = arith.muli %parallel_loop3A_255, %parallel_loop3A_294 : i32
      %parallel_loop3A_296 = arith.constant 2 : i32
      %parallel_loop3A_297 = arith.addi %parallel_loop3A_295, %parallel_loop3A_296 : i32
      %parallel_loop3A_298 = arith.constant 16 : i32
      %parallel_loop3A_299 = arith.muli %parallel_loop3A_297, %parallel_loop3A_298 : i32
      %parallel_loop3A_300 = arith.index_cast %parallel_loop3A_299 : i32 to index
      %parallel_loop3A_301 = tpu.vector_load %arg9[%parallel_loop3A_300] {strides = array<i32>} : memref<1024xf32, #tpu.memory_space<vmem>>, vector<16xf32>,
      %parallel_loop3A_302 = arith.index_cast %parallel_loop3A_299 : i32 to index
      %parallel_loop3A_303 = tpu.vector_load %arg8[%parallel_loop3A_302] {strides = array<i32>} : memref<1024xf32, #tpu.memory_space<vmem>>, vector<16xf32>,
      %parallel_loop3A_304 = arith.subf %parallel_loop3A_301, %parallel_loop3A_303 : vector<16xf32>
      %parallel_loop3A_305 = vector.extract_strided_slice %parallel_loop3A_259 {offsets = [2], sizes = [1], strides = [1]} : vector<16xf32> to vector<1xf32>
      %parallel_loop3A_306 = vector.extract %parallel_loop3A_305[0] : f32 from vector<1xf32>
      %parallel_loop3A_307 = vector.broadcast %parallel_loop3A_306 : f32 to vector<16xf32>
      %parallel_loop3A_308 = arith.addf %parallel_loop3A_304, %parallel_loop3A_307 : vector<16xf32>
      %parallel_loop3A_309 = arith.index_cast %parallel_loop3A_299 : i32 to index
      %parallel_loop3A_310 = tpu.vector_load %arg11[%parallel_loop3A_309] {strides = array<i32>} : memref<1024xf32, #tpu.memory_space<vmem>>, vector<16xf32>,
      tpu.vector_store %arg11[%parallel_loop3A_309], %parallel_loop3A_308 {strides = array<i32>} : memref<1024xf32, #tpu.memory_space<vmem>>, vector<16xf32>,
      %parallel_loop3A_311 = arith.constant 16 : i32
      %parallel_loop3A_312 = arith.muli %parallel_loop3A_255, %parallel_loop3A_311 : i32
      %parallel_loop3A_313 = arith.constant 3 : i32
      %parallel_loop3A_314 = arith.addi %parallel_loop3A_312, %parallel_loop3A_313 : i32
      %parallel_loop3A_315 = arith.constant 16 : i32
      %parallel_loop3A_316 = arith.muli %parallel_loop3A_314, %parallel_loop3A_315 : i32
      %parallel_loop3A_317 = arith.index_cast %parallel_loop3A_316 : i32 to index
      %parallel_loop3A_318 = tpu.vector_load %arg9[%parallel_loop3A_317] {strides = array<i32>} : memref<1024xf32, #tpu.memory_space<vmem>>, vector<16xf32>,
      %parallel_loop3A_319 = arith.index_cast %parallel_loop3A_316 : i32 to index
      %parallel_loop3A_320 = tpu.vector_load %arg8[%parallel_loop3A_319] {strides = array<i32>} : memref<1024xf32, #tpu.memory_space<vmem>>, vector<16xf32>,
      %parallel_loop3A_321 = arith.subf %parallel_loop3A_318, %parallel_loop3A_320 : vector<16xf32>
      %parallel_loop3A_322 = vector.extract_strided_slice %parallel_loop3A_259 {offsets = [3], sizes = [1], strides = [1]} : vector<16xf32> to vector<1xf32>
      %parallel_loop3A_323 = vector.extract %parallel_loop3A_322[0] : f32 from vector<1xf32>
      %parallel_loop3A_324 = vector.broadcast %parallel_loop3A_323 : f32 to vector<16xf32>
      %parallel_loop3A_325 = arith.addf %parallel_loop3A_321, %parallel_loop3A_324 : vector<16xf32>
      %parallel_loop3A_326 = arith.index_cast %parallel_loop3A_316 : i32 to index
      %parallel_loop3A_327 = tpu.vector_load %arg11[%parallel_loop3A_326] {strides = array<i32>} : memref<1024xf32, #tpu.memory_space<vmem>>, vector<16xf32>,
      tpu.vector_store %arg11[%parallel_loop3A_326], %parallel_loop3A_325 {strides = array<i32>} : memref<1024xf32, #tpu.memory_space<vmem>>, vector<16xf32>,
      %parallel_loop3A_328 = arith.constant 16 : i32
      %parallel_loop3A_329 = arith.muli %parallel_loop3A_255, %parallel_loop3A_328 : i32
      %parallel_loop3A_330 = arith.constant 4 : i32
      %parallel_loop3A_331 = arith.addi %parallel_loop3A_329, %parallel_loop3A_330 : i32
      %parallel_loop3A_332 = arith.constant 16 : i32
      %parallel_loop3A_333 = arith.muli %parallel_loop3A_331, %parallel_loop3A_332 : i32
      %parallel_loop3A_334 = arith.index_cast %parallel_loop3A_333 : i32 to index
      %parallel_loop3A_335 = tpu.vector_load %arg9[%parallel_loop3A_334] {strides = array<i32>} : memref<1024xf32, #tpu.memory_space<vmem>>, vector<16xf32>,
      %parallel_loop3A_336 = arith.index_cast %parallel_loop3A_333 : i32 to index
      %parallel_loop3A_337 = tpu.vector_load %arg8[%parallel_loop3A_336] {strides = array<i32>} : memref<1024xf32, #tpu.memory_space<vmem>>, vector<16xf32>,
      %parallel_loop3A_338 = arith.subf %parallel_loop3A_335, %parallel_loop3A_337 : vector<16xf32>
      %parallel_loop3A_339 = vector.extract_strided_slice %parallel_loop3A_259 {offsets = [4], sizes = [1], strides = [1]} : vector<16xf32> to vector<1xf32>
      %parallel_loop3A_340 = vector.extract %parallel_loop3A_339[0] : f32 from vector<1xf32>
      %parallel_loop3A_341 = vector.broadcast %parallel_loop3A_340 : f32 to vector<16xf32>
      %parallel_loop3A_342 = arith.addf %parallel_loop3A_338, %parallel_loop3A_341 : vector<16xf32>
      %parallel_loop3A_343 = arith.index_cast %parallel_loop3A_333 : i32 to index
      %parallel_loop3A_344 = tpu.vector_load %arg11[%parallel_loop3A_343] {strides = array<i32>} : memref<1024xf32, #tpu.memory_space<vmem>>, vector<16xf32>,
      tpu.vector_store %arg11[%parallel_loop3A_343], %parallel_loop3A_342 {strides = array<i32>} : memref<1024xf32, #tpu.memory_space<vmem>>, vector<16xf32>,
      %parallel_loop3A_345 = arith.constant 16 : i32
      %parallel_loop3A_346 = arith.muli %parallel_loop3A_255, %parallel_loop3A_345 : i32
      %parallel_loop3A_347 = arith.constant 5 : i32
      %parallel_loop3A_348 = arith.addi %parallel_loop3A_346, %parallel_loop3A_347 : i32
      %parallel_loop3A_349 = arith.constant 16 : i32
      %parallel_loop3A_350 = arith.muli %parallel_loop3A_348, %parallel_loop3A_349 : i32
      %parallel_loop3A_351 = arith.index_cast %parallel_loop3A_350 : i32 to index
      %parallel_loop3A_352 = tpu.vector_load %arg9[%parallel_loop3A_351] {strides = array<i32>} : memref<1024xf32, #tpu.memory_space<vmem>>, vector<16xf32>,
      %parallel_loop3A_353 = arith.index_cast %parallel_loop3A_350 : i32 to index
      %parallel_loop3A_354 = tpu.vector_load %arg8[%parallel_loop3A_353] {strides = array<i32>} : memref<1024xf32, #tpu.memory_space<vmem>>, vector<16xf32>,
      %parallel_loop3A_355 = arith.subf %parallel_loop3A_352, %parallel_loop3A_354 : vector<16xf32>
      %parallel_loop3A_356 = vector.extract_strided_slice %parallel_loop3A_259 {offsets = [5], sizes = [1], strides = [1]} : vector<16xf32> to vector<1xf32>
      %parallel_loop3A_357 = vector.extract %parallel_loop3A_356[0] : f32 from vector<1xf32>
      %parallel_loop3A_358 = vector.broadcast %parallel_loop3A_357 : f32 to vector<16xf32>
      %parallel_loop3A_359 = arith.addf %parallel_loop3A_355, %parallel_loop3A_358 : vector<16xf32>
      %parallel_loop3A_360 = arith.index_cast %parallel_loop3A_350 : i32 to index
      %parallel_loop3A_361 = tpu.vector_load %arg11[%parallel_loop3A_360] {strides = array<i32>} : memref<1024xf32, #tpu.memory_space<vmem>>, vector<16xf32>,
      tpu.vector_store %arg11[%parallel_loop3A_360], %parallel_loop3A_359 {strides = array<i32>} : memref<1024xf32, #tpu.memory_space<vmem>>, vector<16xf32>,
      %parallel_loop3A_362 = arith.constant 16 : i32
      %parallel_loop3A_363 = arith.muli %parallel_loop3A_255, %parallel_loop3A_362 : i32
      %parallel_loop3A_364 = arith.constant 6 : i32
      %parallel_loop3A_365 = arith.addi %parallel_loop3A_363, %parallel_loop3A_364 : i32
      %parallel_loop3A_366 = arith.constant 16 : i32
      %parallel_loop3A_367 = arith.muli %parallel_loop3A_365, %parallel_loop3A_366 : i32
      %parallel_loop3A_368 = arith.index_cast %parallel_loop3A_367 : i32 to index
      %parallel_loop3A_369 = tpu.vector_load %arg9[%parallel_loop3A_368] {strides = array<i32>} : memref<1024xf32, #tpu.memory_space<vmem>>, vector<16xf32>,
      %parallel_loop3A_370 = arith.index_cast %parallel_loop3A_367 : i32 to index
      %parallel_loop3A_371 = tpu.vector_load %arg8[%parallel_loop3A_370] {strides = array<i32>} : memref<1024xf32, #tpu.memory_space<vmem>>, vector<16xf32>,
      %parallel_loop3A_372 = arith.subf %parallel_loop3A_369, %parallel_loop3A_371 : vector<16xf32>
      %parallel_loop3A_373 = vector.extract_strided_slice %parallel_loop3A_259 {offsets = [6], sizes = [1], strides = [1]} : vector<16xf32> to vector<1xf32>
      %parallel_loop3A_374 = vector.extract %parallel_loop3A_373[0] : f32 from vector<1xf32>
      %parallel_loop3A_375 = vector.broadcast %parallel_loop3A_374 : f32 to vector<16xf32>
      %parallel_loop3A_376 = arith.addf %parallel_loop3A_372, %parallel_loop3A_375 : vector<16xf32>
      %parallel_loop3A_377 = arith.index_cast %parallel_loop3A_367 : i32 to index
      %parallel_loop3A_378 = tpu.vector_load %arg11[%parallel_loop3A_377] {strides = array<i32>} : memref<1024xf32, #tpu.memory_space<vmem>>, vector<16xf32>,
      tpu.vector_store %arg11[%parallel_loop3A_377], %parallel_loop3A_376 {strides = array<i32>} : memref<1024xf32, #tpu.memory_space<vmem>>, vector<16xf32>,
      %parallel_loop3A_379 = arith.constant 16 : i32
      %parallel_loop3A_380 = arith.muli %parallel_loop3A_255, %parallel_loop3A_379 : i32
      %parallel_loop3A_381 = arith.constant 7 : i32
      %parallel_loop3A_382 = arith.addi %parallel_loop3A_380, %parallel_loop3A_381 : i32
      %parallel_loop3A_383 = arith.constant 16 : i32
      %parallel_loop3A_384 = arith.muli %parallel_loop3A_382, %parallel_loop3A_383 : i32
      %parallel_loop3A_385 = arith.index_cast %parallel_loop3A_384 : i32 to index
      %parallel_loop3A_386 = tpu.vector_load %arg9[%parallel_loop3A_385] {strides = array<i32>} : memref<1024xf32, #tpu.memory_space<vmem>>, vector<16xf32>,
      %parallel_loop3A_387 = arith.index_cast %parallel_loop3A_384 : i32 to index
      %parallel_loop3A_388 = tpu.vector_load %arg8[%parallel_loop3A_387] {strides = array<i32>} : memref<1024xf32, #tpu.memory_space<vmem>>, vector<16xf32>,
      %parallel_loop3A_389 = arith.subf %parallel_loop3A_386, %parallel_loop3A_388 : vector<16xf32>
      %parallel_loop3A_390 = vector.extract_strided_slice %parallel_loop3A_259 {offsets = [7], sizes = [1], strides = [1]} : vector<16xf32> to vector<1xf32>
      %parallel_loop3A_391 = vector.extract %parallel_loop3A_390[0] : f32 from vector<1xf32>
      %parallel_loop3A_392 = vector.broadcast %parallel_loop3A_391 : f32 to vector<16xf32>
      %parallel_loop3A_393 = arith.addf %parallel_loop3A_389, %parallel_loop3A_392 : vector<16xf32>
      %parallel_loop3A_394 = arith.index_cast %parallel_loop3A_384 : i32 to index
      %parallel_loop3A_395 = tpu.vector_load %arg11[%parallel_loop3A_394] {strides = array<i32>} : memref<1024xf32, #tpu.memory_space<vmem>>, vector<16xf32>,
      tpu.vector_store %arg11[%parallel_loop3A_394], %parallel_loop3A_393 {strides = array<i32>} : memref<1024xf32, #tpu.memory_space<vmem>>, vector<16xf32>,
      %parallel_loop3A_396 = arith.constant 16 : i32
      %parallel_loop3A_397 = arith.muli %parallel_loop3A_255, %parallel_loop3A_396 : i32
      %parallel_loop3A_398 = arith.constant 8 : i32
      %parallel_loop3A_399 = arith.addi %parallel_loop3A_397, %parallel_loop3A_398 : i32
      %parallel_loop3A_400 = arith.constant 16 : i32
      %parallel_loop3A_401 = arith.muli %parallel_loop3A_399, %parallel_loop3A_400 : i32
      %parallel_loop3A_402 = arith.index_cast %parallel_loop3A_401 : i32 to index
      %parallel_loop3A_403 = tpu.vector_load %arg9[%parallel_loop3A_402] {strides = array<i32>} : memref<1024xf32, #tpu.memory_space<vmem>>, vector<16xf32>,
      %parallel_loop3A_404 = arith.index_cast %parallel_loop3A_401 : i32 to index
      %parallel_loop3A_405 = tpu.vector_load %arg8[%parallel_loop3A_404] {strides = array<i32>} : memref<1024xf32, #tpu.memory_space<vmem>>, vector<16xf32>,
      %parallel_loop3A_406 = arith.subf %parallel_loop3A_403, %parallel_loop3A_405 : vector<16xf32>
      %parallel_loop3A_407 = vector.extract_strided_slice %parallel_loop3A_259 {offsets = [8], sizes = [1], strides = [1]} : vector<16xf32> to vector<1xf32>
      %parallel_loop3A_408 = vector.extract %parallel_loop3A_407[0] : f32 from vector<1xf32>
      %parallel_loop3A_409 = vector.broadcast %parallel_loop3A_408 : f32 to vector<16xf32>
      %parallel_loop3A_410 = arith.addf %parallel_loop3A_406, %parallel_loop3A_409 : vector<16xf32>
      %parallel_loop3A_411 = arith.index_cast %parallel_loop3A_401 : i32 to index
      %parallel_loop3A_412 = tpu.vector_load %arg11[%parallel_loop3A_411] {strides = array<i32>} : memref<1024xf32, #tpu.memory_space<vmem>>, vector<16xf32>,
      tpu.vector_store %arg11[%parallel_loop3A_411], %parallel_loop3A_410 {strides = array<i32>} : memref<1024xf32, #tpu.memory_space<vmem>>, vector<16xf32>,
      %parallel_loop3A_413 = arith.constant 16 : i32
      %parallel_loop3A_414 = arith.muli %parallel_loop3A_255, %parallel_loop3A_413 : i32
      %parallel_loop3A_415 = arith.constant 9 : i32
      %parallel_loop3A_416 = arith.addi %parallel_loop3A_414, %parallel_loop3A_415 : i32
      %parallel_loop3A_417 = arith.constant 16 : i32
      %parallel_loop3A_418 = arith.muli %parallel_loop3A_416, %parallel_loop3A_417 : i32
      %parallel_loop3A_419 = arith.index_cast %parallel_loop3A_418 : i32 to index
      %parallel_loop3A_420 = tpu.vector_load %arg9[%parallel_loop3A_419] {strides = array<i32>} : memref<1024xf32, #tpu.memory_space<vmem>>, vector<16xf32>,
      %parallel_loop3A_421 = arith.index_cast %parallel_loop3A_418 : i32 to index
      %parallel_loop3A_422 = tpu.vector_load %arg8[%parallel_loop3A_421] {strides = array<i32>} : memref<1024xf32, #tpu.memory_space<vmem>>, vector<16xf32>,
      %parallel_loop3A_423 = arith.subf %parallel_loop3A_420, %parallel_loop3A_422 : vector<16xf32>
      %parallel_loop3A_424 = vector.extract_strided_slice %parallel_loop3A_259 {offsets = [9], sizes = [1], strides = [1]} : vector<16xf32> to vector<1xf32>
      %parallel_loop3A_425 = vector.extract %parallel_loop3A_424[0] : f32 from vector<1xf32>
      %parallel_loop3A_426 = vector.broadcast %parallel_loop3A_425 : f32 to vector<16xf32>
      %parallel_loop3A_427 = arith.addf %parallel_loop3A_423, %parallel_loop3A_426 : vector<16xf32>
      %parallel_loop3A_428 = arith.index_cast %parallel_loop3A_418 : i32 to index
      %parallel_loop3A_429 = tpu.vector_load %arg11[%parallel_loop3A_428] {strides = array<i32>} : memref<1024xf32, #tpu.memory_space<vmem>>, vector<16xf32>,
      tpu.vector_store %arg11[%parallel_loop3A_428], %parallel_loop3A_427 {strides = array<i32>} : memref<1024xf32, #tpu.memory_space<vmem>>, vector<16xf32>,
      %parallel_loop3A_430 = arith.constant 16 : i32
      %parallel_loop3A_431 = arith.muli %parallel_loop3A_255, %parallel_loop3A_430 : i32
      %parallel_loop3A_432 = arith.constant 10 : i32
      %parallel_loop3A_433 = arith.addi %parallel_loop3A_431, %parallel_loop3A_432 : i32
      %parallel_loop3A_434 = arith.constant 16 : i32
      %parallel_loop3A_435 = arith.muli %parallel_loop3A_433, %parallel_loop3A_434 : i32
      %parallel_loop3A_436 = arith.index_cast %parallel_loop3A_435 : i32 to index
      %parallel_loop3A_437 = tpu.vector_load %arg9[%parallel_loop3A_436] {strides = array<i32>} : memref<1024xf32, #tpu.memory_space<vmem>>, vector<16xf32>,
      %parallel_loop3A_438 = arith.index_cast %parallel_loop3A_435 : i32 to index
      %parallel_loop3A_439 = tpu.vector_load %arg8[%parallel_loop3A_438] {strides = array<i32>} : memref<1024xf32, #tpu.memory_space<vmem>>, vector<16xf32>,
      %parallel_loop3A_440 = arith.subf %parallel_loop3A_437, %parallel_loop3A_439 : vector<16xf32>
      %parallel_loop3A_441 = vector.extract_strided_slice %parallel_loop3A_259 {offsets = [10], sizes = [1], strides = [1]} : vector<16xf32> to vector<1xf32>
      %parallel_loop3A_442 = vector.extract %parallel_loop3A_441[0] : f32 from vector<1xf32>
      %parallel_loop3A_443 = vector.broadcast %parallel_loop3A_442 : f32 to vector<16xf32>
      %parallel_loop3A_444 = arith.addf %parallel_loop3A_440, %parallel_loop3A_443 : vector<16xf32>
      %parallel_loop3A_445 = arith.index_cast %parallel_loop3A_435 : i32 to index
      %parallel_loop3A_446 = tpu.vector_load %arg11[%parallel_loop3A_445] {strides = array<i32>} : memref<1024xf32, #tpu.memory_space<vmem>>, vector<16xf32>,
      tpu.vector_store %arg11[%parallel_loop3A_445], %parallel_loop3A_444 {strides = array<i32>} : memref<1024xf32, #tpu.memory_space<vmem>>, vector<16xf32>,
      %parallel_loop3A_447 = arith.constant 16 : i32
      %parallel_loop3A_448 = arith.muli %parallel_loop3A_255, %parallel_loop3A_447 : i32
      %parallel_loop3A_449 = arith.constant 11 : i32
      %parallel_loop3A_450 = arith.addi %parallel_loop3A_448, %parallel_loop3A_449 : i32
      %parallel_loop3A_451 = arith.constant 16 : i32
      %parallel_loop3A_452 = arith.muli %parallel_loop3A_450, %parallel_loop3A_451 : i32
      %parallel_loop3A_453 = arith.index_cast %parallel_loop3A_452 : i32 to index
      %parallel_loop3A_454 = tpu.vector_load %arg9[%parallel_loop3A_453] {strides = array<i32>} : memref<1024xf32, #tpu.memory_space<vmem>>, vector<16xf32>,
      %parallel_loop3A_455 = arith.index_cast %parallel_loop3A_452 : i32 to index
      %parallel_loop3A_456 = tpu.vector_load %arg8[%parallel_loop3A_455] {strides = array<i32>} : memref<1024xf32, #tpu.memory_space<vmem>>, vector<16xf32>,
      %parallel_loop3A_457 = arith.subf %parallel_loop3A_454, %parallel_loop3A_456 : vector<16xf32>
      %parallel_loop3A_458 = vector.extract_strided_slice %parallel_loop3A_259 {offsets = [11], sizes = [1], strides = [1]} : vector<16xf32> to vector<1xf32>
      %parallel_loop3A_459 = vector.extract %parallel_loop3A_458[0] : f32 from vector<1xf32>
      %parallel_loop3A_460 = vector.broadcast %parallel_loop3A_459 : f32 to vector<16xf32>
      %parallel_loop3A_461 = arith.addf %parallel_loop3A_457, %parallel_loop3A_460 : vector<16xf32>
      %parallel_loop3A_462 = arith.index_cast %parallel_loop3A_452 : i32 to index
      %parallel_loop3A_463 = tpu.vector_load %arg11[%parallel_loop3A_462] {strides = array<i32>} : memref<1024xf32, #tpu.memory_space<vmem>>, vector<16xf32>,
      tpu.vector_store %arg11[%parallel_loop3A_462], %parallel_loop3A_461 {strides = array<i32>} : memref<1024xf32, #tpu.memory_space<vmem>>, vector<16xf32>,
      %parallel_loop3A_464 = arith.constant 16 : i32
      %parallel_loop3A_465 = arith.muli %parallel_loop3A_255, %parallel_loop3A_464 : i32
      %parallel_loop3A_466 = arith.constant 12 : i32
      %parallel_loop3A_467 = arith.addi %parallel_loop3A_465, %parallel_loop3A_466 : i32
      %parallel_loop3A_468 = arith.constant 16 : i32
      %parallel_loop3A_469 = arith.muli %parallel_loop3A_467, %parallel_loop3A_468 : i32
      %parallel_loop3A_470 = arith.index_cast %parallel_loop3A_469 : i32 to index
      %parallel_loop3A_471 = tpu.vector_load %arg9[%parallel_loop3A_470] {strides = array<i32>} : memref<1024xf32, #tpu.memory_space<vmem>>, vector<16xf32>,
      %parallel_loop3A_472 = arith.index_cast %parallel_loop3A_469 : i32 to index
      %parallel_loop3A_473 = tpu.vector_load %arg8[%parallel_loop3A_472] {strides = array<i32>} : memref<1024xf32, #tpu.memory_space<vmem>>, vector<16xf32>,
      %parallel_loop3A_474 = arith.subf %parallel_loop3A_471, %parallel_loop3A_473 : vector<16xf32>
      %parallel_loop3A_475 = vector.extract_strided_slice %parallel_loop3A_259 {offsets = [12], sizes = [1], strides = [1]} : vector<16xf32> to vector<1xf32>
      %parallel_loop3A_476 = vector.extract %parallel_loop3A_475[0] : f32 from vector<1xf32>
      %parallel_loop3A_477 = vector.broadcast %parallel_loop3A_476 : f32 to vector<16xf32>
      %parallel_loop3A_478 = arith.addf %parallel_loop3A_474, %parallel_loop3A_477 : vector<16xf32>
      %parallel_loop3A_479 = arith.index_cast %parallel_loop3A_469 : i32 to index
      %parallel_loop3A_480 = tpu.vector_load %arg11[%parallel_loop3A_479] {strides = array<i32>} : memref<1024xf32, #tpu.memory_space<vmem>>, vector<16xf32>,
      tpu.vector_store %arg11[%parallel_loop3A_479], %parallel_loop3A_478 {strides = array<i32>} : memref<1024xf32, #tpu.memory_space<vmem>>, vector<16xf32>,
      %parallel_loop3A_481 = arith.constant 16 : i32
      %parallel_loop3A_482 = arith.muli %parallel_loop3A_255, %parallel_loop3A_481 : i32
      %parallel_loop3A_483 = arith.constant 13 : i32
      %parallel_loop3A_484 = arith.addi %parallel_loop3A_482, %parallel_loop3A_483 : i32
      %parallel_loop3A_485 = arith.constant 16 : i32
      %parallel_loop3A_486 = arith.muli %parallel_loop3A_484, %parallel_loop3A_485 : i32
      %parallel_loop3A_487 = arith.index_cast %parallel_loop3A_486 : i32 to index
      %parallel_loop3A_488 = tpu.vector_load %arg9[%parallel_loop3A_487] {strides = array<i32>} : memref<1024xf32, #tpu.memory_space<vmem>>, vector<16xf32>,
      %parallel_loop3A_489 = arith.index_cast %parallel_loop3A_486 : i32 to index
      %parallel_loop3A_490 = tpu.vector_load %arg8[%parallel_loop3A_489] {strides = array<i32>} : memref<1024xf32, #tpu.memory_space<vmem>>, vector<16xf32>,
      %parallel_loop3A_491 = arith.subf %parallel_loop3A_488, %parallel_loop3A_490 : vector<16xf32>
      %parallel_loop3A_492 = vector.extract_strided_slice %parallel_loop3A_259 {offsets = [13], sizes = [1], strides = [1]} : vector<16xf32> to vector<1xf32>
      %parallel_loop3A_493 = vector.extract %parallel_loop3A_492[0] : f32 from vector<1xf32>
      %parallel_loop3A_494 = vector.broadcast %parallel_loop3A_493 : f32 to vector<16xf32>
      %parallel_loop3A_495 = arith.addf %parallel_loop3A_491, %parallel_loop3A_494 : vector<16xf32>
      %parallel_loop3A_496 = arith.index_cast %parallel_loop3A_486 : i32 to index
      %parallel_loop3A_497 = tpu.vector_load %arg11[%parallel_loop3A_496] {strides = array<i32>} : memref<1024xf32, #tpu.memory_space<vmem>>, vector<16xf32>,
      tpu.vector_store %arg11[%parallel_loop3A_496], %parallel_loop3A_495 {strides = array<i32>} : memref<1024xf32, #tpu.memory_space<vmem>>, vector<16xf32>,
      %parallel_loop3A_498 = arith.constant 16 : i32
      %parallel_loop3A_499 = arith.muli %parallel_loop3A_255, %parallel_loop3A_498 : i32
      %parallel_loop3A_500 = arith.constant 14 : i32
      %parallel_loop3A_501 = arith.addi %parallel_loop3A_499, %parallel_loop3A_500 : i32
      %parallel_loop3A_502 = arith.constant 16 : i32
      %parallel_loop3A_503 = arith.muli %parallel_loop3A_501, %parallel_loop3A_502 : i32
      %parallel_loop3A_504 = arith.index_cast %parallel_loop3A_503 : i32 to index
      %parallel_loop3A_505 = tpu.vector_load %arg9[%parallel_loop3A_504] {strides = array<i32>} : memref<1024xf32, #tpu.memory_space<vmem>>, vector<16xf32>,
      %parallel_loop3A_506 = arith.index_cast %parallel_loop3A_503 : i32 to index
      %parallel_loop3A_507 = tpu.vector_load %arg8[%parallel_loop3A_506] {strides = array<i32>} : memref<1024xf32, #tpu.memory_space<vmem>>, vector<16xf32>,
      %parallel_loop3A_508 = arith.subf %parallel_loop3A_505, %parallel_loop3A_507 : vector<16xf32>
      %parallel_loop3A_509 = vector.extract_strided_slice %parallel_loop3A_259 {offsets = [14], sizes = [1], strides = [1]} : vector<16xf32> to vector<1xf32>
      %parallel_loop3A_510 = vector.extract %parallel_loop3A_509[0] : f32 from vector<1xf32>
      %parallel_loop3A_511 = vector.broadcast %parallel_loop3A_510 : f32 to vector<16xf32>
      %parallel_loop3A_512 = arith.addf %parallel_loop3A_508, %parallel_loop3A_511 : vector<16xf32>
      %parallel_loop3A_513 = arith.index_cast %parallel_loop3A_503 : i32 to index
      %parallel_loop3A_514 = tpu.vector_load %arg11[%parallel_loop3A_513] {strides = array<i32>} : memref<1024xf32, #tpu.memory_space<vmem>>, vector<16xf32>,
      tpu.vector_store %arg11[%parallel_loop3A_513], %parallel_loop3A_512 {strides = array<i32>} : memref<1024xf32, #tpu.memory_space<vmem>>, vector<16xf32>,
      %parallel_loop3A_515 = arith.constant 16 : i32
      %parallel_loop3A_516 = arith.muli %parallel_loop3A_255, %parallel_loop3A_515 : i32
      %parallel_loop3A_517 = arith.constant 15 : i32
      %parallel_loop3A_518 = arith.addi %parallel_loop3A_516, %parallel_loop3A_517 : i32
      %parallel_loop3A_519 = arith.constant 16 : i32
      %parallel_loop3A_520 = arith.muli %parallel_loop3A_518, %parallel_loop3A_519 : i32
      %parallel_loop3A_521 = arith.index_cast %parallel_loop3A_520 : i32 to index
      %parallel_loop3A_522 = tpu.vector_load %arg9[%parallel_loop3A_521] {strides = array<i32>} : memref<1024xf32, #tpu.memory_space<vmem>>, vector<16xf32>,
      %parallel_loop3A_523 = arith.index_cast %parallel_loop3A_520 : i32 to index
      %parallel_loop3A_524 = tpu.vector_load %arg8[%parallel_loop3A_523] {strides = array<i32>} : memref<1024xf32, #tpu.memory_space<vmem>>, vector<16xf32>,
      %parallel_loop3A_525 = arith.subf %parallel_loop3A_522, %parallel_loop3A_524 : vector<16xf32>
      %parallel_loop3A_526 = vector.extract_strided_slice %parallel_loop3A_259 {offsets = [15], sizes = [1], strides = [1]} : vector<16xf32> to vector<1xf32>
      %parallel_loop3A_527 = vector.extract %parallel_loop3A_526[0] : f32 from vector<1xf32>
      %parallel_loop3A_528 = vector.broadcast %parallel_loop3A_527 : f32 to vector<16xf32>
      %parallel_loop3A_529 = arith.addf %parallel_loop3A_525, %parallel_loop3A_528 : vector<16xf32>
      %parallel_loop3A_530 = arith.index_cast %parallel_loop3A_520 : i32 to index
      %parallel_loop3A_531 = tpu.vector_load %arg11[%parallel_loop3A_530] {strides = array<i32>} : memref<1024xf32, #tpu.memory_space<vmem>>, vector<16xf32>,
      tpu.vector_store %arg11[%parallel_loop3A_530], %parallel_loop3A_529 {strides = array<i32>} : memref<1024xf32, #tpu.memory_space<vmem>>, vector<16xf32>,
    } {sc.loop_unroll_factor = 1 : i64, sc.parallel_access}
    %parallel_loop3A_125 = arith.constant 0 : i32
    %parallel_loop3A_126 = arith.constant 64 : i32
    %parallel_loop3A_127 = arith.constant 1 : i32
    scf.for %parallel_loop3A_255 = %parallel_loop3A_125 to %parallel_loop3A_126 step %parallel_loop3A_127  : i32 {
      %parallel_loop3A_256 = arith.constant 16 : i32
      %parallel_loop3A_257 = arith.muli %parallel_loop3A_255, %parallel_loop3A_256 : i32
      %parallel_loop3A_258 = arith.index_cast %parallel_loop3A_257 : i32 to index
      %parallel_loop3A_259 = tpu.vector_load %arg11[%parallel_loop3A_258] {strides = array<i32>} : memref<1024xf32, #tpu.memory_space<vmem>>, vector<16xf32>,
      %parallel_loop3A_260 = arith.constant 16 : i32
      %parallel_loop3A_261 = arith.muli %parallel_loop3A_255, %parallel_loop3A_260 : i32
      %parallel_loop3A_262 = arith.constant 0 : i32
      %parallel_loop3A_263 = arith.addi %parallel_loop3A_261, %parallel_loop3A_262 : i32
      %parallel_loop3A_264 = arith.constant 16 : i32
      %parallel_loop3A_265 = arith.muli %parallel_loop3A_263, %parallel_loop3A_264 : i32
      %parallel_loop3A_266 = arith.constant 0 : i32
      %parallel_loop3A_267 = arith.index_cast %parallel_loop3A_266 : i32 to index
      %parallel_loop3A_268 = arith.index_cast %parallel_loop3A_265 : i32 to index
      %parallel_loop3A_269 = tpu.vector_load %arg7[%parallel_loop3A_267, %parallel_loop3A_268] {strides = array<i32>} : memref<2x16384xf32, #tpu.memory_space<vmem>>, vector<16xf32>,
      %parallel_loop3A_270 = vector.extract_strided_slice %parallel_loop3A_259 {offsets = [0], sizes = [1], strides = [1]} : vector<16xf32> to vector<1xf32>
      %parallel_loop3A_271 = vector.extract %parallel_loop3A_270[0] : f32 from vector<1xf32>
      %parallel_loop3A_272 = vector.broadcast %parallel_loop3A_271 : f32 to vector<16xf32>
      %parallel_loop3A_273 = arith.addf %parallel_loop3A_269, %parallel_loop3A_272 : vector<16xf32>
      %parallel_loop3A_274 = arith.constant 0 : i32
      %parallel_loop3A_275 = arith.index_cast %parallel_loop3A_274 : i32 to index
      %parallel_loop3A_276 = arith.index_cast %parallel_loop3A_265 : i32 to index
      %parallel_loop3A_277 = tpu.vector_load %arg7[%parallel_loop3A_275, %parallel_loop3A_276] {strides = array<i32>} : memref<2x16384xf32, #tpu.memory_space<vmem>>, vector<16xf32>,
      tpu.vector_store %arg7[%parallel_loop3A_275, %parallel_loop3A_276], %parallel_loop3A_273 {strides = array<i32>} : memref<2x16384xf32, #tpu.memory_space<vmem>>, vector<16xf32>,
      %parallel_loop3A_278 = arith.constant 16 : i32
      %parallel_loop3A_279 = arith.muli %parallel_loop3A_255, %parallel_loop3A_278 : i32
      %parallel_loop3A_280 = arith.constant 1 : i32
      %parallel_loop3A_281 = arith.addi %parallel_loop3A_279, %parallel_loop3A_280 : i32
      %parallel_loop3A_282 = arith.constant 16 : i32
      %parallel_loop3A_283 = arith.muli %parallel_loop3A_281, %parallel_loop3A_282 : i32
      %parallel_loop3A_284 = arith.constant 0 : i32
      %parallel_loop3A_285 = arith.index_cast %parallel_loop3A_284 : i32 to index
      %parallel_loop3A_286 = arith.index_cast %parallel_loop3A_283 : i32 to index
      %parallel_loop3A_287 = tpu.vector_load %arg7[%parallel_loop3A_285, %parallel_loop3A_286] {strides = array<i32>} : memref<2x16384xf32, #tpu.memory_space<vmem>>, vector<16xf32>,
      %parallel_loop3A_288 = vector.extract_strided_slice %parallel_loop3A_259 {offsets = [1], sizes = [1], strides = [1]} : vector<16xf32> to vector<1xf32>
      %parallel_loop3A_289 = vector.extract %parallel_loop3A_288[0] : f32 from vector<1xf32>
      %parallel_loop3A_290 = vector.broadcast %parallel_loop3A_289 : f32 to vector<16xf32>
      %parallel_loop3A_291 = arith.addf %parallel_loop3A_287, %parallel_loop3A_290 : vector<16xf32>
      %parallel_loop3A_292 = arith.constant 0 : i32
      %parallel_loop3A_293 = arith.index_cast %parallel_loop3A_292 : i32 to index
      %parallel_loop3A_294 = arith.index_cast %parallel_loop3A_283 : i32 to index
      %parallel_loop3A_295 = tpu.vector_load %arg7[%parallel_loop3A_293, %parallel_loop3A_294] {strides = array<i32>} : memref<2x16384xf32, #tpu.memory_space<vmem>>, vector<16xf32>,
      tpu.vector_store %arg7[%parallel_loop3A_293, %parallel_loop3A_294], %parallel_loop3A_291 {strides = array<i32>} : memref<2x16384xf32, #tpu.memory_space<vmem>>, vector<16xf32>,
      %parallel_loop3A_296 = arith.constant 16 : i32
      %parallel_loop3A_297 = arith.muli %parallel_loop3A_255, %parallel_loop3A_296 : i32
      %parallel_loop3A_298 = arith.constant 2 : i32
      %parallel_loop3A_299 = arith.addi %parallel_loop3A_297, %parallel_loop3A_298 : i32
      %parallel_loop3A_300 = arith.constant 16 : i32
      %parallel_loop3A_301 = arith.muli %parallel_loop3A_299, %parallel_loop3A_300 : i32
      %parallel_loop3A_302 = arith.constant 0 : i32
      %parallel_loop3A_303 = arith.index_cast %parallel_loop3A_302 : i32 to index
      %parallel_loop3A_304 = arith.index_cast %parallel_loop3A_301 : i32 to index
      %parallel_loop3A_305 = tpu.vector_load %arg7[%parallel_loop3A_303, %parallel_loop3A_304] {strides = array<i32>} : memref<2x16384xf32, #tpu.memory_space<vmem>>, vector<16xf32>,
      %parallel_loop3A_306 = vector.extract_strided_slice %parallel_loop3A_259 {offsets = [2], sizes = [1], strides = [1]} : vector<16xf32> to vector<1xf32>
      %parallel_loop3A_307 = vector.extract %parallel_loop3A_306[0] : f32 from vector<1xf32>
      %parallel_loop3A_308 = vector.broadcast %parallel_loop3A_307 : f32 to vector<16xf32>
      %parallel_loop3A_309 = arith.addf %parallel_loop3A_305, %parallel_loop3A_308 : vector<16xf32>
      %parallel_loop3A_310 = arith.constant 0 : i32
      %parallel_loop3A_311 = arith.index_cast %parallel_loop3A_310 : i32 to index
      %parallel_loop3A_312 = arith.index_cast %parallel_loop3A_301 : i32 to index
      %parallel_loop3A_313 = tpu.vector_load %arg7[%parallel_loop3A_311, %parallel_loop3A_312] {strides = array<i32>} : memref<2x16384xf32, #tpu.memory_space<vmem>>, vector<16xf32>,
      tpu.vector_store %arg7[%parallel_loop3A_311, %parallel_loop3A_312], %parallel_loop3A_309 {strides = array<i32>} : memref<2x16384xf32, #tpu.memory_space<vmem>>, vector<16xf32>,
      %parallel_loop3A_314 = arith.constant 16 : i32
      %parallel_loop3A_315 = arith.muli %parallel_loop3A_255, %parallel_loop3A_314 : i32
      %parallel_loop3A_316 = arith.constant 3 : i32
      %parallel_loop3A_317 = arith.addi %parallel_loop3A_315, %parallel_loop3A_316 : i32
      %parallel_loop3A_318 = arith.constant 16 : i32
      %parallel_loop3A_319 = arith.muli %parallel_loop3A_317, %parallel_loop3A_318 : i32
      %parallel_loop3A_320 = arith.constant 0 : i32
      %parallel_loop3A_321 = arith.index_cast %parallel_loop3A_320 : i32 to index
      %parallel_loop3A_322 = arith.index_cast %parallel_loop3A_319 : i32 to index
      %parallel_loop3A_323 = tpu.vector_load %arg7[%parallel_loop3A_321, %parallel_loop3A_322] {strides = array<i32>} : memref<2x16384xf32, #tpu.memory_space<vmem>>, vector<16xf32>,
      %parallel_loop3A_324 = vector.extract_strided_slice %parallel_loop3A_259 {offsets = [3], sizes = [1], strides = [1]} : vector<16xf32> to vector<1xf32>
      %parallel_loop3A_325 = vector.extract %parallel_loop3A_324[0] : f32 from vector<1xf32>
      %parallel_loop3A_326 = vector.broadcast %parallel_loop3A_325 : f32 to vector<16xf32>
      %parallel_loop3A_327 = arith.addf %parallel_loop3A_323, %parallel_loop3A_326 : vector<16xf32>
      %parallel_loop3A_328 = arith.constant 0 : i32
      %parallel_loop3A_329 = arith.index_cast %parallel_loop3A_328 : i32 to index
      %parallel_loop3A_330 = arith.index_cast %parallel_loop3A_319 : i32 to index
      %parallel_loop3A_331 = tpu.vector_load %arg7[%parallel_loop3A_329, %parallel_loop3A_330] {strides = array<i32>} : memref<2x16384xf32, #tpu.memory_space<vmem>>, vector<16xf32>,
      tpu.vector_store %arg7[%parallel_loop3A_329, %parallel_loop3A_330], %parallel_loop3A_327 {strides = array<i32>} : memref<2x16384xf32, #tpu.memory_space<vmem>>, vector<16xf32>,
      %parallel_loop3A_332 = arith.constant 16 : i32
      %parallel_loop3A_333 = arith.muli %parallel_loop3A_255, %parallel_loop3A_332 : i32
      %parallel_loop3A_334 = arith.constant 4 : i32
      %parallel_loop3A_335 = arith.addi %parallel_loop3A_333, %parallel_loop3A_334 : i32
      %parallel_loop3A_336 = arith.constant 16 : i32
      %parallel_loop3A_337 = arith.muli %parallel_loop3A_335, %parallel_loop3A_336 : i32
      %parallel_loop3A_338 = arith.constant 0 : i32
      %parallel_loop3A_339 = arith.index_cast %parallel_loop3A_338 : i32 to index
      %parallel_loop3A_340 = arith.index_cast %parallel_loop3A_337 : i32 to index
      %parallel_loop3A_341 = tpu.vector_load %arg7[%parallel_loop3A_339, %parallel_loop3A_340] {strides = array<i32>} : memref<2x16384xf32, #tpu.memory_space<vmem>>, vector<16xf32>,
      %parallel_loop3A_342 = vector.extract_strided_slice %parallel_loop3A_259 {offsets = [4], sizes = [1], strides = [1]} : vector<16xf32> to vector<1xf32>
      %parallel_loop3A_343 = vector.extract %parallel_loop3A_342[0] : f32 from vector<1xf32>
      %parallel_loop3A_344 = vector.broadcast %parallel_loop3A_343 : f32 to vector<16xf32>
      %parallel_loop3A_345 = arith.addf %parallel_loop3A_341, %parallel_loop3A_344 : vector<16xf32>
      %parallel_loop3A_346 = arith.constant 0 : i32
      %parallel_loop3A_347 = arith.index_cast %parallel_loop3A_346 : i32 to index
      %parallel_loop3A_348 = arith.index_cast %parallel_loop3A_337 : i32 to index
      %parallel_loop3A_349 = tpu.vector_load %arg7[%parallel_loop3A_347, %parallel_loop3A_348] {strides = array<i32>} : memref<2x16384xf32, #tpu.memory_space<vmem>>, vector<16xf32>,
      tpu.vector_store %arg7[%parallel_loop3A_347, %parallel_loop3A_348], %parallel_loop3A_345 {strides = array<i32>} : memref<2x16384xf32, #tpu.memory_space<vmem>>, vector<16xf32>,
      %parallel_loop3A_350 = arith.constant 16 : i32
      %parallel_loop3A_351 = arith.muli %parallel_loop3A_255, %parallel_loop3A_350 : i32
      %parallel_loop3A_352 = arith.constant 5 : i32
      %parallel_loop3A_353 = arith.addi %parallel_loop3A_351, %parallel_loop3A_352 : i32
      %parallel_loop3A_354 = arith.constant 16 : i32
      %parallel_loop3A_355 = arith.muli %parallel_loop3A_353, %parallel_loop3A_354 : i32
      %parallel_loop3A_356 = arith.constant 0 : i32
      %parallel_loop3A_357 = arith.index_cast %parallel_loop3A_356 : i32 to index
      %parallel_loop3A_358 = arith.index_cast %parallel_loop3A_355 : i32 to index
      %parallel_loop3A_359 = tpu.vector_load %arg7[%parallel_loop3A_357, %parallel_loop3A_358] {strides = array<i32>} : memref<2x16384xf32, #tpu.memory_space<vmem>>, vector<16xf32>,
      %parallel_loop3A_360 = vector.extract_strided_slice %parallel_loop3A_259 {offsets = [5], sizes = [1], strides = [1]} : vector<16xf32> to vector<1xf32>
      %parallel_loop3A_361 = vector.extract %parallel_loop3A_360[0] : f32 from vector<1xf32>
      %parallel_loop3A_362 = vector.broadcast %parallel_loop3A_361 : f32 to vector<16xf32>
      %parallel_loop3A_363 = arith.addf %parallel_loop3A_359, %parallel_loop3A_362 : vector<16xf32>
      %parallel_loop3A_364 = arith.constant 0 : i32
      %parallel_loop3A_365 = arith.index_cast %parallel_loop3A_364 : i32 to index
      %parallel_loop3A_366 = arith.index_cast %parallel_loop3A_355 : i32 to index
      %parallel_loop3A_367 = tpu.vector_load %arg7[%parallel_loop3A_365, %parallel_loop3A_366] {strides = array<i32>} : memref<2x16384xf32, #tpu.memory_space<vmem>>, vector<16xf32>,
      tpu.vector_store %arg7[%parallel_loop3A_365, %parallel_loop3A_366], %parallel_loop3A_363 {strides = array<i32>} : memref<2x16384xf32, #tpu.memory_space<vmem>>, vector<16xf32>,
      %parallel_loop3A_368 = arith.constant 16 : i32
      %parallel_loop3A_369 = arith.muli %parallel_loop3A_255, %parallel_loop3A_368 : i32
      %parallel_loop3A_370 = arith.constant 6 : i32
      %parallel_loop3A_371 = arith.addi %parallel_loop3A_369, %parallel_loop3A_370 : i32
      %parallel_loop3A_372 = arith.constant 16 : i32
      %parallel_loop3A_373 = arith.muli %parallel_loop3A_371, %parallel_loop3A_372 : i32
      %parallel_loop3A_374 = arith.constant 0 : i32
      %parallel_loop3A_375 = arith.index_cast %parallel_loop3A_374 : i32 to index
      %parallel_loop3A_376 = arith.index_cast %parallel_loop3A_373 : i32 to index
      %parallel_loop3A_377 = tpu.vector_load %arg7[%parallel_loop3A_375, %parallel_loop3A_376] {strides = array<i32>} : memref<2x16384xf32, #tpu.memory_space<vmem>>, vector<16xf32>,
      %parallel_loop3A_378 = vector.extract_strided_slice %parallel_loop3A_259 {offsets = [6], sizes = [1], strides = [1]} : vector<16xf32> to vector<1xf32>
      %parallel_loop3A_379 = vector.extract %parallel_loop3A_378[0] : f32 from vector<1xf32>
      %parallel_loop3A_380 = vector.broadcast %parallel_loop3A_379 : f32 to vector<16xf32>
      %parallel_loop3A_381 = arith.addf %parallel_loop3A_377, %parallel_loop3A_380 : vector<16xf32>
      %parallel_loop3A_382 = arith.constant 0 : i32
      %parallel_loop3A_383 = arith.index_cast %parallel_loop3A_382 : i32 to index
      %parallel_loop3A_384 = arith.index_cast %parallel_loop3A_373 : i32 to index
      %parallel_loop3A_385 = tpu.vector_load %arg7[%parallel_loop3A_383, %parallel_loop3A_384] {strides = array<i32>} : memref<2x16384xf32, #tpu.memory_space<vmem>>, vector<16xf32>,
      tpu.vector_store %arg7[%parallel_loop3A_383, %parallel_loop3A_384], %parallel_loop3A_381 {strides = array<i32>} : memref<2x16384xf32, #tpu.memory_space<vmem>>, vector<16xf32>,
      %parallel_loop3A_386 = arith.constant 16 : i32
      %parallel_loop3A_387 = arith.muli %parallel_loop3A_255, %parallel_loop3A_386 : i32
      %parallel_loop3A_388 = arith.constant 7 : i32
      %parallel_loop3A_389 = arith.addi %parallel_loop3A_387, %parallel_loop3A_388 : i32
      %parallel_loop3A_390 = arith.constant 16 : i32
      %parallel_loop3A_391 = arith.muli %parallel_loop3A_389, %parallel_loop3A_390 : i32
      %parallel_loop3A_392 = arith.constant 0 : i32
      %parallel_loop3A_393 = arith.index_cast %parallel_loop3A_392 : i32 to index
      %parallel_loop3A_394 = arith.index_cast %parallel_loop3A_391 : i32 to index
      %parallel_loop3A_395 = tpu.vector_load %arg7[%parallel_loop3A_393, %parallel_loop3A_394] {strides = array<i32>} : memref<2x16384xf32, #tpu.memory_space<vmem>>, vector<16xf32>,
      %parallel_loop3A_396 = vector.extract_strided_slice %parallel_loop3A_259 {offsets = [7], sizes = [1], strides = [1]} : vector<16xf32> to vector<1xf32>
      %parallel_loop3A_397 = vector.extract %parallel_loop3A_396[0] : f32 from vector<1xf32>
      %parallel_loop3A_398 = vector.broadcast %parallel_loop3A_397 : f32 to vector<16xf32>
      %parallel_loop3A_399 = arith.addf %parallel_loop3A_395, %parallel_loop3A_398 : vector<16xf32>
      %parallel_loop3A_400 = arith.constant 0 : i32
      %parallel_loop3A_401 = arith.index_cast %parallel_loop3A_400 : i32 to index
      %parallel_loop3A_402 = arith.index_cast %parallel_loop3A_391 : i32 to index
      %parallel_loop3A_403 = tpu.vector_load %arg7[%parallel_loop3A_401, %parallel_loop3A_402] {strides = array<i32>} : memref<2x16384xf32, #tpu.memory_space<vmem>>, vector<16xf32>,
      tpu.vector_store %arg7[%parallel_loop3A_401, %parallel_loop3A_402], %parallel_loop3A_399 {strides = array<i32>} : memref<2x16384xf32, #tpu.memory_space<vmem>>, vector<16xf32>,
      %parallel_loop3A_404 = arith.constant 16 : i32
      %parallel_loop3A_405 = arith.muli %parallel_loop3A_255, %parallel_loop3A_404 : i32
      %parallel_loop3A_406 = arith.constant 8 : i32
      %parallel_loop3A_407 = arith.addi %parallel_loop3A_405, %parallel_loop3A_406 : i32
      %parallel_loop3A_408 = arith.constant 16 : i32
      %parallel_loop3A_409 = arith.muli %parallel_loop3A_407, %parallel_loop3A_408 : i32
      %parallel_loop3A_410 = arith.constant 0 : i32
      %parallel_loop3A_411 = arith.index_cast %parallel_loop3A_410 : i32 to index
      %parallel_loop3A_412 = arith.index_cast %parallel_loop3A_409 : i32 to index
      %parallel_loop3A_413 = tpu.vector_load %arg7[%parallel_loop3A_411, %parallel_loop3A_412] {strides = array<i32>} : memref<2x16384xf32, #tpu.memory_space<vmem>>, vector<16xf32>,
      %parallel_loop3A_414 = vector.extract_strided_slice %parallel_loop3A_259 {offsets = [8], sizes = [1], strides = [1]} : vector<16xf32> to vector<1xf32>
      %parallel_loop3A_415 = vector.extract %parallel_loop3A_414[0] : f32 from vector<1xf32>
      %parallel_loop3A_416 = vector.broadcast %parallel_loop3A_415 : f32 to vector<16xf32>
      %parallel_loop3A_417 = arith.addf %parallel_loop3A_413, %parallel_loop3A_416 : vector<16xf32>
      %parallel_loop3A_418 = arith.constant 0 : i32
      %parallel_loop3A_419 = arith.index_cast %parallel_loop3A_418 : i32 to index
      %parallel_loop3A_420 = arith.index_cast %parallel_loop3A_409 : i32 to index
      %parallel_loop3A_421 = tpu.vector_load %arg7[%parallel_loop3A_419, %parallel_loop3A_420] {strides = array<i32>} : memref<2x16384xf32, #tpu.memory_space<vmem>>, vector<16xf32>,
      tpu.vector_store %arg7[%parallel_loop3A_419, %parallel_loop3A_420], %parallel_loop3A_417 {strides = array<i32>} : memref<2x16384xf32, #tpu.memory_space<vmem>>, vector<16xf32>,
      %parallel_loop3A_422 = arith.constant 16 : i32
      %parallel_loop3A_423 = arith.muli %parallel_loop3A_255, %parallel_loop3A_422 : i32
      %parallel_loop3A_424 = arith.constant 9 : i32
      %parallel_loop3A_425 = arith.addi %parallel_loop3A_423, %parallel_loop3A_424 : i32
      %parallel_loop3A_426 = arith.constant 16 : i32
      %parallel_loop3A_427 = arith.muli %parallel_loop3A_425, %parallel_loop3A_426 : i32
      %parallel_loop3A_428 = arith.constant 0 : i32
      %parallel_loop3A_429 = arith.index_cast %parallel_loop3A_428 : i32 to index
      %parallel_loop3A_430 = arith.index_cast %parallel_loop3A_427 : i32 to index
      %parallel_loop3A_431 = tpu.vector_load %arg7[%parallel_loop3A_429, %parallel_loop3A_430] {strides = array<i32>} : memref<2x16384xf32, #tpu.memory_space<vmem>>, vector<16xf32>,
      %parallel_loop3A_432 = vector.extract_strided_slice %parallel_loop3A_259 {offsets = [9], sizes = [1], strides = [1]} : vector<16xf32> to vector<1xf32>
      %parallel_loop3A_433 = vector.extract %parallel_loop3A_432[0] : f32 from vector<1xf32>
      %parallel_loop3A_434 = vector.broadcast %parallel_loop3A_433 : f32 to vector<16xf32>
      %parallel_loop3A_435 = arith.addf %parallel_loop3A_431, %parallel_loop3A_434 : vector<16xf32>
      %parallel_loop3A_436 = arith.constant 0 : i32
      %parallel_loop3A_437 = arith.index_cast %parallel_loop3A_436 : i32 to index
      %parallel_loop3A_438 = arith.index_cast %parallel_loop3A_427 : i32 to index
      %parallel_loop3A_439 = tpu.vector_load %arg7[%parallel_loop3A_437, %parallel_loop3A_438] {strides = array<i32>} : memref<2x16384xf32, #tpu.memory_space<vmem>>, vector<16xf32>,
      tpu.vector_store %arg7[%parallel_loop3A_437, %parallel_loop3A_438], %parallel_loop3A_435 {strides = array<i32>} : memref<2x16384xf32, #tpu.memory_space<vmem>>, vector<16xf32>,
      %parallel_loop3A_440 = arith.constant 16 : i32
      %parallel_loop3A_441 = arith.muli %parallel_loop3A_255, %parallel_loop3A_440 : i32
      %parallel_loop3A_442 = arith.constant 10 : i32
      %parallel_loop3A_443 = arith.addi %parallel_loop3A_441, %parallel_loop3A_442 : i32
      %parallel_loop3A_444 = arith.constant 16 : i32
      %parallel_loop3A_445 = arith.muli %parallel_loop3A_443, %parallel_loop3A_444 : i32
      %parallel_loop3A_446 = arith.constant 0 : i32
      %parallel_loop3A_447 = arith.index_cast %parallel_loop3A_446 : i32 to index
      %parallel_loop3A_448 = arith.index_cast %parallel_loop3A_445 : i32 to index
      %parallel_loop3A_449 = tpu.vector_load %arg7[%parallel_loop3A_447, %parallel_loop3A_448] {strides = array<i32>} : memref<2x16384xf32, #tpu.memory_space<vmem>>, vector<16xf32>,
      %parallel_loop3A_450 = vector.extract_strided_slice %parallel_loop3A_259 {offsets = [10], sizes = [1], strides = [1]} : vector<16xf32> to vector<1xf32>
      %parallel_loop3A_451 = vector.extract %parallel_loop3A_450[0] : f32 from vector<1xf32>
      %parallel_loop3A_452 = vector.broadcast %parallel_loop3A_451 : f32 to vector<16xf32>
      %parallel_loop3A_453 = arith.addf %parallel_loop3A_449, %parallel_loop3A_452 : vector<16xf32>
      %parallel_loop3A_454 = arith.constant 0 : i32
      %parallel_loop3A_455 = arith.index_cast %parallel_loop3A_454 : i32 to index
      %parallel_loop3A_456 = arith.index_cast %parallel_loop3A_445 : i32 to index
      %parallel_loop3A_457 = tpu.vector_load %arg7[%parallel_loop3A_455, %parallel_loop3A_456] {strides = array<i32>} : memref<2x16384xf32, #tpu.memory_space<vmem>>, vector<16xf32>,
      tpu.vector_store %arg7[%parallel_loop3A_455, %parallel_loop3A_456], %parallel_loop3A_453 {strides = array<i32>} : memref<2x16384xf32, #tpu.memory_space<vmem>>, vector<16xf32>,
      %parallel_loop3A_458 = arith.constant 16 : i32
      %parallel_loop3A_459 = arith.muli %parallel_loop3A_255, %parallel_loop3A_458 : i32
      %parallel_loop3A_460 = arith.constant 11 : i32
      %parallel_loop3A_461 = arith.addi %parallel_loop3A_459, %parallel_loop3A_460 : i32
      %parallel_loop3A_462 = arith.constant 16 : i32
      %parallel_loop3A_463 = arith.muli %parallel_loop3A_461, %parallel_loop3A_462 : i32
      %parallel_loop3A_464 = arith.constant 0 : i32
      %parallel_loop3A_465 = arith.index_cast %parallel_loop3A_464 : i32 to index
      %parallel_loop3A_466 = arith.index_cast %parallel_loop3A_463 : i32 to index
      %parallel_loop3A_467 = tpu.vector_load %arg7[%parallel_loop3A_465, %parallel_loop3A_466] {strides = array<i32>} : memref<2x16384xf32, #tpu.memory_space<vmem>>, vector<16xf32>,
      %parallel_loop3A_468 = vector.extract_strided_slice %parallel_loop3A_259 {offsets = [11], sizes = [1], strides = [1]} : vector<16xf32> to vector<1xf32>
      %parallel_loop3A_469 = vector.extract %parallel_loop3A_468[0] : f32 from vector<1xf32>
      %parallel_loop3A_470 = vector.broadcast %parallel_loop3A_469 : f32 to vector<16xf32>
      %parallel_loop3A_471 = arith.addf %parallel_loop3A_467, %parallel_loop3A_470 : vector<16xf32>
      %parallel_loop3A_472 = arith.constant 0 : i32
      %parallel_loop3A_473 = arith.index_cast %parallel_loop3A_472 : i32 to index
      %parallel_loop3A_474 = arith.index_cast %parallel_loop3A_463 : i32 to index
      %parallel_loop3A_475 = tpu.vector_load %arg7[%parallel_loop3A_473, %parallel_loop3A_474] {strides = array<i32>} : memref<2x16384xf32, #tpu.memory_space<vmem>>, vector<16xf32>,
      tpu.vector_store %arg7[%parallel_loop3A_473, %parallel_loop3A_474], %parallel_loop3A_471 {strides = array<i32>} : memref<2x16384xf32, #tpu.memory_space<vmem>>, vector<16xf32>,
      %parallel_loop3A_476 = arith.constant 16 : i32
      %parallel_loop3A_477 = arith.muli %parallel_loop3A_255, %parallel_loop3A_476 : i32
      %parallel_loop3A_478 = arith.constant 12 : i32
      %parallel_loop3A_479 = arith.addi %parallel_loop3A_477, %parallel_loop3A_478 : i32
      %parallel_loop3A_480 = arith.constant 16 : i32
      %parallel_loop3A_481 = arith.muli %parallel_loop3A_479, %parallel_loop3A_480 : i32
      %parallel_loop3A_482 = arith.constant 0 : i32
      %parallel_loop3A_483 = arith.index_cast %parallel_loop3A_482 : i32 to index
      %parallel_loop3A_484 = arith.index_cast %parallel_loop3A_481 : i32 to index
      %parallel_loop3A_485 = tpu.vector_load %arg7[%parallel_loop3A_483, %parallel_loop3A_484] {strides = array<i32>} : memref<2x16384xf32, #tpu.memory_space<vmem>>, vector<16xf32>,
      %parallel_loop3A_486 = vector.extract_strided_slice %parallel_loop3A_259 {offsets = [12], sizes = [1], strides = [1]} : vector<16xf32> to vector<1xf32>
      %parallel_loop3A_487 = vector.extract %parallel_loop3A_486[0] : f32 from vector<1xf32>
      %parallel_loop3A_488 = vector.broadcast %parallel_loop3A_487 : f32 to vector<16xf32>
      %parallel_loop3A_489 = arith.addf %parallel_loop3A_485, %parallel_loop3A_488 : vector<16xf32>
      %parallel_loop3A_490 = arith.constant 0 : i32
      %parallel_loop3A_491 = arith.index_cast %parallel_loop3A_490 : i32 to index
      %parallel_loop3A_492 = arith.index_cast %parallel_loop3A_481 : i32 to index
      %parallel_loop3A_493 = tpu.vector_load %arg7[%parallel_loop3A_491, %parallel_loop3A_492] {strides = array<i32>} : memref<2x16384xf32, #tpu.memory_space<vmem>>, vector<16xf32>,
      tpu.vector_store %arg7[%parallel_loop3A_491, %parallel_loop3A_492], %parallel_loop3A_489 {strides = array<i32>} : memref<2x16384xf32, #tpu.memory_space<vmem>>, vector<16xf32>,
      %parallel_loop3A_494 = arith.constant 16 : i32
      %parallel_loop3A_495 = arith.muli %parallel_loop3A_255, %parallel_loop3A_494 : i32
      %parallel_loop3A_496 = arith.constant 13 : i32
      %parallel_loop3A_497 = arith.addi %parallel_loop3A_495, %parallel_loop3A_496 : i32
      %parallel_loop3A_498 = arith.constant 16 : i32
      %parallel_loop3A_499 = arith.muli %parallel_loop3A_497, %parallel_loop3A_498 : i32
      %parallel_loop3A_500 = arith.constant 0 : i32
      %parallel_loop3A_501 = arith.index_cast %parallel_loop3A_500 : i32 to index
      %parallel_loop3A_502 = arith.index_cast %parallel_loop3A_499 : i32 to index
      %parallel_loop3A_503 = tpu.vector_load %arg7[%parallel_loop3A_501, %parallel_loop3A_502] {strides = array<i32>} : memref<2x16384xf32, #tpu.memory_space<vmem>>, vector<16xf32>,
      %parallel_loop3A_504 = vector.extract_strided_slice %parallel_loop3A_259 {offsets = [13], sizes = [1], strides = [1]} : vector<16xf32> to vector<1xf32>
      %parallel_loop3A_505 = vector.extract %parallel_loop3A_504[0] : f32 from vector<1xf32>
      %parallel_loop3A_506 = vector.broadcast %parallel_loop3A_505 : f32 to vector<16xf32>
      %parallel_loop3A_507 = arith.addf %parallel_loop3A_503, %parallel_loop3A_506 : vector<16xf32>
      %parallel_loop3A_508 = arith.constant 0 : i32
      %parallel_loop3A_509 = arith.index_cast %parallel_loop3A_508 : i32 to index
      %parallel_loop3A_510 = arith.index_cast %parallel_loop3A_499 : i32 to index
      %parallel_loop3A_511 = tpu.vector_load %arg7[%parallel_loop3A_509, %parallel_loop3A_510] {strides = array<i32>} : memref<2x16384xf32, #tpu.memory_space<vmem>>, vector<16xf32>,
      tpu.vector_store %arg7[%parallel_loop3A_509, %parallel_loop3A_510], %parallel_loop3A_507 {strides = array<i32>} : memref<2x16384xf32, #tpu.memory_space<vmem>>, vector<16xf32>,
      %parallel_loop3A_512 = arith.constant 16 : i32
      %parallel_loop3A_513 = arith.muli %parallel_loop3A_255, %parallel_loop3A_512 : i32
      %parallel_loop3A_514 = arith.constant 14 : i32
      %parallel_loop3A_515 = arith.addi %parallel_loop3A_513, %parallel_loop3A_514 : i32
      %parallel_loop3A_516 = arith.constant 16 : i32
      %parallel_loop3A_517 = arith.muli %parallel_loop3A_515, %parallel_loop3A_516 : i32
      %parallel_loop3A_518 = arith.constant 0 : i32
      %parallel_loop3A_519 = arith.index_cast %parallel_loop3A_518 : i32 to index
      %parallel_loop3A_520 = arith.index_cast %parallel_loop3A_517 : i32 to index
      %parallel_loop3A_521 = tpu.vector_load %arg7[%parallel_loop3A_519, %parallel_loop3A_520] {strides = array<i32>} : memref<2x16384xf32, #tpu.memory_space<vmem>>, vector<16xf32>,
      %parallel_loop3A_522 = vector.extract_strided_slice %parallel_loop3A_259 {offsets = [14], sizes = [1], strides = [1]} : vector<16xf32> to vector<1xf32>
      %parallel_loop3A_523 = vector.extract %parallel_loop3A_522[0] : f32 from vector<1xf32>
      %parallel_loop3A_524 = vector.broadcast %parallel_loop3A_523 : f32 to vector<16xf32>
      %parallel_loop3A_525 = arith.addf %parallel_loop3A_521, %parallel_loop3A_524 : vector<16xf32>
      %parallel_loop3A_526 = arith.constant 0 : i32
      %parallel_loop3A_527 = arith.index_cast %parallel_loop3A_526 : i32 to index
      %parallel_loop3A_528 = arith.index_cast %parallel_loop3A_517 : i32 to index
      %parallel_loop3A_529 = tpu.vector_load %arg7[%parallel_loop3A_527, %parallel_loop3A_528] {strides = array<i32>} : memref<2x16384xf32, #tpu.memory_space<vmem>>, vector<16xf32>,
      tpu.vector_store %arg7[%parallel_loop3A_527, %parallel_loop3A_528], %parallel_loop3A_525 {strides = array<i32>} : memref<2x16384xf32, #tpu.memory_space<vmem>>, vector<16xf32>,
      %parallel_loop3A_530 = arith.constant 16 : i32
      %parallel_loop3A_531 = arith.muli %parallel_loop3A_255, %parallel_loop3A_530 : i32
      %parallel_loop3A_532 = arith.constant 15 : i32
      %parallel_loop3A_533 = arith.addi %parallel_loop3A_531, %parallel_loop3A_532 : i32
      %parallel_loop3A_534 = arith.constant 16 : i32
      %parallel_loop3A_535 = arith.muli %parallel_loop3A_533, %parallel_loop3A_534 : i32
      %parallel_loop3A_536 = arith.constant 0 : i32
      %parallel_loop3A_537 = arith.index_cast %parallel_loop3A_536 : i32 to index
      %parallel_loop3A_538 = arith.index_cast %parallel_loop3A_535 : i32 to index
      %parallel_loop3A_539 = tpu.vector_load %arg7[%parallel_loop3A_537, %parallel_loop3A_538] {strides = array<i32>} : memref<2x16384xf32, #tpu.memory_space<vmem>>, vector<16xf32>,
      %parallel_loop3A_540 = vector.extract_strided_slice %parallel_loop3A_259 {offsets = [15], sizes = [1], strides = [1]} : vector<16xf32> to vector<1xf32>
      %parallel_loop3A_541 = vector.extract %parallel_loop3A_540[0] : f32 from vector<1xf32>
      %parallel_loop3A_542 = vector.broadcast %parallel_loop3A_541 : f32 to vector<16xf32>
      %parallel_loop3A_543 = arith.addf %parallel_loop3A_539, %parallel_loop3A_542 : vector<16xf32>
      %parallel_loop3A_544 = arith.constant 0 : i32
      %parallel_loop3A_545 = arith.index_cast %parallel_loop3A_544 : i32 to index
      %parallel_loop3A_546 = arith.index_cast %parallel_loop3A_535 : i32 to index
      %parallel_loop3A_547 = tpu.vector_load %arg7[%parallel_loop3A_545, %parallel_loop3A_546] {strides = array<i32>} : memref<2x16384xf32, #tpu.memory_space<vmem>>, vector<16xf32>,
      tpu.vector_store %arg7[%parallel_loop3A_545, %parallel_loop3A_546], %parallel_loop3A_543 {strides = array<i32>} : memref<2x16384xf32, #tpu.memory_space<vmem>>, vector<16xf32>,
    } {sc.loop_unroll_factor = 4 : i64, sc.parallel_access}
    %mul3A_128 = arith.constant 1 : i32
    %mul3A_129 = arith.muli %add3A, %mul3A_128 : i32
    %add3A_130 = arith.constant 0 : i32
    %add3A_131 = arith.addi %mul3A_129, %add3A_130 : i32
    %dma_start3A_132 = arith.constant 0 : i32
    %dma_start3A_133 = arith.constant 4 : i32
    %dma_start3A_134 = arith.constant 0 : i32
    %dma_start3A_135 = tpu.memref_slice %arg7[%dma_start3A_132, %dma_start3A_134] : memref<2x16384xf32, #tpu.memory_space<vmem>> -> memref<1x16384xf32, #tpu.memory_space<vmem>>
    %dma_start3A_136 = tpu.memref_squeeze %dma_start3A_135 : memref<1x16384xf32, #tpu.memory_space<vmem>> -> memref<16384xf32, #tpu.memory_space<vmem>>
    %dma_start3A_137 = arith.constant 0 : i32
    %dma_start3A_138 = tpu.memref_slice %arg4[%add3A_131, %dma_start3A_137] : memref<32x32768xf32, #tpu.memory_space<hbm>> -> memref<1x16384xf32, #tpu.memory_space<hbm>>
    %dma_start3A_139 = tpu.memref_squeeze %dma_start3A_138 : memref<1x16384xf32, #tpu.memory_space<hbm>> -> memref<16384xf32, #tpu.memory_space<hbm>>
    %dma_start3A_140 = tpu.memref_slice %arg12[%dma_start3A_133] : memref<6x!tpu.dma_semaphore, #tpu.memory_space<semaphore_mem>> -> memref<1x!tpu.dma_semaphore, #tpu.memory_space<semaphore_mem>>
    %dma_start3A_141 = tpu.memref_squeeze %dma_start3A_140 : memref<1x!tpu.dma_semaphore, #tpu.memory_space<semaphore_mem>> -> memref<!tpu.dma_semaphore, #tpu.memory_space<semaphore_mem>>
    %dma_start3A_142 = arith.constant 0 : i32
    %dma_start3A_143 = tpu.memref_slice %arg4[%add3A_131, %dma_start3A_142] : memref<32x32768xf32, #tpu.memory_space<hbm>> -> memref<1x16384xf32, #tpu.memory_space<hbm>>
    %dma_start3A_144 = tpu.memref_squeeze %dma_start3A_143 : memref<1x16384xf32, #tpu.memory_space<hbm>> -> memref<16384xf32, #tpu.memory_space<hbm>>
    %dma_start3A_145 = arith.constant 0 : i32
    %dma_start3A_146 = tpu.memref_slice %arg7[%dma_start3A_132, %dma_start3A_145] : memref<2x16384xf32, #tpu.memory_space<vmem>> -> memref<1x16384xf32, #tpu.memory_space<vmem>>
    %dma_start3A_147 = tpu.memref_squeeze %dma_start3A_146 : memref<1x16384xf32, #tpu.memory_space<vmem>> -> memref<16384xf32, #tpu.memory_space<vmem>>
    tpu.enqueue_dma source(%dma_start3A_147 : memref<16384xf32, #tpu.memory_space<vmem>>) target(%dma_start3A_144 : memref<16384xf32, #tpu.memory_space<hbm>>) target_semaphore(%dma_start3A_141 : memref<!tpu.dma_semaphore, #tpu.memory_space<semaphore_mem>>)
    %dma_wait3A_148 = arith.constant 1 : i32
    %dma_wait3A_149 = arith.constant 1 : i32
    %dma_wait3A_150 = arith.constant 0 : i32
    %dma_wait3A_151 = tpu.memref_slice %arg5[%dma_wait3A_148, %dma_wait3A_150] : memref<2x16384xf32, #tpu.memory_space<vmem>> -> memref<1x16384xf32, #tpu.memory_space<vmem>>
    %dma_wait3A_152 = tpu.memref_squeeze %dma_wait3A_151 : memref<1x16384xf32, #tpu.memory_space<vmem>> -> memref<16384xf32, #tpu.memory_space<vmem>>
    %dma_wait3A_153 = arith.constant 16384 : i32
    %dma_wait3A_154 = tpu.memref_slice %arg2[%add3A_43, %dma_wait3A_153] : memref<128x32768xf32, #tpu.memory_space<hbm>> -> memref<1x16384xf32, #tpu.memory_space<hbm>>
    %dma_wait3A_155 = tpu.memref_squeeze %dma_wait3A_154 : memref<1x16384xf32, #tpu.memory_space<hbm>> -> memref<16384xf32, #tpu.memory_space<hbm>>
    %dma_wait3A_156 = tpu.memref_slice %arg12[%dma_wait3A_149] : memref<6x!tpu.dma_semaphore, #tpu.memory_space<semaphore_mem>> -> memref<1x!tpu.dma_semaphore, #tpu.memory_space<semaphore_mem>>
    %dma_wait3A_157 = tpu.memref_squeeze %dma_wait3A_156 : memref<1x!tpu.dma_semaphore, #tpu.memory_space<semaphore_mem>> -> memref<!tpu.dma_semaphore, #tpu.memory_space<semaphore_mem>>
    %dma_wait3A_158 = arith.constant 0 : i32
    %dma_wait3A_159 = tpu.memref_slice %arg5[%dma_wait3A_148, %dma_wait3A_158] : memref<2x16384xf32, #tpu.memory_space<vmem>> -> memref<1x16384xf32, #tpu.memory_space<vmem>>
    %dma_wait3A_160 = tpu.memref_squeeze %dma_wait3A_159 : memref<1x16384xf32, #tpu.memory_space<vmem>> -> memref<16384xf32, #tpu.memory_space<vmem>>
    %dma_wait3A_161 = arith.constant 16384 : i32
    %dma_wait3A_162 = tpu.memref_slice %arg2[%add3A_43, %dma_wait3A_161] : memref<128x32768xf32, #tpu.memory_space<hbm>> -> memref<1x16384xf32, #tpu.memory_space<hbm>>
    %dma_wait3A_163 = tpu.memref_squeeze %dma_wait3A_162 : memref<1x16384xf32, #tpu.memory_space<hbm>> -> memref<16384xf32, #tpu.memory_space<hbm>>
    tpu.wait_dma2 semaphore(%dma_wait3A_157 : memref<!tpu.dma_semaphore, #tpu.memory_space<semaphore_mem>>) src(%dma_wait3A_163 : memref<16384xf32, #tpu.memory_space<hbm>>) dst(%dma_wait3A_160 : memref<16384xf32, #tpu.memory_space<vmem>>)
    %dma_wait3A_164 = arith.constant 1 : i32
    %dma_wait3A_165 = arith.constant 3 : i32
    %dma_wait3A_166 = arith.constant 0 : i32
    %dma_wait3A_167 = tpu.memref_slice %arg6[%dma_wait3A_164, %dma_wait3A_166] : memref<2x16384xf32, #tpu.memory_space<vmem>> -> memref<1x16384xf32, #tpu.memory_space<vmem>>
    %dma_wait3A_168 = tpu.memref_squeeze %dma_wait3A_167 : memref<1x16384xf32, #tpu.memory_space<vmem>> -> memref<16384xf32, #tpu.memory_space<vmem>>
    %dma_wait3A_169 = arith.constant 16384 : i32
    %dma_wait3A_170 = tpu.memref_slice %arg3[%add3A_41, %dma_wait3A_169] : memref<32x32768xf32, #tpu.memory_space<hbm>> -> memref<1x16384xf32, #tpu.memory_space<hbm>>
    %dma_wait3A_171 = tpu.memref_squeeze %dma_wait3A_170 : memref<1x16384xf32, #tpu.memory_space<hbm>> -> memref<16384xf32, #tpu.memory_space<hbm>>
    %dma_wait3A_172 = tpu.memref_slice %arg12[%dma_wait3A_165] : memref<6x!tpu.dma_semaphore, #tpu.memory_space<semaphore_mem>> -> memref<1x!tpu.dma_semaphore, #tpu.memory_space<semaphore_mem>>
    %dma_wait3A_173 = tpu.memref_squeeze %dma_wait3A_172 : memref<1x!tpu.dma_semaphore, #tpu.memory_space<semaphore_mem>> -> memref<!tpu.dma_semaphore, #tpu.memory_space<semaphore_mem>>
    %dma_wait3A_174 = arith.constant 0 : i32
    %dma_wait3A_175 = tpu.memref_slice %arg6[%dma_wait3A_164, %dma_wait3A_174] : memref<2x16384xf32, #tpu.memory_space<vmem>> -> memref<1x16384xf32, #tpu.memory_space<vmem>>
    %dma_wait3A_176 = tpu.memref_squeeze %dma_wait3A_175 : memref<1x16384xf32, #tpu.memory_space<vmem>> -> memref<16384xf32, #tpu.memory_space<vmem>>
    %dma_wait3A_177 = arith.constant 16384 : i32
    %dma_wait3A_178 = tpu.memref_slice %arg3[%add3A_41, %dma_wait3A_177] : memref<32x32768xf32, #tpu.memory_space<hbm>> -> memref<1x16384xf32, #tpu.memory_space<hbm>>
    %dma_wait3A_179 = tpu.memref_squeeze %dma_wait3A_178 : memref<1x16384xf32, #tpu.memory_space<hbm>> -> memref<16384xf32, #tpu.memory_space<hbm>>
    tpu.wait_dma2 semaphore(%dma_wait3A_173 : memref<!tpu.dma_semaphore, #tpu.memory_space<semaphore_mem>>) src(%dma_wait3A_179 : memref<16384xf32, #tpu.memory_space<hbm>>) dst(%dma_wait3A_176 : memref<16384xf32, #tpu.memory_space<vmem>>)
    %broadcast_in_dim3A_180 = arith.constant 1 : i32
    %broadcast_in_dim3A_181 = vector.broadcast %broadcast_in_dim3A_180 : i32 to vector<16xi32>
    %parallel_loop3A_182 = arith.constant 0 : i32
    %parallel_loop3A_183 = arith.constant 1024 : i32
    %parallel_loop3A_184 = arith.constant 1 : i32
    scf.for %parallel_loop3A_255 = %parallel_loop3A_182 to %parallel_loop3A_183 step %parallel_loop3A_184  : i32 {
      %parallel_loop3A_256 = arith.constant 16 : i32
      %parallel_loop3A_257 = arith.muli %parallel_loop3A_255, %parallel_loop3A_256 : i32
      %parallel_loop3A_258 = arith.constant 1 : i32
      %parallel_loop3A_259 = arith.index_cast %parallel_loop3A_258 : i32 to index
      %parallel_loop3A_260 = arith.index_cast %parallel_loop3A_257 : i32 to index
      %parallel_loop3A_261 = tpu.vector_load %arg5[%parallel_loop3A_259, %parallel_loop3A_260] {strides = array<i32>} : memref<2x16384xf32, #tpu.memory_space<vmem>>, vector<16xf32>,
      %parallel_loop3A_262 = arith.constant 1 : i32
      %parallel_loop3A_263 = arith.index_cast %parallel_loop3A_262 : i32 to index
      %parallel_loop3A_264 = arith.index_cast %parallel_loop3A_257 : i32 to index
      %parallel_loop3A_265 = tpu.vector_load %arg6[%parallel_loop3A_263, %parallel_loop3A_264] {strides = array<i32>} : memref<2x16384xf32, #tpu.memory_space<vmem>>, vector<16xf32>,
      %parallel_loop3A_266 = arith.mulf %parallel_loop3A_261, %parallel_loop3A_265 : vector<16xf32>
      %parallel_loop3A_267 = arith.constant true
      %parallel_loop3A_268 = vector.broadcast %parallel_loop3A_267 : i1 to vector<16xi1>
      %parallel_loop3A_269 = tpu.scan <sum>, %parallel_loop3A_266 masked %parallel_loop3A_268 : vector<16xf32>, vector<16xi1> -> vector<16xf32>
      %parallel_loop3A_270 = arith.constant 1 : i32
      %parallel_loop3A_271 = arith.index_cast %parallel_loop3A_270 : i32 to index
      %parallel_loop3A_272 = arith.index_cast %parallel_loop3A_257 : i32 to index
      %parallel_loop3A_273 = tpu.vector_load %arg7[%parallel_loop3A_271, %parallel_loop3A_272] {strides = array<i32>} : memref<2x16384xf32, #tpu.memory_space<vmem>>, vector<16xf32>,
      tpu.vector_store %arg7[%parallel_loop3A_271, %parallel_loop3A_272], %parallel_loop3A_269 {strides = array<i32>} : memref<2x16384xf32, #tpu.memory_space<vmem>>, vector<16xf32>,
    } {sc.loop_unroll_factor = 8 : i64, sc.parallel_access}
    %parallel_loop3A_185 = arith.constant 0 : i32
    %parallel_loop3A_186 = arith.constant 64 : i32
    %parallel_loop3A_187 = arith.constant 1 : i32
    scf.for %parallel_loop3A_255 = %parallel_loop3A_185 to %parallel_loop3A_186 step %parallel_loop3A_187  : i32 {
      %parallel_loop3A_256 = arith.constant 16 : i32
      %parallel_loop3A_257 = arith.muli %parallel_loop3A_255, %parallel_loop3A_256 : i32
      %parallel_loop3A_258 = vector.broadcast %parallel_loop3A_257 : i32 to vector<16xi32>
      %parallel_loop3A_259 = arith.addi %parallel_loop3A_258, %iota3A : vector<16xi32>
      %parallel_loop3A_260 = arith.constant 16 : i32
      %parallel_loop3A_261 = vector.broadcast %parallel_loop3A_260 : i32 to vector<16xi32>
      %parallel_loop3A_262 = arith.muli %parallel_loop3A_259, %parallel_loop3A_261 : vector<16xi32>
      %parallel_loop3A_263 = arith.constant 15 : i32
      %parallel_loop3A_264 = vector.broadcast %parallel_loop3A_263 : i32 to vector<16xi32>
      %parallel_loop3A_265 = arith.addi %parallel_loop3A_262, %parallel_loop3A_264 : vector<16xi32>
      %parallel_loop3A_266 = tpu.vector_load_idx %arg7[%broadcast_in_dim3A_181, %parallel_loop3A_265] : memref<2x16384xf32, #tpu.memory_space<vmem>>[vector<16xi32>, vector<16xi32>], vector<16xf32>,
      %parallel_loop3A_267 = arith.constant 16 : i32
      %parallel_loop3A_268 = arith.muli %parallel_loop3A_255, %parallel_loop3A_267 : i32
      %parallel_loop3A_269 = arith.index_cast %parallel_loop3A_268 : i32 to index
      %parallel_loop3A_270 = tpu.vector_load %arg8[%parallel_loop3A_269] {strides = array<i32>} : memref<1024xf32, #tpu.memory_space<vmem>>, vector<16xf32>,
      tpu.vector_store %arg8[%parallel_loop3A_269], %parallel_loop3A_266 {strides = array<i32>} : memref<1024xf32, #tpu.memory_space<vmem>>, vector<16xf32>,
    } {sc.loop_unroll_factor = 4 : i64, sc.parallel_access}
    %parallel_loop3A_188 = arith.constant 0 : i32
    %parallel_loop3A_189 = arith.constant 64 : i32
    %parallel_loop3A_190 = arith.constant 1 : i32
    scf.for %parallel_loop3A_255 = %parallel_loop3A_188 to %parallel_loop3A_189 step %parallel_loop3A_190  : i32 {
      %parallel_loop3A_256 = arith.constant 16 : i32
      %parallel_loop3A_257 = arith.muli %parallel_loop3A_255, %parallel_loop3A_256 : i32
      %parallel_loop3A_258 = arith.index_cast %parallel_loop3A_257 : i32 to index
      %parallel_loop3A_259 = tpu.vector_load %arg8[%parallel_loop3A_258] {strides = array<i32>} : memref<1024xf32, #tpu.memory_space<vmem>>, vector<16xf32>,
      %parallel_loop3A_260 = arith.constant true
      %parallel_loop3A_261 = vector.broadcast %parallel_loop3A_260 : i1 to vector<16xi1>
      %parallel_loop3A_262 = tpu.scan <sum>, %parallel_loop3A_259 masked %parallel_loop3A_261 : vector<16xf32>, vector<16xi1> -> vector<16xf32>
      %parallel_loop3A_263 = arith.constant 16 : i32
      %parallel_loop3A_264 = arith.muli %parallel_loop3A_255, %parallel_loop3A_263 : i32
      %parallel_loop3A_265 = arith.index_cast %parallel_loop3A_264 : i32 to index
      %parallel_loop3A_266 = tpu.vector_load %arg9[%parallel_loop3A_265] {strides = array<i32>} : memref<1024xf32, #tpu.memory_space<vmem>>, vector<16xf32>,
      tpu.vector_store %arg9[%parallel_loop3A_265], %parallel_loop3A_262 {strides = array<i32>} : memref<1024xf32, #tpu.memory_space<vmem>>, vector<16xf32>,
    } {sc.loop_unroll_factor = 4 : i64, sc.parallel_access}
    %scan3A_191 = arith.constant 0 : i32
    %scan3A_192 = arith.constant 4 : i32
    %scan3A_193 = arith.addi %scan3A_191, %scan3A_192 : i32
    %scan3A_194 = arith.constant 1 : i32
    %scan3A_195 = scf.for %scan3A_255 = %scan3A_191 to %scan3A_193 step %scan3A_194 iter_args(%scan3A_256 = %scan3A_120) -> (f32)  : i32 {
      %mul3A_257 = arith.constant 16 : i32
      %mul3A_258 = arith.muli %scan3A_255, %mul3A_257 : i32
      %add3A_259 = vector.broadcast %mul3A_258 : i32 to vector<16xi32>
      %add3A_260 = arith.addi %add3A_259, %iota3A : vector<16xi32>
      %mul3A_261 = arith.constant 16 : i32
      %mul3A_262 = vector.broadcast %mul3A_261 : i32 to vector<16xi32>
      %mul3A_263 = arith.muli %add3A_260, %mul3A_262 : vector<16xi32>
      %add3A_264 = arith.constant 15 : i32
      %add3A_265 = vector.broadcast %add3A_264 : i32 to vector<16xi32>
      %add3A_266 = arith.addi %mul3A_263, %add3A_265 : vector<16xi32>
      %gather3A = tpu.vector_load_idx %arg9[%add3A_266] : memref<1024xf32, #tpu.memory_space<vmem>>[vector<16xi32>], vector<16xf32>,
      %cumsum3A = arith.constant true
      %cumsum3A_267 = vector.broadcast %cumsum3A : i1 to vector<16xi1>
      %cumsum3A_268 = tpu.scan <sum>, %gather3A masked %cumsum3A_267 : vector<16xf32>, vector<16xi1> -> vector<16xf32>
      %sub3A = arith.subf %cumsum3A_268, %gather3A : vector<16xf32>
      %add3A_269 = vector.broadcast %scan3A_256 : f32 to vector<16xf32>
      %add3A_270 = arith.addf %sub3A, %add3A_269 : vector<16xf32>
      %mul3A_271 = arith.constant 16 : i32
      %mul3A_272 = arith.muli %scan3A_255, %mul3A_271 : i32
      %swap3A = arith.index_cast %mul3A_272 : i32 to index
      %swap3A_273 = tpu.vector_load %arg10[%swap3A] {strides = array<i32>} : memref<64xf32, #tpu.memory_space<vmem>>, vector<16xf32>,
      tpu.vector_store %arg10[%swap3A], %add3A_270 {strides = array<i32>} : memref<64xf32, #tpu.memory_space<vmem>>, vector<16xf32>,
      %reduce_sum3A = arith.constant true
      %reduce_sum3A_274 = vector.broadcast %reduce_sum3A : i1 to vector<16xi1>
      %reduce_sum3A_275 = tpu.scan <sum>, %gather3A masked %reduce_sum3A_274 : vector<16xf32>, vector<16xi1> -> vector<16xf32>
      %reduce_sum3A_276 = vector.extract %reduce_sum3A_275[15] : f32 from vector<16xf32>
      %add3A_277 = arith.addf %scan3A_256, %reduce_sum3A_276 : f32
      scf.yield %add3A_277 : f32
    }
    %scan3A_196 = arith.constant 4 : i32
    %parallel_loop3A_197 = arith.constant 0 : i32
    %parallel_loop3A_198 = arith.constant 4 : i32
    %parallel_loop3A_199 = arith.constant 1 : i32
    scf.for %parallel_loop3A_255 = %parallel_loop3A_197 to %parallel_loop3A_198 step %parallel_loop3A_199  : i32 {
      %parallel_loop3A_256 = arith.constant 16 : i32
      %parallel_loop3A_257 = arith.muli %parallel_loop3A_255, %parallel_loop3A_256 : i32
      %parallel_loop3A_258 = arith.index_cast %parallel_loop3A_257 : i32 to index
      %parallel_loop3A_259 = tpu.vector_load %arg10[%parallel_loop3A_258] {strides = array<i32>} : memref<64xf32, #tpu.memory_space<vmem>>, vector<16xf32>,
      %parallel_loop3A_260 = arith.constant 16 : i32
      %parallel_loop3A_261 = arith.muli %parallel_loop3A_255, %parallel_loop3A_260 : i32
      %parallel_loop3A_262 = arith.constant 0 : i32
      %parallel_loop3A_263 = arith.addi %parallel_loop3A_261, %parallel_loop3A_262 : i32
      %parallel_loop3A_264 = arith.constant 16 : i32
      %parallel_loop3A_265 = arith.muli %parallel_loop3A_263, %parallel_loop3A_264 : i32
      %parallel_loop3A_266 = arith.index_cast %parallel_loop3A_265 : i32 to index
      %parallel_loop3A_267 = tpu.vector_load %arg9[%parallel_loop3A_266] {strides = array<i32>} : memref<1024xf32, #tpu.memory_space<vmem>>, vector<16xf32>,
      %parallel_loop3A_268 = arith.index_cast %parallel_loop3A_265 : i32 to index
      %parallel_loop3A_269 = tpu.vector_load %arg8[%parallel_loop3A_268] {strides = array<i32>} : memref<1024xf32, #tpu.memory_space<vmem>>, vector<16xf32>,
      %parallel_loop3A_270 = arith.subf %parallel_loop3A_267, %parallel_loop3A_269 : vector<16xf32>
      %parallel_loop3A_271 = vector.extract_strided_slice %parallel_loop3A_259 {offsets = [0], sizes = [1], strides = [1]} : vector<16xf32> to vector<1xf32>
      %parallel_loop3A_272 = vector.extract %parallel_loop3A_271[0] : f32 from vector<1xf32>
      %parallel_loop3A_273 = vector.broadcast %parallel_loop3A_272 : f32 to vector<16xf32>
      %parallel_loop3A_274 = arith.addf %parallel_loop3A_270, %parallel_loop3A_273 : vector<16xf32>
      %parallel_loop3A_275 = arith.index_cast %parallel_loop3A_265 : i32 to index
      %parallel_loop3A_276 = tpu.vector_load %arg11[%parallel_loop3A_275] {strides = array<i32>} : memref<1024xf32, #tpu.memory_space<vmem>>, vector<16xf32>,
      tpu.vector_store %arg11[%parallel_loop3A_275], %parallel_loop3A_274 {strides = array<i32>} : memref<1024xf32, #tpu.memory_space<vmem>>, vector<16xf32>,
      %parallel_loop3A_277 = arith.constant 16 : i32
      %parallel_loop3A_278 = arith.muli %parallel_loop3A_255, %parallel_loop3A_277 : i32
      %parallel_loop3A_279 = arith.constant 1 : i32
      %parallel_loop3A_280 = arith.addi %parallel_loop3A_278, %parallel_loop3A_279 : i32
      %parallel_loop3A_281 = arith.constant 16 : i32
      %parallel_loop3A_282 = arith.muli %parallel_loop3A_280, %parallel_loop3A_281 : i32
      %parallel_loop3A_283 = arith.index_cast %parallel_loop3A_282 : i32 to index
      %parallel_loop3A_284 = tpu.vector_load %arg9[%parallel_loop3A_283] {strides = array<i32>} : memref<1024xf32, #tpu.memory_space<vmem>>, vector<16xf32>,
      %parallel_loop3A_285 = arith.index_cast %parallel_loop3A_282 : i32 to index
      %parallel_loop3A_286 = tpu.vector_load %arg8[%parallel_loop3A_285] {strides = array<i32>} : memref<1024xf32, #tpu.memory_space<vmem>>, vector<16xf32>,
      %parallel_loop3A_287 = arith.subf %parallel_loop3A_284, %parallel_loop3A_286 : vector<16xf32>
      %parallel_loop3A_288 = vector.extract_strided_slice %parallel_loop3A_259 {offsets = [1], sizes = [1], strides = [1]} : vector<16xf32> to vector<1xf32>
      %parallel_loop3A_289 = vector.extract %parallel_loop3A_288[0] : f32 from vector<1xf32>
      %parallel_loop3A_290 = vector.broadcast %parallel_loop3A_289 : f32 to vector<16xf32>
      %parallel_loop3A_291 = arith.addf %parallel_loop3A_287, %parallel_loop3A_290 : vector<16xf32>
      %parallel_loop3A_292 = arith.index_cast %parallel_loop3A_282 : i32 to index
      %parallel_loop3A_293 = tpu.vector_load %arg11[%parallel_loop3A_292] {strides = array<i32>} : memref<1024xf32, #tpu.memory_space<vmem>>, vector<16xf32>,
      tpu.vector_store %arg11[%parallel_loop3A_292], %parallel_loop3A_291 {strides = array<i32>} : memref<1024xf32, #tpu.memory_space<vmem>>, vector<16xf32>,
      %parallel_loop3A_294 = arith.constant 16 : i32
      %parallel_loop3A_295 = arith.muli %parallel_loop3A_255, %parallel_loop3A_294 : i32
      %parallel_loop3A_296 = arith.constant 2 : i32
      %parallel_loop3A_297 = arith.addi %parallel_loop3A_295, %parallel_loop3A_296 : i32
      %parallel_loop3A_298 = arith.constant 16 : i32
      %parallel_loop3A_299 = arith.muli %parallel_loop3A_297, %parallel_loop3A_298 : i32
      %parallel_loop3A_300 = arith.index_cast %parallel_loop3A_299 : i32 to index
      %parallel_loop3A_301 = tpu.vector_load %arg9[%parallel_loop3A_300] {strides = array<i32>} : memref<1024xf32, #tpu.memory_space<vmem>>, vector<16xf32>,
      %parallel_loop3A_302 = arith.index_cast %parallel_loop3A_299 : i32 to index
      %parallel_loop3A_303 = tpu.vector_load %arg8[%parallel_loop3A_302] {strides = array<i32>} : memref<1024xf32, #tpu.memory_space<vmem>>, vector<16xf32>,
      %parallel_loop3A_304 = arith.subf %parallel_loop3A_301, %parallel_loop3A_303 : vector<16xf32>
      %parallel_loop3A_305 = vector.extract_strided_slice %parallel_loop3A_259 {offsets = [2], sizes = [1], strides = [1]} : vector<16xf32> to vector<1xf32>
      %parallel_loop3A_306 = vector.extract %parallel_loop3A_305[0] : f32 from vector<1xf32>
      %parallel_loop3A_307 = vector.broadcast %parallel_loop3A_306 : f32 to vector<16xf32>
      %parallel_loop3A_308 = arith.addf %parallel_loop3A_304, %parallel_loop3A_307 : vector<16xf32>
      %parallel_loop3A_309 = arith.index_cast %parallel_loop3A_299 : i32 to index
      %parallel_loop3A_310 = tpu.vector_load %arg11[%parallel_loop3A_309] {strides = array<i32>} : memref<1024xf32, #tpu.memory_space<vmem>>, vector<16xf32>,
      tpu.vector_store %arg11[%parallel_loop3A_309], %parallel_loop3A_308 {strides = array<i32>} : memref<1024xf32, #tpu.memory_space<vmem>>, vector<16xf32>,
      %parallel_loop3A_311 = arith.constant 16 : i32
      %parallel_loop3A_312 = arith.muli %parallel_loop3A_255, %parallel_loop3A_311 : i32
      %parallel_loop3A_313 = arith.constant 3 : i32
      %parallel_loop3A_314 = arith.addi %parallel_loop3A_312, %parallel_loop3A_313 : i32
      %parallel_loop3A_315 = arith.constant 16 : i32
      %parallel_loop3A_316 = arith.muli %parallel_loop3A_314, %parallel_loop3A_315 : i32
      %parallel_loop3A_317 = arith.index_cast %parallel_loop3A_316 : i32 to index
      %parallel_loop3A_318 = tpu.vector_load %arg9[%parallel_loop3A_317] {strides = array<i32>} : memref<1024xf32, #tpu.memory_space<vmem>>, vector<16xf32>,
      %parallel_loop3A_319 = arith.index_cast %parallel_loop3A_316 : i32 to index
      %parallel_loop3A_320 = tpu.vector_load %arg8[%parallel_loop3A_319] {strides = array<i32>} : memref<1024xf32, #tpu.memory_space<vmem>>, vector<16xf32>,
      %parallel_loop3A_321 = arith.subf %parallel_loop3A_318, %parallel_loop3A_320 : vector<16xf32>
      %parallel_loop3A_322 = vector.extract_strided_slice %parallel_loop3A_259 {offsets = [3], sizes = [1], strides = [1]} : vector<16xf32> to vector<1xf32>
      %parallel_loop3A_323 = vector.extract %parallel_loop3A_322[0] : f32 from vector<1xf32>
      %parallel_loop3A_324 = vector.broadcast %parallel_loop3A_323 : f32 to vector<16xf32>
      %parallel_loop3A_325 = arith.addf %parallel_loop3A_321, %parallel_loop3A_324 : vector<16xf32>
      %parallel_loop3A_326 = arith.index_cast %parallel_loop3A_316 : i32 to index
      %parallel_loop3A_327 = tpu.vector_load %arg11[%parallel_loop3A_326] {strides = array<i32>} : memref<1024xf32, #tpu.memory_space<vmem>>, vector<16xf32>,
      tpu.vector_store %arg11[%parallel_loop3A_326], %parallel_loop3A_325 {strides = array<i32>} : memref<1024xf32, #tpu.memory_space<vmem>>, vector<16xf32>,
      %parallel_loop3A_328 = arith.constant 16 : i32
      %parallel_loop3A_329 = arith.muli %parallel_loop3A_255, %parallel_loop3A_328 : i32
      %parallel_loop3A_330 = arith.constant 4 : i32
      %parallel_loop3A_331 = arith.addi %parallel_loop3A_329, %parallel_loop3A_330 : i32
      %parallel_loop3A_332 = arith.constant 16 : i32
      %parallel_loop3A_333 = arith.muli %parallel_loop3A_331, %parallel_loop3A_332 : i32
      %parallel_loop3A_334 = arith.index_cast %parallel_loop3A_333 : i32 to index
      %parallel_loop3A_335 = tpu.vector_load %arg9[%parallel_loop3A_334] {strides = array<i32>} : memref<1024xf32, #tpu.memory_space<vmem>>, vector<16xf32>,
      %parallel_loop3A_336 = arith.index_cast %parallel_loop3A_333 : i32 to index
      %parallel_loop3A_337 = tpu.vector_load %arg8[%parallel_loop3A_336] {strides = array<i32>} : memref<1024xf32, #tpu.memory_space<vmem>>, vector<16xf32>,
      %parallel_loop3A_338 = arith.subf %parallel_loop3A_335, %parallel_loop3A_337 : vector<16xf32>
      %parallel_loop3A_339 = vector.extract_strided_slice %parallel_loop3A_259 {offsets = [4], sizes = [1], strides = [1]} : vector<16xf32> to vector<1xf32>
      %parallel_loop3A_340 = vector.extract %parallel_loop3A_339[0] : f32 from vector<1xf32>
      %parallel_loop3A_341 = vector.broadcast %parallel_loop3A_340 : f32 to vector<16xf32>
      %parallel_loop3A_342 = arith.addf %parallel_loop3A_338, %parallel_loop3A_341 : vector<16xf32>
      %parallel_loop3A_343 = arith.index_cast %parallel_loop3A_333 : i32 to index
      %parallel_loop3A_344 = tpu.vector_load %arg11[%parallel_loop3A_343] {strides = array<i32>} : memref<1024xf32, #tpu.memory_space<vmem>>, vector<16xf32>,
      tpu.vector_store %arg11[%parallel_loop3A_343], %parallel_loop3A_342 {strides = array<i32>} : memref<1024xf32, #tpu.memory_space<vmem>>, vector<16xf32>,
      %parallel_loop3A_345 = arith.constant 16 : i32
      %parallel_loop3A_346 = arith.muli %parallel_loop3A_255, %parallel_loop3A_345 : i32
      %parallel_loop3A_347 = arith.constant 5 : i32
      %parallel_loop3A_348 = arith.addi %parallel_loop3A_346, %parallel_loop3A_347 : i32
      %parallel_loop3A_349 = arith.constant 16 : i32
      %parallel_loop3A_350 = arith.muli %parallel_loop3A_348, %parallel_loop3A_349 : i32
      %parallel_loop3A_351 = arith.index_cast %parallel_loop3A_350 : i32 to index
      %parallel_loop3A_352 = tpu.vector_load %arg9[%parallel_loop3A_351] {strides = array<i32>} : memref<1024xf32, #tpu.memory_space<vmem>>, vector<16xf32>,
      %parallel_loop3A_353 = arith.index_cast %parallel_loop3A_350 : i32 to index
      %parallel_loop3A_354 = tpu.vector_load %arg8[%parallel_loop3A_353] {strides = array<i32>} : memref<1024xf32, #tpu.memory_space<vmem>>, vector<16xf32>,
      %parallel_loop3A_355 = arith.subf %parallel_loop3A_352, %parallel_loop3A_354 : vector<16xf32>
      %parallel_loop3A_356 = vector.extract_strided_slice %parallel_loop3A_259 {offsets = [5], sizes = [1], strides = [1]} : vector<16xf32> to vector<1xf32>
      %parallel_loop3A_357 = vector.extract %parallel_loop3A_356[0] : f32 from vector<1xf32>
      %parallel_loop3A_358 = vector.broadcast %parallel_loop3A_357 : f32 to vector<16xf32>
      %parallel_loop3A_359 = arith.addf %parallel_loop3A_355, %parallel_loop3A_358 : vector<16xf32>
      %parallel_loop3A_360 = arith.index_cast %parallel_loop3A_350 : i32 to index
      %parallel_loop3A_361 = tpu.vector_load %arg11[%parallel_loop3A_360] {strides = array<i32>} : memref<1024xf32, #tpu.memory_space<vmem>>, vector<16xf32>,
      tpu.vector_store %arg11[%parallel_loop3A_360], %parallel_loop3A_359 {strides = array<i32>} : memref<1024xf32, #tpu.memory_space<vmem>>, vector<16xf32>,
      %parallel_loop3A_362 = arith.constant 16 : i32
      %parallel_loop3A_363 = arith.muli %parallel_loop3A_255, %parallel_loop3A_362 : i32
      %parallel_loop3A_364 = arith.constant 6 : i32
      %parallel_loop3A_365 = arith.addi %parallel_loop3A_363, %parallel_loop3A_364 : i32
      %parallel_loop3A_366 = arith.constant 16 : i32
      %parallel_loop3A_367 = arith.muli %parallel_loop3A_365, %parallel_loop3A_366 : i32
      %parallel_loop3A_368 = arith.index_cast %parallel_loop3A_367 : i32 to index
      %parallel_loop3A_369 = tpu.vector_load %arg9[%parallel_loop3A_368] {strides = array<i32>} : memref<1024xf32, #tpu.memory_space<vmem>>, vector<16xf32>,
      %parallel_loop3A_370 = arith.index_cast %parallel_loop3A_367 : i32 to index
      %parallel_loop3A_371 = tpu.vector_load %arg8[%parallel_loop3A_370] {strides = array<i32>} : memref<1024xf32, #tpu.memory_space<vmem>>, vector<16xf32>,
      %parallel_loop3A_372 = arith.subf %parallel_loop3A_369, %parallel_loop3A_371 : vector<16xf32>
      %parallel_loop3A_373 = vector.extract_strided_slice %parallel_loop3A_259 {offsets = [6], sizes = [1], strides = [1]} : vector<16xf32> to vector<1xf32>
      %parallel_loop3A_374 = vector.extract %parallel_loop3A_373[0] : f32 from vector<1xf32>
      %parallel_loop3A_375 = vector.broadcast %parallel_loop3A_374 : f32 to vector<16xf32>
      %parallel_loop3A_376 = arith.addf %parallel_loop3A_372, %parallel_loop3A_375 : vector<16xf32>
      %parallel_loop3A_377 = arith.index_cast %parallel_loop3A_367 : i32 to index
      %parallel_loop3A_378 = tpu.vector_load %arg11[%parallel_loop3A_377] {strides = array<i32>} : memref<1024xf32, #tpu.memory_space<vmem>>, vector<16xf32>,
      tpu.vector_store %arg11[%parallel_loop3A_377], %parallel_loop3A_376 {strides = array<i32>} : memref<1024xf32, #tpu.memory_space<vmem>>, vector<16xf32>,
      %parallel_loop3A_379 = arith.constant 16 : i32
      %parallel_loop3A_380 = arith.muli %parallel_loop3A_255, %parallel_loop3A_379 : i32
      %parallel_loop3A_381 = arith.constant 7 : i32
      %parallel_loop3A_382 = arith.addi %parallel_loop3A_380, %parallel_loop3A_381 : i32
      %parallel_loop3A_383 = arith.constant 16 : i32
      %parallel_loop3A_384 = arith.muli %parallel_loop3A_382, %parallel_loop3A_383 : i32
      %parallel_loop3A_385 = arith.index_cast %parallel_loop3A_384 : i32 to index
      %parallel_loop3A_386 = tpu.vector_load %arg9[%parallel_loop3A_385] {strides = array<i32>} : memref<1024xf32, #tpu.memory_space<vmem>>, vector<16xf32>,
      %parallel_loop3A_387 = arith.index_cast %parallel_loop3A_384 : i32 to index
      %parallel_loop3A_388 = tpu.vector_load %arg8[%parallel_loop3A_387] {strides = array<i32>} : memref<1024xf32, #tpu.memory_space<vmem>>, vector<16xf32>,
      %parallel_loop3A_389 = arith.subf %parallel_loop3A_386, %parallel_loop3A_388 : vector<16xf32>
      %parallel_loop3A_390 = vector.extract_strided_slice %parallel_loop3A_259 {offsets = [7], sizes = [1], strides = [1]} : vector<16xf32> to vector<1xf32>
      %parallel_loop3A_391 = vector.extract %parallel_loop3A_390[0] : f32 from vector<1xf32>
      %parallel_loop3A_392 = vector.broadcast %parallel_loop3A_391 : f32 to vector<16xf32>
      %parallel_loop3A_393 = arith.addf %parallel_loop3A_389, %parallel_loop3A_392 : vector<16xf32>
      %parallel_loop3A_394 = arith.index_cast %parallel_loop3A_384 : i32 to index
      %parallel_loop3A_395 = tpu.vector_load %arg11[%parallel_loop3A_394] {strides = array<i32>} : memref<1024xf32, #tpu.memory_space<vmem>>, vector<16xf32>,
      tpu.vector_store %arg11[%parallel_loop3A_394], %parallel_loop3A_393 {strides = array<i32>} : memref<1024xf32, #tpu.memory_space<vmem>>, vector<16xf32>,
      %parallel_loop3A_396 = arith.constant 16 : i32
      %parallel_loop3A_397 = arith.muli %parallel_loop3A_255, %parallel_loop3A_396 : i32
      %parallel_loop3A_398 = arith.constant 8 : i32
      %parallel_loop3A_399 = arith.addi %parallel_loop3A_397, %parallel_loop3A_398 : i32
      %parallel_loop3A_400 = arith.constant 16 : i32
      %parallel_loop3A_401 = arith.muli %parallel_loop3A_399, %parallel_loop3A_400 : i32
      %parallel_loop3A_402 = arith.index_cast %parallel_loop3A_401 : i32 to index
      %parallel_loop3A_403 = tpu.vector_load %arg9[%parallel_loop3A_402] {strides = array<i32>} : memref<1024xf32, #tpu.memory_space<vmem>>, vector<16xf32>,
      %parallel_loop3A_404 = arith.index_cast %parallel_loop3A_401 : i32 to index
      %parallel_loop3A_405 = tpu.vector_load %arg8[%parallel_loop3A_404] {strides = array<i32>} : memref<1024xf32, #tpu.memory_space<vmem>>, vector<16xf32>,
      %parallel_loop3A_406 = arith.subf %parallel_loop3A_403, %parallel_loop3A_405 : vector<16xf32>
      %parallel_loop3A_407 = vector.extract_strided_slice %parallel_loop3A_259 {offsets = [8], sizes = [1], strides = [1]} : vector<16xf32> to vector<1xf32>
      %parallel_loop3A_408 = vector.extract %parallel_loop3A_407[0] : f32 from vector<1xf32>
      %parallel_loop3A_409 = vector.broadcast %parallel_loop3A_408 : f32 to vector<16xf32>
      %parallel_loop3A_410 = arith.addf %parallel_loop3A_406, %parallel_loop3A_409 : vector<16xf32>
      %parallel_loop3A_411 = arith.index_cast %parallel_loop3A_401 : i32 to index
      %parallel_loop3A_412 = tpu.vector_load %arg11[%parallel_loop3A_411] {strides = array<i32>} : memref<1024xf32, #tpu.memory_space<vmem>>, vector<16xf32>,
      tpu.vector_store %arg11[%parallel_loop3A_411], %parallel_loop3A_410 {strides = array<i32>} : memref<1024xf32, #tpu.memory_space<vmem>>, vector<16xf32>,
      %parallel_loop3A_413 = arith.constant 16 : i32
      %parallel_loop3A_414 = arith.muli %parallel_loop3A_255, %parallel_loop3A_413 : i32
      %parallel_loop3A_415 = arith.constant 9 : i32
      %parallel_loop3A_416 = arith.addi %parallel_loop3A_414, %parallel_loop3A_415 : i32
      %parallel_loop3A_417 = arith.constant 16 : i32
      %parallel_loop3A_418 = arith.muli %parallel_loop3A_416, %parallel_loop3A_417 : i32
      %parallel_loop3A_419 = arith.index_cast %parallel_loop3A_418 : i32 to index
      %parallel_loop3A_420 = tpu.vector_load %arg9[%parallel_loop3A_419] {strides = array<i32>} : memref<1024xf32, #tpu.memory_space<vmem>>, vector<16xf32>,
      %parallel_loop3A_421 = arith.index_cast %parallel_loop3A_418 : i32 to index
      %parallel_loop3A_422 = tpu.vector_load %arg8[%parallel_loop3A_421] {strides = array<i32>} : memref<1024xf32, #tpu.memory_space<vmem>>, vector<16xf32>,
      %parallel_loop3A_423 = arith.subf %parallel_loop3A_420, %parallel_loop3A_422 : vector<16xf32>
      %parallel_loop3A_424 = vector.extract_strided_slice %parallel_loop3A_259 {offsets = [9], sizes = [1], strides = [1]} : vector<16xf32> to vector<1xf32>
      %parallel_loop3A_425 = vector.extract %parallel_loop3A_424[0] : f32 from vector<1xf32>
      %parallel_loop3A_426 = vector.broadcast %parallel_loop3A_425 : f32 to vector<16xf32>
      %parallel_loop3A_427 = arith.addf %parallel_loop3A_423, %parallel_loop3A_426 : vector<16xf32>
      %parallel_loop3A_428 = arith.index_cast %parallel_loop3A_418 : i32 to index
      %parallel_loop3A_429 = tpu.vector_load %arg11[%parallel_loop3A_428] {strides = array<i32>} : memref<1024xf32, #tpu.memory_space<vmem>>, vector<16xf32>,
      tpu.vector_store %arg11[%parallel_loop3A_428], %parallel_loop3A_427 {strides = array<i32>} : memref<1024xf32, #tpu.memory_space<vmem>>, vector<16xf32>,
      %parallel_loop3A_430 = arith.constant 16 : i32
      %parallel_loop3A_431 = arith.muli %parallel_loop3A_255, %parallel_loop3A_430 : i32
      %parallel_loop3A_432 = arith.constant 10 : i32
      %parallel_loop3A_433 = arith.addi %parallel_loop3A_431, %parallel_loop3A_432 : i32
      %parallel_loop3A_434 = arith.constant 16 : i32
      %parallel_loop3A_435 = arith.muli %parallel_loop3A_433, %parallel_loop3A_434 : i32
      %parallel_loop3A_436 = arith.index_cast %parallel_loop3A_435 : i32 to index
      %parallel_loop3A_437 = tpu.vector_load %arg9[%parallel_loop3A_436] {strides = array<i32>} : memref<1024xf32, #tpu.memory_space<vmem>>, vector<16xf32>,
      %parallel_loop3A_438 = arith.index_cast %parallel_loop3A_435 : i32 to index
      %parallel_loop3A_439 = tpu.vector_load %arg8[%parallel_loop3A_438] {strides = array<i32>} : memref<1024xf32, #tpu.memory_space<vmem>>, vector<16xf32>,
      %parallel_loop3A_440 = arith.subf %parallel_loop3A_437, %parallel_loop3A_439 : vector<16xf32>
      %parallel_loop3A_441 = vector.extract_strided_slice %parallel_loop3A_259 {offsets = [10], sizes = [1], strides = [1]} : vector<16xf32> to vector<1xf32>
      %parallel_loop3A_442 = vector.extract %parallel_loop3A_441[0] : f32 from vector<1xf32>
      %parallel_loop3A_443 = vector.broadcast %parallel_loop3A_442 : f32 to vector<16xf32>
      %parallel_loop3A_444 = arith.addf %parallel_loop3A_440, %parallel_loop3A_443 : vector<16xf32>
      %parallel_loop3A_445 = arith.index_cast %parallel_loop3A_435 : i32 to index
      %parallel_loop3A_446 = tpu.vector_load %arg11[%parallel_loop3A_445] {strides = array<i32>} : memref<1024xf32, #tpu.memory_space<vmem>>, vector<16xf32>,
      tpu.vector_store %arg11[%parallel_loop3A_445], %parallel_loop3A_444 {strides = array<i32>} : memref<1024xf32, #tpu.memory_space<vmem>>, vector<16xf32>,
      %parallel_loop3A_447 = arith.constant 16 : i32
      %parallel_loop3A_448 = arith.muli %parallel_loop3A_255, %parallel_loop3A_447 : i32
      %parallel_loop3A_449 = arith.constant 11 : i32
      %parallel_loop3A_450 = arith.addi %parallel_loop3A_448, %parallel_loop3A_449 : i32
      %parallel_loop3A_451 = arith.constant 16 : i32
      %parallel_loop3A_452 = arith.muli %parallel_loop3A_450, %parallel_loop3A_451 : i32
      %parallel_loop3A_453 = arith.index_cast %parallel_loop3A_452 : i32 to index
      %parallel_loop3A_454 = tpu.vector_load %arg9[%parallel_loop3A_453] {strides = array<i32>} : memref<1024xf32, #tpu.memory_space<vmem>>, vector<16xf32>,
      %parallel_loop3A_455 = arith.index_cast %parallel_loop3A_452 : i32 to index
      %parallel_loop3A_456 = tpu.vector_load %arg8[%parallel_loop3A_455] {strides = array<i32>} : memref<1024xf32, #tpu.memory_space<vmem>>, vector<16xf32>,
      %parallel_loop3A_457 = arith.subf %parallel_loop3A_454, %parallel_loop3A_456 : vector<16xf32>
      %parallel_loop3A_458 = vector.extract_strided_slice %parallel_loop3A_259 {offsets = [11], sizes = [1], strides = [1]} : vector<16xf32> to vector<1xf32>
      %parallel_loop3A_459 = vector.extract %parallel_loop3A_458[0] : f32 from vector<1xf32>
      %parallel_loop3A_460 = vector.broadcast %parallel_loop3A_459 : f32 to vector<16xf32>
      %parallel_loop3A_461 = arith.addf %parallel_loop3A_457, %parallel_loop3A_460 : vector<16xf32>
      %parallel_loop3A_462 = arith.index_cast %parallel_loop3A_452 : i32 to index
      %parallel_loop3A_463 = tpu.vector_load %arg11[%parallel_loop3A_462] {strides = array<i32>} : memref<1024xf32, #tpu.memory_space<vmem>>, vector<16xf32>,
      tpu.vector_store %arg11[%parallel_loop3A_462], %parallel_loop3A_461 {strides = array<i32>} : memref<1024xf32, #tpu.memory_space<vmem>>, vector<16xf32>,
      %parallel_loop3A_464 = arith.constant 16 : i32
      %parallel_loop3A_465 = arith.muli %parallel_loop3A_255, %parallel_loop3A_464 : i32
      %parallel_loop3A_466 = arith.constant 12 : i32
      %parallel_loop3A_467 = arith.addi %parallel_loop3A_465, %parallel_loop3A_466 : i32
      %parallel_loop3A_468 = arith.constant 16 : i32
      %parallel_loop3A_469 = arith.muli %parallel_loop3A_467, %parallel_loop3A_468 : i32
      %parallel_loop3A_470 = arith.index_cast %parallel_loop3A_469 : i32 to index
      %parallel_loop3A_471 = tpu.vector_load %arg9[%parallel_loop3A_470] {strides = array<i32>} : memref<1024xf32, #tpu.memory_space<vmem>>, vector<16xf32>,
      %parallel_loop3A_472 = arith.index_cast %parallel_loop3A_469 : i32 to index
      %parallel_loop3A_473 = tpu.vector_load %arg8[%parallel_loop3A_472] {strides = array<i32>} : memref<1024xf32, #tpu.memory_space<vmem>>, vector<16xf32>,
      %parallel_loop3A_474 = arith.subf %parallel_loop3A_471, %parallel_loop3A_473 : vector<16xf32>
      %parallel_loop3A_475 = vector.extract_strided_slice %parallel_loop3A_259 {offsets = [12], sizes = [1], strides = [1]} : vector<16xf32> to vector<1xf32>
      %parallel_loop3A_476 = vector.extract %parallel_loop3A_475[0] : f32 from vector<1xf32>
      %parallel_loop3A_477 = vector.broadcast %parallel_loop3A_476 : f32 to vector<16xf32>
      %parallel_loop3A_478 = arith.addf %parallel_loop3A_474, %parallel_loop3A_477 : vector<16xf32>
      %parallel_loop3A_479 = arith.index_cast %parallel_loop3A_469 : i32 to index
      %parallel_loop3A_480 = tpu.vector_load %arg11[%parallel_loop3A_479] {strides = array<i32>} : memref<1024xf32, #tpu.memory_space<vmem>>, vector<16xf32>,
      tpu.vector_store %arg11[%parallel_loop3A_479], %parallel_loop3A_478 {strides = array<i32>} : memref<1024xf32, #tpu.memory_space<vmem>>, vector<16xf32>,
      %parallel_loop3A_481 = arith.constant 16 : i32
      %parallel_loop3A_482 = arith.muli %parallel_loop3A_255, %parallel_loop3A_481 : i32
      %parallel_loop3A_483 = arith.constant 13 : i32
      %parallel_loop3A_484 = arith.addi %parallel_loop3A_482, %parallel_loop3A_483 : i32
      %parallel_loop3A_485 = arith.constant 16 : i32
      %parallel_loop3A_486 = arith.muli %parallel_loop3A_484, %parallel_loop3A_485 : i32
      %parallel_loop3A_487 = arith.index_cast %parallel_loop3A_486 : i32 to index
      %parallel_loop3A_488 = tpu.vector_load %arg9[%parallel_loop3A_487] {strides = array<i32>} : memref<1024xf32, #tpu.memory_space<vmem>>, vector<16xf32>,
      %parallel_loop3A_489 = arith.index_cast %parallel_loop3A_486 : i32 to index
      %parallel_loop3A_490 = tpu.vector_load %arg8[%parallel_loop3A_489] {strides = array<i32>} : memref<1024xf32, #tpu.memory_space<vmem>>, vector<16xf32>,
      %parallel_loop3A_491 = arith.subf %parallel_loop3A_488, %parallel_loop3A_490 : vector<16xf32>
      %parallel_loop3A_492 = vector.extract_strided_slice %parallel_loop3A_259 {offsets = [13], sizes = [1], strides = [1]} : vector<16xf32> to vector<1xf32>
      %parallel_loop3A_493 = vector.extract %parallel_loop3A_492[0] : f32 from vector<1xf32>
      %parallel_loop3A_494 = vector.broadcast %parallel_loop3A_493 : f32 to vector<16xf32>
      %parallel_loop3A_495 = arith.addf %parallel_loop3A_491, %parallel_loop3A_494 : vector<16xf32>
      %parallel_loop3A_496 = arith.index_cast %parallel_loop3A_486 : i32 to index
      %parallel_loop3A_497 = tpu.vector_load %arg11[%parallel_loop3A_496] {strides = array<i32>} : memref<1024xf32, #tpu.memory_space<vmem>>, vector<16xf32>,
      tpu.vector_store %arg11[%parallel_loop3A_496], %parallel_loop3A_495 {strides = array<i32>} : memref<1024xf32, #tpu.memory_space<vmem>>, vector<16xf32>,
      %parallel_loop3A_498 = arith.constant 16 : i32
      %parallel_loop3A_499 = arith.muli %parallel_loop3A_255, %parallel_loop3A_498 : i32
      %parallel_loop3A_500 = arith.constant 14 : i32
      %parallel_loop3A_501 = arith.addi %parallel_loop3A_499, %parallel_loop3A_500 : i32
      %parallel_loop3A_502 = arith.constant 16 : i32
      %parallel_loop3A_503 = arith.muli %parallel_loop3A_501, %parallel_loop3A_502 : i32
      %parallel_loop3A_504 = arith.index_cast %parallel_loop3A_503 : i32 to index
      %parallel_loop3A_505 = tpu.vector_load %arg9[%parallel_loop3A_504] {strides = array<i32>} : memref<1024xf32, #tpu.memory_space<vmem>>, vector<16xf32>,
      %parallel_loop3A_506 = arith.index_cast %parallel_loop3A_503 : i32 to index
      %parallel_loop3A_507 = tpu.vector_load %arg8[%parallel_loop3A_506] {strides = array<i32>} : memref<1024xf32, #tpu.memory_space<vmem>>, vector<16xf32>,
      %parallel_loop3A_508 = arith.subf %parallel_loop3A_505, %parallel_loop3A_507 : vector<16xf32>
      %parallel_loop3A_509 = vector.extract_strided_slice %parallel_loop3A_259 {offsets = [14], sizes = [1], strides = [1]} : vector<16xf32> to vector<1xf32>
      %parallel_loop3A_510 = vector.extract %parallel_loop3A_509[0] : f32 from vector<1xf32>
      %parallel_loop3A_511 = vector.broadcast %parallel_loop3A_510 : f32 to vector<16xf32>
      %parallel_loop3A_512 = arith.addf %parallel_loop3A_508, %parallel_loop3A_511 : vector<16xf32>
      %parallel_loop3A_513 = arith.index_cast %parallel_loop3A_503 : i32 to index
      %parallel_loop3A_514 = tpu.vector_load %arg11[%parallel_loop3A_513] {strides = array<i32>} : memref<1024xf32, #tpu.memory_space<vmem>>, vector<16xf32>,
      tpu.vector_store %arg11[%parallel_loop3A_513], %parallel_loop3A_512 {strides = array<i32>} : memref<1024xf32, #tpu.memory_space<vmem>>, vector<16xf32>,
      %parallel_loop3A_515 = arith.constant 16 : i32
      %parallel_loop3A_516 = arith.muli %parallel_loop3A_255, %parallel_loop3A_515 : i32
      %parallel_loop3A_517 = arith.constant 15 : i32
      %parallel_loop3A_518 = arith.addi %parallel_loop3A_516, %parallel_loop3A_517 : i32
      %parallel_loop3A_519 = arith.constant 16 : i32
      %parallel_loop3A_520 = arith.muli %parallel_loop3A_518, %parallel_loop3A_519 : i32
      %parallel_loop3A_521 = arith.index_cast %parallel_loop3A_520 : i32 to index
      %parallel_loop3A_522 = tpu.vector_load %arg9[%parallel_loop3A_521] {strides = array<i32>} : memref<1024xf32, #tpu.memory_space<vmem>>, vector<16xf32>,
      %parallel_loop3A_523 = arith.index_cast %parallel_loop3A_520 : i32 to index
      %parallel_loop3A_524 = tpu.vector_load %arg8[%parallel_loop3A_523] {strides = array<i32>} : memref<1024xf32, #tpu.memory_space<vmem>>, vector<16xf32>,
      %parallel_loop3A_525 = arith.subf %parallel_loop3A_522, %parallel_loop3A_524 : vector<16xf32>
      %parallel_loop3A_526 = vector.extract_strided_slice %parallel_loop3A_259 {offsets = [15], sizes = [1], strides = [1]} : vector<16xf32> to vector<1xf32>
      %parallel_loop3A_527 = vector.extract %parallel_loop3A_526[0] : f32 from vector<1xf32>
      %parallel_loop3A_528 = vector.broadcast %parallel_loop3A_527 : f32 to vector<16xf32>
      %parallel_loop3A_529 = arith.addf %parallel_loop3A_525, %parallel_loop3A_528 : vector<16xf32>
      %parallel_loop3A_530 = arith.index_cast %parallel_loop3A_520 : i32 to index
      %parallel_loop3A_531 = tpu.vector_load %arg11[%parallel_loop3A_530] {strides = array<i32>} : memref<1024xf32, #tpu.memory_space<vmem>>, vector<16xf32>,
      tpu.vector_store %arg11[%parallel_loop3A_530], %parallel_loop3A_529 {strides = array<i32>} : memref<1024xf32, #tpu.memory_space<vmem>>, vector<16xf32>,
    } {sc.loop_unroll_factor = 1 : i64, sc.parallel_access}
    %parallel_loop3A_200 = arith.constant 0 : i32
    %parallel_loop3A_201 = arith.constant 64 : i32
    %parallel_loop3A_202 = arith.constant 1 : i32
    scf.for %parallel_loop3A_255 = %parallel_loop3A_200 to %parallel_loop3A_201 step %parallel_loop3A_202  : i32 {
      %parallel_loop3A_256 = arith.constant 16 : i32
      %parallel_loop3A_257 = arith.muli %parallel_loop3A_255, %parallel_loop3A_256 : i32
      %parallel_loop3A_258 = arith.index_cast %parallel_loop3A_257 : i32 to index
      %parallel_loop3A_259 = tpu.vector_load %arg11[%parallel_loop3A_258] {strides = array<i32>} : memref<1024xf32, #tpu.memory_space<vmem>>, vector<16xf32>,
      %parallel_loop3A_260 = arith.constant 16 : i32
      %parallel_loop3A_261 = arith.muli %parallel_loop3A_255, %parallel_loop3A_260 : i32
      %parallel_loop3A_262 = arith.constant 0 : i32
      %parallel_loop3A_263 = arith.addi %parallel_loop3A_261, %parallel_loop3A_262 : i32
      %parallel_loop3A_264 = arith.constant 16 : i32
      %parallel_loop3A_265 = arith.muli %parallel_loop3A_263, %parallel_loop3A_264 : i32
      %parallel_loop3A_266 = arith.constant 1 : i32
      %parallel_loop3A_267 = arith.index_cast %parallel_loop3A_266 : i32 to index
      %parallel_loop3A_268 = arith.index_cast %parallel_loop3A_265 : i32 to index
      %parallel_loop3A_269 = tpu.vector_load %arg7[%parallel_loop3A_267, %parallel_loop3A_268] {strides = array<i32>} : memref<2x16384xf32, #tpu.memory_space<vmem>>, vector<16xf32>,
      %parallel_loop3A_270 = vector.extract_strided_slice %parallel_loop3A_259 {offsets = [0], sizes = [1], strides = [1]} : vector<16xf32> to vector<1xf32>
      %parallel_loop3A_271 = vector.extract %parallel_loop3A_270[0] : f32 from vector<1xf32>
      %parallel_loop3A_272 = vector.broadcast %parallel_loop3A_271 : f32 to vector<16xf32>
      %parallel_loop3A_273 = arith.addf %parallel_loop3A_269, %parallel_loop3A_272 : vector<16xf32>
      %parallel_loop3A_274 = arith.constant 1 : i32
      %parallel_loop3A_275 = arith.index_cast %parallel_loop3A_274 : i32 to index
      %parallel_loop3A_276 = arith.index_cast %parallel_loop3A_265 : i32 to index
      %parallel_loop3A_277 = tpu.vector_load %arg7[%parallel_loop3A_275, %parallel_loop3A_276] {strides = array<i32>} : memref<2x16384xf32, #tpu.memory_space<vmem>>, vector<16xf32>,
      tpu.vector_store %arg7[%parallel_loop3A_275, %parallel_loop3A_276], %parallel_loop3A_273 {strides = array<i32>} : memref<2x16384xf32, #tpu.memory_space<vmem>>, vector<16xf32>,
      %parallel_loop3A_278 = arith.constant 16 : i32
      %parallel_loop3A_279 = arith.muli %parallel_loop3A_255, %parallel_loop3A_278 : i32
      %parallel_loop3A_280 = arith.constant 1 : i32
      %parallel_loop3A_281 = arith.addi %parallel_loop3A_279, %parallel_loop3A_280 : i32
      %parallel_loop3A_282 = arith.constant 16 : i32
      %parallel_loop3A_283 = arith.muli %parallel_loop3A_281, %parallel_loop3A_282 : i32
      %parallel_loop3A_284 = arith.constant 1 : i32
      %parallel_loop3A_285 = arith.index_cast %parallel_loop3A_284 : i32 to index
      %parallel_loop3A_286 = arith.index_cast %parallel_loop3A_283 : i32 to index
      %parallel_loop3A_287 = tpu.vector_load %arg7[%parallel_loop3A_285, %parallel_loop3A_286] {strides = array<i32>} : memref<2x16384xf32, #tpu.memory_space<vmem>>, vector<16xf32>,
      %parallel_loop3A_288 = vector.extract_strided_slice %parallel_loop3A_259 {offsets = [1], sizes = [1], strides = [1]} : vector<16xf32> to vector<1xf32>
      %parallel_loop3A_289 = vector.extract %parallel_loop3A_288[0] : f32 from vector<1xf32>
      %parallel_loop3A_290 = vector.broadcast %parallel_loop3A_289 : f32 to vector<16xf32>
      %parallel_loop3A_291 = arith.addf %parallel_loop3A_287, %parallel_loop3A_290 : vector<16xf32>
      %parallel_loop3A_292 = arith.constant 1 : i32
      %parallel_loop3A_293 = arith.index_cast %parallel_loop3A_292 : i32 to index
      %parallel_loop3A_294 = arith.index_cast %parallel_loop3A_283 : i32 to index
      %parallel_loop3A_295 = tpu.vector_load %arg7[%parallel_loop3A_293, %parallel_loop3A_294] {strides = array<i32>} : memref<2x16384xf32, #tpu.memory_space<vmem>>, vector<16xf32>,
      tpu.vector_store %arg7[%parallel_loop3A_293, %parallel_loop3A_294], %parallel_loop3A_291 {strides = array<i32>} : memref<2x16384xf32, #tpu.memory_space<vmem>>, vector<16xf32>,
      %parallel_loop3A_296 = arith.constant 16 : i32
      %parallel_loop3A_297 = arith.muli %parallel_loop3A_255, %parallel_loop3A_296 : i32
      %parallel_loop3A_298 = arith.constant 2 : i32
      %parallel_loop3A_299 = arith.addi %parallel_loop3A_297, %parallel_loop3A_298 : i32
      %parallel_loop3A_300 = arith.constant 16 : i32
      %parallel_loop3A_301 = arith.muli %parallel_loop3A_299, %parallel_loop3A_300 : i32
      %parallel_loop3A_302 = arith.constant 1 : i32
      %parallel_loop3A_303 = arith.index_cast %parallel_loop3A_302 : i32 to index
      %parallel_loop3A_304 = arith.index_cast %parallel_loop3A_301 : i32 to index
      %parallel_loop3A_305 = tpu.vector_load %arg7[%parallel_loop3A_303, %parallel_loop3A_304] {strides = array<i32>} : memref<2x16384xf32, #tpu.memory_space<vmem>>, vector<16xf32>,
      %parallel_loop3A_306 = vector.extract_strided_slice %parallel_loop3A_259 {offsets = [2], sizes = [1], strides = [1]} : vector<16xf32> to vector<1xf32>
      %parallel_loop3A_307 = vector.extract %parallel_loop3A_306[0] : f32 from vector<1xf32>
      %parallel_loop3A_308 = vector.broadcast %parallel_loop3A_307 : f32 to vector<16xf32>
      %parallel_loop3A_309 = arith.addf %parallel_loop3A_305, %parallel_loop3A_308 : vector<16xf32>
      %parallel_loop3A_310 = arith.constant 1 : i32
      %parallel_loop3A_311 = arith.index_cast %parallel_loop3A_310 : i32 to index
      %parallel_loop3A_312 = arith.index_cast %parallel_loop3A_301 : i32 to index
      %parallel_loop3A_313 = tpu.vector_load %arg7[%parallel_loop3A_311, %parallel_loop3A_312] {strides = array<i32>} : memref<2x16384xf32, #tpu.memory_space<vmem>>, vector<16xf32>,
      tpu.vector_store %arg7[%parallel_loop3A_311, %parallel_loop3A_312], %parallel_loop3A_309 {strides = array<i32>} : memref<2x16384xf32, #tpu.memory_space<vmem>>, vector<16xf32>,
      %parallel_loop3A_314 = arith.constant 16 : i32
      %parallel_loop3A_315 = arith.muli %parallel_loop3A_255, %parallel_loop3A_314 : i32
      %parallel_loop3A_316 = arith.constant 3 : i32
      %parallel_loop3A_317 = arith.addi %parallel_loop3A_315, %parallel_loop3A_316 : i32
      %parallel_loop3A_318 = arith.constant 16 : i32
      %parallel_loop3A_319 = arith.muli %parallel_loop3A_317, %parallel_loop3A_318 : i32
      %parallel_loop3A_320 = arith.constant 1 : i32
      %parallel_loop3A_321 = arith.index_cast %parallel_loop3A_320 : i32 to index
      %parallel_loop3A_322 = arith.index_cast %parallel_loop3A_319 : i32 to index
      %parallel_loop3A_323 = tpu.vector_load %arg7[%parallel_loop3A_321, %parallel_loop3A_322] {strides = array<i32>} : memref<2x16384xf32, #tpu.memory_space<vmem>>, vector<16xf32>,
      %parallel_loop3A_324 = vector.extract_strided_slice %parallel_loop3A_259 {offsets = [3], sizes = [1], strides = [1]} : vector<16xf32> to vector<1xf32>
      %parallel_loop3A_325 = vector.extract %parallel_loop3A_324[0] : f32 from vector<1xf32>
      %parallel_loop3A_326 = vector.broadcast %parallel_loop3A_325 : f32 to vector<16xf32>
      %parallel_loop3A_327 = arith.addf %parallel_loop3A_323, %parallel_loop3A_326 : vector<16xf32>
      %parallel_loop3A_328 = arith.constant 1 : i32
      %parallel_loop3A_329 = arith.index_cast %parallel_loop3A_328 : i32 to index
      %parallel_loop3A_330 = arith.index_cast %parallel_loop3A_319 : i32 to index
      %parallel_loop3A_331 = tpu.vector_load %arg7[%parallel_loop3A_329, %parallel_loop3A_330] {strides = array<i32>} : memref<2x16384xf32, #tpu.memory_space<vmem>>, vector<16xf32>,
      tpu.vector_store %arg7[%parallel_loop3A_329, %parallel_loop3A_330], %parallel_loop3A_327 {strides = array<i32>} : memref<2x16384xf32, #tpu.memory_space<vmem>>, vector<16xf32>,
      %parallel_loop3A_332 = arith.constant 16 : i32
      %parallel_loop3A_333 = arith.muli %parallel_loop3A_255, %parallel_loop3A_332 : i32
      %parallel_loop3A_334 = arith.constant 4 : i32
      %parallel_loop3A_335 = arith.addi %parallel_loop3A_333, %parallel_loop3A_334 : i32
      %parallel_loop3A_336 = arith.constant 16 : i32
      %parallel_loop3A_337 = arith.muli %parallel_loop3A_335, %parallel_loop3A_336 : i32
      %parallel_loop3A_338 = arith.constant 1 : i32
      %parallel_loop3A_339 = arith.index_cast %parallel_loop3A_338 : i32 to index
      %parallel_loop3A_340 = arith.index_cast %parallel_loop3A_337 : i32 to index
      %parallel_loop3A_341 = tpu.vector_load %arg7[%parallel_loop3A_339, %parallel_loop3A_340] {strides = array<i32>} : memref<2x16384xf32, #tpu.memory_space<vmem>>, vector<16xf32>,
      %parallel_loop3A_342 = vector.extract_strided_slice %parallel_loop3A_259 {offsets = [4], sizes = [1], strides = [1]} : vector<16xf32> to vector<1xf32>
      %parallel_loop3A_343 = vector.extract %parallel_loop3A_342[0] : f32 from vector<1xf32>
      %parallel_loop3A_344 = vector.broadcast %parallel_loop3A_343 : f32 to vector<16xf32>
      %parallel_loop3A_345 = arith.addf %parallel_loop3A_341, %parallel_loop3A_344 : vector<16xf32>
      %parallel_loop3A_346 = arith.constant 1 : i32
      %parallel_loop3A_347 = arith.index_cast %parallel_loop3A_346 : i32 to index
      %parallel_loop3A_348 = arith.index_cast %parallel_loop3A_337 : i32 to index
      %parallel_loop3A_349 = tpu.vector_load %arg7[%parallel_loop3A_347, %parallel_loop3A_348] {strides = array<i32>} : memref<2x16384xf32, #tpu.memory_space<vmem>>, vector<16xf32>,
      tpu.vector_store %arg7[%parallel_loop3A_347, %parallel_loop3A_348], %parallel_loop3A_345 {strides = array<i32>} : memref<2x16384xf32, #tpu.memory_space<vmem>>, vector<16xf32>,
      %parallel_loop3A_350 = arith.constant 16 : i32
      %parallel_loop3A_351 = arith.muli %parallel_loop3A_255, %parallel_loop3A_350 : i32
      %parallel_loop3A_352 = arith.constant 5 : i32
      %parallel_loop3A_353 = arith.addi %parallel_loop3A_351, %parallel_loop3A_352 : i32
      %parallel_loop3A_354 = arith.constant 16 : i32
      %parallel_loop3A_355 = arith.muli %parallel_loop3A_353, %parallel_loop3A_354 : i32
      %parallel_loop3A_356 = arith.constant 1 : i32
      %parallel_loop3A_357 = arith.index_cast %parallel_loop3A_356 : i32 to index
      %parallel_loop3A_358 = arith.index_cast %parallel_loop3A_355 : i32 to index
      %parallel_loop3A_359 = tpu.vector_load %arg7[%parallel_loop3A_357, %parallel_loop3A_358] {strides = array<i32>} : memref<2x16384xf32, #tpu.memory_space<vmem>>, vector<16xf32>,
      %parallel_loop3A_360 = vector.extract_strided_slice %parallel_loop3A_259 {offsets = [5], sizes = [1], strides = [1]} : vector<16xf32> to vector<1xf32>
      %parallel_loop3A_361 = vector.extract %parallel_loop3A_360[0] : f32 from vector<1xf32>
      %parallel_loop3A_362 = vector.broadcast %parallel_loop3A_361 : f32 to vector<16xf32>
      %parallel_loop3A_363 = arith.addf %parallel_loop3A_359, %parallel_loop3A_362 : vector<16xf32>
      %parallel_loop3A_364 = arith.constant 1 : i32
      %parallel_loop3A_365 = arith.index_cast %parallel_loop3A_364 : i32 to index
      %parallel_loop3A_366 = arith.index_cast %parallel_loop3A_355 : i32 to index
      %parallel_loop3A_367 = tpu.vector_load %arg7[%parallel_loop3A_365, %parallel_loop3A_366] {strides = array<i32>} : memref<2x16384xf32, #tpu.memory_space<vmem>>, vector<16xf32>,
      tpu.vector_store %arg7[%parallel_loop3A_365, %parallel_loop3A_366], %parallel_loop3A_363 {strides = array<i32>} : memref<2x16384xf32, #tpu.memory_space<vmem>>, vector<16xf32>,
      %parallel_loop3A_368 = arith.constant 16 : i32
      %parallel_loop3A_369 = arith.muli %parallel_loop3A_255, %parallel_loop3A_368 : i32
      %parallel_loop3A_370 = arith.constant 6 : i32
      %parallel_loop3A_371 = arith.addi %parallel_loop3A_369, %parallel_loop3A_370 : i32
      %parallel_loop3A_372 = arith.constant 16 : i32
      %parallel_loop3A_373 = arith.muli %parallel_loop3A_371, %parallel_loop3A_372 : i32
      %parallel_loop3A_374 = arith.constant 1 : i32
      %parallel_loop3A_375 = arith.index_cast %parallel_loop3A_374 : i32 to index
      %parallel_loop3A_376 = arith.index_cast %parallel_loop3A_373 : i32 to index
      %parallel_loop3A_377 = tpu.vector_load %arg7[%parallel_loop3A_375, %parallel_loop3A_376] {strides = array<i32>} : memref<2x16384xf32, #tpu.memory_space<vmem>>, vector<16xf32>,
      %parallel_loop3A_378 = vector.extract_strided_slice %parallel_loop3A_259 {offsets = [6], sizes = [1], strides = [1]} : vector<16xf32> to vector<1xf32>
      %parallel_loop3A_379 = vector.extract %parallel_loop3A_378[0] : f32 from vector<1xf32>
      %parallel_loop3A_380 = vector.broadcast %parallel_loop3A_379 : f32 to vector<16xf32>
      %parallel_loop3A_381 = arith.addf %parallel_loop3A_377, %parallel_loop3A_380 : vector<16xf32>
      %parallel_loop3A_382 = arith.constant 1 : i32
      %parallel_loop3A_383 = arith.index_cast %parallel_loop3A_382 : i32 to index
      %parallel_loop3A_384 = arith.index_cast %parallel_loop3A_373 : i32 to index
      %parallel_loop3A_385 = tpu.vector_load %arg7[%parallel_loop3A_383, %parallel_loop3A_384] {strides = array<i32>} : memref<2x16384xf32, #tpu.memory_space<vmem>>, vector<16xf32>,
      tpu.vector_store %arg7[%parallel_loop3A_383, %parallel_loop3A_384], %parallel_loop3A_381 {strides = array<i32>} : memref<2x16384xf32, #tpu.memory_space<vmem>>, vector<16xf32>,
      %parallel_loop3A_386 = arith.constant 16 : i32
      %parallel_loop3A_387 = arith.muli %parallel_loop3A_255, %parallel_loop3A_386 : i32
      %parallel_loop3A_388 = arith.constant 7 : i32
      %parallel_loop3A_389 = arith.addi %parallel_loop3A_387, %parallel_loop3A_388 : i32
      %parallel_loop3A_390 = arith.constant 16 : i32
      %parallel_loop3A_391 = arith.muli %parallel_loop3A_389, %parallel_loop3A_390 : i32
      %parallel_loop3A_392 = arith.constant 1 : i32
      %parallel_loop3A_393 = arith.index_cast %parallel_loop3A_392 : i32 to index
      %parallel_loop3A_394 = arith.index_cast %parallel_loop3A_391 : i32 to index
      %parallel_loop3A_395 = tpu.vector_load %arg7[%parallel_loop3A_393, %parallel_loop3A_394] {strides = array<i32>} : memref<2x16384xf32, #tpu.memory_space<vmem>>, vector<16xf32>,
      %parallel_loop3A_396 = vector.extract_strided_slice %parallel_loop3A_259 {offsets = [7], sizes = [1], strides = [1]} : vector<16xf32> to vector<1xf32>
      %parallel_loop3A_397 = vector.extract %parallel_loop3A_396[0] : f32 from vector<1xf32>
      %parallel_loop3A_398 = vector.broadcast %parallel_loop3A_397 : f32 to vector<16xf32>
      %parallel_loop3A_399 = arith.addf %parallel_loop3A_395, %parallel_loop3A_398 : vector<16xf32>
      %parallel_loop3A_400 = arith.constant 1 : i32
      %parallel_loop3A_401 = arith.index_cast %parallel_loop3A_400 : i32 to index
      %parallel_loop3A_402 = arith.index_cast %parallel_loop3A_391 : i32 to index
      %parallel_loop3A_403 = tpu.vector_load %arg7[%parallel_loop3A_401, %parallel_loop3A_402] {strides = array<i32>} : memref<2x16384xf32, #tpu.memory_space<vmem>>, vector<16xf32>,
      tpu.vector_store %arg7[%parallel_loop3A_401, %parallel_loop3A_402], %parallel_loop3A_399 {strides = array<i32>} : memref<2x16384xf32, #tpu.memory_space<vmem>>, vector<16xf32>,
      %parallel_loop3A_404 = arith.constant 16 : i32
      %parallel_loop3A_405 = arith.muli %parallel_loop3A_255, %parallel_loop3A_404 : i32
      %parallel_loop3A_406 = arith.constant 8 : i32
      %parallel_loop3A_407 = arith.addi %parallel_loop3A_405, %parallel_loop3A_406 : i32
      %parallel_loop3A_408 = arith.constant 16 : i32
      %parallel_loop3A_409 = arith.muli %parallel_loop3A_407, %parallel_loop3A_408 : i32
      %parallel_loop3A_410 = arith.constant 1 : i32
      %parallel_loop3A_411 = arith.index_cast %parallel_loop3A_410 : i32 to index
      %parallel_loop3A_412 = arith.index_cast %parallel_loop3A_409 : i32 to index
      %parallel_loop3A_413 = tpu.vector_load %arg7[%parallel_loop3A_411, %parallel_loop3A_412] {strides = array<i32>} : memref<2x16384xf32, #tpu.memory_space<vmem>>, vector<16xf32>,
      %parallel_loop3A_414 = vector.extract_strided_slice %parallel_loop3A_259 {offsets = [8], sizes = [1], strides = [1]} : vector<16xf32> to vector<1xf32>
      %parallel_loop3A_415 = vector.extract %parallel_loop3A_414[0] : f32 from vector<1xf32>
      %parallel_loop3A_416 = vector.broadcast %parallel_loop3A_415 : f32 to vector<16xf32>
      %parallel_loop3A_417 = arith.addf %parallel_loop3A_413, %parallel_loop3A_416 : vector<16xf32>
      %parallel_loop3A_418 = arith.constant 1 : i32
      %parallel_loop3A_419 = arith.index_cast %parallel_loop3A_418 : i32 to index
      %parallel_loop3A_420 = arith.index_cast %parallel_loop3A_409 : i32 to index
      %parallel_loop3A_421 = tpu.vector_load %arg7[%parallel_loop3A_419, %parallel_loop3A_420] {strides = array<i32>} : memref<2x16384xf32, #tpu.memory_space<vmem>>, vector<16xf32>,
      tpu.vector_store %arg7[%parallel_loop3A_419, %parallel_loop3A_420], %parallel_loop3A_417 {strides = array<i32>} : memref<2x16384xf32, #tpu.memory_space<vmem>>, vector<16xf32>,
      %parallel_loop3A_422 = arith.constant 16 : i32
      %parallel_loop3A_423 = arith.muli %parallel_loop3A_255, %parallel_loop3A_422 : i32
      %parallel_loop3A_424 = arith.constant 9 : i32
      %parallel_loop3A_425 = arith.addi %parallel_loop3A_423, %parallel_loop3A_424 : i32
      %parallel_loop3A_426 = arith.constant 16 : i32
      %parallel_loop3A_427 = arith.muli %parallel_loop3A_425, %parallel_loop3A_426 : i32
      %parallel_loop3A_428 = arith.constant 1 : i32
      %parallel_loop3A_429 = arith.index_cast %parallel_loop3A_428 : i32 to index
      %parallel_loop3A_430 = arith.index_cast %parallel_loop3A_427 : i32 to index
      %parallel_loop3A_431 = tpu.vector_load %arg7[%parallel_loop3A_429, %parallel_loop3A_430] {strides = array<i32>} : memref<2x16384xf32, #tpu.memory_space<vmem>>, vector<16xf32>,
      %parallel_loop3A_432 = vector.extract_strided_slice %parallel_loop3A_259 {offsets = [9], sizes = [1], strides = [1]} : vector<16xf32> to vector<1xf32>
      %parallel_loop3A_433 = vector.extract %parallel_loop3A_432[0] : f32 from vector<1xf32>
      %parallel_loop3A_434 = vector.broadcast %parallel_loop3A_433 : f32 to vector<16xf32>
      %parallel_loop3A_435 = arith.addf %parallel_loop3A_431, %parallel_loop3A_434 : vector<16xf32>
      %parallel_loop3A_436 = arith.constant 1 : i32
      %parallel_loop3A_437 = arith.index_cast %parallel_loop3A_436 : i32 to index
      %parallel_loop3A_438 = arith.index_cast %parallel_loop3A_427 : i32 to index
      %parallel_loop3A_439 = tpu.vector_load %arg7[%parallel_loop3A_437, %parallel_loop3A_438] {strides = array<i32>} : memref<2x16384xf32, #tpu.memory_space<vmem>>, vector<16xf32>,
      tpu.vector_store %arg7[%parallel_loop3A_437, %parallel_loop3A_438], %parallel_loop3A_435 {strides = array<i32>} : memref<2x16384xf32, #tpu.memory_space<vmem>>, vector<16xf32>,
      %parallel_loop3A_440 = arith.constant 16 : i32
      %parallel_loop3A_441 = arith.muli %parallel_loop3A_255, %parallel_loop3A_440 : i32
      %parallel_loop3A_442 = arith.constant 10 : i32
      %parallel_loop3A_443 = arith.addi %parallel_loop3A_441, %parallel_loop3A_442 : i32
      %parallel_loop3A_444 = arith.constant 16 : i32
      %parallel_loop3A_445 = arith.muli %parallel_loop3A_443, %parallel_loop3A_444 : i32
      %parallel_loop3A_446 = arith.constant 1 : i32
      %parallel_loop3A_447 = arith.index_cast %parallel_loop3A_446 : i32 to index
      %parallel_loop3A_448 = arith.index_cast %parallel_loop3A_445 : i32 to index
      %parallel_loop3A_449 = tpu.vector_load %arg7[%parallel_loop3A_447, %parallel_loop3A_448] {strides = array<i32>} : memref<2x16384xf32, #tpu.memory_space<vmem>>, vector<16xf32>,
      %parallel_loop3A_450 = vector.extract_strided_slice %parallel_loop3A_259 {offsets = [10], sizes = [1], strides = [1]} : vector<16xf32> to vector<1xf32>
      %parallel_loop3A_451 = vector.extract %parallel_loop3A_450[0] : f32 from vector<1xf32>
      %parallel_loop3A_452 = vector.broadcast %parallel_loop3A_451 : f32 to vector<16xf32>
      %parallel_loop3A_453 = arith.addf %parallel_loop3A_449, %parallel_loop3A_452 : vector<16xf32>
      %parallel_loop3A_454 = arith.constant 1 : i32
      %parallel_loop3A_455 = arith.index_cast %parallel_loop3A_454 : i32 to index
      %parallel_loop3A_456 = arith.index_cast %parallel_loop3A_445 : i32 to index
      %parallel_loop3A_457 = tpu.vector_load %arg7[%parallel_loop3A_455, %parallel_loop3A_456] {strides = array<i32>} : memref<2x16384xf32, #tpu.memory_space<vmem>>, vector<16xf32>,
      tpu.vector_store %arg7[%parallel_loop3A_455, %parallel_loop3A_456], %parallel_loop3A_453 {strides = array<i32>} : memref<2x16384xf32, #tpu.memory_space<vmem>>, vector<16xf32>,
      %parallel_loop3A_458 = arith.constant 16 : i32
      %parallel_loop3A_459 = arith.muli %parallel_loop3A_255, %parallel_loop3A_458 : i32
      %parallel_loop3A_460 = arith.constant 11 : i32
      %parallel_loop3A_461 = arith.addi %parallel_loop3A_459, %parallel_loop3A_460 : i32
      %parallel_loop3A_462 = arith.constant 16 : i32
      %parallel_loop3A_463 = arith.muli %parallel_loop3A_461, %parallel_loop3A_462 : i32
      %parallel_loop3A_464 = arith.constant 1 : i32
      %parallel_loop3A_465 = arith.index_cast %parallel_loop3A_464 : i32 to index
      %parallel_loop3A_466 = arith.index_cast %parallel_loop3A_463 : i32 to index
      %parallel_loop3A_467 = tpu.vector_load %arg7[%parallel_loop3A_465, %parallel_loop3A_466] {strides = array<i32>} : memref<2x16384xf32, #tpu.memory_space<vmem>>, vector<16xf32>,
      %parallel_loop3A_468 = vector.extract_strided_slice %parallel_loop3A_259 {offsets = [11], sizes = [1], strides = [1]} : vector<16xf32> to vector<1xf32>
      %parallel_loop3A_469 = vector.extract %parallel_loop3A_468[0] : f32 from vector<1xf32>
      %parallel_loop3A_470 = vector.broadcast %parallel_loop3A_469 : f32 to vector<16xf32>
      %parallel_loop3A_471 = arith.addf %parallel_loop3A_467, %parallel_loop3A_470 : vector<16xf32>
      %parallel_loop3A_472 = arith.constant 1 : i32
      %parallel_loop3A_473 = arith.index_cast %parallel_loop3A_472 : i32 to index
      %parallel_loop3A_474 = arith.index_cast %parallel_loop3A_463 : i32 to index
      %parallel_loop3A_475 = tpu.vector_load %arg7[%parallel_loop3A_473, %parallel_loop3A_474] {strides = array<i32>} : memref<2x16384xf32, #tpu.memory_space<vmem>>, vector<16xf32>,
      tpu.vector_store %arg7[%parallel_loop3A_473, %parallel_loop3A_474], %parallel_loop3A_471 {strides = array<i32>} : memref<2x16384xf32, #tpu.memory_space<vmem>>, vector<16xf32>,
      %parallel_loop3A_476 = arith.constant 16 : i32
      %parallel_loop3A_477 = arith.muli %parallel_loop3A_255, %parallel_loop3A_476 : i32
      %parallel_loop3A_478 = arith.constant 12 : i32
      %parallel_loop3A_479 = arith.addi %parallel_loop3A_477, %parallel_loop3A_478 : i32
      %parallel_loop3A_480 = arith.constant 16 : i32
      %parallel_loop3A_481 = arith.muli %parallel_loop3A_479, %parallel_loop3A_480 : i32
      %parallel_loop3A_482 = arith.constant 1 : i32
      %parallel_loop3A_483 = arith.index_cast %parallel_loop3A_482 : i32 to index
      %parallel_loop3A_484 = arith.index_cast %parallel_loop3A_481 : i32 to index
      %parallel_loop3A_485 = tpu.vector_load %arg7[%parallel_loop3A_483, %parallel_loop3A_484] {strides = array<i32>} : memref<2x16384xf32, #tpu.memory_space<vmem>>, vector<16xf32>,
      %parallel_loop3A_486 = vector.extract_strided_slice %parallel_loop3A_259 {offsets = [12], sizes = [1], strides = [1]} : vector<16xf32> to vector<1xf32>
      %parallel_loop3A_487 = vector.extract %parallel_loop3A_486[0] : f32 from vector<1xf32>
      %parallel_loop3A_488 = vector.broadcast %parallel_loop3A_487 : f32 to vector<16xf32>
      %parallel_loop3A_489 = arith.addf %parallel_loop3A_485, %parallel_loop3A_488 : vector<16xf32>
      %parallel_loop3A_490 = arith.constant 1 : i32
      %parallel_loop3A_491 = arith.index_cast %parallel_loop3A_490 : i32 to index
      %parallel_loop3A_492 = arith.index_cast %parallel_loop3A_481 : i32 to index
      %parallel_loop3A_493 = tpu.vector_load %arg7[%parallel_loop3A_491, %parallel_loop3A_492] {strides = array<i32>} : memref<2x16384xf32, #tpu.memory_space<vmem>>, vector<16xf32>,
      tpu.vector_store %arg7[%parallel_loop3A_491, %parallel_loop3A_492], %parallel_loop3A_489 {strides = array<i32>} : memref<2x16384xf32, #tpu.memory_space<vmem>>, vector<16xf32>,
      %parallel_loop3A_494 = arith.constant 16 : i32
      %parallel_loop3A_495 = arith.muli %parallel_loop3A_255, %parallel_loop3A_494 : i32
      %parallel_loop3A_496 = arith.constant 13 : i32
      %parallel_loop3A_497 = arith.addi %parallel_loop3A_495, %parallel_loop3A_496 : i32
      %parallel_loop3A_498 = arith.constant 16 : i32
      %parallel_loop3A_499 = arith.muli %parallel_loop3A_497, %parallel_loop3A_498 : i32
      %parallel_loop3A_500 = arith.constant 1 : i32
      %parallel_loop3A_501 = arith.index_cast %parallel_loop3A_500 : i32 to index
      %parallel_loop3A_502 = arith.index_cast %parallel_loop3A_499 : i32 to index
      %parallel_loop3A_503 = tpu.vector_load %arg7[%parallel_loop3A_501, %parallel_loop3A_502] {strides = array<i32>} : memref<2x16384xf32, #tpu.memory_space<vmem>>, vector<16xf32>,
      %parallel_loop3A_504 = vector.extract_strided_slice %parallel_loop3A_259 {offsets = [13], sizes = [1], strides = [1]} : vector<16xf32> to vector<1xf32>
      %parallel_loop3A_505 = vector.extract %parallel_loop3A_504[0] : f32 from vector<1xf32>
      %parallel_loop3A_506 = vector.broadcast %parallel_loop3A_505 : f32 to vector<16xf32>
      %parallel_loop3A_507 = arith.addf %parallel_loop3A_503, %parallel_loop3A_506 : vector<16xf32>
      %parallel_loop3A_508 = arith.constant 1 : i32
      %parallel_loop3A_509 = arith.index_cast %parallel_loop3A_508 : i32 to index
      %parallel_loop3A_510 = arith.index_cast %parallel_loop3A_499 : i32 to index
      %parallel_loop3A_511 = tpu.vector_load %arg7[%parallel_loop3A_509, %parallel_loop3A_510] {strides = array<i32>} : memref<2x16384xf32, #tpu.memory_space<vmem>>, vector<16xf32>,
      tpu.vector_store %arg7[%parallel_loop3A_509, %parallel_loop3A_510], %parallel_loop3A_507 {strides = array<i32>} : memref<2x16384xf32, #tpu.memory_space<vmem>>, vector<16xf32>,
      %parallel_loop3A_512 = arith.constant 16 : i32
      %parallel_loop3A_513 = arith.muli %parallel_loop3A_255, %parallel_loop3A_512 : i32
      %parallel_loop3A_514 = arith.constant 14 : i32
      %parallel_loop3A_515 = arith.addi %parallel_loop3A_513, %parallel_loop3A_514 : i32
      %parallel_loop3A_516 = arith.constant 16 : i32
      %parallel_loop3A_517 = arith.muli %parallel_loop3A_515, %parallel_loop3A_516 : i32
      %parallel_loop3A_518 = arith.constant 1 : i32
      %parallel_loop3A_519 = arith.index_cast %parallel_loop3A_518 : i32 to index
      %parallel_loop3A_520 = arith.index_cast %parallel_loop3A_517 : i32 to index
      %parallel_loop3A_521 = tpu.vector_load %arg7[%parallel_loop3A_519, %parallel_loop3A_520] {strides = array<i32>} : memref<2x16384xf32, #tpu.memory_space<vmem>>, vector<16xf32>,
      %parallel_loop3A_522 = vector.extract_strided_slice %parallel_loop3A_259 {offsets = [14], sizes = [1], strides = [1]} : vector<16xf32> to vector<1xf32>
      %parallel_loop3A_523 = vector.extract %parallel_loop3A_522[0] : f32 from vector<1xf32>
      %parallel_loop3A_524 = vector.broadcast %parallel_loop3A_523 : f32 to vector<16xf32>
      %parallel_loop3A_525 = arith.addf %parallel_loop3A_521, %parallel_loop3A_524 : vector<16xf32>
      %parallel_loop3A_526 = arith.constant 1 : i32
      %parallel_loop3A_527 = arith.index_cast %parallel_loop3A_526 : i32 to index
      %parallel_loop3A_528 = arith.index_cast %parallel_loop3A_517 : i32 to index
      %parallel_loop3A_529 = tpu.vector_load %arg7[%parallel_loop3A_527, %parallel_loop3A_528] {strides = array<i32>} : memref<2x16384xf32, #tpu.memory_space<vmem>>, vector<16xf32>,
      tpu.vector_store %arg7[%parallel_loop3A_527, %parallel_loop3A_528], %parallel_loop3A_525 {strides = array<i32>} : memref<2x16384xf32, #tpu.memory_space<vmem>>, vector<16xf32>,
      %parallel_loop3A_530 = arith.constant 16 : i32
      %parallel_loop3A_531 = arith.muli %parallel_loop3A_255, %parallel_loop3A_530 : i32
      %parallel_loop3A_532 = arith.constant 15 : i32
      %parallel_loop3A_533 = arith.addi %parallel_loop3A_531, %parallel_loop3A_532 : i32
      %parallel_loop3A_534 = arith.constant 16 : i32
      %parallel_loop3A_535 = arith.muli %parallel_loop3A_533, %parallel_loop3A_534 : i32
      %parallel_loop3A_536 = arith.constant 1 : i32
      %parallel_loop3A_537 = arith.index_cast %parallel_loop3A_536 : i32 to index
      %parallel_loop3A_538 = arith.index_cast %parallel_loop3A_535 : i32 to index
      %parallel_loop3A_539 = tpu.vector_load %arg7[%parallel_loop3A_537, %parallel_loop3A_538] {strides = array<i32>} : memref<2x16384xf32, #tpu.memory_space<vmem>>, vector<16xf32>,
      %parallel_loop3A_540 = vector.extract_strided_slice %parallel_loop3A_259 {offsets = [15], sizes = [1], strides = [1]} : vector<16xf32> to vector<1xf32>
      %parallel_loop3A_541 = vector.extract %parallel_loop3A_540[0] : f32 from vector<1xf32>
      %parallel_loop3A_542 = vector.broadcast %parallel_loop3A_541 : f32 to vector<16xf32>
      %parallel_loop3A_543 = arith.addf %parallel_loop3A_539, %parallel_loop3A_542 : vector<16xf32>
      %parallel_loop3A_544 = arith.constant 1 : i32
      %parallel_loop3A_545 = arith.index_cast %parallel_loop3A_544 : i32 to index
      %parallel_loop3A_546 = arith.index_cast %parallel_loop3A_535 : i32 to index
      %parallel_loop3A_547 = tpu.vector_load %arg7[%parallel_loop3A_545, %parallel_loop3A_546] {strides = array<i32>} : memref<2x16384xf32, #tpu.memory_space<vmem>>, vector<16xf32>,
      tpu.vector_store %arg7[%parallel_loop3A_545, %parallel_loop3A_546], %parallel_loop3A_543 {strides = array<i32>} : memref<2x16384xf32, #tpu.memory_space<vmem>>, vector<16xf32>,
    } {sc.loop_unroll_factor = 4 : i64, sc.parallel_access}
    %mul3A_203 = arith.constant 1 : i32
    %mul3A_204 = arith.muli %add3A, %mul3A_203 : i32
    %add3A_205 = arith.constant 0 : i32
    %add3A_206 = arith.addi %mul3A_204, %add3A_205 : i32
    %dma_start3A_207 = arith.constant 1 : i32
    %dma_start3A_208 = arith.constant 5 : i32
    %dma_start3A_209 = arith.constant 0 : i32
    %dma_start3A_210 = tpu.memref_slice %arg7[%dma_start3A_207, %dma_start3A_209] : memref<2x16384xf32, #tpu.memory_space<vmem>> -> memref<1x16384xf32, #tpu.memory_space<vmem>>
    %dma_start3A_211 = tpu.memref_squeeze %dma_start3A_210 : memref<1x16384xf32, #tpu.memory_space<vmem>> -> memref<16384xf32, #tpu.memory_space<vmem>>
    %dma_start3A_212 = arith.constant 16384 : i32
    %dma_start3A_213 = tpu.memref_slice %arg4[%add3A_206, %dma_start3A_212] : memref<32x32768xf32, #tpu.memory_space<hbm>> -> memref<1x16384xf32, #tpu.memory_space<hbm>>
    %dma_start3A_214 = tpu.memref_squeeze %dma_start3A_213 : memref<1x16384xf32, #tpu.memory_space<hbm>> -> memref<16384xf32, #tpu.memory_space<hbm>>
    %dma_start3A_215 = tpu.memref_slice %arg12[%dma_start3A_208] : memref<6x!tpu.dma_semaphore, #tpu.memory_space<semaphore_mem>> -> memref<1x!tpu.dma_semaphore, #tpu.memory_space<semaphore_mem>>
    %dma_start3A_216 = tpu.memref_squeeze %dma_start3A_215 : memref<1x!tpu.dma_semaphore, #tpu.memory_space<semaphore_mem>> -> memref<!tpu.dma_semaphore, #tpu.memory_space<semaphore_mem>>
    %dma_start3A_217 = arith.constant 16384 : i32
    %dma_start3A_218 = tpu.memref_slice %arg4[%add3A_206, %dma_start3A_217] : memref<32x32768xf32, #tpu.memory_space<hbm>> -> memref<1x16384xf32, #tpu.memory_space<hbm>>
    %dma_start3A_219 = tpu.memref_squeeze %dma_start3A_218 : memref<1x16384xf32, #tpu.memory_space<hbm>> -> memref<16384xf32, #tpu.memory_space<hbm>>
    %dma_start3A_220 = arith.constant 0 : i32
    %dma_start3A_221 = tpu.memref_slice %arg7[%dma_start3A_207, %dma_start3A_220] : memref<2x16384xf32, #tpu.memory_space<vmem>> -> memref<1x16384xf32, #tpu.memory_space<vmem>>
    %dma_start3A_222 = tpu.memref_squeeze %dma_start3A_221 : memref<1x16384xf32, #tpu.memory_space<vmem>> -> memref<16384xf32, #tpu.memory_space<vmem>>
    tpu.enqueue_dma source(%dma_start3A_222 : memref<16384xf32, #tpu.memory_space<vmem>>) target(%dma_start3A_219 : memref<16384xf32, #tpu.memory_space<hbm>>) target_semaphore(%dma_start3A_216 : memref<!tpu.dma_semaphore, #tpu.memory_space<semaphore_mem>>)
    %dma_wait3A_223 = arith.constant 0 : i32
    %dma_wait3A_224 = arith.constant 4 : i32
    %dma_wait3A_225 = arith.constant 0 : i32
    %dma_wait3A_226 = tpu.memref_slice %arg7[%dma_wait3A_223, %dma_wait3A_225] : memref<2x16384xf32, #tpu.memory_space<vmem>> -> memref<1x16384xf32, #tpu.memory_space<vmem>>
    %dma_wait3A_227 = tpu.memref_squeeze %dma_wait3A_226 : memref<1x16384xf32, #tpu.memory_space<vmem>> -> memref<16384xf32, #tpu.memory_space<vmem>>
    %dma_wait3A_228 = arith.constant 0 : i32
    %dma_wait3A_229 = tpu.memref_slice %arg4[%add3A_131, %dma_wait3A_228] : memref<32x32768xf32, #tpu.memory_space<hbm>> -> memref<1x16384xf32, #tpu.memory_space<hbm>>
    %dma_wait3A_230 = tpu.memref_squeeze %dma_wait3A_229 : memref<1x16384xf32, #tpu.memory_space<hbm>> -> memref<16384xf32, #tpu.memory_space<hbm>>
    %dma_wait3A_231 = tpu.memref_slice %arg12[%dma_wait3A_224] : memref<6x!tpu.dma_semaphore, #tpu.memory_space<semaphore_mem>> -> memref<1x!tpu.dma_semaphore, #tpu.memory_space<semaphore_mem>>
    %dma_wait3A_232 = tpu.memref_squeeze %dma_wait3A_231 : memref<1x!tpu.dma_semaphore, #tpu.memory_space<semaphore_mem>> -> memref<!tpu.dma_semaphore, #tpu.memory_space<semaphore_mem>>
    %dma_wait3A_233 = arith.constant 0 : i32
    %dma_wait3A_234 = tpu.memref_slice %arg4[%add3A_131, %dma_wait3A_233] : memref<32x32768xf32, #tpu.memory_space<hbm>> -> memref<1x16384xf32, #tpu.memory_space<hbm>>
    %dma_wait3A_235 = tpu.memref_squeeze %dma_wait3A_234 : memref<1x16384xf32, #tpu.memory_space<hbm>> -> memref<16384xf32, #tpu.memory_space<hbm>>
    %dma_wait3A_236 = arith.constant 0 : i32
    %dma_wait3A_237 = tpu.memref_slice %arg7[%dma_wait3A_223, %dma_wait3A_236] : memref<2x16384xf32, #tpu.memory_space<vmem>> -> memref<1x16384xf32, #tpu.memory_space<vmem>>
    %dma_wait3A_238 = tpu.memref_squeeze %dma_wait3A_237 : memref<1x16384xf32, #tpu.memory_space<vmem>> -> memref<16384xf32, #tpu.memory_space<vmem>>
    tpu.wait_dma2 semaphore(%dma_wait3A_232 : memref<!tpu.dma_semaphore, #tpu.memory_space<semaphore_mem>>) src(%dma_wait3A_238 : memref<16384xf32, #tpu.memory_space<vmem>>) dst(%dma_wait3A_235 : memref<16384xf32, #tpu.memory_space<hbm>>)
    %dma_wait3A_239 = arith.constant 1 : i32
    %dma_wait3A_240 = arith.constant 5 : i32
    %dma_wait3A_241 = arith.constant 0 : i32
    %dma_wait3A_242 = tpu.memref_slice %arg7[%dma_wait3A_239, %dma_wait3A_241] : memref<2x16384xf32, #tpu.memory_space<vmem>> -> memref<1x16384xf32, #tpu.memory_space<vmem>>
    %dma_wait3A_243 = tpu.memref_squeeze %dma_wait3A_242 : memref<1x16384xf32, #tpu.memory_space<vmem>> -> memref<16384xf32, #tpu.memory_space<vmem>>
    %dma_wait3A_244 = arith.constant 16384 : i32
    %dma_wait3A_245 = tpu.memref_slice %arg4[%add3A_206, %dma_wait3A_244] : memref<32x32768xf32, #tpu.memory_space<hbm>> -> memref<1x16384xf32, #tpu.memory_space<hbm>>
    %dma_wait3A_246 = tpu.memref_squeeze %dma_wait3A_245 : memref<1x16384xf32, #tpu.memory_space<hbm>> -> memref<16384xf32, #tpu.memory_space<hbm>>
    %dma_wait3A_247 = tpu.memref_slice %arg12[%dma_wait3A_240] : memref<6x!tpu.dma_semaphore, #tpu.memory_space<semaphore_mem>> -> memref<1x!tpu.dma_semaphore, #tpu.memory_space<semaphore_mem>>
    %dma_wait3A_248 = tpu.memref_squeeze %dma_wait3A_247 : memref<1x!tpu.dma_semaphore, #tpu.memory_space<semaphore_mem>> -> memref<!tpu.dma_semaphore, #tpu.memory_space<semaphore_mem>>
    %dma_wait3A_249 = arith.constant 16384 : i32
    %dma_wait3A_250 = tpu.memref_slice %arg4[%add3A_206, %dma_wait3A_249] : memref<32x32768xf32, #tpu.memory_space<hbm>> -> memref<1x16384xf32, #tpu.memory_space<hbm>>
    %dma_wait3A_251 = tpu.memref_squeeze %dma_wait3A_250 : memref<1x16384xf32, #tpu.memory_space<hbm>> -> memref<16384xf32, #tpu.memory_space<hbm>>
    %dma_wait3A_252 = arith.constant 0 : i32
    %dma_wait3A_253 = tpu.memref_slice %arg7[%dma_wait3A_239, %dma_wait3A_252] : memref<2x16384xf32, #tpu.memory_space<vmem>> -> memref<1x16384xf32, #tpu.memory_space<vmem>>
    %dma_wait3A_254 = tpu.memref_squeeze %dma_wait3A_253 : memref<1x16384xf32, #tpu.memory_space<vmem>> -> memref<16384xf32, #tpu.memory_space<vmem>>
    tpu.wait_dma2 semaphore(%dma_wait3A_248 : memref<!tpu.dma_semaphore, #tpu.memory_space<semaphore_mem>>) src(%dma_wait3A_254 : memref<16384xf32, #tpu.memory_space<vmem>>) dst(%dma_wait3A_251 : memref<16384xf32, #tpu.memory_space<hbm>>)
    return
  }
}

module attributes {stable_mosaic.version = 14 : i64} {
  func.func @_tc_body(%arg0: i32, %arg1: memref<96x8192xf32, #tpu.memory_space<vmem>>, %arg2: memref<96x8192xi32, #tpu.memory_space<vmem>>, %arg3: memref<256x256xf32, #tpu.memory_space<vmem>>, %arg4: memref<96x8192xf32, #tpu.memory_space<vmem>>, %arg5: memref<96x128xf32, #tpu.memory_space<vmem>>) attributes {dimension_semantics = [#tpu.dimension_semantics<arbitrary>], iteration_bounds = array<i64: 4>, scalar_prefetch = 0 : i64, scratch_operands = 1 : i64, tpu.core_type = #tpu.core_type<tc>, window_params = [{transform_indices = @transform_0, window_bounds = array<i64: 96, 8192>}, {transform_indices = @transform_1, window_bounds = array<i64: 96, 8192>}, {pipeline_mode = #tpu.pipeline_mode<synchronous>, transform_indices = @transform_2, window_bounds = array<i64: 256, 256>}, {transform_indices = @transform_3, window_bounds = array<i64: 96, 8192>}]} {
    %eq3A = arith.constant 0 : i32
    %eq3A_0 = arith.cmpi eq, %arg0, %eq3A : i32
    %convert_element_type3A = arith.extui %eq3A_0 : i1 to i32
    %cond3A = arith.constant 0 : i32
    %cond3A_1 = arith.cmpi ne, %convert_element_type3A, %cond3A : i32
    scf.if %cond3A_1 {
      %broadcast_in_dim3A_431 = arith.constant 0.000000e+00 : f32
      %broadcast_in_dim3A_432 = vector.broadcast %broadcast_in_dim3A_431 : f32 to vector<96x128xf32>
      %swap3A_433 = arith.constant 0 : index
      %swap3A_434 = arith.constant 0 : index
      %swap3A_435 = vector.load %arg5[%swap3A_433, %swap3A_434] : memref<96x128xf32, #tpu.memory_space<vmem>>, vector<96x128xf32>
      tpu.vector_store %arg5[%swap3A_433, %swap3A_434], %broadcast_in_dim3A_432 {strides = array<i32>} : memref<96x128xf32, #tpu.memory_space<vmem>>, vector<96x128xf32>,
    } else {
    }
    %get3A = arith.constant 0 : index
    %get3A_2 = arith.constant 0 : index
    %get3A_3 = vector.load %arg2[%get3A, %get3A_2] : memref<96x8192xi32, #tpu.memory_space<vmem>>, vector<96x8192xi32>
    %get3A_4 = arith.constant dense<0> : vector<96x8192xi32>
    %get3A_5 = arith.cmpi ne, %get3A_3, %get3A_4 : vector<96x8192xi32>
    %get3A_6 = arith.constant 0 : index
    %get3A_7 = arith.constant 0 : index
    %get3A_8 = vector.load %arg1[%get3A_6, %get3A_7] : memref<96x8192xf32, #tpu.memory_space<vmem>>, vector<96x8192xf32>
    %jit3A = arith.constant 0.000000e+00 : f32
    %broadcast_in_dim3A = vector.broadcast %jit3A : f32 to vector<96x8192xf32>
    %select_n3A = arith.select %get3A_5, %get3A_8, %broadcast_in_dim3A : vector<96x8192xi1>, vector<96x8192xf32>
    %get3A_9 = arith.constant 0 : index
    %get3A_10 = arith.constant 0 : index
    %get3A_11 = vector.load %arg5[%get3A_9, %get3A_10] : memref<96x128xf32, #tpu.memory_space<vmem>>, vector<96x1xf32>
    %slice3A = vector.extract_strided_slice %select_n3A {offsets = [0, 0], sizes = [96, 256], strides = [1, 1]} : vector<96x8192xf32> to vector<96x256xf32>
    %reduce_sum3A = arith.constant dense<0.000000e+00> : vector<96xf32>
    %reduce_sum3A_12 = vector.multi_reduction <add>, %slice3A, %reduce_sum3A [1] : vector<96x256xf32> to vector<96xf32>
    %broadcast_in_dim3A_13 = vector.shape_cast %reduce_sum3A_12 : vector<96xf32> to vector<96x1xf32>
    %add3A = arith.addf %get3A_11, %broadcast_in_dim3A_13 : vector<96x1xf32>
    %slice3A_14 = vector.extract_strided_slice %select_n3A {offsets = [0, 256], sizes = [96, 256], strides = [1, 1]} : vector<96x8192xf32> to vector<96x256xf32>
    %reduce_sum3A_15 = arith.constant dense<0.000000e+00> : vector<96xf32>
    %reduce_sum3A_16 = vector.multi_reduction <add>, %slice3A_14, %reduce_sum3A_15 [1] : vector<96x256xf32> to vector<96xf32>
    %broadcast_in_dim3A_17 = vector.shape_cast %reduce_sum3A_16 : vector<96xf32> to vector<96x1xf32>
    %add3A_18 = arith.addf %add3A, %broadcast_in_dim3A_17 : vector<96x1xf32>
    %slice3A_19 = vector.extract_strided_slice %select_n3A {offsets = [0, 512], sizes = [96, 256], strides = [1, 1]} : vector<96x8192xf32> to vector<96x256xf32>
    %reduce_sum3A_20 = arith.constant dense<0.000000e+00> : vector<96xf32>
    %reduce_sum3A_21 = vector.multi_reduction <add>, %slice3A_19, %reduce_sum3A_20 [1] : vector<96x256xf32> to vector<96xf32>
    %broadcast_in_dim3A_22 = vector.shape_cast %reduce_sum3A_21 : vector<96xf32> to vector<96x1xf32>
    %add3A_23 = arith.addf %add3A_18, %broadcast_in_dim3A_22 : vector<96x1xf32>
    %slice3A_24 = vector.extract_strided_slice %select_n3A {offsets = [0, 768], sizes = [96, 256], strides = [1, 1]} : vector<96x8192xf32> to vector<96x256xf32>
    %reduce_sum3A_25 = arith.constant dense<0.000000e+00> : vector<96xf32>
    %reduce_sum3A_26 = vector.multi_reduction <add>, %slice3A_24, %reduce_sum3A_25 [1] : vector<96x256xf32> to vector<96xf32>
    %broadcast_in_dim3A_27 = vector.shape_cast %reduce_sum3A_26 : vector<96xf32> to vector<96x1xf32>
    %add3A_28 = arith.addf %add3A_23, %broadcast_in_dim3A_27 : vector<96x1xf32>
    %slice3A_29 = vector.extract_strided_slice %select_n3A {offsets = [0, 1024], sizes = [96, 256], strides = [1, 1]} : vector<96x8192xf32> to vector<96x256xf32>
    %reduce_sum3A_30 = arith.constant dense<0.000000e+00> : vector<96xf32>
    %reduce_sum3A_31 = vector.multi_reduction <add>, %slice3A_29, %reduce_sum3A_30 [1] : vector<96x256xf32> to vector<96xf32>
    %broadcast_in_dim3A_32 = vector.shape_cast %reduce_sum3A_31 : vector<96xf32> to vector<96x1xf32>
    %add3A_33 = arith.addf %add3A_28, %broadcast_in_dim3A_32 : vector<96x1xf32>
    %slice3A_34 = vector.extract_strided_slice %select_n3A {offsets = [0, 1280], sizes = [96, 256], strides = [1, 1]} : vector<96x8192xf32> to vector<96x256xf32>
    %reduce_sum3A_35 = arith.constant dense<0.000000e+00> : vector<96xf32>
    %reduce_sum3A_36 = vector.multi_reduction <add>, %slice3A_34, %reduce_sum3A_35 [1] : vector<96x256xf32> to vector<96xf32>
    %broadcast_in_dim3A_37 = vector.shape_cast %reduce_sum3A_36 : vector<96xf32> to vector<96x1xf32>
    %add3A_38 = arith.addf %add3A_33, %broadcast_in_dim3A_37 : vector<96x1xf32>
    %slice3A_39 = vector.extract_strided_slice %select_n3A {offsets = [0, 1536], sizes = [96, 256], strides = [1, 1]} : vector<96x8192xf32> to vector<96x256xf32>
    %reduce_sum3A_40 = arith.constant dense<0.000000e+00> : vector<96xf32>
    %reduce_sum3A_41 = vector.multi_reduction <add>, %slice3A_39, %reduce_sum3A_40 [1] : vector<96x256xf32> to vector<96xf32>
    %broadcast_in_dim3A_42 = vector.shape_cast %reduce_sum3A_41 : vector<96xf32> to vector<96x1xf32>
    %add3A_43 = arith.addf %add3A_38, %broadcast_in_dim3A_42 : vector<96x1xf32>
    %slice3A_44 = vector.extract_strided_slice %select_n3A {offsets = [0, 1792], sizes = [96, 256], strides = [1, 1]} : vector<96x8192xf32> to vector<96x256xf32>
    %reduce_sum3A_45 = arith.constant dense<0.000000e+00> : vector<96xf32>
    %reduce_sum3A_46 = vector.multi_reduction <add>, %slice3A_44, %reduce_sum3A_45 [1] : vector<96x256xf32> to vector<96xf32>
    %broadcast_in_dim3A_47 = vector.shape_cast %reduce_sum3A_46 : vector<96xf32> to vector<96x1xf32>
    %add3A_48 = arith.addf %add3A_43, %broadcast_in_dim3A_47 : vector<96x1xf32>
    %slice3A_49 = vector.extract_strided_slice %select_n3A {offsets = [0, 2048], sizes = [96, 256], strides = [1, 1]} : vector<96x8192xf32> to vector<96x256xf32>
    %reduce_sum3A_50 = arith.constant dense<0.000000e+00> : vector<96xf32>
    %reduce_sum3A_51 = vector.multi_reduction <add>, %slice3A_49, %reduce_sum3A_50 [1] : vector<96x256xf32> to vector<96xf32>
    %broadcast_in_dim3A_52 = vector.shape_cast %reduce_sum3A_51 : vector<96xf32> to vector<96x1xf32>
    %add3A_53 = arith.addf %add3A_48, %broadcast_in_dim3A_52 : vector<96x1xf32>
    %slice3A_54 = vector.extract_strided_slice %select_n3A {offsets = [0, 2304], sizes = [96, 256], strides = [1, 1]} : vector<96x8192xf32> to vector<96x256xf32>
    %reduce_sum3A_55 = arith.constant dense<0.000000e+00> : vector<96xf32>
    %reduce_sum3A_56 = vector.multi_reduction <add>, %slice3A_54, %reduce_sum3A_55 [1] : vector<96x256xf32> to vector<96xf32>
    %broadcast_in_dim3A_57 = vector.shape_cast %reduce_sum3A_56 : vector<96xf32> to vector<96x1xf32>
    %add3A_58 = arith.addf %add3A_53, %broadcast_in_dim3A_57 : vector<96x1xf32>
    %slice3A_59 = vector.extract_strided_slice %select_n3A {offsets = [0, 2560], sizes = [96, 256], strides = [1, 1]} : vector<96x8192xf32> to vector<96x256xf32>
    %reduce_sum3A_60 = arith.constant dense<0.000000e+00> : vector<96xf32>
    %reduce_sum3A_61 = vector.multi_reduction <add>, %slice3A_59, %reduce_sum3A_60 [1] : vector<96x256xf32> to vector<96xf32>
    %broadcast_in_dim3A_62 = vector.shape_cast %reduce_sum3A_61 : vector<96xf32> to vector<96x1xf32>
    %add3A_63 = arith.addf %add3A_58, %broadcast_in_dim3A_62 : vector<96x1xf32>
    %slice3A_64 = vector.extract_strided_slice %select_n3A {offsets = [0, 2816], sizes = [96, 256], strides = [1, 1]} : vector<96x8192xf32> to vector<96x256xf32>
    %reduce_sum3A_65 = arith.constant dense<0.000000e+00> : vector<96xf32>
    %reduce_sum3A_66 = vector.multi_reduction <add>, %slice3A_64, %reduce_sum3A_65 [1] : vector<96x256xf32> to vector<96xf32>
    %broadcast_in_dim3A_67 = vector.shape_cast %reduce_sum3A_66 : vector<96xf32> to vector<96x1xf32>
    %add3A_68 = arith.addf %add3A_63, %broadcast_in_dim3A_67 : vector<96x1xf32>
    %slice3A_69 = vector.extract_strided_slice %select_n3A {offsets = [0, 3072], sizes = [96, 256], strides = [1, 1]} : vector<96x8192xf32> to vector<96x256xf32>
    %reduce_sum3A_70 = arith.constant dense<0.000000e+00> : vector<96xf32>
    %reduce_sum3A_71 = vector.multi_reduction <add>, %slice3A_69, %reduce_sum3A_70 [1] : vector<96x256xf32> to vector<96xf32>
    %broadcast_in_dim3A_72 = vector.shape_cast %reduce_sum3A_71 : vector<96xf32> to vector<96x1xf32>
    %add3A_73 = arith.addf %add3A_68, %broadcast_in_dim3A_72 : vector<96x1xf32>
    %slice3A_74 = vector.extract_strided_slice %select_n3A {offsets = [0, 3328], sizes = [96, 256], strides = [1, 1]} : vector<96x8192xf32> to vector<96x256xf32>
    %reduce_sum3A_75 = arith.constant dense<0.000000e+00> : vector<96xf32>
    %reduce_sum3A_76 = vector.multi_reduction <add>, %slice3A_74, %reduce_sum3A_75 [1] : vector<96x256xf32> to vector<96xf32>
    %broadcast_in_dim3A_77 = vector.shape_cast %reduce_sum3A_76 : vector<96xf32> to vector<96x1xf32>
    %add3A_78 = arith.addf %add3A_73, %broadcast_in_dim3A_77 : vector<96x1xf32>
    %slice3A_79 = vector.extract_strided_slice %select_n3A {offsets = [0, 3584], sizes = [96, 256], strides = [1, 1]} : vector<96x8192xf32> to vector<96x256xf32>
    %reduce_sum3A_80 = arith.constant dense<0.000000e+00> : vector<96xf32>
    %reduce_sum3A_81 = vector.multi_reduction <add>, %slice3A_79, %reduce_sum3A_80 [1] : vector<96x256xf32> to vector<96xf32>
    %broadcast_in_dim3A_82 = vector.shape_cast %reduce_sum3A_81 : vector<96xf32> to vector<96x1xf32>
    %add3A_83 = arith.addf %add3A_78, %broadcast_in_dim3A_82 : vector<96x1xf32>
    %slice3A_84 = vector.extract_strided_slice %select_n3A {offsets = [0, 3840], sizes = [96, 256], strides = [1, 1]} : vector<96x8192xf32> to vector<96x256xf32>
    %reduce_sum3A_85 = arith.constant dense<0.000000e+00> : vector<96xf32>
    %reduce_sum3A_86 = vector.multi_reduction <add>, %slice3A_84, %reduce_sum3A_85 [1] : vector<96x256xf32> to vector<96xf32>
    %broadcast_in_dim3A_87 = vector.shape_cast %reduce_sum3A_86 : vector<96xf32> to vector<96x1xf32>
    %add3A_88 = arith.addf %add3A_83, %broadcast_in_dim3A_87 : vector<96x1xf32>
    %slice3A_89 = vector.extract_strided_slice %select_n3A {offsets = [0, 4096], sizes = [96, 256], strides = [1, 1]} : vector<96x8192xf32> to vector<96x256xf32>
    %reduce_sum3A_90 = arith.constant dense<0.000000e+00> : vector<96xf32>
    %reduce_sum3A_91 = vector.multi_reduction <add>, %slice3A_89, %reduce_sum3A_90 [1] : vector<96x256xf32> to vector<96xf32>
    %broadcast_in_dim3A_92 = vector.shape_cast %reduce_sum3A_91 : vector<96xf32> to vector<96x1xf32>
    %add3A_93 = arith.addf %add3A_88, %broadcast_in_dim3A_92 : vector<96x1xf32>
    %slice3A_94 = vector.extract_strided_slice %select_n3A {offsets = [0, 4352], sizes = [96, 256], strides = [1, 1]} : vector<96x8192xf32> to vector<96x256xf32>
    %reduce_sum3A_95 = arith.constant dense<0.000000e+00> : vector<96xf32>
    %reduce_sum3A_96 = vector.multi_reduction <add>, %slice3A_94, %reduce_sum3A_95 [1] : vector<96x256xf32> to vector<96xf32>
    %broadcast_in_dim3A_97 = vector.shape_cast %reduce_sum3A_96 : vector<96xf32> to vector<96x1xf32>
    %add3A_98 = arith.addf %add3A_93, %broadcast_in_dim3A_97 : vector<96x1xf32>
    %slice3A_99 = vector.extract_strided_slice %select_n3A {offsets = [0, 4608], sizes = [96, 256], strides = [1, 1]} : vector<96x8192xf32> to vector<96x256xf32>
    %reduce_sum3A_100 = arith.constant dense<0.000000e+00> : vector<96xf32>
    %reduce_sum3A_101 = vector.multi_reduction <add>, %slice3A_99, %reduce_sum3A_100 [1] : vector<96x256xf32> to vector<96xf32>
    %broadcast_in_dim3A_102 = vector.shape_cast %reduce_sum3A_101 : vector<96xf32> to vector<96x1xf32>
    %add3A_103 = arith.addf %add3A_98, %broadcast_in_dim3A_102 : vector<96x1xf32>
    %slice3A_104 = vector.extract_strided_slice %select_n3A {offsets = [0, 4864], sizes = [96, 256], strides = [1, 1]} : vector<96x8192xf32> to vector<96x256xf32>
    %reduce_sum3A_105 = arith.constant dense<0.000000e+00> : vector<96xf32>
    %reduce_sum3A_106 = vector.multi_reduction <add>, %slice3A_104, %reduce_sum3A_105 [1] : vector<96x256xf32> to vector<96xf32>
    %broadcast_in_dim3A_107 = vector.shape_cast %reduce_sum3A_106 : vector<96xf32> to vector<96x1xf32>
    %add3A_108 = arith.addf %add3A_103, %broadcast_in_dim3A_107 : vector<96x1xf32>
    %slice3A_109 = vector.extract_strided_slice %select_n3A {offsets = [0, 5120], sizes = [96, 256], strides = [1, 1]} : vector<96x8192xf32> to vector<96x256xf32>
    %reduce_sum3A_110 = arith.constant dense<0.000000e+00> : vector<96xf32>
    %reduce_sum3A_111 = vector.multi_reduction <add>, %slice3A_109, %reduce_sum3A_110 [1] : vector<96x256xf32> to vector<96xf32>
    %broadcast_in_dim3A_112 = vector.shape_cast %reduce_sum3A_111 : vector<96xf32> to vector<96x1xf32>
    %add3A_113 = arith.addf %add3A_108, %broadcast_in_dim3A_112 : vector<96x1xf32>
    %slice3A_114 = vector.extract_strided_slice %select_n3A {offsets = [0, 5376], sizes = [96, 256], strides = [1, 1]} : vector<96x8192xf32> to vector<96x256xf32>
    %reduce_sum3A_115 = arith.constant dense<0.000000e+00> : vector<96xf32>
    %reduce_sum3A_116 = vector.multi_reduction <add>, %slice3A_114, %reduce_sum3A_115 [1] : vector<96x256xf32> to vector<96xf32>
    %broadcast_in_dim3A_117 = vector.shape_cast %reduce_sum3A_116 : vector<96xf32> to vector<96x1xf32>
    %add3A_118 = arith.addf %add3A_113, %broadcast_in_dim3A_117 : vector<96x1xf32>
    %slice3A_119 = vector.extract_strided_slice %select_n3A {offsets = [0, 5632], sizes = [96, 256], strides = [1, 1]} : vector<96x8192xf32> to vector<96x256xf32>
    %reduce_sum3A_120 = arith.constant dense<0.000000e+00> : vector<96xf32>
    %reduce_sum3A_121 = vector.multi_reduction <add>, %slice3A_119, %reduce_sum3A_120 [1] : vector<96x256xf32> to vector<96xf32>
    %broadcast_in_dim3A_122 = vector.shape_cast %reduce_sum3A_121 : vector<96xf32> to vector<96x1xf32>
    %add3A_123 = arith.addf %add3A_118, %broadcast_in_dim3A_122 : vector<96x1xf32>
    %slice3A_124 = vector.extract_strided_slice %select_n3A {offsets = [0, 5888], sizes = [96, 256], strides = [1, 1]} : vector<96x8192xf32> to vector<96x256xf32>
    %reduce_sum3A_125 = arith.constant dense<0.000000e+00> : vector<96xf32>
    %reduce_sum3A_126 = vector.multi_reduction <add>, %slice3A_124, %reduce_sum3A_125 [1] : vector<96x256xf32> to vector<96xf32>
    %broadcast_in_dim3A_127 = vector.shape_cast %reduce_sum3A_126 : vector<96xf32> to vector<96x1xf32>
    %add3A_128 = arith.addf %add3A_123, %broadcast_in_dim3A_127 : vector<96x1xf32>
    %slice3A_129 = vector.extract_strided_slice %select_n3A {offsets = [0, 6144], sizes = [96, 256], strides = [1, 1]} : vector<96x8192xf32> to vector<96x256xf32>
    %reduce_sum3A_130 = arith.constant dense<0.000000e+00> : vector<96xf32>
    %reduce_sum3A_131 = vector.multi_reduction <add>, %slice3A_129, %reduce_sum3A_130 [1] : vector<96x256xf32> to vector<96xf32>
    %broadcast_in_dim3A_132 = vector.shape_cast %reduce_sum3A_131 : vector<96xf32> to vector<96x1xf32>
    %add3A_133 = arith.addf %add3A_128, %broadcast_in_dim3A_132 : vector<96x1xf32>
    %slice3A_134 = vector.extract_strided_slice %select_n3A {offsets = [0, 6400], sizes = [96, 256], strides = [1, 1]} : vector<96x8192xf32> to vector<96x256xf32>
    %reduce_sum3A_135 = arith.constant dense<0.000000e+00> : vector<96xf32>
    %reduce_sum3A_136 = vector.multi_reduction <add>, %slice3A_134, %reduce_sum3A_135 [1] : vector<96x256xf32> to vector<96xf32>
    %broadcast_in_dim3A_137 = vector.shape_cast %reduce_sum3A_136 : vector<96xf32> to vector<96x1xf32>
    %add3A_138 = arith.addf %add3A_133, %broadcast_in_dim3A_137 : vector<96x1xf32>
    %slice3A_139 = vector.extract_strided_slice %select_n3A {offsets = [0, 6656], sizes = [96, 256], strides = [1, 1]} : vector<96x8192xf32> to vector<96x256xf32>
    %reduce_sum3A_140 = arith.constant dense<0.000000e+00> : vector<96xf32>
    %reduce_sum3A_141 = vector.multi_reduction <add>, %slice3A_139, %reduce_sum3A_140 [1] : vector<96x256xf32> to vector<96xf32>
    %broadcast_in_dim3A_142 = vector.shape_cast %reduce_sum3A_141 : vector<96xf32> to vector<96x1xf32>
    %add3A_143 = arith.addf %add3A_138, %broadcast_in_dim3A_142 : vector<96x1xf32>
    %slice3A_144 = vector.extract_strided_slice %select_n3A {offsets = [0, 6912], sizes = [96, 256], strides = [1, 1]} : vector<96x8192xf32> to vector<96x256xf32>
    %reduce_sum3A_145 = arith.constant dense<0.000000e+00> : vector<96xf32>
    %reduce_sum3A_146 = vector.multi_reduction <add>, %slice3A_144, %reduce_sum3A_145 [1] : vector<96x256xf32> to vector<96xf32>
    %broadcast_in_dim3A_147 = vector.shape_cast %reduce_sum3A_146 : vector<96xf32> to vector<96x1xf32>
    %add3A_148 = arith.addf %add3A_143, %broadcast_in_dim3A_147 : vector<96x1xf32>
    %slice3A_149 = vector.extract_strided_slice %select_n3A {offsets = [0, 7168], sizes = [96, 256], strides = [1, 1]} : vector<96x8192xf32> to vector<96x256xf32>
    %reduce_sum3A_150 = arith.constant dense<0.000000e+00> : vector<96xf32>
    %reduce_sum3A_151 = vector.multi_reduction <add>, %slice3A_149, %reduce_sum3A_150 [1] : vector<96x256xf32> to vector<96xf32>
    %broadcast_in_dim3A_152 = vector.shape_cast %reduce_sum3A_151 : vector<96xf32> to vector<96x1xf32>
    %add3A_153 = arith.addf %add3A_148, %broadcast_in_dim3A_152 : vector<96x1xf32>
    %slice3A_154 = vector.extract_strided_slice %select_n3A {offsets = [0, 7424], sizes = [96, 256], strides = [1, 1]} : vector<96x8192xf32> to vector<96x256xf32>
    %reduce_sum3A_155 = arith.constant dense<0.000000e+00> : vector<96xf32>
    %reduce_sum3A_156 = vector.multi_reduction <add>, %slice3A_154, %reduce_sum3A_155 [1] : vector<96x256xf32> to vector<96xf32>
    %broadcast_in_dim3A_157 = vector.shape_cast %reduce_sum3A_156 : vector<96xf32> to vector<96x1xf32>
    %add3A_158 = arith.addf %add3A_153, %broadcast_in_dim3A_157 : vector<96x1xf32>
    %slice3A_159 = vector.extract_strided_slice %select_n3A {offsets = [0, 7680], sizes = [96, 256], strides = [1, 1]} : vector<96x8192xf32> to vector<96x256xf32>
    %reduce_sum3A_160 = arith.constant dense<0.000000e+00> : vector<96xf32>
    %reduce_sum3A_161 = vector.multi_reduction <add>, %slice3A_159, %reduce_sum3A_160 [1] : vector<96x256xf32> to vector<96xf32>
    %broadcast_in_dim3A_162 = vector.shape_cast %reduce_sum3A_161 : vector<96xf32> to vector<96x1xf32>
    %add3A_163 = arith.addf %add3A_158, %broadcast_in_dim3A_162 : vector<96x1xf32>
    %slice3A_164 = vector.extract_strided_slice %select_n3A {offsets = [0, 7936], sizes = [96, 256], strides = [1, 1]} : vector<96x8192xf32> to vector<96x256xf32>
    %reduce_sum3A_165 = arith.constant dense<0.000000e+00> : vector<96xf32>
    %reduce_sum3A_166 = vector.multi_reduction <add>, %slice3A_164, %reduce_sum3A_165 [1] : vector<96x256xf32> to vector<96xf32>
    %broadcast_in_dim3A_167 = vector.shape_cast %reduce_sum3A_166 : vector<96xf32> to vector<96x1xf32>
    %add3A_168 = arith.addf %add3A_163, %broadcast_in_dim3A_167 : vector<96x1xf32>
    %broadcast_in_dim3A_169 = vector.shape_cast %add3A_168 : vector<96x1xf32> to vector<96x1xf32>
    %broadcast_in_dim3A_170 = vector.broadcast %broadcast_in_dim3A_169 : vector<96x1xf32> to vector<96x128xf32>
    %swap3A = arith.constant 0 : index
    %swap3A_171 = arith.constant 0 : index
    %swap3A_172 = vector.load %arg5[%swap3A, %swap3A_171] : memref<96x128xf32, #tpu.memory_space<vmem>>, vector<96x128xf32>
    tpu.vector_store %arg5[%swap3A, %swap3A_171], %broadcast_in_dim3A_170 {strides = array<i32>} : memref<96x128xf32, #tpu.memory_space<vmem>>, vector<96x128xf32>,
    %get3A_173 = arith.constant 0 : index
    %get3A_174 = arith.constant 0 : index
    %get3A_175 = vector.load %arg3[%get3A_173, %get3A_174] : memref<256x256xf32, #tpu.memory_space<vmem>>, vector<256x256xf32>
    %slice3A_176 = vector.extract_strided_slice %select_n3A {offsets = [0, 0], sizes = [96, 256], strides = [1, 1]} : vector<96x8192xf32> to vector<96x256xf32>
    %dot_general3A = arith.constant dense<0.000000e+00> : vector<96x256xf32>
    %dot_general3A_177 = tpu.matmul %slice3A_176, %get3A_175, %dot_general3A {dimension_numbers = #tpu.dot_dimension_numbers<[1], [0], [0], [1], [0, 0, 1, 1], [], []>, transpose_lhs_hint = false} : vector<96x256xf32>, vector<256x256xf32>, vector<96x256xf32> -> vector<96x256xf32>
    %add3A_178 = vector.broadcast %get3A_11 : vector<96x1xf32> to vector<96x256xf32>
    %add3A_179 = arith.addf %dot_general3A_177, %add3A_178 : vector<96x256xf32>
    %swap3A_180 = arith.constant 0 : index
    %swap3A_181 = arith.constant 0 : index
    %swap3A_182 = vector.load %arg4[%swap3A_180, %swap3A_181] : memref<96x8192xf32, #tpu.memory_space<vmem>>, vector<96x256xf32>
    tpu.vector_store %arg4[%swap3A_180, %swap3A_181], %add3A_179 {strides = array<i32>} : memref<96x8192xf32, #tpu.memory_space<vmem>>, vector<96x256xf32>,
    %slice3A_183 = vector.extract_strided_slice %select_n3A {offsets = [0, 256], sizes = [96, 256], strides = [1, 1]} : vector<96x8192xf32> to vector<96x256xf32>
    %dot_general3A_184 = arith.constant dense<0.000000e+00> : vector<96x256xf32>
    %dot_general3A_185 = tpu.matmul %slice3A_183, %get3A_175, %dot_general3A_184 {dimension_numbers = #tpu.dot_dimension_numbers<[1], [0], [0], [1], [0, 0, 1, 1], [], []>, transpose_lhs_hint = false} : vector<96x256xf32>, vector<256x256xf32>, vector<96x256xf32> -> vector<96x256xf32>
    %add3A_186 = vector.broadcast %add3A : vector<96x1xf32> to vector<96x256xf32>
    %add3A_187 = arith.addf %dot_general3A_185, %add3A_186 : vector<96x256xf32>
    %swap3A_188 = arith.constant 0 : index
    %swap3A_189 = arith.constant 256 : index
    %swap3A_190 = vector.load %arg4[%swap3A_188, %swap3A_189] : memref<96x8192xf32, #tpu.memory_space<vmem>>, vector<96x256xf32>
    tpu.vector_store %arg4[%swap3A_188, %swap3A_189], %add3A_187 {strides = array<i32>} : memref<96x8192xf32, #tpu.memory_space<vmem>>, vector<96x256xf32>,
    %slice3A_191 = vector.extract_strided_slice %select_n3A {offsets = [0, 512], sizes = [96, 256], strides = [1, 1]} : vector<96x8192xf32> to vector<96x256xf32>
    %dot_general3A_192 = arith.constant dense<0.000000e+00> : vector<96x256xf32>
    %dot_general3A_193 = tpu.matmul %slice3A_191, %get3A_175, %dot_general3A_192 {dimension_numbers = #tpu.dot_dimension_numbers<[1], [0], [0], [1], [0, 0, 1, 1], [], []>, transpose_lhs_hint = false} : vector<96x256xf32>, vector<256x256xf32>, vector<96x256xf32> -> vector<96x256xf32>
    %add3A_194 = vector.broadcast %add3A_18 : vector<96x1xf32> to vector<96x256xf32>
    %add3A_195 = arith.addf %dot_general3A_193, %add3A_194 : vector<96x256xf32>
    %swap3A_196 = arith.constant 0 : index
    %swap3A_197 = arith.constant 512 : index
    %swap3A_198 = vector.load %arg4[%swap3A_196, %swap3A_197] : memref<96x8192xf32, #tpu.memory_space<vmem>>, vector<96x256xf32>
    tpu.vector_store %arg4[%swap3A_196, %swap3A_197], %add3A_195 {strides = array<i32>} : memref<96x8192xf32, #tpu.memory_space<vmem>>, vector<96x256xf32>,
    %slice3A_199 = vector.extract_strided_slice %select_n3A {offsets = [0, 768], sizes = [96, 256], strides = [1, 1]} : vector<96x8192xf32> to vector<96x256xf32>
    %dot_general3A_200 = arith.constant dense<0.000000e+00> : vector<96x256xf32>
    %dot_general3A_201 = tpu.matmul %slice3A_199, %get3A_175, %dot_general3A_200 {dimension_numbers = #tpu.dot_dimension_numbers<[1], [0], [0], [1], [0, 0, 1, 1], [], []>, transpose_lhs_hint = false} : vector<96x256xf32>, vector<256x256xf32>, vector<96x256xf32> -> vector<96x256xf32>
    %add3A_202 = vector.broadcast %add3A_23 : vector<96x1xf32> to vector<96x256xf32>
    %add3A_203 = arith.addf %dot_general3A_201, %add3A_202 : vector<96x256xf32>
    %swap3A_204 = arith.constant 0 : index
    %swap3A_205 = arith.constant 768 : index
    %swap3A_206 = vector.load %arg4[%swap3A_204, %swap3A_205] : memref<96x8192xf32, #tpu.memory_space<vmem>>, vector<96x256xf32>
    tpu.vector_store %arg4[%swap3A_204, %swap3A_205], %add3A_203 {strides = array<i32>} : memref<96x8192xf32, #tpu.memory_space<vmem>>, vector<96x256xf32>,
    %slice3A_207 = vector.extract_strided_slice %select_n3A {offsets = [0, 1024], sizes = [96, 256], strides = [1, 1]} : vector<96x8192xf32> to vector<96x256xf32>
    %dot_general3A_208 = arith.constant dense<0.000000e+00> : vector<96x256xf32>
    %dot_general3A_209 = tpu.matmul %slice3A_207, %get3A_175, %dot_general3A_208 {dimension_numbers = #tpu.dot_dimension_numbers<[1], [0], [0], [1], [0, 0, 1, 1], [], []>, transpose_lhs_hint = false} : vector<96x256xf32>, vector<256x256xf32>, vector<96x256xf32> -> vector<96x256xf32>
    %add3A_210 = vector.broadcast %add3A_28 : vector<96x1xf32> to vector<96x256xf32>
    %add3A_211 = arith.addf %dot_general3A_209, %add3A_210 : vector<96x256xf32>
    %swap3A_212 = arith.constant 0 : index
    %swap3A_213 = arith.constant 1024 : index
    %swap3A_214 = vector.load %arg4[%swap3A_212, %swap3A_213] : memref<96x8192xf32, #tpu.memory_space<vmem>>, vector<96x256xf32>
    tpu.vector_store %arg4[%swap3A_212, %swap3A_213], %add3A_211 {strides = array<i32>} : memref<96x8192xf32, #tpu.memory_space<vmem>>, vector<96x256xf32>,
    %slice3A_215 = vector.extract_strided_slice %select_n3A {offsets = [0, 1280], sizes = [96, 256], strides = [1, 1]} : vector<96x8192xf32> to vector<96x256xf32>
    %dot_general3A_216 = arith.constant dense<0.000000e+00> : vector<96x256xf32>
    %dot_general3A_217 = tpu.matmul %slice3A_215, %get3A_175, %dot_general3A_216 {dimension_numbers = #tpu.dot_dimension_numbers<[1], [0], [0], [1], [0, 0, 1, 1], [], []>, transpose_lhs_hint = false} : vector<96x256xf32>, vector<256x256xf32>, vector<96x256xf32> -> vector<96x256xf32>
    %add3A_218 = vector.broadcast %add3A_33 : vector<96x1xf32> to vector<96x256xf32>
    %add3A_219 = arith.addf %dot_general3A_217, %add3A_218 : vector<96x256xf32>
    %swap3A_220 = arith.constant 0 : index
    %swap3A_221 = arith.constant 1280 : index
    %swap3A_222 = vector.load %arg4[%swap3A_220, %swap3A_221] : memref<96x8192xf32, #tpu.memory_space<vmem>>, vector<96x256xf32>
    tpu.vector_store %arg4[%swap3A_220, %swap3A_221], %add3A_219 {strides = array<i32>} : memref<96x8192xf32, #tpu.memory_space<vmem>>, vector<96x256xf32>,
    %slice3A_223 = vector.extract_strided_slice %select_n3A {offsets = [0, 1536], sizes = [96, 256], strides = [1, 1]} : vector<96x8192xf32> to vector<96x256xf32>
    %dot_general3A_224 = arith.constant dense<0.000000e+00> : vector<96x256xf32>
    %dot_general3A_225 = tpu.matmul %slice3A_223, %get3A_175, %dot_general3A_224 {dimension_numbers = #tpu.dot_dimension_numbers<[1], [0], [0], [1], [0, 0, 1, 1], [], []>, transpose_lhs_hint = false} : vector<96x256xf32>, vector<256x256xf32>, vector<96x256xf32> -> vector<96x256xf32>
    %add3A_226 = vector.broadcast %add3A_38 : vector<96x1xf32> to vector<96x256xf32>
    %add3A_227 = arith.addf %dot_general3A_225, %add3A_226 : vector<96x256xf32>
    %swap3A_228 = arith.constant 0 : index
    %swap3A_229 = arith.constant 1536 : index
    %swap3A_230 = vector.load %arg4[%swap3A_228, %swap3A_229] : memref<96x8192xf32, #tpu.memory_space<vmem>>, vector<96x256xf32>
    tpu.vector_store %arg4[%swap3A_228, %swap3A_229], %add3A_227 {strides = array<i32>} : memref<96x8192xf32, #tpu.memory_space<vmem>>, vector<96x256xf32>,
    %slice3A_231 = vector.extract_strided_slice %select_n3A {offsets = [0, 1792], sizes = [96, 256], strides = [1, 1]} : vector<96x8192xf32> to vector<96x256xf32>
    %dot_general3A_232 = arith.constant dense<0.000000e+00> : vector<96x256xf32>
    %dot_general3A_233 = tpu.matmul %slice3A_231, %get3A_175, %dot_general3A_232 {dimension_numbers = #tpu.dot_dimension_numbers<[1], [0], [0], [1], [0, 0, 1, 1], [], []>, transpose_lhs_hint = false} : vector<96x256xf32>, vector<256x256xf32>, vector<96x256xf32> -> vector<96x256xf32>
    %add3A_234 = vector.broadcast %add3A_43 : vector<96x1xf32> to vector<96x256xf32>
    %add3A_235 = arith.addf %dot_general3A_233, %add3A_234 : vector<96x256xf32>
    %swap3A_236 = arith.constant 0 : index
    %swap3A_237 = arith.constant 1792 : index
    %swap3A_238 = vector.load %arg4[%swap3A_236, %swap3A_237] : memref<96x8192xf32, #tpu.memory_space<vmem>>, vector<96x256xf32>
    tpu.vector_store %arg4[%swap3A_236, %swap3A_237], %add3A_235 {strides = array<i32>} : memref<96x8192xf32, #tpu.memory_space<vmem>>, vector<96x256xf32>,
    %slice3A_239 = vector.extract_strided_slice %select_n3A {offsets = [0, 2048], sizes = [96, 256], strides = [1, 1]} : vector<96x8192xf32> to vector<96x256xf32>
    %dot_general3A_240 = arith.constant dense<0.000000e+00> : vector<96x256xf32>
    %dot_general3A_241 = tpu.matmul %slice3A_239, %get3A_175, %dot_general3A_240 {dimension_numbers = #tpu.dot_dimension_numbers<[1], [0], [0], [1], [0, 0, 1, 1], [], []>, transpose_lhs_hint = false} : vector<96x256xf32>, vector<256x256xf32>, vector<96x256xf32> -> vector<96x256xf32>
    %add3A_242 = vector.broadcast %add3A_48 : vector<96x1xf32> to vector<96x256xf32>
    %add3A_243 = arith.addf %dot_general3A_241, %add3A_242 : vector<96x256xf32>
    %swap3A_244 = arith.constant 0 : index
    %swap3A_245 = arith.constant 2048 : index
    %swap3A_246 = vector.load %arg4[%swap3A_244, %swap3A_245] : memref<96x8192xf32, #tpu.memory_space<vmem>>, vector<96x256xf32>
    tpu.vector_store %arg4[%swap3A_244, %swap3A_245], %add3A_243 {strides = array<i32>} : memref<96x8192xf32, #tpu.memory_space<vmem>>, vector<96x256xf32>,
    %slice3A_247 = vector.extract_strided_slice %select_n3A {offsets = [0, 2304], sizes = [96, 256], strides = [1, 1]} : vector<96x8192xf32> to vector<96x256xf32>
    %dot_general3A_248 = arith.constant dense<0.000000e+00> : vector<96x256xf32>
    %dot_general3A_249 = tpu.matmul %slice3A_247, %get3A_175, %dot_general3A_248 {dimension_numbers = #tpu.dot_dimension_numbers<[1], [0], [0], [1], [0, 0, 1, 1], [], []>, transpose_lhs_hint = false} : vector<96x256xf32>, vector<256x256xf32>, vector<96x256xf32> -> vector<96x256xf32>
    %add3A_250 = vector.broadcast %add3A_53 : vector<96x1xf32> to vector<96x256xf32>
    %add3A_251 = arith.addf %dot_general3A_249, %add3A_250 : vector<96x256xf32>
    %swap3A_252 = arith.constant 0 : index
    %swap3A_253 = arith.constant 2304 : index
    %swap3A_254 = vector.load %arg4[%swap3A_252, %swap3A_253] : memref<96x8192xf32, #tpu.memory_space<vmem>>, vector<96x256xf32>
    tpu.vector_store %arg4[%swap3A_252, %swap3A_253], %add3A_251 {strides = array<i32>} : memref<96x8192xf32, #tpu.memory_space<vmem>>, vector<96x256xf32>,
    %slice3A_255 = vector.extract_strided_slice %select_n3A {offsets = [0, 2560], sizes = [96, 256], strides = [1, 1]} : vector<96x8192xf32> to vector<96x256xf32>
    %dot_general3A_256 = arith.constant dense<0.000000e+00> : vector<96x256xf32>
    %dot_general3A_257 = tpu.matmul %slice3A_255, %get3A_175, %dot_general3A_256 {dimension_numbers = #tpu.dot_dimension_numbers<[1], [0], [0], [1], [0, 0, 1, 1], [], []>, transpose_lhs_hint = false} : vector<96x256xf32>, vector<256x256xf32>, vector<96x256xf32> -> vector<96x256xf32>
    %add3A_258 = vector.broadcast %add3A_58 : vector<96x1xf32> to vector<96x256xf32>
    %add3A_259 = arith.addf %dot_general3A_257, %add3A_258 : vector<96x256xf32>
    %swap3A_260 = arith.constant 0 : index
    %swap3A_261 = arith.constant 2560 : index
    %swap3A_262 = vector.load %arg4[%swap3A_260, %swap3A_261] : memref<96x8192xf32, #tpu.memory_space<vmem>>, vector<96x256xf32>
    tpu.vector_store %arg4[%swap3A_260, %swap3A_261], %add3A_259 {strides = array<i32>} : memref<96x8192xf32, #tpu.memory_space<vmem>>, vector<96x256xf32>,
    %slice3A_263 = vector.extract_strided_slice %select_n3A {offsets = [0, 2816], sizes = [96, 256], strides = [1, 1]} : vector<96x8192xf32> to vector<96x256xf32>
    %dot_general3A_264 = arith.constant dense<0.000000e+00> : vector<96x256xf32>
    %dot_general3A_265 = tpu.matmul %slice3A_263, %get3A_175, %dot_general3A_264 {dimension_numbers = #tpu.dot_dimension_numbers<[1], [0], [0], [1], [0, 0, 1, 1], [], []>, transpose_lhs_hint = false} : vector<96x256xf32>, vector<256x256xf32>, vector<96x256xf32> -> vector<96x256xf32>
    %add3A_266 = vector.broadcast %add3A_63 : vector<96x1xf32> to vector<96x256xf32>
    %add3A_267 = arith.addf %dot_general3A_265, %add3A_266 : vector<96x256xf32>
    %swap3A_268 = arith.constant 0 : index
    %swap3A_269 = arith.constant 2816 : index
    %swap3A_270 = vector.load %arg4[%swap3A_268, %swap3A_269] : memref<96x8192xf32, #tpu.memory_space<vmem>>, vector<96x256xf32>
    tpu.vector_store %arg4[%swap3A_268, %swap3A_269], %add3A_267 {strides = array<i32>} : memref<96x8192xf32, #tpu.memory_space<vmem>>, vector<96x256xf32>,
    %slice3A_271 = vector.extract_strided_slice %select_n3A {offsets = [0, 3072], sizes = [96, 256], strides = [1, 1]} : vector<96x8192xf32> to vector<96x256xf32>
    %dot_general3A_272 = arith.constant dense<0.000000e+00> : vector<96x256xf32>
    %dot_general3A_273 = tpu.matmul %slice3A_271, %get3A_175, %dot_general3A_272 {dimension_numbers = #tpu.dot_dimension_numbers<[1], [0], [0], [1], [0, 0, 1, 1], [], []>, transpose_lhs_hint = false} : vector<96x256xf32>, vector<256x256xf32>, vector<96x256xf32> -> vector<96x256xf32>
    %add3A_274 = vector.broadcast %add3A_68 : vector<96x1xf32> to vector<96x256xf32>
    %add3A_275 = arith.addf %dot_general3A_273, %add3A_274 : vector<96x256xf32>
    %swap3A_276 = arith.constant 0 : index
    %swap3A_277 = arith.constant 3072 : index
    %swap3A_278 = vector.load %arg4[%swap3A_276, %swap3A_277] : memref<96x8192xf32, #tpu.memory_space<vmem>>, vector<96x256xf32>
    tpu.vector_store %arg4[%swap3A_276, %swap3A_277], %add3A_275 {strides = array<i32>} : memref<96x8192xf32, #tpu.memory_space<vmem>>, vector<96x256xf32>,
    %slice3A_279 = vector.extract_strided_slice %select_n3A {offsets = [0, 3328], sizes = [96, 256], strides = [1, 1]} : vector<96x8192xf32> to vector<96x256xf32>
    %dot_general3A_280 = arith.constant dense<0.000000e+00> : vector<96x256xf32>
    %dot_general3A_281 = tpu.matmul %slice3A_279, %get3A_175, %dot_general3A_280 {dimension_numbers = #tpu.dot_dimension_numbers<[1], [0], [0], [1], [0, 0, 1, 1], [], []>, transpose_lhs_hint = false} : vector<96x256xf32>, vector<256x256xf32>, vector<96x256xf32> -> vector<96x256xf32>
    %add3A_282 = vector.broadcast %add3A_73 : vector<96x1xf32> to vector<96x256xf32>
    %add3A_283 = arith.addf %dot_general3A_281, %add3A_282 : vector<96x256xf32>
    %swap3A_284 = arith.constant 0 : index
    %swap3A_285 = arith.constant 3328 : index
    %swap3A_286 = vector.load %arg4[%swap3A_284, %swap3A_285] : memref<96x8192xf32, #tpu.memory_space<vmem>>, vector<96x256xf32>
    tpu.vector_store %arg4[%swap3A_284, %swap3A_285], %add3A_283 {strides = array<i32>} : memref<96x8192xf32, #tpu.memory_space<vmem>>, vector<96x256xf32>,
    %slice3A_287 = vector.extract_strided_slice %select_n3A {offsets = [0, 3584], sizes = [96, 256], strides = [1, 1]} : vector<96x8192xf32> to vector<96x256xf32>
    %dot_general3A_288 = arith.constant dense<0.000000e+00> : vector<96x256xf32>
    %dot_general3A_289 = tpu.matmul %slice3A_287, %get3A_175, %dot_general3A_288 {dimension_numbers = #tpu.dot_dimension_numbers<[1], [0], [0], [1], [0, 0, 1, 1], [], []>, transpose_lhs_hint = false} : vector<96x256xf32>, vector<256x256xf32>, vector<96x256xf32> -> vector<96x256xf32>
    %add3A_290 = vector.broadcast %add3A_78 : vector<96x1xf32> to vector<96x256xf32>
    %add3A_291 = arith.addf %dot_general3A_289, %add3A_290 : vector<96x256xf32>
    %swap3A_292 = arith.constant 0 : index
    %swap3A_293 = arith.constant 3584 : index
    %swap3A_294 = vector.load %arg4[%swap3A_292, %swap3A_293] : memref<96x8192xf32, #tpu.memory_space<vmem>>, vector<96x256xf32>
    tpu.vector_store %arg4[%swap3A_292, %swap3A_293], %add3A_291 {strides = array<i32>} : memref<96x8192xf32, #tpu.memory_space<vmem>>, vector<96x256xf32>,
    %slice3A_295 = vector.extract_strided_slice %select_n3A {offsets = [0, 3840], sizes = [96, 256], strides = [1, 1]} : vector<96x8192xf32> to vector<96x256xf32>
    %dot_general3A_296 = arith.constant dense<0.000000e+00> : vector<96x256xf32>
    %dot_general3A_297 = tpu.matmul %slice3A_295, %get3A_175, %dot_general3A_296 {dimension_numbers = #tpu.dot_dimension_numbers<[1], [0], [0], [1], [0, 0, 1, 1], [], []>, transpose_lhs_hint = false} : vector<96x256xf32>, vector<256x256xf32>, vector<96x256xf32> -> vector<96x256xf32>
    %add3A_298 = vector.broadcast %add3A_83 : vector<96x1xf32> to vector<96x256xf32>
    %add3A_299 = arith.addf %dot_general3A_297, %add3A_298 : vector<96x256xf32>
    %swap3A_300 = arith.constant 0 : index
    %swap3A_301 = arith.constant 3840 : index
    %swap3A_302 = vector.load %arg4[%swap3A_300, %swap3A_301] : memref<96x8192xf32, #tpu.memory_space<vmem>>, vector<96x256xf32>
    tpu.vector_store %arg4[%swap3A_300, %swap3A_301], %add3A_299 {strides = array<i32>} : memref<96x8192xf32, #tpu.memory_space<vmem>>, vector<96x256xf32>,
    %slice3A_303 = vector.extract_strided_slice %select_n3A {offsets = [0, 4096], sizes = [96, 256], strides = [1, 1]} : vector<96x8192xf32> to vector<96x256xf32>
    %dot_general3A_304 = arith.constant dense<0.000000e+00> : vector<96x256xf32>
    %dot_general3A_305 = tpu.matmul %slice3A_303, %get3A_175, %dot_general3A_304 {dimension_numbers = #tpu.dot_dimension_numbers<[1], [0], [0], [1], [0, 0, 1, 1], [], []>, transpose_lhs_hint = false} : vector<96x256xf32>, vector<256x256xf32>, vector<96x256xf32> -> vector<96x256xf32>
    %add3A_306 = vector.broadcast %add3A_88 : vector<96x1xf32> to vector<96x256xf32>
    %add3A_307 = arith.addf %dot_general3A_305, %add3A_306 : vector<96x256xf32>
    %swap3A_308 = arith.constant 0 : index
    %swap3A_309 = arith.constant 4096 : index
    %swap3A_310 = vector.load %arg4[%swap3A_308, %swap3A_309] : memref<96x8192xf32, #tpu.memory_space<vmem>>, vector<96x256xf32>
    tpu.vector_store %arg4[%swap3A_308, %swap3A_309], %add3A_307 {strides = array<i32>} : memref<96x8192xf32, #tpu.memory_space<vmem>>, vector<96x256xf32>,
    %slice3A_311 = vector.extract_strided_slice %select_n3A {offsets = [0, 4352], sizes = [96, 256], strides = [1, 1]} : vector<96x8192xf32> to vector<96x256xf32>
    %dot_general3A_312 = arith.constant dense<0.000000e+00> : vector<96x256xf32>
    %dot_general3A_313 = tpu.matmul %slice3A_311, %get3A_175, %dot_general3A_312 {dimension_numbers = #tpu.dot_dimension_numbers<[1], [0], [0], [1], [0, 0, 1, 1], [], []>, transpose_lhs_hint = false} : vector<96x256xf32>, vector<256x256xf32>, vector<96x256xf32> -> vector<96x256xf32>
    %add3A_314 = vector.broadcast %add3A_93 : vector<96x1xf32> to vector<96x256xf32>
    %add3A_315 = arith.addf %dot_general3A_313, %add3A_314 : vector<96x256xf32>
    %swap3A_316 = arith.constant 0 : index
    %swap3A_317 = arith.constant 4352 : index
    %swap3A_318 = vector.load %arg4[%swap3A_316, %swap3A_317] : memref<96x8192xf32, #tpu.memory_space<vmem>>, vector<96x256xf32>
    tpu.vector_store %arg4[%swap3A_316, %swap3A_317], %add3A_315 {strides = array<i32>} : memref<96x8192xf32, #tpu.memory_space<vmem>>, vector<96x256xf32>,
    %slice3A_319 = vector.extract_strided_slice %select_n3A {offsets = [0, 4608], sizes = [96, 256], strides = [1, 1]} : vector<96x8192xf32> to vector<96x256xf32>
    %dot_general3A_320 = arith.constant dense<0.000000e+00> : vector<96x256xf32>
    %dot_general3A_321 = tpu.matmul %slice3A_319, %get3A_175, %dot_general3A_320 {dimension_numbers = #tpu.dot_dimension_numbers<[1], [0], [0], [1], [0, 0, 1, 1], [], []>, transpose_lhs_hint = false} : vector<96x256xf32>, vector<256x256xf32>, vector<96x256xf32> -> vector<96x256xf32>
    %add3A_322 = vector.broadcast %add3A_98 : vector<96x1xf32> to vector<96x256xf32>
    %add3A_323 = arith.addf %dot_general3A_321, %add3A_322 : vector<96x256xf32>
    %swap3A_324 = arith.constant 0 : index
    %swap3A_325 = arith.constant 4608 : index
    %swap3A_326 = vector.load %arg4[%swap3A_324, %swap3A_325] : memref<96x8192xf32, #tpu.memory_space<vmem>>, vector<96x256xf32>
    tpu.vector_store %arg4[%swap3A_324, %swap3A_325], %add3A_323 {strides = array<i32>} : memref<96x8192xf32, #tpu.memory_space<vmem>>, vector<96x256xf32>,
    %slice3A_327 = vector.extract_strided_slice %select_n3A {offsets = [0, 4864], sizes = [96, 256], strides = [1, 1]} : vector<96x8192xf32> to vector<96x256xf32>
    %dot_general3A_328 = arith.constant dense<0.000000e+00> : vector<96x256xf32>
    %dot_general3A_329 = tpu.matmul %slice3A_327, %get3A_175, %dot_general3A_328 {dimension_numbers = #tpu.dot_dimension_numbers<[1], [0], [0], [1], [0, 0, 1, 1], [], []>, transpose_lhs_hint = false} : vector<96x256xf32>, vector<256x256xf32>, vector<96x256xf32> -> vector<96x256xf32>
    %add3A_330 = vector.broadcast %add3A_103 : vector<96x1xf32> to vector<96x256xf32>
    %add3A_331 = arith.addf %dot_general3A_329, %add3A_330 : vector<96x256xf32>
    %swap3A_332 = arith.constant 0 : index
    %swap3A_333 = arith.constant 4864 : index
    %swap3A_334 = vector.load %arg4[%swap3A_332, %swap3A_333] : memref<96x8192xf32, #tpu.memory_space<vmem>>, vector<96x256xf32>
    tpu.vector_store %arg4[%swap3A_332, %swap3A_333], %add3A_331 {strides = array<i32>} : memref<96x8192xf32, #tpu.memory_space<vmem>>, vector<96x256xf32>,
    %slice3A_335 = vector.extract_strided_slice %select_n3A {offsets = [0, 5120], sizes = [96, 256], strides = [1, 1]} : vector<96x8192xf32> to vector<96x256xf32>
    %dot_general3A_336 = arith.constant dense<0.000000e+00> : vector<96x256xf32>
    %dot_general3A_337 = tpu.matmul %slice3A_335, %get3A_175, %dot_general3A_336 {dimension_numbers = #tpu.dot_dimension_numbers<[1], [0], [0], [1], [0, 0, 1, 1], [], []>, transpose_lhs_hint = false} : vector<96x256xf32>, vector<256x256xf32>, vector<96x256xf32> -> vector<96x256xf32>
    %add3A_338 = vector.broadcast %add3A_108 : vector<96x1xf32> to vector<96x256xf32>
    %add3A_339 = arith.addf %dot_general3A_337, %add3A_338 : vector<96x256xf32>
    %swap3A_340 = arith.constant 0 : index
    %swap3A_341 = arith.constant 5120 : index
    %swap3A_342 = vector.load %arg4[%swap3A_340, %swap3A_341] : memref<96x8192xf32, #tpu.memory_space<vmem>>, vector<96x256xf32>
    tpu.vector_store %arg4[%swap3A_340, %swap3A_341], %add3A_339 {strides = array<i32>} : memref<96x8192xf32, #tpu.memory_space<vmem>>, vector<96x256xf32>,
    %slice3A_343 = vector.extract_strided_slice %select_n3A {offsets = [0, 5376], sizes = [96, 256], strides = [1, 1]} : vector<96x8192xf32> to vector<96x256xf32>
    %dot_general3A_344 = arith.constant dense<0.000000e+00> : vector<96x256xf32>
    %dot_general3A_345 = tpu.matmul %slice3A_343, %get3A_175, %dot_general3A_344 {dimension_numbers = #tpu.dot_dimension_numbers<[1], [0], [0], [1], [0, 0, 1, 1], [], []>, transpose_lhs_hint = false} : vector<96x256xf32>, vector<256x256xf32>, vector<96x256xf32> -> vector<96x256xf32>
    %add3A_346 = vector.broadcast %add3A_113 : vector<96x1xf32> to vector<96x256xf32>
    %add3A_347 = arith.addf %dot_general3A_345, %add3A_346 : vector<96x256xf32>
    %swap3A_348 = arith.constant 0 : index
    %swap3A_349 = arith.constant 5376 : index
    %swap3A_350 = vector.load %arg4[%swap3A_348, %swap3A_349] : memref<96x8192xf32, #tpu.memory_space<vmem>>, vector<96x256xf32>
    tpu.vector_store %arg4[%swap3A_348, %swap3A_349], %add3A_347 {strides = array<i32>} : memref<96x8192xf32, #tpu.memory_space<vmem>>, vector<96x256xf32>,
    %slice3A_351 = vector.extract_strided_slice %select_n3A {offsets = [0, 5632], sizes = [96, 256], strides = [1, 1]} : vector<96x8192xf32> to vector<96x256xf32>
    %dot_general3A_352 = arith.constant dense<0.000000e+00> : vector<96x256xf32>
    %dot_general3A_353 = tpu.matmul %slice3A_351, %get3A_175, %dot_general3A_352 {dimension_numbers = #tpu.dot_dimension_numbers<[1], [0], [0], [1], [0, 0, 1, 1], [], []>, transpose_lhs_hint = false} : vector<96x256xf32>, vector<256x256xf32>, vector<96x256xf32> -> vector<96x256xf32>
    %add3A_354 = vector.broadcast %add3A_118 : vector<96x1xf32> to vector<96x256xf32>
    %add3A_355 = arith.addf %dot_general3A_353, %add3A_354 : vector<96x256xf32>
    %swap3A_356 = arith.constant 0 : index
    %swap3A_357 = arith.constant 5632 : index
    %swap3A_358 = vector.load %arg4[%swap3A_356, %swap3A_357] : memref<96x8192xf32, #tpu.memory_space<vmem>>, vector<96x256xf32>
    tpu.vector_store %arg4[%swap3A_356, %swap3A_357], %add3A_355 {strides = array<i32>} : memref<96x8192xf32, #tpu.memory_space<vmem>>, vector<96x256xf32>,
    %slice3A_359 = vector.extract_strided_slice %select_n3A {offsets = [0, 5888], sizes = [96, 256], strides = [1, 1]} : vector<96x8192xf32> to vector<96x256xf32>
    %dot_general3A_360 = arith.constant dense<0.000000e+00> : vector<96x256xf32>
    %dot_general3A_361 = tpu.matmul %slice3A_359, %get3A_175, %dot_general3A_360 {dimension_numbers = #tpu.dot_dimension_numbers<[1], [0], [0], [1], [0, 0, 1, 1], [], []>, transpose_lhs_hint = false} : vector<96x256xf32>, vector<256x256xf32>, vector<96x256xf32> -> vector<96x256xf32>
    %add3A_362 = vector.broadcast %add3A_123 : vector<96x1xf32> to vector<96x256xf32>
    %add3A_363 = arith.addf %dot_general3A_361, %add3A_362 : vector<96x256xf32>
    %swap3A_364 = arith.constant 0 : index
    %swap3A_365 = arith.constant 5888 : index
    %swap3A_366 = vector.load %arg4[%swap3A_364, %swap3A_365] : memref<96x8192xf32, #tpu.memory_space<vmem>>, vector<96x256xf32>
    tpu.vector_store %arg4[%swap3A_364, %swap3A_365], %add3A_363 {strides = array<i32>} : memref<96x8192xf32, #tpu.memory_space<vmem>>, vector<96x256xf32>,
    %slice3A_367 = vector.extract_strided_slice %select_n3A {offsets = [0, 6144], sizes = [96, 256], strides = [1, 1]} : vector<96x8192xf32> to vector<96x256xf32>
    %dot_general3A_368 = arith.constant dense<0.000000e+00> : vector<96x256xf32>
    %dot_general3A_369 = tpu.matmul %slice3A_367, %get3A_175, %dot_general3A_368 {dimension_numbers = #tpu.dot_dimension_numbers<[1], [0], [0], [1], [0, 0, 1, 1], [], []>, transpose_lhs_hint = false} : vector<96x256xf32>, vector<256x256xf32>, vector<96x256xf32> -> vector<96x256xf32>
    %add3A_370 = vector.broadcast %add3A_128 : vector<96x1xf32> to vector<96x256xf32>
    %add3A_371 = arith.addf %dot_general3A_369, %add3A_370 : vector<96x256xf32>
    %swap3A_372 = arith.constant 0 : index
    %swap3A_373 = arith.constant 6144 : index
    %swap3A_374 = vector.load %arg4[%swap3A_372, %swap3A_373] : memref<96x8192xf32, #tpu.memory_space<vmem>>, vector<96x256xf32>
    tpu.vector_store %arg4[%swap3A_372, %swap3A_373], %add3A_371 {strides = array<i32>} : memref<96x8192xf32, #tpu.memory_space<vmem>>, vector<96x256xf32>,
    %slice3A_375 = vector.extract_strided_slice %select_n3A {offsets = [0, 6400], sizes = [96, 256], strides = [1, 1]} : vector<96x8192xf32> to vector<96x256xf32>
    %dot_general3A_376 = arith.constant dense<0.000000e+00> : vector<96x256xf32>
    %dot_general3A_377 = tpu.matmul %slice3A_375, %get3A_175, %dot_general3A_376 {dimension_numbers = #tpu.dot_dimension_numbers<[1], [0], [0], [1], [0, 0, 1, 1], [], []>, transpose_lhs_hint = false} : vector<96x256xf32>, vector<256x256xf32>, vector<96x256xf32> -> vector<96x256xf32>
    %add3A_378 = vector.broadcast %add3A_133 : vector<96x1xf32> to vector<96x256xf32>
    %add3A_379 = arith.addf %dot_general3A_377, %add3A_378 : vector<96x256xf32>
    %swap3A_380 = arith.constant 0 : index
    %swap3A_381 = arith.constant 6400 : index
    %swap3A_382 = vector.load %arg4[%swap3A_380, %swap3A_381] : memref<96x8192xf32, #tpu.memory_space<vmem>>, vector<96x256xf32>
    tpu.vector_store %arg4[%swap3A_380, %swap3A_381], %add3A_379 {strides = array<i32>} : memref<96x8192xf32, #tpu.memory_space<vmem>>, vector<96x256xf32>,
    %slice3A_383 = vector.extract_strided_slice %select_n3A {offsets = [0, 6656], sizes = [96, 256], strides = [1, 1]} : vector<96x8192xf32> to vector<96x256xf32>
    %dot_general3A_384 = arith.constant dense<0.000000e+00> : vector<96x256xf32>
    %dot_general3A_385 = tpu.matmul %slice3A_383, %get3A_175, %dot_general3A_384 {dimension_numbers = #tpu.dot_dimension_numbers<[1], [0], [0], [1], [0, 0, 1, 1], [], []>, transpose_lhs_hint = false} : vector<96x256xf32>, vector<256x256xf32>, vector<96x256xf32> -> vector<96x256xf32>
    %add3A_386 = vector.broadcast %add3A_138 : vector<96x1xf32> to vector<96x256xf32>
    %add3A_387 = arith.addf %dot_general3A_385, %add3A_386 : vector<96x256xf32>
    %swap3A_388 = arith.constant 0 : index
    %swap3A_389 = arith.constant 6656 : index
    %swap3A_390 = vector.load %arg4[%swap3A_388, %swap3A_389] : memref<96x8192xf32, #tpu.memory_space<vmem>>, vector<96x256xf32>
    tpu.vector_store %arg4[%swap3A_388, %swap3A_389], %add3A_387 {strides = array<i32>} : memref<96x8192xf32, #tpu.memory_space<vmem>>, vector<96x256xf32>,
    %slice3A_391 = vector.extract_strided_slice %select_n3A {offsets = [0, 6912], sizes = [96, 256], strides = [1, 1]} : vector<96x8192xf32> to vector<96x256xf32>
    %dot_general3A_392 = arith.constant dense<0.000000e+00> : vector<96x256xf32>
    %dot_general3A_393 = tpu.matmul %slice3A_391, %get3A_175, %dot_general3A_392 {dimension_numbers = #tpu.dot_dimension_numbers<[1], [0], [0], [1], [0, 0, 1, 1], [], []>, transpose_lhs_hint = false} : vector<96x256xf32>, vector<256x256xf32>, vector<96x256xf32> -> vector<96x256xf32>
    %add3A_394 = vector.broadcast %add3A_143 : vector<96x1xf32> to vector<96x256xf32>
    %add3A_395 = arith.addf %dot_general3A_393, %add3A_394 : vector<96x256xf32>
    %swap3A_396 = arith.constant 0 : index
    %swap3A_397 = arith.constant 6912 : index
    %swap3A_398 = vector.load %arg4[%swap3A_396, %swap3A_397] : memref<96x8192xf32, #tpu.memory_space<vmem>>, vector<96x256xf32>
    tpu.vector_store %arg4[%swap3A_396, %swap3A_397], %add3A_395 {strides = array<i32>} : memref<96x8192xf32, #tpu.memory_space<vmem>>, vector<96x256xf32>,
    %slice3A_399 = vector.extract_strided_slice %select_n3A {offsets = [0, 7168], sizes = [96, 256], strides = [1, 1]} : vector<96x8192xf32> to vector<96x256xf32>
    %dot_general3A_400 = arith.constant dense<0.000000e+00> : vector<96x256xf32>
    %dot_general3A_401 = tpu.matmul %slice3A_399, %get3A_175, %dot_general3A_400 {dimension_numbers = #tpu.dot_dimension_numbers<[1], [0], [0], [1], [0, 0, 1, 1], [], []>, transpose_lhs_hint = false} : vector<96x256xf32>, vector<256x256xf32>, vector<96x256xf32> -> vector<96x256xf32>
    %add3A_402 = vector.broadcast %add3A_148 : vector<96x1xf32> to vector<96x256xf32>
    %add3A_403 = arith.addf %dot_general3A_401, %add3A_402 : vector<96x256xf32>
    %swap3A_404 = arith.constant 0 : index
    %swap3A_405 = arith.constant 7168 : index
    %swap3A_406 = vector.load %arg4[%swap3A_404, %swap3A_405] : memref<96x8192xf32, #tpu.memory_space<vmem>>, vector<96x256xf32>
    tpu.vector_store %arg4[%swap3A_404, %swap3A_405], %add3A_403 {strides = array<i32>} : memref<96x8192xf32, #tpu.memory_space<vmem>>, vector<96x256xf32>,
    %slice3A_407 = vector.extract_strided_slice %select_n3A {offsets = [0, 7424], sizes = [96, 256], strides = [1, 1]} : vector<96x8192xf32> to vector<96x256xf32>
    %dot_general3A_408 = arith.constant dense<0.000000e+00> : vector<96x256xf32>
    %dot_general3A_409 = tpu.matmul %slice3A_407, %get3A_175, %dot_general3A_408 {dimension_numbers = #tpu.dot_dimension_numbers<[1], [0], [0], [1], [0, 0, 1, 1], [], []>, transpose_lhs_hint = false} : vector<96x256xf32>, vector<256x256xf32>, vector<96x256xf32> -> vector<96x256xf32>
    %add3A_410 = vector.broadcast %add3A_153 : vector<96x1xf32> to vector<96x256xf32>
    %add3A_411 = arith.addf %dot_general3A_409, %add3A_410 : vector<96x256xf32>
    %swap3A_412 = arith.constant 0 : index
    %swap3A_413 = arith.constant 7424 : index
    %swap3A_414 = vector.load %arg4[%swap3A_412, %swap3A_413] : memref<96x8192xf32, #tpu.memory_space<vmem>>, vector<96x256xf32>
    tpu.vector_store %arg4[%swap3A_412, %swap3A_413], %add3A_411 {strides = array<i32>} : memref<96x8192xf32, #tpu.memory_space<vmem>>, vector<96x256xf32>,
    %slice3A_415 = vector.extract_strided_slice %select_n3A {offsets = [0, 7680], sizes = [96, 256], strides = [1, 1]} : vector<96x8192xf32> to vector<96x256xf32>
    %dot_general3A_416 = arith.constant dense<0.000000e+00> : vector<96x256xf32>
    %dot_general3A_417 = tpu.matmul %slice3A_415, %get3A_175, %dot_general3A_416 {dimension_numbers = #tpu.dot_dimension_numbers<[1], [0], [0], [1], [0, 0, 1, 1], [], []>, transpose_lhs_hint = false} : vector<96x256xf32>, vector<256x256xf32>, vector<96x256xf32> -> vector<96x256xf32>
    %add3A_418 = vector.broadcast %add3A_158 : vector<96x1xf32> to vector<96x256xf32>
    %add3A_419 = arith.addf %dot_general3A_417, %add3A_418 : vector<96x256xf32>
    %swap3A_420 = arith.constant 0 : index
    %swap3A_421 = arith.constant 7680 : index
    %swap3A_422 = vector.load %arg4[%swap3A_420, %swap3A_421] : memref<96x8192xf32, #tpu.memory_space<vmem>>, vector<96x256xf32>
    tpu.vector_store %arg4[%swap3A_420, %swap3A_421], %add3A_419 {strides = array<i32>} : memref<96x8192xf32, #tpu.memory_space<vmem>>, vector<96x256xf32>,
    %slice3A_423 = vector.extract_strided_slice %select_n3A {offsets = [0, 7936], sizes = [96, 256], strides = [1, 1]} : vector<96x8192xf32> to vector<96x256xf32>
    %dot_general3A_424 = arith.constant dense<0.000000e+00> : vector<96x256xf32>
    %dot_general3A_425 = tpu.matmul %slice3A_423, %get3A_175, %dot_general3A_424 {dimension_numbers = #tpu.dot_dimension_numbers<[1], [0], [0], [1], [0, 0, 1, 1], [], []>, transpose_lhs_hint = false} : vector<96x256xf32>, vector<256x256xf32>, vector<96x256xf32> -> vector<96x256xf32>
    %add3A_426 = vector.broadcast %add3A_163 : vector<96x1xf32> to vector<96x256xf32>
    %add3A_427 = arith.addf %dot_general3A_425, %add3A_426 : vector<96x256xf32>
    %swap3A_428 = arith.constant 0 : index
    %swap3A_429 = arith.constant 7936 : index
    %swap3A_430 = vector.load %arg4[%swap3A_428, %swap3A_429] : memref<96x8192xf32, #tpu.memory_space<vmem>>, vector<96x256xf32>
    tpu.vector_store %arg4[%swap3A_428, %swap3A_429], %add3A_427 {strides = array<i32>} : memref<96x8192xf32, #tpu.memory_space<vmem>>, vector<96x256xf32>,
    return
  }
  func.func @transform_0(%arg0: i32) -> (i32, i32) {
    %c0_i32 = arith.constant 0 : i32
    %c0_i32_0 = arith.constant 0 : i32
    return %c0_i32, %arg0 : i32, i32
  }
  func.func @transform_1(%arg0: i32) -> (i32, i32) {
    %c0_i32 = arith.constant 0 : i32
    %c0_i32_0 = arith.constant 0 : i32
    return %c0_i32, %arg0 : i32, i32
  }
  func.func @transform_2(%arg0: i32) -> (i32, i32) {
    %c0_i32 = arith.constant 0 : i32
    %c0_i32_0 = arith.constant 0 : i32
    %c0_i32_1 = arith.constant 0 : i32
    return %c0_i32, %c0_i32_0 : i32, i32
  }
  func.func @transform_3(%arg0: i32) -> (i32, i32) {
    %c0_i32 = arith.constant 0 : i32
    %c0_i32_0 = arith.constant 0 : i32
    return %c0_i32, %arg0 : i32, i32
  }
}

</mosaic_0001>

<sc_bundles>
// kernel: kernel.4.cloned.1.call-start
scs
__scs_entry_jumppad:
0x0: {  	(pc) =	sbr.rel $0x88, $3  }
0x1: {  	(tag) =	ssettag $0x0;
	lr =	simm.s32 $0x1  }
0x2: {  	[smem:$0x3F9F] =	sst lr;
	_ =	strace $0xD0000000  }
0x3: {  	_ = 	snop  }
0x4: {  	_ = 	snop  }
0x5: {  	_ = 	snop  }
0x6: {  	_ = 	snop  }
0x7: {  	_ = 	snop  }
__scs_overlays_trampoline_lowered:
0x8: {  	[smem:$0x3FAE] =	sst s0  }
0x9: {  	[smem:$0x3FAF] =	sst s1  }
0xa: {  	[smem:$0x3FB0] =	sst s2  }
0xb: {  	[smem:$0x3FB1] =	sst s3  }
0xc: {  	[smem:$0x3FB2] =	sst s4  }
0xd: {  	[smem:$0x3FB3] =	sst s5  }
0xe: {  	[smem:$0x3FB4] =	sst s6  }
0xf: {  	[smem:$0x3FB5] =	sst s7  }
0x10: {  	[smem:$0x3FB6] =	sst s8  }
0x11: {  	[smem:$0x3FB7] =	sst s9;
	s0 =	simm.s32 @!p0 $0x0  }
0x12: {  	s1 =	sld [smem:$0x3F9D];
	s0 =	simm.s32 @p0 $0x1  }
0x13: {  	[smem:$0x3FB8] =	sst s0;
	s0 =	simm.s32 @!p1 $0x0  }
0x14: {  	s2 =	sld [smem:$0x3F9C];
	s0 =	simm.s32 @p1 $0x1  }
0x15: {  	[smem:$0x3FB9] =	sst s0;
	s0 =	simm.s32 @!p2 $0x0  }
0x16: {  	s3 =	sld [smem:$0x3FDB];
	s0 =	simm.s32 @p2 $0x1  }
0x17: {  	s4 =	simm.s32 $0x1BF5;
	[smem:$0x3FBB] =	sst s0  }
0x18: {  	s0 =	sld [smem:$0x3F9E];
	_ =	swait.ge [sflag:s4], $0x0  }
0x19: {  	s7 =	sld [smem:$0x3F9F]  }
0x1a: {  	s8 =	sadd.s32 $0xFFFFE003, lr  }
0x1b: {  	s9 =	sadd.s32 $0xFFFFFEF7, lr;
	s5 =	simm.s32 $0xFFFFFFFF;
	p2 =	slt.u32 s8, $0xFFFFF086  }
0x1c: {  	p1 =	slt.u32 s9, $0xF7A;
	s5 =	simm.s32 @!p2 $0x0  }
0x1d: {  	s5 =	simm.s32 @p1 $0x1;
	p0 =	seq.s32 s7, s2  }
0x1e: {  	s7 =	smul.u32 @!p0 $0xF7A, s2;
	p2 =	seq.s32 @!p0 s5, $0x0  }
0x1f: {  	s9 =	smul.u32 $0xF7A, s1;
	s8 =	simm.s32 @!p0 $0x1BF5;
	p2 =	por !p2, p0  }
0x20: {  	[sflag:s8] =	ssyncset.s32 @!p0 $0xFFFFF086;
	s6 =	sadd.s32 @!p0 s3, s7;
	s7 =	simm.s32 @!p0 $0x108  }
0x21: {  	s3 =	sadd.s32 s3, s9;
	s6 =	sadd.s32 @!p0 $0x88, s6;
	s7 =	simm.s32 @p2 $0x1082  }
0x22: {  	[simem:s7], [sflag:s8] =	dma.local @!p0 [hbm:s6], $0xF7A  }
0x23: {  	s9 =	sor.u32 $0xD0000000, s2;
	s6 =	simm.s32 $0x108;
	_ =	swait.ge @!p0 [sflag:s8], $0x0  }
0x24: {  	s3 =	sadd.s32 $0x88, s3;
	s6 =	simm.s32 @!p1 $0x1082;
	[sflag:s4] =	ssyncset.s32 $0xFFFFF086  }
0x25: {  	[simem:s6], [sflag:s4] =	dma.local [hbm:s3], $0xF7A  }
0x26: {  	[smem:$0x3F9F] =	sst s1;
	(tag) =	ssettag s2;
	_ =	strace s9  }
0x27: {  	s1 =	sld [smem:$0x3FAF]  }
0x28: {  	s2 =	sld [smem:$0x3FB0]  }
0x29: {  	s4 =	sld [smem:$0x3FB2]  }
0x2a: {  	p0 =	seq.s32 s5, $0x0;
	s5 =	sld [smem:$0x3FB3]  }
0x2b: {  	s6 =	sld [smem:$0x3FB4]  }
0x2c: {  	s7 =	sld [smem:$0x3FB5]  }
0x2d: {  	s3 =	simm.s32 $0x108;
	s8 =	sld [smem:$0x3FB6]  }
0x2e: {  	s3 =	simm.s32 @!p0 $0x1082;
	s9 =	sld [smem:$0x3FB7]  }
0x2f: {  	lr =	sadd.s32 s0, s3;
	s0 =	sld [smem:$0x3FAE]  }
0x30: {  	s3 =	sld [smem:$0x3FB1]  }
0x31: {  	[smem:$0x3FBA] =	sst s10  }
0x32: {  	s10 =	sld [smem:$0x3FB8];
	_ =	sdelay $0x3  }
0x33: {  	p0 =	seq.s32 s10, $0x1;
	s10 =	sld [smem:$0x3FBA];
	_ =	sdelay $0x3  }
0x34: {  	[smem:$0x3FBA] =	sst s10  }
0x35: {  	s10 =	sld [smem:$0x3FB9];
	_ =	sdelay $0x3  }
0x36: {  	p1 =	seq.s32 s10, $0x1;
	s10 =	sld [smem:$0x3FBA];
	_ =	sdelay $0x3  }
0x37: {  	[smem:$0x3FBA] =	sst s10  }
0x38: {  	s10 =	sld [smem:$0x3FBB]  }
0x39: {  	_ = 	snop;
	(pc) =	sbr.ind lr, $3  }
0x3a: {  	_ = 	snop  }
0x3b: {  	_ = 	snop  }
0x3c: {  	p2 =	seq.s32 s10, $0x1;
	s10 =	sld [smem:$0x3FBA]  }
0x3d: {  	_ =	shalt  }
0x3e: {  	_ =	shalt  }
0x3f: {  	_ =	shalt  }
0x40: {  	_ =	shalt  }
0x41: {  	_ =	shalt  }
0x42: {  	_ =	shalt  }
0x43: {  	_ =	shalt  }
0x44: {  	_ =	shalt  }
0x45: {  	_ =	shalt  }
0x46: {  	_ =	shalt  }
0x47: {  	_ =	shalt  }
0x48: {  	_ =	shalt  }
0x49: {  	_ =	shalt  }
0x4a: {  	_ =	shalt  }
0x4b: {  	_ =	shalt  }
0x4c: {  	_ =	shalt  }
0x4d: {  	_ =	shalt  }
0x4e: {  	_ =	shalt  }
0x4f: {  	_ =	shalt  }
0x50: {  	_ =	shalt  }
0x51: {  	_ =	shalt  }
0x52: {  	_ =	shalt  }
0x53: {  	_ =	shalt  }
0x54: {  	_ =	shalt  }
0x55: {  	_ =	shalt  }
0x56: {  	_ =	shalt  }
0x57: {  	_ =	shalt  }
0x58: {  	_ =	shalt  }
0x59: {  	_ =	shalt  }
0x5a: {  	_ =	shalt  }
0x5b: {  	_ =	shalt  }
0x5c: {  	_ =	shalt  }
0x5d: {  	_ =	shalt  }
0x5e: {  	_ =	shalt  }
0x5f: {  	_ =	shalt  }
0x60: {  	_ =	shalt  }
0x61: {  	_ =	shalt  }
0x62: {  	_ =	shalt  }
0x63: {  	_ =	shalt  }
0x64: {  	_ =	shalt  }
0x65: {  	_ =	shalt  }
0x66: {  	_ =	shalt  }
0x67: {  	_ =	shalt  }
0x68: {  	_ =	shalt  }
0x69: {  	_ =	shalt  }
0x6a: {  	_ =	shalt  }
0x6b: {  	_ =	shalt  }
0x6c: {  	_ =	shalt  }
0x6d: {  	_ =	shalt  }
0x6e: {  	_ =	shalt  }
0x6f: {  	_ =	shalt  }
0x70: {  	_ =	shalt  }
0x71: {  	_ =	shalt  }
0x72: {  	_ =	shalt  }
0x73: {  	_ =	shalt  }
0x74: {  	_ =	shalt  }
0x75: {  	_ =	shalt  }
0x76: {  	_ =	shalt  }
0x77: {  	_ =	shalt  }
0x78: {  	_ =	shalt  }
0x79: {  	_ =	shalt  }
0x7a: {  	_ =	shalt  }
0x7b: {  	_ =	shalt  }
0x7c: {  	_ =	shalt  }
0x7d: {  	_ =	shalt  }
0x7e: {  	_ =	shalt  }
0x7f: {  	_ =	shalt  }
0x80: {  	_ =	shalt  }
0x81: {  	_ =	shalt  }
0x82: {  	_ =	shalt  }
0x83: {  	_ =	shalt  }
0x84: {  	_ =	shalt  }
0x85: {  	_ =	shalt  }
0x86: {  	_ =	shalt  }
0x87: {  	_ =	shalt  }
.Lfunc_end0:
.L_simem_size_0:
called_computation_lowered:
.L_overlay_start_0:
0x88: {  	s2 =	sld [smem:$0x3FD9]  }
0x89: {  	s3 =	sld [smem:$0x3FFE];
	_ =	sdelay $0x1  }
0x8a: {  	s1 =	srdreg.scid  }
0x8b: {  	s0 =	sand.u32 $0x1, s1  }
0x8c: {  	s17 =	sshll.u32 s0, $0xA;
	s2 =	sadd.s32 s3, s2  }
0x8d: {  	s2 =	sadd.s32 s2, s17  }
0x8e: {  	[smem:$0x3FC6] =	sst s2  }
0x8f: {  	_ = 	snop  }
0x90: {  	s2 =	sld [smem:$0x3FC9];
	(tm) =	ssettm $0x1  }
0x91: {  	s18 =	sld [smem:$0x3FFB];
	_ =	sdelay $0x3  }
0x92: {  	_ =	strace s18  }
0x93: {  	s3 =	sld [smem:$0x3FFC];
	_ =	sdelay $0x3  }
0x94: {  	_ =	strace s3  }
0x95: {  	s3 =	sld [smem:$0x3FFD];
	_ =	sdelay $0x3  }
0x96: {  	_ =	strace s3  }
0x97: {  	_ =	strace $0x8FFFFFFF  }
0x98: {  	s19 =	sld [smem:$0x3FDB];
	_ =	sdelay $0x1  }
0x99: {  	s4 =	simm.s32 $_scs_section_size  }
0x9a: {  	s5 =	simm.s32 $_size__tile_overlayer_lowered;
	s6 =	simm.s32 $_tile_overlayer_lowered  }
0x9b: {  	s22 =	simm.s32 $0x1BFF;
	s21 =	sshll.u32 s6, $0x1;
	s3 =	sadd.s32 s4, s19  }
0x9c: {  	s7 =	simm.s32 $0x0;
	s20 =	sshll.u32 s5, $0x1;
	s5 =	sadd.s32 s21, s3  }
0x9d: {  	[timem:s7], [sflag:s22] =	dma.local [hbm:s5], s20  }
0x9e: {  	_ =	swait.ge [sflag:s22], s20  }
0x9f: {  	s4 =	ssub.s32 $0x0, s20;
	[sflag:s22] =	ssyncset.done $0x0  }
0xa0: {  	[sflag:s22] =	ssyncadd.s32 s4;
	_ =	sdelay $0x1  }
0xa1: {  	s23 =	simm.s32 $0x1B8B  }
0xa2: {  	_ =	swait.ge [sflag:s23], $0x1  }
0xa3: {  	[sflag:s23] =	ssyncset.done $0x0  }
0xa4: {  	s25 =	simm.s32 $0x1B8E;
	s24 =	sld [smem:$0x3FFE];
	[sflag:s23] =	ssyncadd.s32 $0xFFFFFFFF  }
0xa5: {  	s26 =	simm.s32 $execute0_lowered;
	[smem:$0x3FD2] =	sst s25  }
0xa6: {  	s5 =	sshll.u32 s26, $0x1;
	_ =	strace $0x80000046;
	[dreg:$0x1] =	wrdreg $0xFFFFFFFF  }
0xa7: {  	s28 =	simm.s32 $_size_execute0_lowered;
	s3 =	sadd.s32 s3, s5;
	[dreg:$0x0] =	wrdreg $0x0  }
0xa8: {  	s5 =	sshll.u32 s28, $0x1;
	[dreg:$0x2] =	wrdreg s3  }
0xa9: {  	[dreg:$0x3] =	wrdreg s5  }
0xaa: {  	[dreg:$0x4] =	wrdreg $0xC0  }
0xab: {  	_ =	task [dreg:s7], $0x5FFFF  }
0xac: {  	[dreg:$0x1] =	wrdreg $0xFFFFFFFF  }
0xad: {  	[dreg:$0x0] =	wrdreg $0x60  }
0xae: {  	[dreg:$0x2] =	wrdreg s2  }
0xaf: {  	[dreg:$0x3] =	wrdreg s24  }
0xb0: {  	[dreg:$0x4] =	wrdreg $0x9  }
0xb1: {  	_ =	task.clear_ibuf [dreg:s7], $0x5FFFF;
	_ =	strace $0x90000046  }
0xb2: {  	s29 =	simm.s32 $0x9;
	_ =	strace $0x80000048  }
0xb3: {  	_ =	swait.ge [sflag:s29], $0x1  }
0xb4: {  	[sflag:s29] =	ssyncadd.s32 $0xFFFFFFFF  }
0xb5: {  	_ =	strace $0x90000048  }
0xb6: {  	_ =	sfence  }
0xb7: {  	s30 =	sld [smem:$0x0];
	_ =	sdelay $0x2  }
0xb8: {  	s31 =	sshll.u32 s1, $0xD;
	s1 =	sshrl.u32 s1, $0x2  }
0xb9: {  	s3 =	sand.u32 $0x4000, s31;
	s1 =	sadd.s32 s1, s30  }
0xba: {  	s0 =	sor.u32 s3, s0;
	s1 =	sshll.u32 s1, $0x11  }
0xbb: {  	s0 =	sor.u32 s1, s0  }
0xbc: {  	s0 =	sadd.s32 $0x8F2B, s0  }
0xbd: {  	[sflag:s0] =	ssyncadd.remote.s32 $0x1  }
0xbe: {  	_ =	sfence.sel $0xFFFF  }
0xbf: {  	[dreg:$0x0] =	wrdreg $0xFFFFFFFF;
	(pc) =	sbr.abs _section_cstart, $3  }
0xc0: {  	[dreg:$0x1] =	wrdreg $0xFFFFFFFF  }
0xc1: {  	_ =	task.clear_ibuf [dreg:s7], $0x2FFFF;
	_ =	strace $0x9FFFFFFF  }
0xc2: {  	(tm) =	ssettm $0x7FFFFFFF  }
0xc3: {  	_ =	shalt  }
tec
execute0_lowered:
.L_overlay_start_1:
0x0: {  	(tag) =	ssettag $0x1  }
0x1: {  	s3 =	rddreg [dreg:$0x0]  }
0x2: {  	s4 =	rddreg [dreg:$0x1]  }
0x3: {  	s0 =	rddreg [dreg:$0x2];
	s2 =	simm.s32 $0x0  }
0x4: {  	s5 =	srdreg.scid;
	s1 =	stileid.u32;
	s12 =	simm.s32 $0x10000  }
0x5: {  	s13 =	simm.s32 $0x18400;
	s14 =	simm.s32 $0x2;
	s15 =	simm.s32 $0x4  }
0x6: {  	s16 =	simm.s32 $0x5;
	s17 =	simm.s32 $0x6;
	s18 =	simm.s32 $0x0  }
0x7: {  	s28 =	simm.s32 $0x0;
	[smem:$0x7FF] =	sst s2;
	s5 =	sand.u32 $0x1, s5  }
0x8: {  	s6 =	sshll.u32 s1, $0x5;
	s7 =	sshll.u32 s1, $0xD;
	s30 =	sadd.s32 $0x1600, s4  }
0x9: {  	s9 =	sadd.s32 $0x21600, s4;
	s8 =	sshll.u32 s5, $0x4;
	s6 =	sand.u32 $0x60, s6  }
0xa: {  	s7 =	sand.u32 $0x18000, s7;
	s5 =	ssub.s32 $0x2, s5;
	s6 =	sor.u32 s8, s6  }
0xb: {  	v2 =	vlaneseq.u32;
	_ =	strace $0x80000047;
	s31 =	sshrl.u32 s5, $0x1;
	s7 =	sor.u32 s7, s6  }
0xc: {  	v0 =	vand.u32 $0x7, v2;
	s10 =	ssub.s32 s5, s31;
	s6 =	sadd.s32 s7, s3;
	s11 =	sor.u32 $0x4000, s7  }
0xd: {  	v3 =	vmul.u32 $0x10, v0;
	s4 =	sadd.s32 s30, s7;
	s7 =	sadd.s32 s9, s7;
	s3 =	sadd.s32 $0x60000, s6  }
0xe: {  	v0 =	vmul.u32 $0x20, v2;
	s5 =	sadd.s32 $0x64000, s6;
	s6 =	sadd.s32 s30, s11;
	s8 =	sadd.s32 s9, s11  }
0xf: {  	v2 =	vmul.u32 $0x10, v2;
	v1 =	vor.u32 $0xF, v3;
	v3 =	vor.u32 $0x8F, v3;
	s9 =	smax.u32 s10, $0x1;
	s10 =	simm.s32 $0x1;
	s11 =	simm.s32 $0x3  }
.LBB2_1:
0x10: {  	s19 =	simm.s32 $0x80  }
0x11: {  	s22 =	sadd.s32 $0x0, s3;
	s20 =	simm.s32 $0x100;
	s21 =	simm.s32 $0x0  }
.LBB2_2:
0x12: {  	[tilespmem:s21], [sflag:$0x1] =	stream.linear.gather [hbm4b:s22+s2], $0x80, $0x38;
	[tilespmem:$0x18C80] =	vst v63  }
0x13: {  	s22 =	smov.u32 s19;
	s21 =	smov.u32 s20;
	p0 =	sne.s32 s19, $0x3F80  }
.Ltmp0:
0x14: {  	s19 =	sadd.s32 $0x80, s19;
	(pc) =	sbr.rel @p0 .LBB2_2-.Ltmp0, $2  }
0x15: {  	_ =	sdelay $0x2  }
0x16: {  	s20 =	sadd.s32 $0x100, s20;
	s22 =	sadd.s32 s22, s3  }
0x17: {  	[tilespmem:s21], [sflag:$0x1] =	stream.linear.gather [hbm4b:s22+s2], $0x80, $0x38;
	[tilespmem:$0x18C80] =	vst v63  }
0x18: {  	s19 =	simm.s32 $0x8000  }
0x19: {  	s20 =	simm.s32 $0x80;
	s22 =	sadd.s32 $0x0, s4;
	s21 =	simm.s32 $0x8100  }
.LBB2_4:
0x1a: {  	[tilespmem:s19], [sflag:$0x3] =	stream.linear.gather [hbm4b:s22+s2], $0x80, $0x38;
	[tilespmem:$0x18C80] =	vst v63  }
0x1b: {  	s22 =	smov.u32 s20;
	s19 =	smov.u32 s21;
	p0 =	sne.s32 s20, $0x3F80  }
.Ltmp1:
0x1c: {  	s20 =	sadd.s32 $0x80, s20;
	(pc) =	sbr.rel @p0 .LBB2_4-.Ltmp1, $2  }
0x1d: {  	_ =	sdelay $0x2  }
0x1e: {  	s21 =	sadd.s32 $0x100, s21;
	s22 =	sadd.s32 s22, s4  }
0x1f: {  	[tilespmem:s19], [sflag:$0x3] =	stream.linear.gather [hbm4b:s22+s2], $0x80, $0x38;
	[tilespmem:$0x18C80] =	vst v63  }
0x20: {  	s19 =	simm.s32 $0x80  }
0x21: {  	s20 =	simm.s32 $0x80;
	s22 =	sadd.s32 $0x0, s5;
	s21 =	simm.s32 $0x180  }
.LBB2_6:
0x22: {  	[tilespmem:s19], [sflag:$0x2] =	stream.linear.gather [hbm4b:s22+s2], $0x80, $0x38;
	[tilespmem:$0x18C80] =	vst v63  }
0x23: {  	s22 =	smov.u32 s20;
	s19 =	smov.u32 s21;
	p0 =	sne.s32 s20, $0x3F80  }
.Ltmp2:
0x24: {  	s20 =	sadd.s32 $0x80, s20;
	(pc) =	sbr.rel @p0 .LBB2_6-.Ltmp2, $2  }
0x25: {  	_ =	sdelay $0x2  }
0x26: {  	s21 =	sadd.s32 $0x100, s21;
	s22 =	sadd.s32 s22, s5  }
0x27: {  	[tilespmem:s19], [sflag:$0x2] =	stream.linear.gather [hbm4b:s22+s2], $0x80, $0x38;
	[tilespmem:$0x18C80] =	vst v63  }
0x28: {  	s19 =	simm.s32 $0x8080  }
0x29: {  	s20 =	simm.s32 $0x80;
	s22 =	sadd.s32 $0x0, s6;
	s21 =	simm.s32 $0x8180  }
.LBB2_8:
0x2a: {  	[tilespmem:s19], [sflag:$0x4] =	stream.linear.gather [hbm4b:s22+s2], $0x80, $0x38;
	[tilespmem:$0x18C80] =	vst v63  }
0x2b: {  	s22 =	smov.u32 s20;
	s19 =	smov.u32 s21;
	p0 =	sne.s32 s20, $0x3F80  }
.Ltmp3:
0x2c: {  	s20 =	sadd.s32 $0x80, s20;
	(pc) =	sbr.rel @p0 .LBB2_8-.Ltmp3, $2  }
0x2d: {  	_ =	sdelay $0x2  }
0x2e: {  	s21 =	sadd.s32 $0x100, s21;
	s22 =	sadd.s32 s22, s6  }
0x2f: {  	[tilespmem:s19], [sflag:$0x4] =	stream.linear.gather [hbm4b:s22+s2], $0x80, $0x38;
	[tilespmem:$0x18C80] =	vst v63  }
0x30: {  	_ =	swait.ge [sflag:s10], $0x4000  }
0x31: {  	[sflag:s10] =	ssyncset.done $0x0  }
0x32: {  	[sflag:s10] =	ssyncadd.s32 $0xFFFFC000  }
0x33: {  	_ =	swait.ge [sflag:s11], $0x4000  }
0x34: {  	[sflag:s11] =	ssyncset.done $0x0  }
0x35: {  	s31 =	simm.s32 $0x8040;
	[sflag:s11] =	ssyncadd.s32 $0xFFFFC000  }
0x36: {  	v8 =	vld [tilespmem:s31+$0xFFFFFFF0]  }
0x37: {  	v4 =	vld [tilespmem:s31+$0xFFFFFFC0]  }
0x38: {  	v5 =	vld [tilespmem:s31+$0x30]  }
0x39: {  	v6 =	vld [tilespmem:s31+$0x20]  }
0x3a: {  	s20 =	simm.s32 $0x40;
	v7 =	vld [tilespmem:s31+$0x0]  }
0x3b: {  	v10 =	vld [tilespmem:s20+$0x30]  }
0x3c: {  	v9 =	vld [tilespmem:s20+$0x10]  }
0x3d: {  	v11 =	vld [tilespmem:s20+$0x20]  }
0x3e: {  	v12 =	vld [tilespmem:s20+$0x0]  }
0x3f: {  	v13 =	vld [tilespmem:s31+$0x10]  }
0x40: {  	v16 =	vld [tilespmem:s20+$0xFFFFFFE0];
	v5 =	vmul.f32 v5, v10  }
0x41: {  	v17 =	vld [tilespmem:s31+$0xFFFFFFE0]  }
0x42: {  	v14 =	vld [tilespmem:s20+$0xFFFFFFC0];
	(xrf2) =	vadd.scan.msk.f32 $0xffff, v5  }
0x43: {  	v15 =	vld [tilespmem:s20+$0xFFFFFFD0];
	v10 =	vmul.f32 v6, v11  }
0x44: {  	v19 =	vld [tilespmem:s20+$0xFFFFFFF0]  }
0x45: {  	v18 =	vld [tilespmem:s31+$0xFFFFFFD0];
	(xrf2) =	vadd.scan.msk.f32 $0xffff, v10  }
0x46: {  	v11 =	vmul.f32 v17, v16;
	_ =	sdelay $0x1  }
0x47: {  	v4 =	vmul.f32 v4, v14;
	(xrf2) =	vadd.scan.msk.f32 $0xffff, v11  }
0x48: {  	s21 =	simm.s32 $0x10040;
	s22 =	simm.s32 $0x0;
	s19 =	simm.s32 $0x18020;
	v6 =	vmul.f32 v7, v12;
	v8 =	vmul.f32 v8, v19  }
0x49: {  	s23 =	simm.s32 $0x140;
	s24 =	simm.s32 $0x8140;
	s20 =	simm.s32 $0x10040;
	v7 =	vmul.f32 v18, v15;
	v5 =	vmul.f32 v13, v9  }
.LBB2_10:
0x4a: {  	v9 =	vld [tilespmem:s24+$0xFFFFFFF0];
	s22 =	sadd.s32 $0x8, s22;
	s21 =	sadd.s32 $0x100, s21;
	(xrf2) =	vadd.scan.msk.f32 $0xffff, v8  }
0x4b: {  	s25 =	smov.u32 s20;
	v8 =	vld [tilespmem:s24+$0xFFFFFFC0];
	p0 =	slt.u32 s22, $0x3F8;
	v10, _, _ =	vpop (xrf2);
	s20 =	smov.u32 s21  }
0x4c: {  	v11 =	vld [tilespmem:s24+$0x30]  }
0x4d: {  	v12 =	vld [tilespmem:s24+$0x20];
	(xrf2) =	vadd.scan.msk.f32 $0xffff, v7  }
0x4e: {  	v7 =	vld [tilespmem:s24+$0x0];
	v13, _, _ =	vpop (xrf2)  }
0x4f: {  	v14 =	vld [tilespmem:s23+$0x10];
	[tilespmem:s25+$0x20] =	vst v13  }
0x50: {  	v13 =	vld [tilespmem:s23+$0x30];
	(xrf2) =	vadd.scan.msk.f32 $0xffff, v6  }
0x51: {  	v6 =	vld [tilespmem:s23+$0x20];
	v15, _, _ =	vpop (xrf2)  }
0x52: {  	v16 =	vld [tilespmem:s23+$0x0];
	[tilespmem:s25+$0xFFFFFFE0] =	vst v15  }
0x53: {  	v15 =	vld [tilespmem:s24+$0x10];
	(xrf2) =	vadd.scan.msk.f32 $0xffff, v4  }
0x54: {  	v4 =	vld [tilespmem:s23+$0xFFFFFFC0];
	v17, _, _ =	vpop (xrf2)  }
0x55: {  	v18 =	vld [tilespmem:s23+$0xFFFFFFD0];
	v11 =	vmul.f32 v11, v13  }
0x56: {  	v13 =	vld [tilespmem:s24+$0xFFFFFFD0];
	v12 =	vmul.f32 v12, v6;
	(xrf2) =	vadd.scan.msk.f32 $0xffff, v5  }
0x57: {  	v19 =	vld [tilespmem:s23+$0xFFFFFFE0];
	v20, _, _ =	vpop (xrf2)  }
0x58: {  	v21 =	vld [tilespmem:s24+$0xFFFFFFE0]  }
0x59: {  	v6 =	vmul.f32 v7, v16;
	v4 =	vmul.f32 v8, v4;
	(xrf2) =	vadd.scan.msk.f32 $0xffff, v11  }
0x5a: {  	v5 =	vmul.f32 v15, v14;
	v8 =	vld [tilespmem:s23+$0xFFFFFFF0];
	[tilespmem:s25+$0xFFFFFFF0] =	vst v17;
	v11, _, _ =	vpop (xrf2)  }
0x5b: {  	v7 =	vmul.f32 v13, v18;
	[tilespmem:s25+$0x30] =	vst v10  }
0x5c: {  	(xrf2) =	vadd.scan.msk.f32 $0xffff, v12  }
.Ltmp4:
0x5d: {  	v10 =	vmul.f32 v21, v19;
	[tilespmem:s25+$0x0] =	vst v11;
	v11, _, _ =	vpop (xrf2);
	(pc) =	sbr.rel @p0 .LBB2_10-.Ltmp4, $4  }
0x5e: {  	[tilespmem:s25+$0xFFFFFFD0] =	vst v20  }
0x5f: {  	v8 =	vmul.f32 v9, v8;
	(xrf2) =	vadd.scan.msk.f32 $0xffff, v10;
	[tilespmem:s25+$0xFFFFFFC0] =	vst v11  }
0x60: {  	v9, _, _ =	vpop (xrf2)  }
0x61: {  	s26 =	simm.s32 $0x0;
	s24 =	sadd.s32 $0x100, s24;
	s23 =	sadd.s32 $0x100, s23;
	[tilespmem:s25+$0x10] =	vst v9  }
0x62: {  	(xrf2) =	vadd.scan.msk.f32 $0xffff, v8  }
0x63: {  	(xrf2) =	vadd.scan.msk.f32 $0xffff, v7  }
0x64: {  	(xrf2) =	vadd.scan.msk.f32 $0xffff, v6  }
0x65: {  	(xrf2) =	vadd.scan.msk.f32 $0xffff, v4  }
0x66: {  	s22 =	simm.s32 $0x30;
	s31 =	simm.s32 $0x20;
	(xrf2) =	vadd.scan.msk.f32 $0xffff, v5  }
0x67: {  	s24 =	simm.s32 $0x70;
	s25 =	simm.s32 $0x60;
	v7 =	vmov s22;
	v9 =	vmov s31  }
0x68: {  	s21 =	simm.s32 $0x10;
	v11 =	vmov s24;
	v61 =	vmov s25;
	v6, _, _ =	vpop (xrf2);
	v7 =	vshll.u32 v7, $0x5  }
0x69: {  	v4 =	vmov s26;
	v7 =	vor.u32 v0, v7;
	v5 =	vmov s21;
	v8, _, _ =	vpop (xrf2)  }
0x6a: {  	v4 =	vshll.u32 v4, $0x5;
	v7 =	vand.u32 $0x7FFFFF00, v7;
	[tilespmem:s20+$0x20] =	vst v8;
	v8 =	vshll.u32 v9, $0x5  }
0x6b: {  	[tilespmem:s20+$0x30] =	vst v6;
	v5 =	vshll.u32 v5, $0x5;
	v4 =	vor.u32 v0, v4;
	v8 =	vor.u32 v0, v8;
	v10, _, _ =	vpop (xrf2)  }
0x6c: {  	s22 =	simm.s32 $0x40;
	v7 =	vor.u32 v1, v7;
	v5 =	vor.u32 v0, v5;
	v8 =	vand.u32 $0x7FFFFF00, v8;
	[tilespmem:s20+$0xFFFFFFE0] =	vst v10;
	v9, _, _ =	vpop (xrf2)  }
0x6d: {  	v5 =	vand.u32 $0x7FFFFF00, v5;
	v6 =	vor.u32 v1, v8;
	v8 =	vmov s22;
	v10, _, _ =	vpop (xrf2);
	[tilespmem:s20+$0xFFFFFFF0] =	vst v9  }
0x6e: {  	s30 =	simm.s32 $0xB0;
	v4 =	vand.u32 $0x7900, v4;
	v5 =	vor.u32 v1, v5;
	v8 =	vshll.u32 v8, $0x5;
	v9, _, _ =	vpop (xrf2);
	[tilespmem:s20+$0xFFFFFFD0] =	vst v10  }
0x6f: {  	s23 =	simm.s32 $0x50;
	v14 =	vmov s30;
	v4 =	vor.u32 v1, v4;
	v8 =	vor.u32 v0, v8;
	[tilespmem:s20+$0x0] =	vst v9;
	v12, _, _ =	vpop (xrf2)  }
0x70: {  	v8 =	vand.u32 $0x7900, v8;
	v10 =	vshll.u32 v11, $0x5;
	v9 =	vmov s23;
	[tilespmem:s20+$0xFFFFFFC0] =	vst v12;
	v11, _, _ =	vpop (xrf2)  }
0x71: {  	v8 =	vor.u32 v1, v8;
	v10 =	vor.u32 v0, v10;
	v9 =	vshll.u32 v9, $0x5;
	[tilespmem:s20+$0x10] =	vst v11  }
0x72: {  	v10 =	vand.u32 $0x7FFFFF00, v10;
	v9 =	vor.u32 v0, v9;
	v11 =	vshll.u32 v61, $0x5;
	v7 =	vld.idx.msk [tilespmem:v7+s12+$0x0], $0xffff  }
0x73: {  	s31 =	simm.s32 $0xA0;
	v10 =	vor.u32 v1, v10;
	v11 =	vor.u32 v0, v11;
	v9 =	vand.u32 $0x7FFFFF00, v9;
	v5 =	vld.idx.msk [tilespmem:v5+s12+$0x0], $0xffff  }
0x74: {  	v15 =	vmov s31;
	v6 =	vld.idx.msk [tilespmem:v6+s12+$0x0], $0xffff;
	v11 =	vand.u32 $0x7FFFFF00, v11;
	v9 =	vor.u32 v1, v9  }
0x75: {  	s29 =	simm.s32 $0x90;
	v14 =	vshll.u32 v14, $0x5;
	s26 =	simm.s32 $0x80;
	v15 =	vshll.u32 v15, $0x5;
	v13 =	vld.idx.msk [tilespmem:v4+s12+$0x0], $0xffff;
	v11 =	vor.u32 v1, v11  }
0x76: {  	v14 =	vor.u32 v0, v14;
	v62 =	vmov s26;
	v4 =	vmov s29  }
0x77: {  	v63 =	vor.u32 v0, v15;
	v12 =	vshll.u32 v62, $0x5;
	v4 =	vshll.u32 v4, $0x5;
	v8 =	vld.idx.msk [tilespmem:v8+s12+$0x0], $0xffff;
	[tilespmem:s19+$0x10] =	vst v7  }
0x78: {  	v14 =	vand.u32 $0x7FFFFF00, v14;
	v7 =	vor.u32 v0, v4;
	v4 =	vld.idx.msk [tilespmem:v10+s12+$0x0], $0xffff;
	[tilespmem:s19+$0xFFFFFFF0] =	vst v5;
	v10 =	vor.u32 v0, v12  }
0x79: {  	s21 =	simm.s32 $0x8;
	[tilespmem:s19+$0x0] =	vst v6;
	v12 =	vand.u32 $0x7FFFFF00, v63;
	v5 =	vld.idx.msk [tilespmem:v9+s12+$0x0], $0xffff;
	v7 =	vand.u32 $0x7FFFFF00, v7;
	v9 =	vor.u32 v1, v14  }
0x7a: {  	s22 =	simm.s32 $0x18020;
	s23 =	simm.s32 $0xC0;
	s20 =	simm.s32 $0x4;
	[tilespmem:s19+$0xFFFFFFE0] =	vst v13;
	v6 =	vld.idx.msk [tilespmem:v11+s12+$0x0], $0xffff;
	v11 =	vand.u32 $0x7900, v10;
	v10 =	vor.u32 v1, v7;
	v7 =	vor.u32 v1, v12  }
.LBB2_12:
0x7b: {  	v12 =	vmov s23;
	s24 =	sadd.s32 $0x10, s23;
	s25 =	sadd.s32 $0x30, s23;
	s21 =	sadd.s32 $0x4, s21;
	v13 =	vor.u32 v1, v11  }
0x7c: {  	s22 =	sadd.s32 $0x40, s22;
	v11 =	vshll.u32 v12, $0x5;
	v12 =	vmov s24;
	s24 =	sadd.s32 $0x20, s23;
	v14 =	vmov s25;
	p0 =	slt.u32 s21, $0x3C  }
.Ltmp5:
0x7d: {  	v12 =	vshll.u32 v12, $0x5;
	v15 =	vmov s24;
	v14 =	vshll.u32 v14, $0x5;
	[tilespmem:s22+$0x10] =	vst v4;
	(pc) =	sbr.rel @p0 .LBB2_12-.Ltmp5, $4  }
0x7e: {  	v12 =	vor.u32 v0, v12;
	v15 =	vshll.u32 v15, $0x5;
	v14 =	vor.u32 v0, v14;
	v4 =	vld.idx.msk [tilespmem:v9+s12+$0x0], $0xffff;
	[tilespmem:s22+$0xFFFFFFF0] =	vst v5  }
0x7f: {  	v11 =	vor.u32 v0, v11;
	v9 =	vor.u32 v0, v15;
	v14 =	vand.u32 $0x7FFFFF00, v14;
	v5 =	vld.idx.msk [tilespmem:v10+s12+$0x0], $0xffff;
	[tilespmem:s22+$0x0] =	vst v6  }
0x80: {  	v10 =	vand.u32 $0x7FFFFF00, v12;
	v12 =	vand.u32 $0x7FFFFF00, v9;
	v9 =	vor.u32 v1, v14;
	v6 =	vld.idx.msk [tilespmem:v7+s12+$0x0], $0xffff;
	[tilespmem:s22+$0xFFFFFFE0] =	vst v8  }
0x81: {  	s23 =	sadd.s32 $0x40, s23;
	v11 =	vand.u32 $0x7900, v11;
	v10 =	vor.u32 v1, v10;
	v7 =	vor.u32 v1, v12;
	v8 =	vld.idx.msk [tilespmem:v13+s12+$0x0], $0xffff  }
0x82: {  	_ =	sdelay $0x1  }
0x83: {  	v11 =	vor.u32 v1, v11;
	_ =	sdelay $0x1  }
0x84: {  	s21 =	sadd.s32 $0x40, s22;
	v9 =	vld.idx.msk [tilespmem:v9+s12+$0x0], $0xffff  }
0x85: {  	[tilespmem:s21+$0x10] =	vst v4;
	v4 =	vld.idx.msk [tilespmem:v10+s12+$0x0], $0xffff  }
0x86: {  	[tilespmem:s21+$0xFFFFFFF0] =	vst v5;
	v5 =	vld.idx.msk [tilespmem:v7+s12+$0x0], $0xffff  }
0x87: {  	[tilespmem:s21+$0x0] =	vst v6;
	v6 =	vld.idx.msk [tilespmem:v11+s12+$0x0], $0xffff  }
0x88: {  	[tilespmem:s21+$0xFFFFFFE0] =	vst v8;
	s21 =	sadd.s32 $0x40, s21  }
0x89: {  	[tilespmem:s21+$0x10] =	vst v9  }
0x8a: {  	[tilespmem:s21+$0xFFFFFFF0] =	vst v4  }
0x8b: {  	[tilespmem:s21+$0x0] =	vst v5  }
0x8c: {  	[tilespmem:s21+$0xFFFFFFE0] =	vst v6  }
0x8d: {  	v4 =	vld [tilespmem:s19+$0x10]  }
0x8e: {  	v5 =	vld [tilespmem:s19+$0xFFFFFFE0];
	_ =	sdelay $0x1  }
0x8f: {  	v6 =	vld [tilespmem:s19+$0xFFFFFFF0];
	_ =	sdelay $0x1  }
0x90: {  	(xrf2) =	vadd.scan.msk.f32 $0xffff, v4;
	v4 =	vld [tilespmem:s19+$0x0]  }
0x91: {  	(xrf2) =	vadd.scan.msk.f32 $0xffff, v5  }
0x92: {  	s31 =	simm.s32 $0x18060  }
0x93: {  	v5 =	vld [tilespmem:s31+$0x10];
	(xrf2) =	vadd.scan.msk.f32 $0xffff, v6;
	_ =	sdelay $0x1  }
0x94: {  	(xrf2) =	vadd.scan.msk.f32 $0xffff, v4  }
0x95: {  	v6 =	vld [tilespmem:s31+$0xFFFFFFE0];
	_ =	sdelay $0x1  }
0x96: {  	(xrf2) =	vadd.scan.msk.f32 $0xffff, v5  }
0x97: {  	v7 =	vld [tilespmem:s31+$0xFFFFFFF0]  }
0x98: {  	s19 =	simm.s32 $0x18420;
	v4, _, _ =	vpop (xrf2)  }
0x99: {  	(xrf2) =	vadd.scan.msk.f32 $0xffff, v6;
	[tilespmem:s19+$0x10] =	vst v4;
	v4, _, _ =	vpop (xrf2)  }
0x9a: {  	[tilespmem:s19+$0xFFFFFFE0] =	vst v4;
	v4 =	vld [tilespmem:s31+$0x0]  }
0x9b: {  	v5, _, _ =	vpop (xrf2)  }
0x9c: {  	s21 =	simm.s32 $0x180A0;
	(xrf2) =	vadd.scan.msk.f32 $0xffff, v7;
	[tilespmem:s19+$0xFFFFFFF0] =	vst v5  }
.LBB2_14:
0x9d: {  	v5 =	vld [tilespmem:s21+$0x10];
	s20 =	sadd.s32 $0x4, s20;
	v6, _, _ =	vpop (xrf2)  }
0x9e: {  	v7 =	vld [tilespmem:s21+$0xFFFFFFF0];
	p0 =	slt.u32 s20, $0x3C;
	[tilespmem:s19+$0x0] =	vst v6  }
0x9f: {  	(xrf2) =	vadd.scan.msk.f32 $0xffff, v4;
	v4 =	vld [tilespmem:s21+$0x0]  }
0xa0: {  	s19 =	sadd.s32 $0x40, s19;
	v6 =	vld [tilespmem:s21+$0xFFFFFFE0];
	v8, _, _ =	vpop (xrf2)  }
0xa1: {  	[tilespmem:s19+$0x10] =	vst v8  }
0xa2: {  	(xrf2) =	vadd.scan.msk.f32 $0xffff, v5  }
0xa3: {  	v5, _, _ =	vpop (xrf2)  }
.Ltmp6:
0xa4: {  	[tilespmem:s19+$0xFFFFFFE0] =	vst v5;
	(pc) =	sbr.rel @p0 .LBB2_14-.Ltmp6, $4  }
0xa5: {  	(xrf2) =	vadd.scan.msk.f32 $0xffff, v6  }
0xa6: {  	v5, _, _ =	vpop (xrf2)  }
0xa7: {  	[tilespmem:s19+$0xFFFFFFF0] =	vst v5  }
0xa8: {  	s21 =	sadd.s32 $0x40, s21;
	(xrf2) =	vadd.scan.msk.f32 $0xffff, v7  }
0xa9: {  	(xrf2) =	vadd.scan.msk.f32 $0xffff, v4;
	_ =	sdelay $0x2  }
0xaa: {  	s20 =	simm.s32 $0x0  }
0xab: {  	v4 =	vmov s20  }
0xac: {  	v4 =	vshll.u32 v4, $0x4  }
0xad: {  	v5, _, _ =	vpop (xrf2);
	v4 =	vor.u32 v2, v4  }
0xae: {  	s31 =	sadd.s32 $0x40, s19;
	[tilespmem:s19+$0x0] =	vst v5;
	v5, _, _ =	vpop (xrf2);
	v4 =	vor.u32 $0xF, v4  }
0xaf: {  	[tilespmem:s31+$0x10] =	vst v5;
	v5, _, _ =	vpop (xrf2)  }
0xb0: {  	[tilespmem:s31+$0xFFFFFFE0] =	vst v5;
	v5, _, _ =	vpop (xrf2)  }
0xb1: {  	[tilespmem:s31+$0xFFFFFFF0] =	vst v5;
	v5, _, _ =	vpop (xrf2)  }
0xb2: {  	[tilespmem:s31+$0x0] =	vst v5  }
0xb3: {  	p1 =	por $0x1, $0x1;
	v4 =	vld.idx.msk [tilespmem:v4+s13+$0x0], $0xffff  }
.Ltmp7:
0xb4: {  	_ = 	snop;
	(pc) =	sbr.rel @!p1 .LBB2_16-.Ltmp7, $3  }
0xb5: {  	_ =	sdelay $0x1  }
0xb6: {  	s21 =	simm.s32 $0x10  }
0xb7: {  	p0 =	por $0x0, $0x0;
	s19 =	simm.f32 $0.0e+00;
	s20 =	simm.s32 $0x18800;
	(xrf2) =	vadd.scan.msk.f32 $0xffff, v4  }
0xb8: {  	_ =	sdelay $0x8  }
0xb9: {  	v6 =	vmov s21;
	v5, _, _ =	vpop (xrf2)  }
0xba: {  	v6 =	vshll.u32 v6, $0x4;
	(v2sf) =	vpush v5, $0xF  }
0xbb: {  	v6 =	vor.u32 v2, v6  }
0xbc: {  	v6 =	vor.u32 $0xF, v6;
	v4 =	vsub.f32 v5, v4;
	_ =	sdelay $0x1  }
0xbd: {  	v4 =	vadd.f32 s19, v4;
	_ =	sdelay $0x1  }
0xbe: {  	[tilespmem:s20+$0x0] =	vst v4  }
0xbf: {  	v4 =	vld.idx.msk [tilespmem:v6+s13+$0x0], $0xffff;
	_ =	sdelay $0x2  }
0xc0: {  	p2 =	por $0x1, $0x1  }
.Ltmp8:
0xc1: {  	_ = 	snop;
	(pc) =	sbr.rel @!p2 .LBB2_18-.Ltmp8, $3  }
0xc2: {  	(xrf2) =	vadd.scan.msk.f32 $0xffff, v4;
	_ =	sdelay $0x1  }
0xc3: {  	s24 =	simm.s32 $0x20;
	p1 =	por $0x1, $0x1  }
0xc4: {  	s21 =	simm.f32 $0.0e+00;
	s22 =	simm.s32 $0x18800;
	s23 =	spop (v2sf)  }
.LBB2_19:
0xc5: {  	s21 =	sadd.f32 s23, s21  }
0xc6: {  	s22 =	sadd.s32 $0x10, s22;
	s23 =	smov.u32 s24;
	s25 =	sadd.s32 $0x10, s24  }
0xc7: {  	p2 =	sne.s32 s24, $0x30;
	_ =	sdelay $0x1  }
0xc8: {  	v5 =	vmov s23  }
0xc9: {  	v5 =	vshll.u32 v5, $0x4  }
0xca: {  	v5 =	vor.u32 v2, v5;
	v6, _, _ =	vpop (xrf2)  }
0xcb: {  	v5 =	vor.u32 $0xF, v5;
	v4 =	vsub.f32 v6, v4;
	(v2sf) =	vpush v6, $0xF;
	_ =	sdelay $0x1  }
0xcc: {  	v4 =	vadd.f32 s21, v4;
	_ =	sdelay $0x1  }
0xcd: {  	[tilespmem:s22+$0x0] =	vst v4  }
0xce: {  	v4 =	vld.idx.msk [tilespmem:v5+s13+$0x0], $0xffff;
	_ =	sdelay $0x5  }
.Ltmp9:
0xcf: {  	(xrf2) =	vadd.scan.msk.f32 $0xffff, v4;
	(pc) =	sbr.rel @p2 .LBB2_19-.Ltmp9, $2  }
0xd0: {  	_ =	sdelay $0x2  }
0xd1: {  	s24 =	smov.u32 s25;
	s23 =	spop (v2sf)  }
.LBB2_20:
0xd2: {  	_ =	sdelay $0x4  }
0xd3: {  	v5, _, _ =	vpop (xrf2)  }
0xd4: {  	(v2sf) =	vpush v5, $0xF;
	_ =	sdelay $0x7  }
0xd5: {  	s21 =	sadd.f32 @p1 s23, s21;
	_ =	sdelay $0x1  }
0xd6: {  	s19 =	smov.u32 @p1 s21;
	s21 =	sadd.s32 @p1 $0x10, s22;
	s22 =	simm.s32 $0x18800;
	v4 =	vsub.f32 v5, v4  }
0xd7: {  	s22 =	smov.u32 @p1 s21;
	p1 =	por $0x1, $0x1  }
.Ltmp10:
0xd8: {  	v4 =	vadd.f32 s19, v4;
	(pc) =	sbr.rel @!p1 .LBB2_21-.Ltmp10, $4  }
0xd9: {  	_ = 	snop  }
0xda: {  	[tilespmem:s22+$0x0] =	vst v4  }
0xdb: {  	v4 =	vld [tilespmem:s20+$0x0];
	s20 =	simm.s32 $0x0;
	s31 =	spop (v2sf)  }
0xdc: {  	v14 =	vld [tilespmem:s20+$0x184F0];
	s19 =	sadd.f32 s31, s19  }
0xdd: {  	v5 =	vld [tilespmem:s20+$0x180F0]  }
0xde: {  	v6 =	vld [tilespmem:s20+$0x18400]  }
0xdf: {  	v7 =	vld [tilespmem:s20+$0x18000]  }
0xe0: {  	v8 =	vld [tilespmem:s20+$0x18410]  }
0xe1: {  	v9 =	vld [tilespmem:s20+$0x18010];
	_ =	sdelay $0x2  }
0xe2: {  	v10 =	vld [tilespmem:s20+$0x18420]  }
0xe3: {  	v6 =	vsub.f32 v6, v7;
	v7 =	vld [tilespmem:s20+$0x18440]  }
0xe4: {  	v11 =	vbroadcast v4, $0xF;
	v5 =	vsub.f32 v14, v5;
	v8 =	vsub.f32 v8, v9;
	v9 =	vld [tilespmem:s20+$0x18040]  }
0xe5: {  	v12 =	vld [tilespmem:s20+$0x18020]  }
0xe6: {  	v13 =	vld [tilespmem:s20+$0x18430];
	v14 =	vbroadcast v4, $0x0;
	v5 =	vadd.f32 v5, v11  }
0xe7: {  	v11 =	vld [tilespmem:s20+$0x18030]  }
0xe8: {  	v6 =	vadd.f32 v6, v14;
	[tilespmem:s20+$0x18970] =	vst v5;
	v5 =	vbroadcast v4, $0x1  }
0xe9: {  	v14 =	vld [tilespmem:s20+$0x18450];
	v7 =	vsub.f32 v7, v9  }
0xea: {  	[tilespmem:s20+$0x18880] =	vst v6;
	v6 =	vbroadcast v4, $0x2;
	v9 =	vld [tilespmem:s20+$0x18070];
	v5 =	vadd.f32 v8, v5;
	v8 =	vsub.f32 v10, v12  }
0xeb: {  	v10 =	vld [tilespmem:s20+$0x18050]  }
0xec: {  	v12 =	vld [tilespmem:s20+$0x18060];
	v11 =	vsub.f32 v13, v11;
	[tilespmem:s20+$0x18890] =	vst v5;
	v5 =	vadd.f32 v8, v6;
	v8 =	vbroadcast v4, $0x3  }
0xed: {  	v6 =	vld [tilespmem:s20+$0x18460]  }
0xee: {  	v13 =	vld [tilespmem:s20+$0x18080];
	[tilespmem:s20+$0x188A0] =	vst v5;
	v5 =	vadd.f32 v11, v8;
	v11 =	vbroadcast v4, $0x4  }
0xef: {  	v8 =	vld [tilespmem:s20+$0x18470]  }
0xf0: {  	v10 =	vsub.f32 v14, v10;
	[tilespmem:s20+$0x188B0] =	vst v5;
	v5 =	vadd.f32 v7, v11;
	v7 =	vld [tilespmem:s20+$0x18480];
	v11 =	vbroadcast v4, $0x5  }
0xf1: {  	v14 =	vld [tilespmem:s20+$0x180A0]  }
0xf2: {  	v6 =	vsub.f32 v6, v12;
	v12 =	vld [tilespmem:s20+$0x18090];
	[tilespmem:s20+$0x188C0] =	vst v5;
	v5 =	vadd.f32 v10, v11;
	v11 =	vbroadcast v4, $0x6  }
0xf3: {  	v10 =	vld [tilespmem:s20+$0x18490]  }
0xf4: {  	v8 =	vsub.f32 v8, v9;
	[tilespmem:s20+$0x188D0] =	vst v5;
	v5 =	vadd.f32 v6, v11;
	v6 =	vld [tilespmem:s20+$0x184A0];
	v11 =	vbroadcast v4, $0x7  }
0xf5: {  	v7 =	vsub.f32 v7, v13;
	v13 =	vld [tilespmem:s20+$0x180B0]  }
0xf6: {  	[tilespmem:s20+$0x188E0] =	vst v5;
	v5 =	vadd.f32 v8, v11;
	v11 =	vld [tilespmem:s20+$0x184B0];
	v8 =	vbroadcast v4, $0x8  }
0xf7: {  	v15 =	vld [tilespmem:s20+$0x184C0]  }
0xf8: {  	v16 =	vld [tilespmem:s20+$0x180C0];
	[tilespmem:s20+$0x188F0] =	vst v5;
	v5 =	vadd.f32 v7, v8;
	v7 =	vbroadcast v4, $0x9;
	v8 =	vsub.f32 v10, v12  }
0xf9: {  	p1 =	por $0x1, $0x1;
	v9 =	vld [tilespmem:s20+$0x180D0];
	v12 =	vbroadcast v4, $0xA;
	v14 =	vsub.f32 v6, v14  }
.Ltmp11:
0xfa: {  	[tilespmem:s20+$0x18900] =	vst v5;
	v5 =	vadd.f32 v8, v7;
	v8 =	vld [tilespmem:s20+$0x184D0];
	(pc) =	sbr.rel @!p1 .LBB2_24-.Ltmp11, $4  }
0xfb: {  	v17 =	vbroadcast v4, $0xB;
	v10 =	vld [tilespmem:s20+$0x184E0];
	v12 =	vadd.f32 v14, v12;
	v13 =	vsub.f32 v11, v13  }
0xfc: {  	s22 =	simm.s32 $0x18810;
	v6 =	vbroadcast v4, $0xD;
	v7 =	vbroadcast v4, $0xC;
	v11 =	vld [tilespmem:s20+$0x180E0];
	[tilespmem:s20+$0x18910] =	vst v5  }
0xfd: {  	s21 =	simm.s32 $0x100;
	v5 =	vbroadcast v4, $0xE;
	v4 =	vld [tilespmem:s22+$0x0];
	[tilespmem:s20+$0x18920] =	vst v12;
	v12 =	vadd.f32 v13, v17;
	v13 =	vsub.f32 v15, v16  }
0xfe: {  	s23 =	simm.s32 $0x800;
	p0 =	por $0x1, $0x1;
	v14 =	vld [tilespmem:s21+$0x184F0]  }
.LBB2_23:
0xff: {  	p1 =	sne.s32 s23, $0xC00;
	v15 =	vld [tilespmem:s21+$0x180F0];
	[tilespmem:s20+$0x18930] =	vst v12;
	v7 =	vadd.f32 v13, v7;
	v8 =	vsub.f32 v8, v9  }
0x100: {  	v9 =	vld [tilespmem:s21+$0x18400]  }
0x101: {  	v12 =	vld [tilespmem:s21+$0x18000];
	[tilespmem:s20+$0x18940] =	vst v7;
	v6 =	vadd.f32 v8, v6;
	v7 =	vsub.f32 v10, v11  }
0x102: {  	v8 =	vbroadcast v4, $0x0;
	v10 =	vld [tilespmem:s21+$0x18410];
	v11 =	vbroadcast v4, $0x1  }
0x103: {  	v16 =	vbroadcast v4, $0x2;
	v17 =	vbroadcast v4, $0x3;
	v13 =	vld [tilespmem:s21+$0x18010];
	[tilespmem:s20+$0x18950] =	vst v6;
	v5 =	vadd.f32 v7, v5  }
0x104: {  	v19 =	vbroadcast v4, $0x4;
	v7 =	vbroadcast v4, $0xF;
	v18 =	vld [tilespmem:s21+$0x18420];
	v6 =	vsub.f32 v14, v15  }
0x105: {  	v20 =	vbroadcast v4, $0x6;
	v15 =	vbroadcast v4, $0x5;
	v14 =	vld [tilespmem:s21+$0x18020];
	[tilespmem:s20+$0x18960] =	vst v5;
	s20 =	smov.u32 s21  }
0x106: {  	v5 =	vsub.f32 v9, v12;
	v9 =	vld [tilespmem:s20+$0x18430];
	v12 =	vbroadcast v4, $0x7;
	v6 =	vadd.f32 v6, v7  }
0x107: {  	v22 =	vbroadcast v4, $0x8;
	v23 =	vbroadcast v4, $0x9;
	v21 =	vld [tilespmem:s20+$0x18030]  }
0x108: {  	v24 =	vbroadcast v4, $0xA;
	v25 =	vbroadcast v4, $0xB;
	v10 =	vsub.f32 v10, v13;
	v13 =	vld [tilespmem:s20+$0x18440];
	[tilespmem:s20+$0x18970] =	vst v6  }
0x109: {  	v7 =	vbroadcast v4, $0xC;
	v8 =	vadd.f32 v5, v8;
	v6 =	vbroadcast v4, $0xD;
	v26 =	vld [tilespmem:s20+$0x18040]  }
0x10a: {  	v5 =	vbroadcast v4, $0xE;
	v10 =	vadd.f32 v10, v11;
	v11 =	vsub.f32 v18, v14;
	v14 =	vld [tilespmem:s20+$0x18450]  }
0x10b: {  	[tilespmem:s20+$0x18880] =	vst v8;
	v4 =	vld [tilespmem:s20+$0x18050]  }
0x10c: {  	[tilespmem:s20+$0x18890] =	vst v10;
	v8 =	vadd.f32 v11, v16;
	v9 =	vsub.f32 v9, v21;
	v10 =	vld [tilespmem:s20+$0x18460]  }
0x10d: {  	v11 =	vld [tilespmem:s20+$0x18060]  }
0x10e: {  	[tilespmem:s20+$0x188A0] =	vst v8;
	v8 =	vadd.f32 v9, v17;
	v9 =	vsub.f32 v13, v26;
	v13 =	vld [tilespmem:s20+$0x18470]  }
0x10f: {  	v16 =	vld [tilespmem:s20+$0x18070]  }
0x110: {  	[tilespmem:s20+$0x188B0] =	vst v8;
	v8 =	vadd.f32 v9, v19;
	v4 =	vsub.f32 v14, v4;
	v9 =	vld [tilespmem:s20+$0x18480]  }
0x111: {  	v14 =	vld [tilespmem:s20+$0x18080]  }
0x112: {  	[tilespmem:s20+$0x188C0] =	vst v8;
	v4 =	vadd.f32 v4, v15;
	v8 =	vsub.f32 v10, v11;
	v10 =	vld [tilespmem:s20+$0x18490]  }
0x113: {  	v11 =	vld [tilespmem:s20+$0x18090]  }
0x114: {  	[tilespmem:s20+$0x188D0] =	vst v4;
	v4 =	vadd.f32 v8, v20;
	v8 =	vsub.f32 v13, v16;
	v13 =	vld [tilespmem:s20+$0x184A0]  }
0x115: {  	v15 =	vld [tilespmem:s20+$0x180A0]  }
0x116: {  	[tilespmem:s20+$0x188E0] =	vst v4;
	v4 =	vadd.f32 v8, v12;
	v8 =	vsub.f32 v9, v14;
	v12 =	vld [tilespmem:s20+$0x184B0]  }
0x117: {  	v14 =	vld [tilespmem:s20+$0x180B0]  }
0x118: {  	[tilespmem:s20+$0x188F0] =	vst v4;
	v4 =	vadd.f32 v8, v22;
	v8 =	vsub.f32 v10, v11;
	v16 =	vld [tilespmem:s20+$0x184C0]  }
0x119: {  	v17 =	vld [tilespmem:s20+$0x180C0]  }
0x11a: {  	[tilespmem:s20+$0x18900] =	vst v4;
	v4 =	vadd.f32 v8, v23;
	v10 =	vsub.f32 v13, v15;
	v8 =	vld [tilespmem:s20+$0x184D0]  }
.Ltmp12:
0x11b: {  	v9 =	vld [tilespmem:s20+$0x180D0];
	(pc) =	sbr.rel @p1 .LBB2_23-.Ltmp12, $4  }
0x11c: {  	[tilespmem:s20+$0x18910] =	vst v4;
	v13 =	vadd.f32 v10, v24;
	v12 =	vsub.f32 v12, v14;
	v10 =	vld [tilespmem:s20+$0x184E0]  }
0x11d: {  	s22 =	sadd.s32 $0x10, s22;
	v11 =	vld [tilespmem:s20+$0x180E0]  }
0x11e: {  	s21 =	sshra.s32 s23, $0x2;
	v4 =	vld [tilespmem:s22+$0x0];
	[tilespmem:s20+$0x18920] =	vst v13;
	v12 =	vadd.f32 v12, v25;
	v13 =	vsub.f32 v16, v17  }
0x11f: {  	s23 =	sadd.s32 $0x400, s23;
	v14 =	vld [tilespmem:s21+$0x184F0]  }
.LBB2_24:
0x120: {  	v15 =	vld [tilespmem:s21+$0x180F0]  }
0x121: {  	v16 =	vld [tilespmem:s21+$0x18400]  }
0x122: {  	v17 =	vld [tilespmem:s21+$0x18000]  }
0x123: {  	v18 =	vld [tilespmem:s21+$0x18410]  }
0x124: {  	v19 =	vld [tilespmem:s21+$0x18010]  }
0x125: {  	v20 =	vld [tilespmem:s21+$0x18420]  }
0x126: {  	v21 =	vld [tilespmem:s21+$0x18020]  }
0x127: {  	v22 =	vld [tilespmem:s21+$0x18430]  }
0x128: {  	v24 =	vld [tilespmem:s21+$0x18450];
	v14 =	vsub.f32 v14, v15;
	v15 =	vbroadcast v4, $0xF  }
0x129: {  	v25 =	vld [tilespmem:s21+$0x18050]  }
0x12a: {  	v26 =	vld [tilespmem:s21+$0x18060];
	v23 =	vbroadcast v4, $0x0;
	v16 =	vsub.f32 v16, v17;
	v14 =	vadd.f32 v14, v15  }
0x12b: {  	v15 =	vld [tilespmem:s21+$0x18030]  }
0x12c: {  	v17 =	vld [tilespmem:s21+$0x18440];
	v18 =	vsub.f32 v18, v19;
	v16 =	vadd.f32 v16, v23;
	[tilespmem:s21+$0x18970] =	vst v14;
	v14 =	vbroadcast v4, $0x1  }
0x12d: {  	v19 =	vld [tilespmem:s21+$0x18040]  }
0x12e: {  	v27 =	vld [tilespmem:s21+$0x18080];
	[tilespmem:s21+$0x18880] =	vst v16;
	v16 =	vbroadcast v4, $0x2;
	v14 =	vadd.f32 v18, v14;
	v18 =	vsub.f32 v20, v21  }
0x12f: {  	v29 =	vld [tilespmem:s21+$0x18090]  }
0x130: {  	v32 =	vld [tilespmem:s21+$0x180B0];
	v15 =	vsub.f32 v22, v15;
	[tilespmem:s21+$0x18890] =	vst v14;
	v14 =	vadd.f32 v18, v16;
	v18 =	vbroadcast v4, $0x3  }
0x131: {  	v16 =	vld [tilespmem:s21+$0x18460]  }
0x132: {  	v17 =	vsub.f32 v17, v19;
	v19 =	vld [tilespmem:s21+$0x18070];
	[tilespmem:s21+$0x188A0] =	vst v14;
	v14 =	vadd.f32 v15, v18;
	v18 =	vbroadcast v4, $0x4  }
0x133: {  	v15 =	vld [tilespmem:s21+$0x18470]  }
0x134: {  	v34 =	vld [tilespmem:s21+$0x180C0];
	v20 =	vsub.f32 v24, v25;
	[tilespmem:s21+$0x188B0] =	vst v14;
	v14 =	vadd.f32 v17, v18;
	v18 =	vbroadcast v4, $0x5  }
0x135: {  	v17 =	vld [tilespmem:s21+$0x18480]  }
0x136: {  	v35 =	vld [tilespmem:s21+$0x180D0];
	v28 =	vbroadcast v4, $0x6;
	v16 =	vsub.f32 v16, v26;
	[tilespmem:s21+$0x188C0] =	vst v14;
	v14 =	vadd.f32 v20, v18  }
0x137: {  	v18 =	vld [tilespmem:s21+$0x18490]  }
0x138: {  	v30 =	vbroadcast v4, $0x7;
	v15 =	vsub.f32 v15, v19;
	v19 =	vld [tilespmem:s21+$0x180A0];
	[tilespmem:s21+$0x188D0] =	vst v14;
	v14 =	vadd.f32 v16, v28  }
0x139: {  	v8 =	vsub.f32 @p0 v8, v9;
	v16 =	vld [tilespmem:s21+$0x184A0]  }
0x13a: {  	v9 =	vld [tilespmem:s21+$0x184E0];
	v31 =	vbroadcast v4, $0x8;
	v17 =	vsub.f32 v17, v27;
	[tilespmem:s21+$0x188E0] =	vst v14;
	v14 =	vadd.f32 v15, v30  }
0x13b: {  	v7 =	vadd.f32 @p0 v13, v7;
	v15 =	vld [tilespmem:s21+$0x184B0]  }
0x13c: {  	v33 =	vbroadcast v4, $0x9;
	v18 =	vsub.f32 v18, v29;
	[tilespmem:s21+$0x188F0] =	vst v14;
	v14 =	vadd.f32 v17, v31;
	v17 =	vld [tilespmem:s21+$0x184C0]  }
0x13d: {  	[tilespmem:s20+$0x18930] =	vst @p0 v12;
	v10 =	vsub.f32 @p0 v10, v11;
	v11 =	vld [tilespmem:s21+$0x180E0];
	v6 =	vadd.f32 @p0 v8, v6  }
0x13e: {  	v8 =	vbroadcast v4, $0xA;
	v12 =	vsub.f32 v16, v19;
	[tilespmem:s21+$0x18900] =	vst v14;
	v14 =	vadd.f32 v18, v33;
	v18 =	vld [tilespmem:s21+$0x184D0]  }
0x13f: {  	[tilespmem:s20+$0x18940] =	vst @p0 v7;
	v5 =	vadd.f32 @p0 v10, v5  }
0x140: {  	v7 =	vbroadcast v4, $0xB;
	[tilespmem:s20+$0x18950] =	vst @p0 v6;
	v10 =	vsub.f32 v15, v32;
	v8 =	vadd.f32 v12, v8  }
0x141: {  	v6 =	vbroadcast v4, $0xC;
	[tilespmem:s20+$0x18960] =	vst @p0 v5;
	v5 =	vbroadcast v4, $0xD;
	v12 =	vsub.f32 v17, v34  }
0x142: {  	v4 =	vbroadcast v4, $0xE;
	v7 =	vadd.f32 v10, v7;
	[tilespmem:s21+$0x18920] =	vst v8;
	v8 =	vsub.f32 v9, v11  }
0x143: {  	[tilespmem:s21+$0x18910] =	vst v14;
	v10 =	vsub.f32 v18, v35;
	v6 =	vadd.f32 v12, v6  }
0x144: {  	[tilespmem:s21+$0x18930] =	vst v7;
	v4 =	vadd.f32 v8, v4  }
0x145: {  	v5 =	vadd.f32 v10, v5;
	[tilespmem:s21+$0x18940] =	vst v6  }
0x146: {  	[tilespmem:s21+$0x18960] =	vst v4  }
0x147: {  	s31 =	simm.s32 $0x188A0;
	[tilespmem:s21+$0x18950] =	vst v5  }
0x148: {  	s20 =	simm.s32 $0x10400;
	v7 =	vld [tilespmem:s31+$0xFFFFFFE0]  }
0x149: {  	v4 =	vld [tilespmem:s20+$0xFFFFFC00]  }
0x14a: {  	v5 =	vld [tilespmem:s20+$0xFFFFFC10]  }
0x14b: {  	v6 =	vld [tilespmem:s20+$0xFFFFFC20]  }
0x14c: {  	v8 =	vld [tilespmem:s20+$0xFFFFFC30]  }
0x14d: {  	v10 =	vld [tilespmem:s20+$0xFFFFFC40];
	v9 =	vbroadcast v7, $0x0  }
0x14e: {  	v11 =	vld [tilespmem:s20+$0xFFFFFC50]  }
0x14f: {  	v13 =	vld [tilespmem:s20+$0xFFFFFC70];
	v12 =	vbroadcast v7, $0x1;
	v4 =	vadd.f32 v9, v4  }
0x150: {  	v16 =	vld [tilespmem:s20+$0xFFFFFD40];
	v14 =	vbroadcast v7, $0x2  }
0x151: {  	v17 =	vld [tilespmem:s20+$0xFFFFFE00];
	v5 =	vadd.f32 v5, v12;
	[tilespmem:s20+$0xFFFFFC00] =	vst v4;
	v4 =	vbroadcast v7, $0x3  }
0x152: {  	v9 =	vld [tilespmem:s20+$0xFFFFFC60];
	v6 =	vadd.f32 v6, v14  }
0x153: {  	v12 =	vld [tilespmem:s20+$0xFFFFFD00];
	[tilespmem:s20+$0xFFFFFC10] =	vst v5;
	v4 =	vadd.f32 v8, v4  }
0x154: {  	v5 =	vbroadcast v7, $0x4;
	[tilespmem:s20+$0xFFFFFC20] =	vst v6;
	v6 =	vbroadcast v7, $0x5;
	v8 =	vld [tilespmem:s20+$0xFFFFFD20]  }
0x155: {  	v15 =	vbroadcast v7, $0x6;
	[tilespmem:s20+$0xFFFFFC30] =	vst v4;
	v4 =	vld [tilespmem:s31+$0x10]  }
0x156: {  	v5 =	vadd.f32 v10, v5;
	v11 =	vadd.f32 v11, v6;
	v6 =	vld [tilespmem:s31+$0xFFFFFFF0]  }
0x157: {  	v37 =	vbroadcast v7, $0x8;
	v9 =	vadd.f32 v9, v15;
	v15 =	vld [tilespmem:s20+$0x370]  }
0x158: {  	v51 =	vld [tilespmem:s20+$0xFFFFFF50];
	v24 =	vbroadcast v7, $0xA;
	[tilespmem:s20+$0xFFFFFC40] =	vst v5;
	v5 =	vbroadcast v7, $0x7  }
0x159: {  	v25 =	vbroadcast v7, $0xC;
	v14 =	vld [tilespmem:s20+$0xFFFFFD10];
	v12 =	vadd.f32 v12, v37;
	[tilespmem:s20+$0xFFFFFC50] =	vst v11  }
0x15a: {  	[tilespmem:s20+$0xFFFFFC60] =	vst v9;
	v13 =	vadd.f32 v13, v5;
	v5 =	vld [tilespmem:s31+$0x0];
	v8 =	vadd.f32 v8, v24;
	v19 =	vbroadcast v4, $0xF  }
0x15b: {  	v10 =	vld [tilespmem:s20+$0xFFFFFD30];
	[tilespmem:s20+$0xFFFFFD00] =	vst v12  }
0x15c: {  	v53 =	vbroadcast v6, $0xD;
	[tilespmem:s20+$0xFFFFFD20] =	vst v8;
	v8 =	vadd.f32 v16, v25;
	v16 =	vld [tilespmem:s20+$0x10];
	v15 =	vadd.f32 v15, v19  }
0x15d: {  	v11 =	vld [tilespmem:s20+$0xFFFFFD50];
	[tilespmem:s20+$0xFFFFFC70] =	vst v13;
	v19 =	vbroadcast v7, $0x9  }
0x15e: {  	v9 =	vld [tilespmem:s20+$0xFFFFFD60];
	v20 =	vadd.f32 v51, v53;
	[tilespmem:s20+$0x370] =	vst v15;
	v15 =	vbroadcast v7, $0xB  }
0x15f: {  	v13 =	vld [tilespmem:s20+$0xFFFFFD70];
	[tilespmem:s20+$0xFFFFFD40] =	vst v8;
	v43 =	vbroadcast v5, $0x1;
	v14 =	vadd.f32 v14, v19  }
0x160: {  	v39 =	vld [tilespmem:s20+$0xFFFFFE40];
	v41 =	vbroadcast v7, $0xD;
	[tilespmem:s20+$0xFFFFFF50] =	vst v20;
	v10 =	vadd.f32 v10, v15  }
0x161: {  	v18 =	vld [tilespmem:s20+$0xFFFFFE10];
	v16 =	vadd.f32 v16, v43;
	[tilespmem:s20+$0xFFFFFD10] =	vst v14;
	v15 =	vbroadcast v7, $0xE  }
0x162: {  	v14 =	vld [tilespmem:s20+$0x0];
	v7 =	vbroadcast v7, $0xF;
	[tilespmem:s20+$0xFFFFFD30] =	vst v10;
	v10 =	vadd.f32 v11, v41  }
0x163: {  	v36 =	vld [tilespmem:s20+$0xFFFFFE20];
	[tilespmem:s20+$0x10] =	vst v16;
	v16 =	vbroadcast v6, $0x4;
	v8 =	vadd.f32 v9, v15  }
0x164: {  	v38 =	vld [tilespmem:s20+$0xFFFFFE30];
	v42 =	vbroadcast v6, $0x0;
	v7 =	vadd.f32 v13, v7;
	[tilespmem:s20+$0xFFFFFD50] =	vst v10  }
0x165: {  	v11 =	vld [tilespmem:s20+$0x20];
	v15 =	vbroadcast v5, $0x0;
	v13 =	vbroadcast v6, $0x1;
	v16 =	vadd.f32 v39, v16;
	[tilespmem:s20+$0xFFFFFD60] =	vst v8  }
0x166: {  	v9 =	vld [tilespmem:s20+$0x30];
	v8 =	vadd.f32 v42, v17;
	[tilespmem:s20+$0xFFFFFD70] =	vst v7  }
0x167: {  	v40 =	vld [tilespmem:s20+$0xFFFFFE50];
	v13 =	vadd.f32 v18, v13;
	v7 =	vadd.f32 v15, v14;
	v15 =	vbroadcast v6, $0x2;
	[tilespmem:s20+$0xFFFFFE40] =	vst v16  }
0x168: {  	v10 =	vld [tilespmem:s20+$0x40];
	v18 =	vbroadcast v5, $0x2;
	[tilespmem:s20+$0xFFFFFE00] =	vst v8  }
0x169: {  	v45 =	vbroadcast v5, $0x3;
	v17 =	vld [tilespmem:s20+$0x50];
	[tilespmem:s20+$0xFFFFFE10] =	vst v13;
	v15 =	vadd.f32 v36, v15  }
0x16a: {  	v44 =	vld [tilespmem:s20+$0xFFFFFF00];
	[tilespmem:s20+$0x0] =	vst v7;
	v7 =	vbroadcast v6, $0x3;
	v11 =	vadd.f32 v11, v18  }
0x16b: {  	v19 =	vld [tilespmem:s20+$0xFFFFFE60];
	v18 =	vbroadcast v5, $0x4;
	v9 =	vadd.f32 v9, v45;
	[tilespmem:s20+$0xFFFFFE20] =	vst v15  }
0x16c: {  	v48 =	vbroadcast v5, $0x5;
	v14 =	vld [tilespmem:s20+$0x60];
	v7 =	vadd.f32 v38, v7;
	[tilespmem:s20+$0x20] =	vst v11  }
0x16d: {  	v13 =	vld [tilespmem:s20+$0x100];
	v11 =	vbroadcast v6, $0x5;
	v10 =	vadd.f32 v10, v18;
	[tilespmem:s20+$0x30] =	vst v9  }
0x16e: {  	v12 =	vld [tilespmem:s20+$0xFFFFFE70];
	v9 =	vbroadcast v6, $0x6;
	v17 =	vadd.f32 v17, v48;
	[tilespmem:s20+$0xFFFFFE30] =	vst v7  }
0x16f: {  	v8 =	vld [tilespmem:s20+$0x70];
	v18 =	vbroadcast v5, $0x6;
	v11 =	vadd.f32 v40, v11;
	[tilespmem:s20+$0x40] =	vst v10  }
0x170: {  	v46 =	vld [tilespmem:s20+$0xFFFFFF10];
	v55 =	vbroadcast v5, $0x8;
	v9 =	vadd.f32 v19, v9;
	[tilespmem:s20+$0x50] =	vst v17  }
0x171: {  	v15 =	vld [tilespmem:s20+$0x110];
	v10 =	vbroadcast v6, $0x7;
	v14 =	vadd.f32 v14, v18;
	[tilespmem:s20+$0xFFFFFE50] =	vst v11  }
0x172: {  	v47 =	vld [tilespmem:s20+$0xFFFFFF20];
	v19 =	vbroadcast v5, $0x7;
	v13 =	vadd.f32 v13, v55;
	[tilespmem:s20+$0xFFFFFE60] =	vst v9  }
0x173: {  	v49 =	vld [tilespmem:s20+$0xFFFFFF30];
	v17 =	vbroadcast v6, $0x8;
	v10 =	vadd.f32 v12, v10;
	[tilespmem:s20+$0x60] =	vst v14  }
0x174: {  	v50 =	vld [tilespmem:s20+$0xFFFFFF40];
	v58 =	vbroadcast v5, $0x9;
	v8 =	vadd.f32 v8, v19;
	[tilespmem:s20+$0x100] =	vst v13  }
0x175: {  	v7 =	vld [tilespmem:s20+$0x120];
	v12 =	vbroadcast v6, $0x9;
	v17 =	vadd.f32 v44, v17;
	[tilespmem:s20+$0xFFFFFE70] =	vst v10  }
0x176: {  	v52 =	vld [tilespmem:s20+$0xFFFFFF70];
	v14 =	vbroadcast v6, $0xA;
	v15 =	vadd.f32 v15, v58;
	[tilespmem:s20+$0x70] =	vst v8  }
0x177: {  	v18 =	vld [tilespmem:s20+$0xFFFFFF60];
	v19 =	vbroadcast v6, $0xB;
	v12 =	vadd.f32 v46, v12;
	[tilespmem:s20+$0xFFFFFF00] =	vst v17  }
0x178: {  	v57 =	vld [tilespmem:s20+$0x240];
	v60 =	vbroadcast v5, $0xA;
	v14 =	vadd.f32 v47, v14;
	[tilespmem:s20+$0x110] =	vst v15  }
0x179: {  	v61 =	vld [tilespmem:s20+$0x270];
	v8 =	vbroadcast v6, $0xC;
	v19 =	vadd.f32 v49, v19;
	[tilespmem:s20+$0xFFFFFF10] =	vst v12  }
0x17a: {  	v54 =	vbroadcast v6, $0xE;
	v7 =	vadd.f32 v7, v60;
	v12 =	vld [tilespmem:s20+$0x200];
	[tilespmem:s20+$0xFFFFFF20] =	vst v14  }
0x17b: {  	v6 =	vbroadcast v6, $0xF;
	v8 =	vadd.f32 v50, v8;
	v14 =	vld [tilespmem:s20+$0x210];
	[tilespmem:s20+$0xFFFFFF30] =	vst v19  }
0x17c: {  	v18 =	vadd.f32 v18, v54;
	v19 =	vld [tilespmem:s20+$0x220];
	[tilespmem:s20+$0x120] =	vst v7;
	v7 =	vbroadcast v4, $0x4  }
0x17d: {  	v56 =	vbroadcast v4, $0x0;
	v6 =	vadd.f32 v52, v6;
	[tilespmem:s20+$0xFFFFFF40] =	vst v8;
	v8 =	vld [tilespmem:s20+$0x230]  }
0x17e: {  	v59 =	vbroadcast v4, $0x1;
	v16 =	vld [tilespmem:s20+$0x130];
	[tilespmem:s20+$0xFFFFFF60] =	vst v18;
	v7 =	vadd.f32 v57, v7  }
0x17f: {  	v11 =	vld [tilespmem:s20+$0x140];
	v13 =	vbroadcast v4, $0x2;
	[tilespmem:s20+$0xFFFFFF70] =	vst v6;
	v6 =	vadd.f32 v56, v12  }
0x180: {  	v9 =	vld [tilespmem:s20+$0x150];
	v15 =	vbroadcast v4, $0x3;
	v14 =	vadd.f32 v14, v59;
	[tilespmem:s20+$0x240] =	vst v7  }
0x181: {  	v10 =	vld [tilespmem:s20+$0x160];
	v13 =	vadd.f32 v19, v13;
	[tilespmem:s20+$0x200] =	vst v6;
	v6 =	vbroadcast v5, $0xB  }
0x182: {  	v17 =	vld [tilespmem:s20+$0x170];
	[tilespmem:s20+$0x210] =	vst v14;
	v14 =	vbroadcast v5, $0xC;
	v8 =	vadd.f32 v8, v15  }
0x183: {  	v18 =	vld [tilespmem:s20+$0x250];
	[tilespmem:s20+$0x220] =	vst v13;
	v13 =	vbroadcast v5, $0xD;
	v6 =	vadd.f32 v16, v6  }
0x184: {  	v12 =	vld [tilespmem:s20+$0x260];
	v11 =	vadd.f32 v11, v14;
	[tilespmem:s20+$0x230] =	vst v8;
	v8 =	vbroadcast v5, $0xE  }
0x185: {  	v62 =	vld [tilespmem:s20+$0x300];
	v9 =	vadd.f32 v9, v13;
	v5 =	vbroadcast v5, $0xF;
	[tilespmem:s20+$0x130] =	vst v6  }
0x186: {  	v19 =	vld [tilespmem:s20+$0x310];
	v6 =	vbroadcast v4, $0x5;
	[tilespmem:s20+$0x140] =	vst v11;
	v7 =	vadd.f32 v10, v8  }
0x187: {  	v63 =	vbroadcast v4, $0x9;
	v15 =	vld [tilespmem:s20+$0x320];
	v11 =	vbroadcast v4, $0x6;
	[tilespmem:s20+$0x150] =	vst v9;
	v5 =	vadd.f32 v17, v5  }
0x188: {  	v13 =	vld [tilespmem:s20+$0x330];
	v16 =	vbroadcast v4, $0x7;
	v10 =	vbroadcast v4, $0xA;
	v6 =	vadd.f32 v18, v6;
	[tilespmem:s20+$0x160] =	vst v7  }
0x189: {  	v14 =	vld [tilespmem:s20+$0x340];
	v9 =	vbroadcast v4, $0xB;
	v18 =	vbroadcast v4, $0x8;
	v12 =	vadd.f32 v12, v11;
	[tilespmem:s20+$0x170] =	vst v5  }
0x18a: {  	v8 =	vbroadcast v4, $0xD;
	v16 =	vadd.f32 v61, v16;
	v11 =	vld [tilespmem:s20+$0x350];
	v7 =	vbroadcast v4, $0xC;
	[tilespmem:s20+$0x250] =	vst v6  }
0x18b: {  	s22 =	simm.s32 $0x0;
	s23 =	simm.s32 $0x188E0;
	s21 =	simm.s32 $0x10400;
	[tilespmem:s20+$0x260] =	vst v12;
	v6 =	vbroadcast v4, $0xE;
	v17 =	vadd.f32 v62, v18;
	v12 =	vadd.f32 v19, v63;
	v4 =	vld [tilespmem:s20+$0x360]  }
.LBB2_25:
0x18c: {  	v5 =	vld [tilespmem:s23+$0x10];
	s22 =	sadd.s32 $0x4, s22;
	[tilespmem:s20+$0x270] =	vst v16;
	v10 =	vadd.f32 v15, v10  }
0x18d: {  	s20 =	sadd.s32 $0x800, s20;
	v15 =	vld [tilespmem:s23+$0xFFFFFFF0];
	p0 =	slt.u32 s22, $0x3C;
	[tilespmem:s21+$0x300] =	vst v17;
	v9 =	vadd.f32 v13, v9  }
0x18e: {  	v13 =	vld [tilespmem:s20+$0x370];
	[tilespmem:s21+$0x310] =	vst v12;
	v12 =	vadd.f32 v14, v7  }
0x18f: {  	v7 =	vld [tilespmem:s23+$0x0];
	[tilespmem:s21+$0x320] =	vst v10;
	v8 =	vadd.f32 v11, v8  }
0x190: {  	v10 =	vld [tilespmem:s23+$0xFFFFFFE0];
	[tilespmem:s21+$0x330] =	vst v9;
	v6 =	vadd.f32 v4, v6  }
0x191: {  	v11 =	vld [tilespmem:s20+$0xFFFFFC00];
	v4 =	vbroadcast v5, $0x0;
	v9 =	vbroadcast v5, $0xF;
	[tilespmem:s21+$0x340] =	vst v12  }
0x192: {  	v12 =	vld [tilespmem:s20+$0xFFFFFC10];
	v14 =	vbroadcast v15, $0x0;
	v16 =	vbroadcast v15, $0x1;
	[tilespmem:s21+$0x350] =	vst v8  }
0x193: {  	v18 =	vbroadcast v15, $0x2;
	v8 =	vbroadcast v15, $0x3;
	v17 =	vld [tilespmem:s20+$0xFFFFFC20];
	v13 =	vadd.f32 v13, v9;
	[tilespmem:s21+$0x360] =	vst v6;
	s21 =	smov.u32 s20  }
0x194: {  	v9 =	vbroadcast v15, $0x4;
	v6 =	vbroadcast v15, $0x5;
	v19 =	vld [tilespmem:s20+$0xFFFFFC30]  }
0x195: {  	v20 =	vbroadcast v10, $0x0;
	v21 =	vbroadcast v10, $0x1;
	v22 =	vld [tilespmem:s20+$0xFFFFFC40];
	[tilespmem:s20+$0x370] =	vst v13  }
0x196: {  	v13 =	vbroadcast v10, $0x2;
	v23 =	vbroadcast v10, $0x3;
	v24 =	vld [tilespmem:s20+$0xFFFFFC50]  }
0x197: {  	v25 =	vbroadcast v10, $0x5;
	v11 =	vadd.f32 v20, v11;
	v20 =	vbroadcast v10, $0x4;
	v26 =	vld [tilespmem:s20+$0xFFFFFC60]  }
0x198: {  	v28 =	vbroadcast v10, $0x7;
	v12 =	vadd.f32 v12, v21;
	v21 =	vbroadcast v10, $0x6;
	v27 =	vld [tilespmem:s20+$0xFFFFFC70]  }
0x199: {  	v29 =	vbroadcast v10, $0x9;
	[tilespmem:s20+$0xFFFFFC00] =	vst v11;
	v11 =	vadd.f32 v17, v13;
	v13 =	vld [tilespmem:s20+$0xFFFFFD00];
	v17 =	vbroadcast v10, $0x8  }
0x19a: {  	v30 =	vbroadcast v10, $0xB;
	[tilespmem:s20+$0xFFFFFC10] =	vst v12;
	v12 =	vadd.f32 v19, v23;
	v19 =	vld [tilespmem:s20+$0xFFFFFD10];
	v23 =	vbroadcast v10, $0xA  }
0x19b: {  	v31 =	vbroadcast v10, $0xD;
	[tilespmem:s20+$0xFFFFFC20] =	vst v11;
	v11 =	vadd.f32 v22, v20;
	v20 =	vld [tilespmem:s20+$0xFFFFFD20];
	v22 =	vbroadcast v10, $0xC  }
0x19c: {  	[tilespmem:s20+$0xFFFFFC30] =	vst v12;
	v12 =	vadd.f32 v24, v25;
	v24 =	vld [tilespmem:s20+$0xFFFFFD30];
	v25 =	vbroadcast v10, $0xE;
	v10 =	vbroadcast v10, $0xF  }
0x19d: {  	v32 =	vbroadcast v15, $0x7;
	[tilespmem:s20+$0xFFFFFC40] =	vst v11;
	v11 =	vadd.f32 v26, v21;
	v21 =	vld [tilespmem:s20+$0xFFFFFD40];
	v26 =	vbroadcast v15, $0x6  }
0x19e: {  	v33 =	vbroadcast v15, $0x9;
	[tilespmem:s20+$0xFFFFFC50] =	vst v12;
	v12 =	vadd.f32 v27, v28;
	v27 =	vld [tilespmem:s20+$0xFFFFFD50];
	v28 =	vbroadcast v15, $0x8  }
0x19f: {  	v34 =	vbroadcast v15, $0xA;
	v35 =	vbroadcast v15, $0xB;
	[tilespmem:s20+$0xFFFFFC60] =	vst v11;
	v11 =	vadd.f32 v13, v17;
	v13 =	vld [tilespmem:s20+$0xFFFFFD60]  }
0x1a0: {  	v36 =	vbroadcast v15, $0xD;
	[tilespmem:s20+$0xFFFFFC70] =	vst v12;
	v12 =	vadd.f32 v19, v29;
	v17 =	vld [tilespmem:s20+$0xFFFFFD70];
	v29 =	vbroadcast v15, $0xC  }
0x1a1: {  	[tilespmem:s20+$0xFFFFFD00] =	vst v11;
	v11 =	vadd.f32 v20, v23;
	v19 =	vld [tilespmem:s20+$0xFFFFFE00];
	v20 =	vbroadcast v15, $0xE;
	v23 =	vbroadcast v15, $0xF  }
0x1a2: {  	[tilespmem:s20+$0xFFFFFD10] =	vst v12;
	v12 =	vadd.f32 v24, v30;
	v15 =	vld [tilespmem:s20+$0xFFFFFE10];
	v24 =	vbroadcast v7, $0x0;
	v30 =	vbroadcast v7, $0x1  }
0x1a3: {  	v37 =	vbroadcast v7, $0x3;
	[tilespmem:s20+$0xFFFFFD20] =	vst v11;
	v11 =	vadd.f32 v21, v22;
	v21 =	vld [tilespmem:s20+$0xFFFFFE20];
	v22 =	vbroadcast v7, $0x2  }
0x1a4: {  	v38 =	vbroadcast v7, $0x5;
	[tilespmem:s20+$0xFFFFFD30] =	vst v12;
	v12 =	vadd.f32 v27, v31;
	v27 =	vld [tilespmem:s20+$0xFFFFFE30];
	v31 =	vbroadcast v7, $0x4  }
0x1a5: {  	v39 =	vbroadcast v7, $0x7;
	[tilespmem:s20+$0xFFFFFD40] =	vst v11;
	v11 =	vadd.f32 v13, v25;
	v13 =	vld [tilespmem:s20+$0xFFFFFE40];
	v25 =	vbroadcast v7, $0x6  }
0x1a6: {  	v40 =	vbroadcast v7, $0x8;
	v41 =	vbroadcast v7, $0x9;
	v10 =	vadd.f32 v17, v10;
	[tilespmem:s20+$0xFFFFFD50] =	vst v12;
	v12 =	vld [tilespmem:s20+$0xFFFFFE50]  }
0x1a7: {  	v42 =	vbroadcast v7, $0xA;
	v43 =	vbroadcast v7, $0xB;
	[tilespmem:s20+$0xFFFFFD60] =	vst v11;
	v11 =	vadd.f32 v14, v19;
	v14 =	vld [tilespmem:s20+$0xFFFFFE60]  }
0x1a8: {  	v45 =	vbroadcast v7, $0xC;
	v46 =	vbroadcast v7, $0xD;
	[tilespmem:s20+$0xFFFFFD70] =	vst v10;
	v10 =	vadd.f32 v15, v16;
	v44 =	vld [tilespmem:s20+$0xFFFFFE70]  }
0x1a9: {  	v47 =	vbroadcast v7, $0xE;
	v48 =	vbroadcast v7, $0xF;
	[tilespmem:s20+$0xFFFFFE00] =	vst v11;
	v11 =	vadd.f32 v21, v18;
	v21 =	vld [tilespmem:s20+$0xFFFFFF00]  }
0x1aa: {  	v17 =	vbroadcast v5, $0x2;
	v19 =	vbroadcast v5, $0x1;
	v7 =	vadd.f32 v27, v8;
	[tilespmem:s20+$0xFFFFFE10] =	vst v10;
	v8 =	vld [tilespmem:s20+$0xFFFFFF10]  }
0x1ab: {  	v15 =	vbroadcast v5, $0x4;
	v18 =	vbroadcast v5, $0x3;
	v9 =	vadd.f32 v13, v9;
	[tilespmem:s20+$0xFFFFFE20] =	vst v11;
	v27 =	vld [tilespmem:s20+$0xFFFFFF20]  }
0x1ac: {  	v16 =	vbroadcast v5, $0x5;
	v13 =	vbroadcast v5, $0x6;
	v6 =	vadd.f32 v12, v6;
	[tilespmem:s20+$0xFFFFFE30] =	vst v7;
	v49 =	vld [tilespmem:s20+$0xFFFFFF30]  }
0x1ad: {  	v11 =	vbroadcast v5, $0x8;
	v7 =	vadd.f32 v14, v26;
	v14 =	vbroadcast v5, $0x7;
	[tilespmem:s20+$0xFFFFFE40] =	vst v9;
	v26 =	vld [tilespmem:s20+$0xFFFFFF40]  }
0x1ae: {  	v10 =	vbroadcast v5, $0xA;
	v12 =	vbroadcast v5, $0x9;
	[tilespmem:s20+$0xFFFFFE50] =	vst v6;
	v6 =	vadd.f32 v44, v32;
	v32 =	vld [tilespmem:s20+$0xFFFFFF50]  }
0x1af: {  	v9 =	vbroadcast v5, $0xB;
	v21 =	vadd.f32 v21, v28;
	[tilespmem:s20+$0xFFFFFE60] =	vst v7;
	v28 =	vld [tilespmem:s20+$0xFFFFFF60];
	v7 =	vbroadcast v5, $0xC  }
0x1b0: {  	v33 =	vadd.f32 v8, v33;
	v8 =	vbroadcast v5, $0xD;
	[tilespmem:s20+$0xFFFFFE70] =	vst v6;
	v44 =	vld [tilespmem:s20+$0xFFFFFF70];
	v6 =	vbroadcast v5, $0xE  }
0x1b1: {  	v5 =	vadd.f32 v27, v34;
	[tilespmem:s20+$0xFFFFFF00] =	vst v21;
	v21 =	vadd.f32 v49, v35;
	v27 =	vld [tilespmem:s20+$0x0]  }
0x1b2: {  	[tilespmem:s20+$0xFFFFFF10] =	vst v33;
	v26 =	vadd.f32 v26, v29;
	v29 =	vld [tilespmem:s20+$0x10]  }
0x1b3: {  	[tilespmem:s20+$0xFFFFFF20] =	vst v5;
	v5 =	vadd.f32 v32, v36;
	v32 =	vld [tilespmem:s20+$0x20]  }
0x1b4: {  	[tilespmem:s20+$0xFFFFFF30] =	vst v21;
	v20 =	vadd.f32 v28, v20;
	v21 =	vld [tilespmem:s20+$0x30]  }
0x1b5: {  	[tilespmem:s20+$0xFFFFFF40] =	vst v26;
	v23 =	vadd.f32 v44, v23;
	v26 =	vld [tilespmem:s20+$0x40]  }
0x1b6: {  	[tilespmem:s20+$0xFFFFFF50] =	vst v5;
	v5 =	vadd.f32 v24, v27;
	v24 =	vld [tilespmem:s20+$0x50]  }
0x1b7: {  	[tilespmem:s20+$0xFFFFFF60] =	vst v20;
	v20 =	vadd.f32 v29, v30;
	v27 =	vld [tilespmem:s20+$0x60]  }
0x1b8: {  	[tilespmem:s20+$0xFFFFFF70] =	vst v23;
	v22 =	vadd.f32 v32, v22;
	v23 =	vld [tilespmem:s20+$0x70]  }
0x1b9: {  	[tilespmem:s20+$0x0] =	vst v5;
	v5 =	vadd.f32 v21, v37;
	v21 =	vld [tilespmem:s20+$0x100]  }
0x1ba: {  	[tilespmem:s20+$0x10] =	vst v20;
	v20 =	vadd.f32 v26, v31;
	v26 =	vld [tilespmem:s20+$0x110]  }
0x1bb: {  	[tilespmem:s20+$0x20] =	vst v22;
	v22 =	vadd.f32 v24, v38;
	v24 =	vld [tilespmem:s20+$0x120]  }
0x1bc: {  	[tilespmem:s20+$0x30] =	vst v5;
	v5 =	vadd.f32 v27, v25;
	v25 =	vld [tilespmem:s20+$0x130]  }
0x1bd: {  	[tilespmem:s20+$0x40] =	vst v20;
	v20 =	vadd.f32 v23, v39;
	v23 =	vld [tilespmem:s20+$0x140]  }
0x1be: {  	[tilespmem:s20+$0x50] =	vst v22;
	v21 =	vadd.f32 v21, v40;
	v22 =	vld [tilespmem:s20+$0x150]  }
0x1bf: {  	[tilespmem:s20+$0x60] =	vst v5;
	v5 =	vadd.f32 v26, v41;
	v26 =	vld [tilespmem:s20+$0x160]  }
0x1c0: {  	[tilespmem:s20+$0x70] =	vst v20;
	v20 =	vadd.f32 v24, v42;
	v24 =	vld [tilespmem:s20+$0x170]  }
0x1c1: {  	[tilespmem:s20+$0x100] =	vst v21;
	v21 =	vadd.f32 v25, v43;
	v25 =	vld [tilespmem:s20+$0x200]  }
0x1c2: {  	[tilespmem:s20+$0x110] =	vst v5;
	v5 =	vadd.f32 v23, v45;
	v23 =	vld [tilespmem:s20+$0x210]  }
0x1c3: {  	[tilespmem:s20+$0x120] =	vst v20;
	v20 =	vadd.f32 v22, v46;
	v22 =	vld [tilespmem:s20+$0x220]  }
0x1c4: {  	[tilespmem:s20+$0x130] =	vst v21;
	v21 =	vadd.f32 v26, v47;
	v26 =	vld [tilespmem:s20+$0x230]  }
0x1c5: {  	[tilespmem:s20+$0x140] =	vst v5;
	v5 =	vadd.f32 v24, v48;
	v24 =	vld [tilespmem:s20+$0x240]  }
0x1c6: {  	[tilespmem:s20+$0x150] =	vst v20;
	v4 =	vadd.f32 v4, v25;
	v20 =	vld [tilespmem:s20+$0x250]  }
0x1c7: {  	[tilespmem:s20+$0x160] =	vst v21;
	v19 =	vadd.f32 v23, v19;
	v21 =	vld [tilespmem:s20+$0x260]  }
0x1c8: {  	[tilespmem:s20+$0x170] =	vst v5;
	v5 =	vadd.f32 v22, v17;
	v17 =	vld [tilespmem:s20+$0x270]  }
0x1c9: {  	[tilespmem:s20+$0x200] =	vst v4;
	v4 =	vadd.f32 v26, v18;
	v18 =	vld [tilespmem:s20+$0x300]  }
0x1ca: {  	[tilespmem:s20+$0x210] =	vst v19;
	v19 =	vadd.f32 v24, v15;
	v22 =	vld [tilespmem:s20+$0x310]  }
.Ltmp13:
0x1cb: {  	[tilespmem:s20+$0x220] =	vst v5;
	v5 =	vadd.f32 v20, v16;
	v15 =	vld [tilespmem:s20+$0x320];
	(pc) =	sbr.rel @p0 .LBB2_25-.Ltmp13, $4  }
0x1cc: {  	[tilespmem:s20+$0x230] =	vst v4;
	v4 =	vadd.f32 v21, v13;
	v13 =	vld [tilespmem:s20+$0x330]  }
0x1cd: {  	[tilespmem:s20+$0x240] =	vst v19;
	v16 =	vadd.f32 v17, v14;
	v14 =	vld [tilespmem:s20+$0x340]  }
0x1ce: {  	[tilespmem:s20+$0x250] =	vst v5;
	v17 =	vadd.f32 v18, v11;
	v11 =	vld [tilespmem:s20+$0x350]  }
0x1cf: {  	s23 =	sadd.s32 $0x40, s23;
	[tilespmem:s20+$0x260] =	vst v4;
	v12 =	vadd.f32 v22, v12;
	v4 =	vld [tilespmem:s20+$0x360]  }
0x1d0: {  	[tilespmem:s20+$0x270] =	vst v16  }
0x1d1: {  	v5 =	vadd.f32 v15, v10;
	[tilespmem:s21+$0x300] =	vst v17  }
0x1d2: {  	v9 =	vadd.f32 v13, v9;
	[tilespmem:s21+$0x310] =	vst v12  }
0x1d3: {  	v7 =	vadd.f32 v14, v7;
	[tilespmem:s21+$0x320] =	vst v5  }
0x1d4: {  	v5 =	vadd.f32 v11, v8;
	[tilespmem:s21+$0x330] =	vst v9  }
0x1d5: {  	v4 =	vadd.f32 v4, v6;
	[tilespmem:s21+$0x340] =	vst v7  }
0x1d6: {  	s20 =	simm.s32 $0x10000;
	[tilespmem:s21+$0x350] =	vst v5  }
0x1d7: {  	s23 =	sadd.s32 $0x0, s7;
	s22 =	simm.s32 $0x10100;
	[tilespmem:s21+$0x360] =	vst v4;
	s21 =	simm.s32 $0x80  }
.LBB2_27:
0x1d8: {  	[hbm4b:s23+s2] =	stream.linear.scatter [tilespmem:s20], [sflag:$0x5], $0x80, $0x38;
	[tilespmem:$0x18C80] =	vst v63  }
0x1d9: {  	s23 =	smov.u32 s21;
	s20 =	smov.u32 s22;
	p0 =	sne.s32 s21, $0x3F80  }
.Ltmp14:
0x1da: {  	s21 =	sadd.s32 $0x80, s21;
	(pc) =	sbr.rel @p0 .LBB2_27-.Ltmp14, $2  }
0x1db: {  	_ =	sdelay $0x2  }
0x1dc: {  	s22 =	sadd.s32 $0x100, s22;
	s23 =	sadd.s32 s23, s7  }
0x1dd: {  	[hbm4b:s23+s2] =	stream.linear.scatter [tilespmem:s20], [sflag:$0x5], $0x80, $0x38;
	[tilespmem:$0x18C80] =	vst v63  }
0x1de: {  	_ =	swait.ge [sflag:s14], $0x4000  }
0x1df: {  	[sflag:s14] =	ssyncset.done $0x0  }
0x1e0: {  	[sflag:s14] =	ssyncadd.s32 $0xFFFFC000  }
0x1e1: {  	_ =	swait.ge [sflag:s15], $0x4000  }
0x1e2: {  	[sflag:s15] =	ssyncset.done $0x0  }
0x1e3: {  	s31 =	simm.s32 $0x80F0;
	[sflag:s15] =	ssyncadd.s32 $0xFFFFC000  }
0x1e4: {  	v8 =	vld [tilespmem:s31+$0xFFFFFFC0]  }
0x1e5: {  	v4 =	vld [tilespmem:s31+$0xFFFFFF90]  }
0x1e6: {  	v5 =	vld [tilespmem:s31+$0x0]  }
0x1e7: {  	v6 =	vld [tilespmem:s31+$0xFFFFFFF0]  }
0x1e8: {  	s21 =	simm.s32 $0xF0;
	v7 =	vld [tilespmem:s31+$0xFFFFFFD0]  }
0x1e9: {  	v10 =	vld [tilespmem:s21+$0x0]  }
0x1ea: {  	v9 =	vld [tilespmem:s21+$0xFFFFFFE0]  }
0x1eb: {  	v11 =	vld [tilespmem:s21+$0xFFFFFFF0]  }
0x1ec: {  	v12 =	vld [tilespmem:s21+$0xFFFFFFD0]  }
0x1ed: {  	v13 =	vld [tilespmem:s31+$0xFFFFFFE0]  }
0x1ee: {  	v16 =	vld [tilespmem:s21+$0xFFFFFFB0];
	v5 =	vmul.f32 v5, v10  }
0x1ef: {  	v17 =	vld [tilespmem:s31+$0xFFFFFFB0]  }
0x1f0: {  	v14 =	vld [tilespmem:s21+$0xFFFFFF90];
	(xrf2) =	vadd.scan.msk.f32 $0xffff, v5  }
0x1f1: {  	v15 =	vld [tilespmem:s21+$0xFFFFFFA0];
	v10 =	vmul.f32 v6, v11  }
0x1f2: {  	v19 =	vld [tilespmem:s21+$0xFFFFFFC0]  }
0x1f3: {  	v18 =	vld [tilespmem:s31+$0xFFFFFFA0];
	(xrf2) =	vadd.scan.msk.f32 $0xffff, v10  }
0x1f4: {  	v11 =	vmul.f32 v17, v16;
	_ =	sdelay $0x1  }
0x1f5: {  	v4 =	vmul.f32 v4, v14;
	(xrf2) =	vadd.scan.msk.f32 $0xffff, v11  }
0x1f6: {  	s22 =	simm.s32 $0x100F0;
	s23 =	simm.s32 $0x0;
	v6 =	vmul.f32 v7, v12;
	v8 =	vmul.f32 v8, v19  }
0x1f7: {  	s24 =	simm.s32 $0x81F0;
	s25 =	simm.s32 $0x1F0;
	s21 =	simm.s32 $0x100F0;
	v7 =	vmul.f32 v18, v15;
	v5 =	vmul.f32 v13, v9  }
.LBB2_29:
0x1f8: {  	v9 =	vld [tilespmem:s24+$0xFFFFFFC0];
	s23 =	sadd.s32 $0x8, s23;
	s22 =	sadd.s32 $0x100, s22;
	(xrf2) =	vadd.scan.msk.f32 $0xffff, v8  }
0x1f9: {  	s26 =	smov.u32 s21;
	v8 =	vld [tilespmem:s24+$0xFFFFFF90];
	p0 =	slt.u32 s23, $0x3F8;
	v10, _, _ =	vpop (xrf2);
	s21 =	smov.u32 s22  }
0x1fa: {  	v11 =	vld [tilespmem:s24+$0x0]  }
0x1fb: {  	v12 =	vld [tilespmem:s24+$0xFFFFFFF0];
	(xrf2) =	vadd.scan.msk.f32 $0xffff, v7  }
0x1fc: {  	v7 =	vld [tilespmem:s24+$0xFFFFFFD0];
	v13, _, _ =	vpop (xrf2)  }
0x1fd: {  	v14 =	vld [tilespmem:s25+$0xFFFFFFE0];
	[tilespmem:s26+$0xFFFFFFF0] =	vst v13  }
0x1fe: {  	v13 =	vld [tilespmem:s25+$0x0];
	(xrf2) =	vadd.scan.msk.f32 $0xffff, v6  }
0x1ff: {  	v6 =	vld [tilespmem:s25+$0xFFFFFFF0];
	v15, _, _ =	vpop (xrf2)  }
0x200: {  	v16 =	vld [tilespmem:s25+$0xFFFFFFD0];
	[tilespmem:s26+$0xFFFFFFB0] =	vst v15  }
0x201: {  	v15 =	vld [tilespmem:s24+$0xFFFFFFE0];
	(xrf2) =	vadd.scan.msk.f32 $0xffff, v4  }
0x202: {  	v4 =	vld [tilespmem:s25+$0xFFFFFF90];
	v17, _, _ =	vpop (xrf2)  }
0x203: {  	v18 =	vld [tilespmem:s25+$0xFFFFFFA0];
	v11 =	vmul.f32 v11, v13  }
0x204: {  	v13 =	vld [tilespmem:s24+$0xFFFFFFA0];
	v12 =	vmul.f32 v12, v6;
	(xrf2) =	vadd.scan.msk.f32 $0xffff, v5  }
0x205: {  	v19 =	vld [tilespmem:s25+$0xFFFFFFB0];
	v20, _, _ =	vpop (xrf2)  }
0x206: {  	v21 =	vld [tilespmem:s24+$0xFFFFFFB0]  }
0x207: {  	v6 =	vmul.f32 v7, v16;
	v4 =	vmul.f32 v8, v4;
	(xrf2) =	vadd.scan.msk.f32 $0xffff, v11  }
0x208: {  	v5 =	vmul.f32 v15, v14;
	v8 =	vld [tilespmem:s25+$0xFFFFFFC0];
	[tilespmem:s26+$0xFFFFFFC0] =	vst v17;
	v11, _, _ =	vpop (xrf2)  }
0x209: {  	v7 =	vmul.f32 v13, v18;
	[tilespmem:s26+$0x0] =	vst v10  }
0x20a: {  	(xrf2) =	vadd.scan.msk.f32 $0xffff, v12  }
.Ltmp15:
0x20b: {  	v10 =	vmul.f32 v21, v19;
	[tilespmem:s26+$0xFFFFFFD0] =	vst v11;
	v11, _, _ =	vpop (xrf2);
	(pc) =	sbr.rel @p0 .LBB2_29-.Ltmp15, $4  }
0x20c: {  	[tilespmem:s26+$0xFFFFFFA0] =	vst v20  }
0x20d: {  	v8 =	vmul.f32 v9, v8;
	(xrf2) =	vadd.scan.msk.f32 $0xffff, v10;
	[tilespmem:s26+$0xFFFFFF90] =	vst v11  }
0x20e: {  	s20 =	simm.s32 $0x18020;
	v9, _, _ =	vpop (xrf2)  }
0x20f: {  	s24 =	sadd.s32 $0x100, s24;
	s25 =	sadd.s32 $0x100, s25;
	[tilespmem:s26+$0xFFFFFFE0] =	vst v9  }
0x210: {  	(xrf2) =	vadd.scan.msk.f32 $0xffff, v8  }
0x211: {  	(xrf2) =	vadd.scan.msk.f32 $0xffff, v7  }
0x212: {  	(xrf2) =	vadd.scan.msk.f32 $0xffff, v6  }
0x213: {  	(xrf2) =	vadd.scan.msk.f32 $0xffff, v4  }
0x214: {  	s23 =	simm.s32 $0x30;
	s30 =	simm.s32 $0x20;
	(xrf2) =	vadd.scan.msk.f32 $0xffff, v5  }
0x215: {  	s24 =	simm.s32 $0x70;
	s25 =	simm.s32 $0x60;
	v7 =	vmov s23;
	v9 =	vmov s30  }
0x216: {  	s22 =	simm.s32 $0x10;
	v11 =	vmov s24;
	v61 =	vmov s25;
	v6, _, _ =	vpop (xrf2);
	v7 =	vshll.u32 v7, $0x5  }
0x217: {  	v4 =	vmov s28;
	v7 =	vor.u32 v0, v7;
	v5 =	vmov s22;
	v8, _, _ =	vpop (xrf2)  }
0x218: {  	v4 =	vshll.u32 v4, $0x5;
	v7 =	vand.u32 $0x7FFFFF00, v7;
	[tilespmem:s21+$0xFFFFFFF0] =	vst v8;
	v8 =	vshll.u32 v9, $0x5  }
0x219: {  	[tilespmem:s21+$0x0] =	vst v6;
	v5 =	vshll.u32 v5, $0x5;
	v4 =	vor.u32 v0, v4;
	v8 =	vor.u32 v0, v8;
	v10, _, _ =	vpop (xrf2)  }
0x21a: {  	s31 =	simm.s32 $0x40;
	v7 =	vor.u32 v3, v7;
	v5 =	vor.u32 v0, v5;
	v8 =	vand.u32 $0x7FFFFF00, v8;
	[tilespmem:s21+$0xFFFFFFB0] =	vst v10;
	v9, _, _ =	vpop (xrf2)  }
0x21b: {  	v5 =	vand.u32 $0x7FFFFF00, v5;
	v6 =	vor.u32 v3, v8;
	v8 =	vmov s31;
	v10, _, _ =	vpop (xrf2);
	[tilespmem:s21+$0xFFFFFFC0] =	vst v9  }
0x21c: {  	s26 =	simm.s32 $0x80;
	v4 =	vand.u32 $0x7900, v4;
	v5 =	vor.u32 v3, v5;
	v8 =	vshll.u32 v8, $0x5;
	v9, _, _ =	vpop (xrf2);
	[tilespmem:s21+$0xFFFFFFA0] =	vst v10  }
0x21d: {  	s23 =	simm.s32 $0x50;
	v62 =	vmov s26;
	v4 =	vor.u32 v3, v4;
	v8 =	vor.u32 v0, v8;
	[tilespmem:s21+$0xFFFFFFD0] =	vst v9;
	v12, _, _ =	vpop (xrf2)  }
0x21e: {  	v8 =	vand.u32 $0x7900, v8;
	v10 =	vshll.u32 v11, $0x5;
	v9 =	vmov s23;
	[tilespmem:s21+$0xFFFFFF90] =	vst v12;
	v11, _, _ =	vpop (xrf2)  }
0x21f: {  	v8 =	vor.u32 v3, v8;
	v10 =	vor.u32 v0, v10;
	v9 =	vshll.u32 v9, $0x5;
	[tilespmem:s21+$0xFFFFFFE0] =	vst v11  }
0x220: {  	v10 =	vand.u32 $0x7FFFFF00, v10;
	v9 =	vor.u32 v0, v9;
	v11 =	vshll.u32 v61, $0x5;
	v7 =	vld.idx.msk [tilespmem:v7+s12+$0x0], $0xffff  }
0x221: {  	s30 =	simm.s32 $0xB0;
	v10 =	vor.u32 v3, v10;
	v11 =	vor.u32 v0, v11;
	v9 =	vand.u32 $0x7FFFFF00, v9;
	v5 =	vld.idx.msk [tilespmem:v5+s12+$0x0], $0xffff  }
0x222: {  	v14 =	vmov s30;
	s31 =	simm.s32 $0xA0;
	v6 =	vld.idx.msk [tilespmem:v6+s12+$0x0], $0xffff;
	v11 =	vand.u32 $0x7FFFFF00, v11;
	v9 =	vor.u32 v3, v9  }
0x223: {  	s29 =	simm.s32 $0x90;
	v14 =	vshll.u32 v14, $0x5;
	v15 =	vmov s31;
	v13 =	vld.idx.msk [tilespmem:v4+s12+$0x0], $0xffff;
	v11 =	vor.u32 v3, v11  }
0x224: {  	v14 =	vor.u32 v0, v14;
	v15 =	vshll.u32 v15, $0x5;
	v4 =	vmov s29  }
0x225: {  	v63 =	vor.u32 v0, v15;
	v12 =	vshll.u32 v62, $0x5;
	v4 =	vshll.u32 v4, $0x5;
	v8 =	vld.idx.msk [tilespmem:v8+s12+$0x0], $0xffff;
	[tilespmem:s20+$0x10] =	vst v7  }
0x226: {  	v14 =	vand.u32 $0x7FFFFF00, v14;
	v7 =	vor.u32 v0, v4;
	v4 =	vld.idx.msk [tilespmem:v10+s12+$0x0], $0xffff;
	[tilespmem:s20+$0xFFFFFFF0] =	vst v5;
	v10 =	vor.u32 v0, v12  }
0x227: {  	s24 =	simm.s32 $0xC0;
	[tilespmem:s20+$0x0] =	vst v6;
	v12 =	vand.u32 $0x7FFFFF00, v63;
	v5 =	vld.idx.msk [tilespmem:v9+s12+$0x0], $0xffff;
	v7 =	vand.u32 $0x7FFFFF00, v7;
	v9 =	vor.u32 v3, v14  }
0x228: {  	s22 =	simm.s32 $0x8;
	s23 =	simm.s32 $0x18020;
	s21 =	simm.s32 $0x4;
	[tilespmem:s20+$0xFFFFFFE0] =	vst v13;
	v6 =	vld.idx.msk [tilespmem:v11+s12+$0x0], $0xffff;
	v11 =	vand.u32 $0x7900, v10;
	v10 =	vor.u32 v3, v7;
	v7 =	vor.u32 v3, v12  }
.LBB2_31:
0x229: {  	v12 =	vmov s24;
	s25 =	sadd.s32 $0x10, s24;
	s26 =	sadd.s32 $0x30, s24;
	s22 =	sadd.s32 $0x4, s22;
	v13 =	vor.u32 v3, v11  }
0x22a: {  	s23 =	sadd.s32 $0x40, s23;
	v11 =	vshll.u32 v12, $0x5;
	v12 =	vmov s25;
	s25 =	sadd.s32 $0x20, s24;
	v14 =	vmov s26;
	p0 =	slt.u32 s22, $0x3C  }
.Ltmp16:
0x22b: {  	v12 =	vshll.u32 v12, $0x5;
	v15 =	vmov s25;
	v14 =	vshll.u32 v14, $0x5;
	[tilespmem:s23+$0x10] =	vst v4;
	(pc) =	sbr.rel @p0 .LBB2_31-.Ltmp16, $4  }
0x22c: {  	v12 =	vor.u32 v0, v12;
	v15 =	vshll.u32 v15, $0x5;
	v14 =	vor.u32 v0, v14;
	v4 =	vld.idx.msk [tilespmem:v9+s12+$0x0], $0xffff;
	[tilespmem:s23+$0xFFFFFFF0] =	vst v5  }
0x22d: {  	v11 =	vor.u32 v0, v11;
	v9 =	vor.u32 v0, v15;
	v14 =	vand.u32 $0x7FFFFF00, v14;
	v5 =	vld.idx.msk [tilespmem:v10+s12+$0x0], $0xffff;
	[tilespmem:s23+$0x0] =	vst v6  }
0x22e: {  	v10 =	vand.u32 $0x7FFFFF00, v12;
	v12 =	vand.u32 $0x7FFFFF00, v9;
	v9 =	vor.u32 v3, v14;
	v6 =	vld.idx.msk [tilespmem:v7+s12+$0x0], $0xffff;
	[tilespmem:s23+$0xFFFFFFE0] =	vst v8  }
0x22f: {  	s24 =	sadd.s32 $0x40, s24;
	v11 =	vand.u32 $0x7900, v11;
	v10 =	vor.u32 v3, v10;
	v7 =	vor.u32 v3, v12;
	v8 =	vld.idx.msk [tilespmem:v13+s12+$0x0], $0xffff  }
0x230: {  	_ =	sdelay $0x1  }
0x231: {  	v11 =	vor.u32 v3, v11;
	_ =	sdelay $0x1  }
0x232: {  	s22 =	sadd.s32 $0x40, s23;
	v9 =	vld.idx.msk [tilespmem:v9+s12+$0x0], $0xffff  }
0x233: {  	[tilespmem:s22+$0x10] =	vst v4;
	v4 =	vld.idx.msk [tilespmem:v10+s12+$0x0], $0xffff  }
0x234: {  	[tilespmem:s22+$0xFFFFFFF0] =	vst v5;
	v5 =	vld.idx.msk [tilespmem:v7+s12+$0x0], $0xffff  }
0x235: {  	[tilespmem:s22+$0x0] =	vst v6;
	v6 =	vld.idx.msk [tilespmem:v11+s12+$0x0], $0xffff  }
0x236: {  	[tilespmem:s22+$0xFFFFFFE0] =	vst v8;
	s22 =	sadd.s32 $0x40, s22  }
0x237: {  	[tilespmem:s22+$0x10] =	vst v9  }
0x238: {  	[tilespmem:s22+$0xFFFFFFF0] =	vst v4  }
0x239: {  	[tilespmem:s22+$0x0] =	vst v5  }
0x23a: {  	[tilespmem:s22+$0xFFFFFFE0] =	vst v6  }
0x23b: {  	v4 =	vld [tilespmem:s20+$0x10]  }
0x23c: {  	v5 =	vld [tilespmem:s20+$0xFFFFFFE0];
	_ =	sdelay $0x1  }
0x23d: {  	v6 =	vld [tilespmem:s20+$0xFFFFFFF0];
	_ =	sdelay $0x1  }
0x23e: {  	(xrf2) =	vadd.scan.msk.f32 $0xffff, v4;
	v4 =	vld [tilespmem:s20+$0x0]  }
0x23f: {  	(xrf2) =	vadd.scan.msk.f32 $0xffff, v5  }
0x240: {  	s31 =	simm.s32 $0x18060  }
0x241: {  	v5 =	vld [tilespmem:s31+$0x10];
	(xrf2) =	vadd.scan.msk.f32 $0xffff, v6;
	_ =	sdelay $0x1  }
0x242: {  	(xrf2) =	vadd.scan.msk.f32 $0xffff, v4  }
0x243: {  	v6 =	vld [tilespmem:s31+$0xFFFFFFE0];
	_ =	sdelay $0x1  }
0x244: {  	(xrf2) =	vadd.scan.msk.f32 $0xffff, v5  }
0x245: {  	v7 =	vld [tilespmem:s31+$0xFFFFFFF0]  }
0x246: {  	s20 =	simm.s32 $0x18420;
	v4, _, _ =	vpop (xrf2)  }
0x247: {  	(xrf2) =	vadd.scan.msk.f32 $0xffff, v6;
	[tilespmem:s20+$0x10] =	vst v4;
	v4, _, _ =	vpop (xrf2)  }
0x248: {  	[tilespmem:s20+$0xFFFFFFE0] =	vst v4;
	v4 =	vld [tilespmem:s31+$0x0]  }
0x249: {  	v5, _, _ =	vpop (xrf2)  }
0x24a: {  	s22 =	simm.s32 $0x180A0;
	(xrf2) =	vadd.scan.msk.f32 $0xffff, v7;
	[tilespmem:s20+$0xFFFFFFF0] =	vst v5  }
.LBB2_33:
0x24b: {  	v5 =	vld [tilespmem:s22+$0x10];
	s21 =	sadd.s32 $0x4, s21;
	v6, _, _ =	vpop (xrf2)  }
0x24c: {  	v7 =	vld [tilespmem:s22+$0xFFFFFFF0];
	p0 =	slt.u32 s21, $0x3C;
	[tilespmem:s20+$0x0] =	vst v6  }
0x24d: {  	(xrf2) =	vadd.scan.msk.f32 $0xffff, v4;
	v4 =	vld [tilespmem:s22+$0x0]  }
0x24e: {  	s20 =	sadd.s32 $0x40, s20;
	v6 =	vld [tilespmem:s22+$0xFFFFFFE0];
	v8, _, _ =	vpop (xrf2)  }
0x24f: {  	[tilespmem:s20+$0x10] =	vst v8  }
0x250: {  	(xrf2) =	vadd.scan.msk.f32 $0xffff, v5  }
0x251: {  	v5, _, _ =	vpop (xrf2)  }
.Ltmp17:
0x252: {  	[tilespmem:s20+$0xFFFFFFE0] =	vst v5;
	(pc) =	sbr.rel @p0 .LBB2_33-.Ltmp17, $4  }
0x253: {  	(xrf2) =	vadd.scan.msk.f32 $0xffff, v6  }
0x254: {  	v5, _, _ =	vpop (xrf2)  }
0x255: {  	[tilespmem:s20+$0xFFFFFFF0] =	vst v5  }
0x256: {  	s22 =	sadd.s32 $0x40, s22;
	(xrf2) =	vadd.scan.msk.f32 $0xffff, v7  }
0x257: {  	(xrf2) =	vadd.scan.msk.f32 $0xffff, v4;
	_ =	sdelay $0x2  }
0x258: {  	s21 =	simm.s32 $0x0  }
0x259: {  	v4 =	vmov s21  }
0x25a: {  	v4 =	vshll.u32 v4, $0x4  }
0x25b: {  	v5, _, _ =	vpop (xrf2);
	v4 =	vor.u32 v2, v4  }
0x25c: {  	s31 =	sadd.s32 $0x40, s20;
	[tilespmem:s20+$0x0] =	vst v5;
	v5, _, _ =	vpop (xrf2);
	v4 =	vor.u32 $0xF, v4  }
0x25d: {  	[tilespmem:s31+$0x10] =	vst v5;
	v5, _, _ =	vpop (xrf2)  }
0x25e: {  	[tilespmem:s31+$0xFFFFFFE0] =	vst v5;
	v5, _, _ =	vpop (xrf2)  }
0x25f: {  	[tilespmem:s31+$0xFFFFFFF0] =	vst v5;
	v5, _, _ =	vpop (xrf2)  }
0x260: {  	[tilespmem:s31+$0x0] =	vst v5  }
0x261: {  	p1 =	por $0x1, $0x1;
	v4 =	vld.idx.msk [tilespmem:v4+s13+$0x0], $0xffff  }
.Ltmp18:
0x262: {  	_ = 	snop;
	(pc) =	sbr.rel @!p1 .LBB2_35-.Ltmp18, $2  }
0x263: {  	_ =	sdelay $0x2  }
0x264: {  	p0 =	por $0x0, $0x0;
	s20 =	simm.s32 $0x18800;
	s21 =	simm.s32 $0x10;
	(xrf2) =	vadd.scan.msk.f32 $0xffff, v4  }
0x265: {  	_ =	sdelay $0x8  }
0x266: {  	v6 =	vmov s21;
	v5, _, _ =	vpop (xrf2)  }
0x267: {  	v6 =	vshll.u32 v6, $0x4;
	(v2sf) =	vpush v5, $0xF  }
0x268: {  	v6 =	vor.u32 v2, v6  }
0x269: {  	v6 =	vor.u32 $0xF, v6;
	v4 =	vsub.f32 v5, v4;
	_ =	sdelay $0x1  }
0x26a: {  	v4 =	vadd.f32 s19, v4;
	_ =	sdelay $0x1  }
0x26b: {  	[tilespmem:s20+$0x0] =	vst v4  }
0x26c: {  	v4 =	vld.idx.msk [tilespmem:v6+s13+$0x0], $0xffff;
	_ =	sdelay $0x2  }
0x26d: {  	p2 =	por $0x1, $0x1  }
.Ltmp19:
0x26e: {  	_ = 	snop;
	(pc) =	sbr.rel @!p2 .LBB2_37-.Ltmp19, $3  }
0x26f: {  	(xrf2) =	vadd.scan.msk.f32 $0xffff, v4;
	_ =	sdelay $0x1  }
0x270: {  	s24 =	simm.s32 $0x20;
	p1 =	por $0x1, $0x1  }
0x271: {  	s21 =	smov.u32 s19;
	s22 =	simm.s32 $0x18800;
	s23 =	spop (v2sf)  }
.LBB2_38:
0x272: {  	s21 =	sadd.f32 s23, s21  }
0x273: {  	s22 =	sadd.s32 $0x10, s22;
	s23 =	smov.u32 s24;
	s25 =	sadd.s32 $0x10, s24  }
0x274: {  	p2 =	sne.s32 s24, $0x30;
	_ =	sdelay $0x1  }
0x275: {  	v5 =	vmov s23  }
0x276: {  	v5 =	vshll.u32 v5, $0x4  }
0x277: {  	v5 =	vor.u32 v2, v5;
	v6, _, _ =	vpop (xrf2)  }
0x278: {  	v5 =	vor.u32 $0xF, v5;
	v4 =	vsub.f32 v6, v4;
	(v2sf) =	vpush v6, $0xF;
	_ =	sdelay $0x1  }
0x279: {  	v4 =	vadd.f32 s21, v4;
	_ =	sdelay $0x1  }
0x27a: {  	[tilespmem:s22+$0x0] =	vst v4  }
0x27b: {  	v4 =	vld.idx.msk [tilespmem:v5+s13+$0x0], $0xffff;
	_ =	sdelay $0x5  }
.Ltmp20:
0x27c: {  	(xrf2) =	vadd.scan.msk.f32 $0xffff, v4;
	(pc) =	sbr.rel @p2 .LBB2_38-.Ltmp20, $2  }
0x27d: {  	_ =	sdelay $0x2  }
0x27e: {  	s24 =	smov.u32 s25;
	s23 =	spop (v2sf)  }
.LBB2_39:
0x27f: {  	_ =	sdelay $0x4  }
0x280: {  	v5, _, _ =	vpop (xrf2)  }
0x281: {  	(v2sf) =	vpush v5, $0xF;
	_ =	sdelay $0x5  }
0x282: {  	s21 =	sadd.f32 @p1 s23, s21  }
0x283: {  	v4 =	vsub.f32 v5, v4  }
0x284: {  	s19 =	smov.u32 @p1 s21  }
0x285: {  	s21 =	sadd.s32 @p1 $0x10, s22;
	v4 =	vadd.f32 s19, v4;
	s19 =	simm.s32 $0x18800  }
0x286: {  	s19 =	smov.u32 @p1 s21;
	p1 =	por $0x1, $0x1  }
.Ltmp21:
0x287: {  	_ = 	snop;
	(pc) =	sbr.rel @!p1 .LBB2_40-.Ltmp21, $4  }
0x288: {  	_ = 	snop  }
0x289: {  	[tilespmem:s19+$0x0] =	vst v4  }
0x28a: {  	s19 =	simm.s32 $0x0;
	v4 =	vld [tilespmem:s20+$0x0]  }
0x28b: {  	v14 =	vld [tilespmem:s19+$0x184F0];
	s31 =	spop (v2sf)  }
0x28c: {  	v5 =	vld [tilespmem:s19+$0x180F0]  }
0x28d: {  	v6 =	vld [tilespmem:s19+$0x18400]  }
0x28e: {  	v7 =	vld [tilespmem:s19+$0x18000]  }
0x28f: {  	v8 =	vld [tilespmem:s19+$0x18410]  }
0x290: {  	v9 =	vld [tilespmem:s19+$0x18010];
	_ =	sdelay $0x2  }
0x291: {  	v10 =	vld [tilespmem:s19+$0x18420]  }
0x292: {  	v6 =	vsub.f32 v6, v7;
	v7 =	vld [tilespmem:s19+$0x18440]  }
0x293: {  	v11 =	vbroadcast v4, $0xF;
	v5 =	vsub.f32 v14, v5;
	v8 =	vsub.f32 v8, v9;
	v9 =	vld [tilespmem:s19+$0x18040]  }
0x294: {  	v12 =	vld [tilespmem:s19+$0x18020]  }
0x295: {  	v13 =	vld [tilespmem:s19+$0x18430];
	v14 =	vbroadcast v4, $0x0;
	v5 =	vadd.f32 v5, v11  }
0x296: {  	v11 =	vld [tilespmem:s19+$0x18030]  }
0x297: {  	v6 =	vadd.f32 v6, v14;
	[tilespmem:s19+$0x18970] =	vst v5;
	v5 =	vbroadcast v4, $0x1  }
0x298: {  	v14 =	vld [tilespmem:s19+$0x18450];
	v7 =	vsub.f32 v7, v9  }
0x299: {  	[tilespmem:s19+$0x18880] =	vst v6;
	v6 =	vbroadcast v4, $0x2;
	v9 =	vld [tilespmem:s19+$0x18070];
	v5 =	vadd.f32 v8, v5;
	v8 =	vsub.f32 v10, v12  }
0x29a: {  	v10 =	vld [tilespmem:s19+$0x18050]  }
0x29b: {  	v12 =	vld [tilespmem:s19+$0x18060];
	v11 =	vsub.f32 v13, v11;
	[tilespmem:s19+$0x18890] =	vst v5;
	v5 =	vadd.f32 v8, v6;
	v8 =	vbroadcast v4, $0x3  }
0x29c: {  	v6 =	vld [tilespmem:s19+$0x18460]  }
0x29d: {  	v13 =	vld [tilespmem:s19+$0x18080];
	[tilespmem:s19+$0x188A0] =	vst v5;
	v5 =	vadd.f32 v11, v8;
	v11 =	vbroadcast v4, $0x4  }
0x29e: {  	v8 =	vld [tilespmem:s19+$0x18470]  }
0x29f: {  	v10 =	vsub.f32 v14, v10;
	[tilespmem:s19+$0x188B0] =	vst v5;
	v5 =	vadd.f32 v7, v11;
	v7 =	vld [tilespmem:s19+$0x18480];
	v11 =	vbroadcast v4, $0x5  }
0x2a0: {  	v14 =	vld [tilespmem:s19+$0x180A0]  }
0x2a1: {  	v6 =	vsub.f32 v6, v12;
	v12 =	vld [tilespmem:s19+$0x18090];
	[tilespmem:s19+$0x188C0] =	vst v5;
	v5 =	vadd.f32 v10, v11;
	v11 =	vbroadcast v4, $0x6  }
0x2a2: {  	v10 =	vld [tilespmem:s19+$0x18490]  }
0x2a3: {  	v8 =	vsub.f32 v8, v9;
	[tilespmem:s19+$0x188D0] =	vst v5;
	v5 =	vadd.f32 v6, v11;
	v6 =	vld [tilespmem:s19+$0x184A0];
	v11 =	vbroadcast v4, $0x7  }
0x2a4: {  	v7 =	vsub.f32 v7, v13;
	v13 =	vld [tilespmem:s19+$0x180B0]  }
0x2a5: {  	[tilespmem:s19+$0x188E0] =	vst v5;
	v5 =	vadd.f32 v8, v11;
	v11 =	vld [tilespmem:s19+$0x184B0];
	v8 =	vbroadcast v4, $0x8  }
0x2a6: {  	v15 =	vld [tilespmem:s19+$0x184C0]  }
0x2a7: {  	v16 =	vld [tilespmem:s19+$0x180C0];
	[tilespmem:s19+$0x188F0] =	vst v5;
	v5 =	vadd.f32 v7, v8;
	v7 =	vbroadcast v4, $0x9;
	v8 =	vsub.f32 v10, v12  }
0x2a8: {  	p1 =	por $0x1, $0x1;
	v9 =	vld [tilespmem:s19+$0x180D0];
	v12 =	vbroadcast v4, $0xA;
	v14 =	vsub.f32 v6, v14  }
.Ltmp22:
0x2a9: {  	[tilespmem:s19+$0x18900] =	vst v5;
	v5 =	vadd.f32 v8, v7;
	v8 =	vld [tilespmem:s19+$0x184D0];
	(pc) =	sbr.rel @!p1 .LBB2_43-.Ltmp22, $4  }
0x2aa: {  	v17 =	vbroadcast v4, $0xB;
	v10 =	vld [tilespmem:s19+$0x184E0];
	v12 =	vadd.f32 v14, v12;
	v13 =	vsub.f32 v11, v13  }
0x2ab: {  	s21 =	simm.s32 $0x18810;
	v6 =	vbroadcast v4, $0xD;
	v7 =	vbroadcast v4, $0xC;
	v11 =	vld [tilespmem:s19+$0x180E0];
	[tilespmem:s19+$0x18910] =	vst v5  }
0x2ac: {  	s20 =	simm.s32 $0x100;
	v5 =	vbroadcast v4, $0xE;
	v4 =	vld [tilespmem:s21+$0x0];
	[tilespmem:s19+$0x18920] =	vst v12;
	v12 =	vadd.f32 v13, v17;
	v13 =	vsub.f32 v15, v16  }
0x2ad: {  	s22 =	simm.s32 $0x800;
	p0 =	por $0x1, $0x1;
	v14 =	vld [tilespmem:s20+$0x184F0]  }
.LBB2_42:
0x2ae: {  	p1 =	sne.s32 s22, $0xC00;
	v15 =	vld [tilespmem:s20+$0x180F0];
	[tilespmem:s19+$0x18930] =	vst v12;
	v7 =	vadd.f32 v13, v7;
	v8 =	vsub.f32 v8, v9  }
0x2af: {  	v9 =	vld [tilespmem:s20+$0x18400]  }
0x2b0: {  	v12 =	vld [tilespmem:s20+$0x18000];
	[tilespmem:s19+$0x18940] =	vst v7;
	v6 =	vadd.f32 v8, v6;
	v7 =	vsub.f32 v10, v11  }
0x2b1: {  	v8 =	vbroadcast v4, $0x0;
	v10 =	vld [tilespmem:s20+$0x18410];
	v11 =	vbroadcast v4, $0x1  }
0x2b2: {  	v16 =	vbroadcast v4, $0x2;
	v17 =	vbroadcast v4, $0x3;
	v13 =	vld [tilespmem:s20+$0x18010];
	[tilespmem:s19+$0x18950] =	vst v6;
	v5 =	vadd.f32 v7, v5  }
0x2b3: {  	v19 =	vbroadcast v4, $0x4;
	v7 =	vbroadcast v4, $0xF;
	v18 =	vld [tilespmem:s20+$0x18420];
	v6 =	vsub.f32 v14, v15  }
0x2b4: {  	v20 =	vbroadcast v4, $0x6;
	v15 =	vbroadcast v4, $0x5;
	v14 =	vld [tilespmem:s20+$0x18020];
	[tilespmem:s19+$0x18960] =	vst v5;
	s19 =	smov.u32 s20  }
0x2b5: {  	v5 =	vsub.f32 v9, v12;
	v9 =	vld [tilespmem:s19+$0x18430];
	v12 =	vbroadcast v4, $0x7;
	v6 =	vadd.f32 v6, v7  }
0x2b6: {  	v22 =	vbroadcast v4, $0x8;
	v23 =	vbroadcast v4, $0x9;
	v21 =	vld [tilespmem:s19+$0x18030]  }
0x2b7: {  	v24 =	vbroadcast v4, $0xA;
	v25 =	vbroadcast v4, $0xB;
	v10 =	vsub.f32 v10, v13;
	v13 =	vld [tilespmem:s19+$0x18440];
	[tilespmem:s19+$0x18970] =	vst v6  }
0x2b8: {  	v7 =	vbroadcast v4, $0xC;
	v8 =	vadd.f32 v5, v8;
	v6 =	vbroadcast v4, $0xD;
	v26 =	vld [tilespmem:s19+$0x18040]  }
0x2b9: {  	v5 =	vbroadcast v4, $0xE;
	v10 =	vadd.f32 v10, v11;
	v11 =	vsub.f32 v18, v14;
	v14 =	vld [tilespmem:s19+$0x18450]  }
0x2ba: {  	[tilespmem:s19+$0x18880] =	vst v8;
	v4 =	vld [tilespmem:s19+$0x18050]  }
0x2bb: {  	[tilespmem:s19+$0x18890] =	vst v10;
	v8 =	vadd.f32 v11, v16;
	v9 =	vsub.f32 v9, v21;
	v10 =	vld [tilespmem:s19+$0x18460]  }
0x2bc: {  	v11 =	vld [tilespmem:s19+$0x18060]  }
0x2bd: {  	[tilespmem:s19+$0x188A0] =	vst v8;
	v8 =	vadd.f32 v9, v17;
	v9 =	vsub.f32 v13, v26;
	v13 =	vld [tilespmem:s19+$0x18470]  }
0x2be: {  	v16 =	vld [tilespmem:s19+$0x18070]  }
0x2bf: {  	[tilespmem:s19+$0x188B0] =	vst v8;
	v8 =	vadd.f32 v9, v19;
	v4 =	vsub.f32 v14, v4;
	v9 =	vld [tilespmem:s19+$0x18480]  }
0x2c0: {  	v14 =	vld [tilespmem:s19+$0x18080]  }
0x2c1: {  	[tilespmem:s19+$0x188C0] =	vst v8;
	v4 =	vadd.f32 v4, v15;
	v8 =	vsub.f32 v10, v11;
	v10 =	vld [tilespmem:s19+$0x18490]  }
0x2c2: {  	v11 =	vld [tilespmem:s19+$0x18090]  }
0x2c3: {  	[tilespmem:s19+$0x188D0] =	vst v4;
	v4 =	vadd.f32 v8, v20;
	v8 =	vsub.f32 v13, v16;
	v13 =	vld [tilespmem:s19+$0x184A0]  }
0x2c4: {  	v15 =	vld [tilespmem:s19+$0x180A0]  }
0x2c5: {  	[tilespmem:s19+$0x188E0] =	vst v4;
	v4 =	vadd.f32 v8, v12;
	v8 =	vsub.f32 v9, v14;
	v12 =	vld [tilespmem:s19+$0x184B0]  }
0x2c6: {  	v14 =	vld [tilespmem:s19+$0x180B0]  }
0x2c7: {  	[tilespmem:s19+$0x188F0] =	vst v4;
	v4 =	vadd.f32 v8, v22;
	v8 =	vsub.f32 v10, v11;
	v16 =	vld [tilespmem:s19+$0x184C0]  }
0x2c8: {  	v17 =	vld [tilespmem:s19+$0x180C0]  }
0x2c9: {  	[tilespmem:s19+$0x18900] =	vst v4;
	v4 =	vadd.f32 v8, v23;
	v10 =	vsub.f32 v13, v15;
	v8 =	vld [tilespmem:s19+$0x184D0]  }
.Ltmp23:
0x2ca: {  	v9 =	vld [tilespmem:s19+$0x180D0];
	(pc) =	sbr.rel @p1 .LBB2_42-.Ltmp23, $4  }
0x2cb: {  	[tilespmem:s19+$0x18910] =	vst v4;
	v13 =	vadd.f32 v10, v24;
	v12 =	vsub.f32 v12, v14;
	v10 =	vld [tilespmem:s19+$0x184E0]  }
0x2cc: {  	s21 =	sadd.s32 $0x10, s21;
	v11 =	vld [tilespmem:s19+$0x180E0]  }
0x2cd: {  	s20 =	sshra.s32 s22, $0x2;
	v4 =	vld [tilespmem:s21+$0x0];
	[tilespmem:s19+$0x18920] =	vst v13;
	v12 =	vadd.f32 v12, v25;
	v13 =	vsub.f32 v16, v17  }
0x2ce: {  	s22 =	sadd.s32 $0x400, s22;
	v14 =	vld [tilespmem:s20+$0x184F0]  }
.LBB2_43:
0x2cf: {  	v15 =	vld [tilespmem:s20+$0x180F0]  }
0x2d0: {  	v16 =	vld [tilespmem:s20+$0x18400]  }
0x2d1: {  	v17 =	vld [tilespmem:s20+$0x18000]  }
0x2d2: {  	v18 =	vld [tilespmem:s20+$0x18410]  }
0x2d3: {  	v19 =	vld [tilespmem:s20+$0x18010]  }
0x2d4: {  	v20 =	vld [tilespmem:s20+$0x18420]  }
0x2d5: {  	v21 =	vld [tilespmem:s20+$0x18020]  }
0x2d6: {  	v22 =	vld [tilespmem:s20+$0x18430]  }
0x2d7: {  	v24 =	vld [tilespmem:s20+$0x18450];
	v14 =	vsub.f32 v14, v15;
	v15 =	vbroadcast v4, $0xF  }
0x2d8: {  	v25 =	vld [tilespmem:s20+$0x18050]  }
0x2d9: {  	v26 =	vld [tilespmem:s20+$0x18060];
	v23 =	vbroadcast v4, $0x0;
	v16 =	vsub.f32 v16, v17;
	v14 =	vadd.f32 v14, v15  }
0x2da: {  	v15 =	vld [tilespmem:s20+$0x18030]  }
0x2db: {  	v17 =	vld [tilespmem:s20+$0x18440];
	v18 =	vsub.f32 v18, v19;
	v16 =	vadd.f32 v16, v23;
	[tilespmem:s20+$0x18970] =	vst v14;
	v14 =	vbroadcast v4, $0x1  }
0x2dc: {  	v19 =	vld [tilespmem:s20+$0x18040]  }
0x2dd: {  	v27 =	vld [tilespmem:s20+$0x18080];
	[tilespmem:s20+$0x18880] =	vst v16;
	v16 =	vbroadcast v4, $0x2;
	v14 =	vadd.f32 v18, v14;
	v18 =	vsub.f32 v20, v21  }
0x2de: {  	v29 =	vld [tilespmem:s20+$0x18090]  }
0x2df: {  	v32 =	vld [tilespmem:s20+$0x180B0];
	v15 =	vsub.f32 v22, v15;
	[tilespmem:s20+$0x18890] =	vst v14;
	v14 =	vadd.f32 v18, v16;
	v18 =	vbroadcast v4, $0x3  }
0x2e0: {  	v16 =	vld [tilespmem:s20+$0x18460]  }
0x2e1: {  	v17 =	vsub.f32 v17, v19;
	v19 =	vld [tilespmem:s20+$0x18070];
	[tilespmem:s20+$0x188A0] =	vst v14;
	v14 =	vadd.f32 v15, v18;
	v18 =	vbroadcast v4, $0x4  }
0x2e2: {  	v15 =	vld [tilespmem:s20+$0x18470]  }
0x2e3: {  	v34 =	vld [tilespmem:s20+$0x180C0];
	v20 =	vsub.f32 v24, v25;
	[tilespmem:s20+$0x188B0] =	vst v14;
	v14 =	vadd.f32 v17, v18;
	v18 =	vbroadcast v4, $0x5  }
0x2e4: {  	v17 =	vld [tilespmem:s20+$0x18480]  }
0x2e5: {  	v35 =	vld [tilespmem:s20+$0x180D0];
	v28 =	vbroadcast v4, $0x6;
	v16 =	vsub.f32 v16, v26;
	[tilespmem:s20+$0x188C0] =	vst v14;
	v14 =	vadd.f32 v20, v18  }
0x2e6: {  	v18 =	vld [tilespmem:s20+$0x18490]  }
0x2e7: {  	v30 =	vbroadcast v4, $0x7;
	v15 =	vsub.f32 v15, v19;
	v19 =	vld [tilespmem:s20+$0x180A0];
	[tilespmem:s20+$0x188D0] =	vst v14;
	v14 =	vadd.f32 v16, v28  }
0x2e8: {  	v8 =	vsub.f32 @p0 v8, v9;
	v16 =	vld [tilespmem:s20+$0x184A0]  }
0x2e9: {  	v9 =	vld [tilespmem:s20+$0x184E0];
	v31 =	vbroadcast v4, $0x8;
	v17 =	vsub.f32 v17, v27;
	[tilespmem:s20+$0x188E0] =	vst v14;
	v14 =	vadd.f32 v15, v30  }
0x2ea: {  	v7 =	vadd.f32 @p0 v13, v7;
	v15 =	vld [tilespmem:s20+$0x184B0]  }
0x2eb: {  	v33 =	vbroadcast v4, $0x9;
	v18 =	vsub.f32 v18, v29;
	[tilespmem:s20+$0x188F0] =	vst v14;
	v14 =	vadd.f32 v17, v31;
	v17 =	vld [tilespmem:s20+$0x184C0]  }
0x2ec: {  	[tilespmem:s19+$0x18930] =	vst @p0 v12;
	v10 =	vsub.f32 @p0 v10, v11;
	v11 =	vld [tilespmem:s20+$0x180E0];
	v6 =	vadd.f32 @p0 v8, v6  }
0x2ed: {  	v8 =	vbroadcast v4, $0xA;
	v12 =	vsub.f32 v16, v19;
	[tilespmem:s20+$0x18900] =	vst v14;
	v14 =	vadd.f32 v18, v33;
	v18 =	vld [tilespmem:s20+$0x184D0]  }
0x2ee: {  	[tilespmem:s19+$0x18940] =	vst @p0 v7;
	v5 =	vadd.f32 @p0 v10, v5  }
0x2ef: {  	v7 =	vbroadcast v4, $0xB;
	[tilespmem:s19+$0x18950] =	vst @p0 v6;
	v10 =	vsub.f32 v15, v32;
	v8 =	vadd.f32 v12, v8  }
0x2f0: {  	v6 =	vbroadcast v4, $0xC;
	[tilespmem:s19+$0x18960] =	vst @p0 v5;
	v5 =	vbroadcast v4, $0xD;
	v12 =	vsub.f32 v17, v34  }
0x2f1: {  	v4 =	vbroadcast v4, $0xE;
	v7 =	vadd.f32 v10, v7;
	[tilespmem:s20+$0x18920] =	vst v8;
	v8 =	vsub.f32 v9, v11  }
0x2f2: {  	[tilespmem:s20+$0x18910] =	vst v14;
	v10 =	vsub.f32 v18, v35;
	v6 =	vadd.f32 v12, v6  }
0x2f3: {  	[tilespmem:s20+$0x18930] =	vst v7;
	v4 =	vadd.f32 v8, v4  }
0x2f4: {  	v5 =	vadd.f32 v10, v5;
	[tilespmem:s20+$0x18940] =	vst v6  }
0x2f5: {  	[tilespmem:s20+$0x18960] =	vst v4  }
0x2f6: {  	s31 =	simm.s32 $0x188A0;
	[tilespmem:s20+$0x18950] =	vst v5  }
0x2f7: {  	s19 =	simm.s32 $0x10480;
	v7 =	vld [tilespmem:s31+$0xFFFFFFE0]  }
0x2f8: {  	v4 =	vld [tilespmem:s19+$0xFFFFFC00]  }
0x2f9: {  	v5 =	vld [tilespmem:s19+$0xFFFFFC10]  }
0x2fa: {  	v6 =	vld [tilespmem:s19+$0xFFFFFC20]  }
0x2fb: {  	v8 =	vld [tilespmem:s19+$0xFFFFFC30]  }
0x2fc: {  	v10 =	vld [tilespmem:s19+$0xFFFFFC40];
	v9 =	vbroadcast v7, $0x0  }
0x2fd: {  	v11 =	vld [tilespmem:s19+$0xFFFFFC50]  }
0x2fe: {  	v13 =	vld [tilespmem:s19+$0xFFFFFC70];
	v12 =	vbroadcast v7, $0x1;
	v4 =	vadd.f32 v9, v4  }
0x2ff: {  	v16 =	vld [tilespmem:s19+$0xFFFFFD40];
	v14 =	vbroadcast v7, $0x2  }
0x300: {  	v17 =	vld [tilespmem:s19+$0xFFFFFE00];
	v5 =	vadd.f32 v5, v12;
	[tilespmem:s19+$0xFFFFFC00] =	vst v4;
	v4 =	vbroadcast v7, $0x3  }
0x301: {  	v9 =	vld [tilespmem:s19+$0xFFFFFC60];
	v6 =	vadd.f32 v6, v14  }
0x302: {  	v12 =	vld [tilespmem:s19+$0xFFFFFD00];
	[tilespmem:s19+$0xFFFFFC10] =	vst v5;
	v4 =	vadd.f32 v8, v4  }
0x303: {  	v5 =	vbroadcast v7, $0x4;
	[tilespmem:s19+$0xFFFFFC20] =	vst v6;
	v6 =	vbroadcast v7, $0x5;
	v8 =	vld [tilespmem:s19+$0xFFFFFD20]  }
0x304: {  	v15 =	vbroadcast v7, $0x6;
	[tilespmem:s19+$0xFFFFFC30] =	vst v4;
	v4 =	vld [tilespmem:s31+$0x10]  }
0x305: {  	v5 =	vadd.f32 v10, v5;
	v11 =	vadd.f32 v11, v6;
	v6 =	vld [tilespmem:s31+$0xFFFFFFF0]  }
0x306: {  	v37 =	vbroadcast v7, $0x8;
	v9 =	vadd.f32 v9, v15;
	v15 =	vld [tilespmem:s19+$0x370]  }
0x307: {  	v51 =	vld [tilespmem:s19+$0xFFFFFF50];
	v24 =	vbroadcast v7, $0xA;
	[tilespmem:s19+$0xFFFFFC40] =	vst v5;
	v5 =	vbroadcast v7, $0x7  }
0x308: {  	v25 =	vbroadcast v7, $0xC;
	v14 =	vld [tilespmem:s19+$0xFFFFFD10];
	v12 =	vadd.f32 v12, v37;
	[tilespmem:s19+$0xFFFFFC50] =	vst v11  }
0x309: {  	[tilespmem:s19+$0xFFFFFC60] =	vst v9;
	v13 =	vadd.f32 v13, v5;
	v5 =	vld [tilespmem:s31+$0x0];
	v8 =	vadd.f32 v8, v24;
	v19 =	vbroadcast v4, $0xF  }
0x30a: {  	v10 =	vld [tilespmem:s19+$0xFFFFFD30];
	[tilespmem:s19+$0xFFFFFD00] =	vst v12  }
0x30b: {  	v53 =	vbroadcast v6, $0xD;
	[tilespmem:s19+$0xFFFFFD20] =	vst v8;
	v8 =	vadd.f32 v16, v25;
	v16 =	vld [tilespmem:s19+$0x10];
	v15 =	vadd.f32 v15, v19  }
0x30c: {  	v11 =	vld [tilespmem:s19+$0xFFFFFD50];
	[tilespmem:s19+$0xFFFFFC70] =	vst v13;
	v19 =	vbroadcast v7, $0x9  }
0x30d: {  	v9 =	vld [tilespmem:s19+$0xFFFFFD60];
	v20 =	vadd.f32 v51, v53;
	[tilespmem:s19+$0x370] =	vst v15;
	v15 =	vbroadcast v7, $0xB  }
0x30e: {  	v13 =	vld [tilespmem:s19+$0xFFFFFD70];
	[tilespmem:s19+$0xFFFFFD40] =	vst v8;
	v43 =	vbroadcast v5, $0x1;
	v14 =	vadd.f32 v14, v19  }
0x30f: {  	v39 =	vld [tilespmem:s19+$0xFFFFFE40];
	v41 =	vbroadcast v7, $0xD;
	[tilespmem:s19+$0xFFFFFF50] =	vst v20;
	v10 =	vadd.f32 v10, v15  }
0x310: {  	v18 =	vld [tilespmem:s19+$0xFFFFFE10];
	v16 =	vadd.f32 v16, v43;
	[tilespmem:s19+$0xFFFFFD10] =	vst v14;
	v15 =	vbroadcast v7, $0xE  }
0x311: {  	v14 =	vld [tilespmem:s19+$0x0];
	v7 =	vbroadcast v7, $0xF;
	[tilespmem:s19+$0xFFFFFD30] =	vst v10;
	v10 =	vadd.f32 v11, v41  }
0x312: {  	v36 =	vld [tilespmem:s19+$0xFFFFFE20];
	[tilespmem:s19+$0x10] =	vst v16;
	v16 =	vbroadcast v6, $0x4;
	v8 =	vadd.f32 v9, v15  }
0x313: {  	v38 =	vld [tilespmem:s19+$0xFFFFFE30];
	v42 =	vbroadcast v6, $0x0;
	v7 =	vadd.f32 v13, v7;
	[tilespmem:s19+$0xFFFFFD50] =	vst v10  }
0x314: {  	v11 =	vld [tilespmem:s19+$0x20];
	v15 =	vbroadcast v5, $0x0;
	v13 =	vbroadcast v6, $0x1;
	v16 =	vadd.f32 v39, v16;
	[tilespmem:s19+$0xFFFFFD60] =	vst v8  }
0x315: {  	v9 =	vld [tilespmem:s19+$0x30];
	v8 =	vadd.f32 v42, v17;
	[tilespmem:s19+$0xFFFFFD70] =	vst v7  }
0x316: {  	v40 =	vld [tilespmem:s19+$0xFFFFFE50];
	v13 =	vadd.f32 v18, v13;
	v7 =	vadd.f32 v15, v14;
	v15 =	vbroadcast v6, $0x2;
	[tilespmem:s19+$0xFFFFFE40] =	vst v16  }
0x317: {  	v10 =	vld [tilespmem:s19+$0x40];
	v18 =	vbroadcast v5, $0x2;
	[tilespmem:s19+$0xFFFFFE00] =	vst v8  }
0x318: {  	v45 =	vbroadcast v5, $0x3;
	v17 =	vld [tilespmem:s19+$0x50];
	[tilespmem:s19+$0xFFFFFE10] =	vst v13;
	v15 =	vadd.f32 v36, v15  }
0x319: {  	v44 =	vld [tilespmem:s19+$0xFFFFFF00];
	[tilespmem:s19+$0x0] =	vst v7;
	v7 =	vbroadcast v6, $0x3;
	v11 =	vadd.f32 v11, v18  }
0x31a: {  	v19 =	vld [tilespmem:s19+$0xFFFFFE60];
	v18 =	vbroadcast v5, $0x4;
	v9 =	vadd.f32 v9, v45;
	[tilespmem:s19+$0xFFFFFE20] =	vst v15  }
0x31b: {  	v48 =	vbroadcast v5, $0x5;
	v14 =	vld [tilespmem:s19+$0x60];
	v7 =	vadd.f32 v38, v7;
	[tilespmem:s19+$0x20] =	vst v11  }
0x31c: {  	v13 =	vld [tilespmem:s19+$0x100];
	v11 =	vbroadcast v6, $0x5;
	v10 =	vadd.f32 v10, v18;
	[tilespmem:s19+$0x30] =	vst v9  }
0x31d: {  	v12 =	vld [tilespmem:s19+$0xFFFFFE70];
	v9 =	vbroadcast v6, $0x6;
	v17 =	vadd.f32 v17, v48;
	[tilespmem:s19+$0xFFFFFE30] =	vst v7  }
0x31e: {  	v8 =	vld [tilespmem:s19+$0x70];
	v18 =	vbroadcast v5, $0x6;
	v11 =	vadd.f32 v40, v11;
	[tilespmem:s19+$0x40] =	vst v10  }
0x31f: {  	v46 =	vld [tilespmem:s19+$0xFFFFFF10];
	v55 =	vbroadcast v5, $0x8;
	v9 =	vadd.f32 v19, v9;
	[tilespmem:s19+$0x50] =	vst v17  }
0x320: {  	v15 =	vld [tilespmem:s19+$0x110];
	v10 =	vbroadcast v6, $0x7;
	v14 =	vadd.f32 v14, v18;
	[tilespmem:s19+$0xFFFFFE50] =	vst v11  }
0x321: {  	v47 =	vld [tilespmem:s19+$0xFFFFFF20];
	v19 =	vbroadcast v5, $0x7;
	v13 =	vadd.f32 v13, v55;
	[tilespmem:s19+$0xFFFFFE60] =	vst v9  }
0x322: {  	v49 =	vld [tilespmem:s19+$0xFFFFFF30];
	v17 =	vbroadcast v6, $0x8;
	v10 =	vadd.f32 v12, v10;
	[tilespmem:s19+$0x60] =	vst v14  }
0x323: {  	v50 =	vld [tilespmem:s19+$0xFFFFFF40];
	v58 =	vbroadcast v5, $0x9;
	v8 =	vadd.f32 v8, v19;
	[tilespmem:s19+$0x100] =	vst v13  }
0x324: {  	v7 =	vld [tilespmem:s19+$0x120];
	v12 =	vbroadcast v6, $0x9;
	v17 =	vadd.f32 v44, v17;
	[tilespmem:s19+$0xFFFFFE70] =	vst v10  }
0x325: {  	v52 =	vld [tilespmem:s19+$0xFFFFFF70];
	v14 =	vbroadcast v6, $0xA;
	v15 =	vadd.f32 v15, v58;
	[tilespmem:s19+$0x70] =	vst v8  }
0x326: {  	v18 =	vld [tilespmem:s19+$0xFFFFFF60];
	v19 =	vbroadcast v6, $0xB;
	v12 =	vadd.f32 v46, v12;
	[tilespmem:s19+$0xFFFFFF00] =	vst v17  }
0x327: {  	v57 =	vld [tilespmem:s19+$0x240];
	v60 =	vbroadcast v5, $0xA;
	v14 =	vadd.f32 v47, v14;
	[tilespmem:s19+$0x110] =	vst v15  }
0x328: {  	v61 =	vld [tilespmem:s19+$0x270];
	v8 =	vbroadcast v6, $0xC;
	v19 =	vadd.f32 v49, v19;
	[tilespmem:s19+$0xFFFFFF10] =	vst v12  }
0x329: {  	v54 =	vbroadcast v6, $0xE;
	v7 =	vadd.f32 v7, v60;
	v12 =	vld [tilespmem:s19+$0x200];
	[tilespmem:s19+$0xFFFFFF20] =	vst v14  }
0x32a: {  	v6 =	vbroadcast v6, $0xF;
	v8 =	vadd.f32 v50, v8;
	v14 =	vld [tilespmem:s19+$0x210];
	[tilespmem:s19+$0xFFFFFF30] =	vst v19  }
0x32b: {  	v18 =	vadd.f32 v18, v54;
	v19 =	vld [tilespmem:s19+$0x220];
	[tilespmem:s19+$0x120] =	vst v7;
	v7 =	vbroadcast v4, $0x4  }
0x32c: {  	v56 =	vbroadcast v4, $0x0;
	v6 =	vadd.f32 v52, v6;
	[tilespmem:s19+$0xFFFFFF40] =	vst v8;
	v8 =	vld [tilespmem:s19+$0x230]  }
0x32d: {  	v59 =	vbroadcast v4, $0x1;
	v16 =	vld [tilespmem:s19+$0x130];
	[tilespmem:s19+$0xFFFFFF60] =	vst v18;
	v7 =	vadd.f32 v57, v7  }
0x32e: {  	v11 =	vld [tilespmem:s19+$0x140];
	v13 =	vbroadcast v4, $0x2;
	[tilespmem:s19+$0xFFFFFF70] =	vst v6;
	v6 =	vadd.f32 v56, v12  }
0x32f: {  	v9 =	vld [tilespmem:s19+$0x150];
	v15 =	vbroadcast v4, $0x3;
	v14 =	vadd.f32 v14, v59;
	[tilespmem:s19+$0x240] =	vst v7  }
0x330: {  	v10 =	vld [tilespmem:s19+$0x160];
	v13 =	vadd.f32 v19, v13;
	[tilespmem:s19+$0x200] =	vst v6;
	v6 =	vbroadcast v5, $0xB  }
0x331: {  	v17 =	vld [tilespmem:s19+$0x170];
	[tilespmem:s19+$0x210] =	vst v14;
	v14 =	vbroadcast v5, $0xC;
	v8 =	vadd.f32 v8, v15  }
0x332: {  	v18 =	vld [tilespmem:s19+$0x250];
	[tilespmem:s19+$0x220] =	vst v13;
	v13 =	vbroadcast v5, $0xD;
	v6 =	vadd.f32 v16, v6  }
0x333: {  	v12 =	vld [tilespmem:s19+$0x260];
	v11 =	vadd.f32 v11, v14;
	[tilespmem:s19+$0x230] =	vst v8;
	v8 =	vbroadcast v5, $0xE  }
0x334: {  	v62 =	vld [tilespmem:s19+$0x300];
	v9 =	vadd.f32 v9, v13;
	v5 =	vbroadcast v5, $0xF;
	[tilespmem:s19+$0x130] =	vst v6  }
0x335: {  	v19 =	vld [tilespmem:s19+$0x310];
	v6 =	vbroadcast v4, $0x5;
	[tilespmem:s19+$0x140] =	vst v11;
	v7 =	vadd.f32 v10, v8  }
0x336: {  	v63 =	vbroadcast v4, $0x9;
	v15 =	vld [tilespmem:s19+$0x320];
	v11 =	vbroadcast v4, $0x6;
	[tilespmem:s19+$0x150] =	vst v9;
	v5 =	vadd.f32 v17, v5  }
0x337: {  	v13 =	vld [tilespmem:s19+$0x330];
	v16 =	vbroadcast v4, $0x7;
	v10 =	vbroadcast v4, $0xA;
	v6 =	vadd.f32 v18, v6;
	[tilespmem:s19+$0x160] =	vst v7  }
0x338: {  	v14 =	vld [tilespmem:s19+$0x340];
	v9 =	vbroadcast v4, $0xB;
	v18 =	vbroadcast v4, $0x8;
	v12 =	vadd.f32 v12, v11;
	[tilespmem:s19+$0x170] =	vst v5  }
0x339: {  	v8 =	vbroadcast v4, $0xD;
	v16 =	vadd.f32 v61, v16;
	v11 =	vld [tilespmem:s19+$0x350];
	v7 =	vbroadcast v4, $0xC;
	[tilespmem:s19+$0x250] =	vst v6  }
0x33a: {  	s21 =	simm.s32 $0x0;
	s22 =	simm.s32 $0x188E0;
	s20 =	simm.s32 $0x10480;
	[tilespmem:s19+$0x260] =	vst v12;
	v6 =	vbroadcast v4, $0xE;
	v17 =	vadd.f32 v62, v18;
	v12 =	vadd.f32 v19, v63;
	v4 =	vld [tilespmem:s19+$0x360]  }
.LBB2_44:
0x33b: {  	v5 =	vld [tilespmem:s22+$0x10];
	s21 =	sadd.s32 $0x4, s21;
	[tilespmem:s19+$0x270] =	vst v16;
	v10 =	vadd.f32 v15, v10  }
0x33c: {  	s19 =	sadd.s32 $0x800, s19;
	v15 =	vld [tilespmem:s22+$0xFFFFFFF0];
	p0 =	slt.u32 s21, $0x3C;
	[tilespmem:s20+$0x300] =	vst v17;
	v9 =	vadd.f32 v13, v9  }
0x33d: {  	v13 =	vld [tilespmem:s19+$0x370];
	[tilespmem:s20+$0x310] =	vst v12;
	v12 =	vadd.f32 v14, v7  }
0x33e: {  	v7 =	vld [tilespmem:s22+$0x0];
	[tilespmem:s20+$0x320] =	vst v10;
	v8 =	vadd.f32 v11, v8  }
0x33f: {  	v10 =	vld [tilespmem:s22+$0xFFFFFFE0];
	[tilespmem:s20+$0x330] =	vst v9;
	v6 =	vadd.f32 v4, v6  }
0x340: {  	v11 =	vld [tilespmem:s19+$0xFFFFFC00];
	v4 =	vbroadcast v5, $0x0;
	v9 =	vbroadcast v5, $0xF;
	[tilespmem:s20+$0x340] =	vst v12  }
0x341: {  	v12 =	vld [tilespmem:s19+$0xFFFFFC10];
	v14 =	vbroadcast v15, $0x0;
	v16 =	vbroadcast v15, $0x1;
	[tilespmem:s20+$0x350] =	vst v8  }
0x342: {  	v18 =	vbroadcast v15, $0x2;
	v8 =	vbroadcast v15, $0x3;
	v17 =	vld [tilespmem:s19+$0xFFFFFC20];
	v13 =	vadd.f32 v13, v9;
	[tilespmem:s20+$0x360] =	vst v6;
	s20 =	smov.u32 s19  }
0x343: {  	v9 =	vbroadcast v15, $0x4;
	v6 =	vbroadcast v15, $0x5;
	v19 =	vld [tilespmem:s19+$0xFFFFFC30]  }
0x344: {  	v20 =	vbroadcast v10, $0x0;
	v21 =	vbroadcast v10, $0x1;
	v22 =	vld [tilespmem:s19+$0xFFFFFC40];
	[tilespmem:s19+$0x370] =	vst v13  }
0x345: {  	v13 =	vbroadcast v10, $0x2;
	v23 =	vbroadcast v10, $0x3;
	v24 =	vld [tilespmem:s19+$0xFFFFFC50]  }
0x346: {  	v25 =	vbroadcast v10, $0x5;
	v11 =	vadd.f32 v20, v11;
	v20 =	vbroadcast v10, $0x4;
	v26 =	vld [tilespmem:s19+$0xFFFFFC60]  }
0x347: {  	v28 =	vbroadcast v10, $0x7;
	v12 =	vadd.f32 v12, v21;
	v21 =	vbroadcast v10, $0x6;
	v27 =	vld [tilespmem:s19+$0xFFFFFC70]  }
0x348: {  	v29 =	vbroadcast v10, $0x9;
	[tilespmem:s19+$0xFFFFFC00] =	vst v11;
	v11 =	vadd.f32 v17, v13;
	v13 =	vld [tilespmem:s19+$0xFFFFFD00];
	v17 =	vbroadcast v10, $0x8  }
0x349: {  	v30 =	vbroadcast v10, $0xB;
	[tilespmem:s19+$0xFFFFFC10] =	vst v12;
	v12 =	vadd.f32 v19, v23;
	v19 =	vld [tilespmem:s19+$0xFFFFFD10];
	v23 =	vbroadcast v10, $0xA  }
0x34a: {  	v31 =	vbroadcast v10, $0xD;
	[tilespmem:s19+$0xFFFFFC20] =	vst v11;
	v11 =	vadd.f32 v22, v20;
	v20 =	vld [tilespmem:s19+$0xFFFFFD20];
	v22 =	vbroadcast v10, $0xC  }
0x34b: {  	[tilespmem:s19+$0xFFFFFC30] =	vst v12;
	v12 =	vadd.f32 v24, v25;
	v24 =	vld [tilespmem:s19+$0xFFFFFD30];
	v25 =	vbroadcast v10, $0xE;
	v10 =	vbroadcast v10, $0xF  }
0x34c: {  	v32 =	vbroadcast v15, $0x7;
	[tilespmem:s19+$0xFFFFFC40] =	vst v11;
	v11 =	vadd.f32 v26, v21;
	v21 =	vld [tilespmem:s19+$0xFFFFFD40];
	v26 =	vbroadcast v15, $0x6  }
0x34d: {  	v33 =	vbroadcast v15, $0x9;
	[tilespmem:s19+$0xFFFFFC50] =	vst v12;
	v12 =	vadd.f32 v27, v28;
	v27 =	vld [tilespmem:s19+$0xFFFFFD50];
	v28 =	vbroadcast v15, $0x8  }
0x34e: {  	v34 =	vbroadcast v15, $0xA;
	v35 =	vbroadcast v15, $0xB;
	[tilespmem:s19+$0xFFFFFC60] =	vst v11;
	v11 =	vadd.f32 v13, v17;
	v13 =	vld [tilespmem:s19+$0xFFFFFD60]  }
0x34f: {  	v36 =	vbroadcast v15, $0xD;
	[tilespmem:s19+$0xFFFFFC70] =	vst v12;
	v12 =	vadd.f32 v19, v29;
	v17 =	vld [tilespmem:s19+$0xFFFFFD70];
	v29 =	vbroadcast v15, $0xC  }
0x350: {  	[tilespmem:s19+$0xFFFFFD00] =	vst v11;
	v11 =	vadd.f32 v20, v23;
	v19 =	vld [tilespmem:s19+$0xFFFFFE00];
	v20 =	vbroadcast v15, $0xE;
	v23 =	vbroadcast v15, $0xF  }
0x351: {  	[tilespmem:s19+$0xFFFFFD10] =	vst v12;
	v12 =	vadd.f32 v24, v30;
	v15 =	vld [tilespmem:s19+$0xFFFFFE10];
	v24 =	vbroadcast v7, $0x0;
	v30 =	vbroadcast v7, $0x1  }
0x352: {  	v37 =	vbroadcast v7, $0x3;
	[tilespmem:s19+$0xFFFFFD20] =	vst v11;
	v11 =	vadd.f32 v21, v22;
	v21 =	vld [tilespmem:s19+$0xFFFFFE20];
	v22 =	vbroadcast v7, $0x2  }
0x353: {  	v38 =	vbroadcast v7, $0x5;
	[tilespmem:s19+$0xFFFFFD30] =	vst v12;
	v12 =	vadd.f32 v27, v31;
	v27 =	vld [tilespmem:s19+$0xFFFFFE30];
	v31 =	vbroadcast v7, $0x4  }
0x354: {  	v39 =	vbroadcast v7, $0x7;
	[tilespmem:s19+$0xFFFFFD40] =	vst v11;
	v11 =	vadd.f32 v13, v25;
	v13 =	vld [tilespmem:s19+$0xFFFFFE40];
	v25 =	vbroadcast v7, $0x6  }
0x355: {  	v40 =	vbroadcast v7, $0x8;
	v41 =	vbroadcast v7, $0x9;
	v10 =	vadd.f32 v17, v10;
	[tilespmem:s19+$0xFFFFFD50] =	vst v12;
	v12 =	vld [tilespmem:s19+$0xFFFFFE50]  }
0x356: {  	v42 =	vbroadcast v7, $0xA;
	v43 =	vbroadcast v7, $0xB;
	[tilespmem:s19+$0xFFFFFD60] =	vst v11;
	v11 =	vadd.f32 v14, v19;
	v14 =	vld [tilespmem:s19+$0xFFFFFE60]  }
0x357: {  	v45 =	vbroadcast v7, $0xC;
	v46 =	vbroadcast v7, $0xD;
	[tilespmem:s19+$0xFFFFFD70] =	vst v10;
	v10 =	vadd.f32 v15, v16;
	v44 =	vld [tilespmem:s19+$0xFFFFFE70]  }
0x358: {  	v47 =	vbroadcast v7, $0xE;
	v48 =	vbroadcast v7, $0xF;
	[tilespmem:s19+$0xFFFFFE00] =	vst v11;
	v11 =	vadd.f32 v21, v18;
	v21 =	vld [tilespmem:s19+$0xFFFFFF00]  }
0x359: {  	v17 =	vbroadcast v5, $0x2;
	v19 =	vbroadcast v5, $0x1;
	v7 =	vadd.f32 v27, v8;
	[tilespmem:s19+$0xFFFFFE10] =	vst v10;
	v8 =	vld [tilespmem:s19+$0xFFFFFF10]  }
0x35a: {  	v15 =	vbroadcast v5, $0x4;
	v18 =	vbroadcast v5, $0x3;
	v9 =	vadd.f32 v13, v9;
	[tilespmem:s19+$0xFFFFFE20] =	vst v11;
	v27 =	vld [tilespmem:s19+$0xFFFFFF20]  }
0x35b: {  	v16 =	vbroadcast v5, $0x5;
	v13 =	vbroadcast v5, $0x6;
	v6 =	vadd.f32 v12, v6;
	[tilespmem:s19+$0xFFFFFE30] =	vst v7;
	v49 =	vld [tilespmem:s19+$0xFFFFFF30]  }
0x35c: {  	v11 =	vbroadcast v5, $0x8;
	v7 =	vadd.f32 v14, v26;
	v14 =	vbroadcast v5, $0x7;
	[tilespmem:s19+$0xFFFFFE40] =	vst v9;
	v26 =	vld [tilespmem:s19+$0xFFFFFF40]  }
0x35d: {  	v10 =	vbroadcast v5, $0xA;
	v12 =	vbroadcast v5, $0x9;
	[tilespmem:s19+$0xFFFFFE50] =	vst v6;
	v6 =	vadd.f32 v44, v32;
	v32 =	vld [tilespmem:s19+$0xFFFFFF50]  }
0x35e: {  	v9 =	vbroadcast v5, $0xB;
	v21 =	vadd.f32 v21, v28;
	[tilespmem:s19+$0xFFFFFE60] =	vst v7;
	v28 =	vld [tilespmem:s19+$0xFFFFFF60];
	v7 =	vbroadcast v5, $0xC  }
0x35f: {  	v33 =	vadd.f32 v8, v33;
	v8 =	vbroadcast v5, $0xD;
	[tilespmem:s19+$0xFFFFFE70] =	vst v6;
	v44 =	vld [tilespmem:s19+$0xFFFFFF70];
	v6 =	vbroadcast v5, $0xE  }
0x360: {  	v5 =	vadd.f32 v27, v34;
	[tilespmem:s19+$0xFFFFFF00] =	vst v21;
	v21 =	vadd.f32 v49, v35;
	v27 =	vld [tilespmem:s19+$0x0]  }
0x361: {  	[tilespmem:s19+$0xFFFFFF10] =	vst v33;
	v26 =	vadd.f32 v26, v29;
	v29 =	vld [tilespmem:s19+$0x10]  }
0x362: {  	[tilespmem:s19+$0xFFFFFF20] =	vst v5;
	v5 =	vadd.f32 v32, v36;
	v32 =	vld [tilespmem:s19+$0x20]  }
0x363: {  	[tilespmem:s19+$0xFFFFFF30] =	vst v21;
	v20 =	vadd.f32 v28, v20;
	v21 =	vld [tilespmem:s19+$0x30]  }
0x364: {  	[tilespmem:s19+$0xFFFFFF40] =	vst v26;
	v23 =	vadd.f32 v44, v23;
	v26 =	vld [tilespmem:s19+$0x40]  }
0x365: {  	[tilespmem:s19+$0xFFFFFF50] =	vst v5;
	v5 =	vadd.f32 v24, v27;
	v24 =	vld [tilespmem:s19+$0x50]  }
0x366: {  	[tilespmem:s19+$0xFFFFFF60] =	vst v20;
	v20 =	vadd.f32 v29, v30;
	v27 =	vld [tilespmem:s19+$0x60]  }
0x367: {  	[tilespmem:s19+$0xFFFFFF70] =	vst v23;
	v22 =	vadd.f32 v32, v22;
	v23 =	vld [tilespmem:s19+$0x70]  }
0x368: {  	[tilespmem:s19+$0x0] =	vst v5;
	v5 =	vadd.f32 v21, v37;
	v21 =	vld [tilespmem:s19+$0x100]  }
0x369: {  	[tilespmem:s19+$0x10] =	vst v20;
	v20 =	vadd.f32 v26, v31;
	v26 =	vld [tilespmem:s19+$0x110]  }
0x36a: {  	[tilespmem:s19+$0x20] =	vst v22;
	v22 =	vadd.f32 v24, v38;
	v24 =	vld [tilespmem:s19+$0x120]  }
0x36b: {  	[tilespmem:s19+$0x30] =	vst v5;
	v5 =	vadd.f32 v27, v25;
	v25 =	vld [tilespmem:s19+$0x130]  }
0x36c: {  	[tilespmem:s19+$0x40] =	vst v20;
	v20 =	vadd.f32 v23, v39;
	v23 =	vld [tilespmem:s19+$0x140]  }
0x36d: {  	[tilespmem:s19+$0x50] =	vst v22;
	v21 =	vadd.f32 v21, v40;
	v22 =	vld [tilespmem:s19+$0x150]  }
0x36e: {  	[tilespmem:s19+$0x60] =	vst v5;
	v5 =	vadd.f32 v26, v41;
	v26 =	vld [tilespmem:s19+$0x160]  }
0x36f: {  	[tilespmem:s19+$0x70] =	vst v20;
	v20 =	vadd.f32 v24, v42;
	v24 =	vld [tilespmem:s19+$0x170]  }
0x370: {  	[tilespmem:s19+$0x100] =	vst v21;
	v21 =	vadd.f32 v25, v43;
	v25 =	vld [tilespmem:s19+$0x200]  }
0x371: {  	[tilespmem:s19+$0x110] =	vst v5;
	v5 =	vadd.f32 v23, v45;
	v23 =	vld [tilespmem:s19+$0x210]  }
0x372: {  	[tilespmem:s19+$0x120] =	vst v20;
	v20 =	vadd.f32 v22, v46;
	v22 =	vld [tilespmem:s19+$0x220]  }
0x373: {  	[tilespmem:s19+$0x130] =	vst v21;
	v21 =	vadd.f32 v26, v47;
	v26 =	vld [tilespmem:s19+$0x230]  }
0x374: {  	[tilespmem:s19+$0x140] =	vst v5;
	v5 =	vadd.f32 v24, v48;
	v24 =	vld [tilespmem:s19+$0x240]  }
0x375: {  	[tilespmem:s19+$0x150] =	vst v20;
	v4 =	vadd.f32 v4, v25;
	v20 =	vld [tilespmem:s19+$0x250]  }
0x376: {  	[tilespmem:s19+$0x160] =	vst v21;
	v19 =	vadd.f32 v23, v19;
	v21 =	vld [tilespmem:s19+$0x260]  }
0x377: {  	[tilespmem:s19+$0x170] =	vst v5;
	v5 =	vadd.f32 v22, v17;
	v17 =	vld [tilespmem:s19+$0x270]  }
0x378: {  	[tilespmem:s19+$0x200] =	vst v4;
	v4 =	vadd.f32 v26, v18;
	v18 =	vld [tilespmem:s19+$0x300]  }
0x379: {  	[tilespmem:s19+$0x210] =	vst v19;
	v19 =	vadd.f32 v24, v15;
	v22 =	vld [tilespmem:s19+$0x310]  }
.Ltmp24:
0x37a: {  	[tilespmem:s19+$0x220] =	vst v5;
	v5 =	vadd.f32 v20, v16;
	v15 =	vld [tilespmem:s19+$0x320];
	(pc) =	sbr.rel @p0 .LBB2_44-.Ltmp24, $4  }
0x37b: {  	[tilespmem:s19+$0x230] =	vst v4;
	v4 =	vadd.f32 v21, v13;
	v13 =	vld [tilespmem:s19+$0x330]  }
0x37c: {  	[tilespmem:s19+$0x240] =	vst v19;
	v16 =	vadd.f32 v17, v14;
	v14 =	vld [tilespmem:s19+$0x340]  }
0x37d: {  	[tilespmem:s19+$0x250] =	vst v5;
	v17 =	vadd.f32 v18, v11;
	v11 =	vld [tilespmem:s19+$0x350]  }
0x37e: {  	s22 =	sadd.s32 $0x40, s22;
	[tilespmem:s19+$0x260] =	vst v4;
	v12 =	vadd.f32 v22, v12;
	v4 =	vld [tilespmem:s19+$0x360]  }
0x37f: {  	[tilespmem:s19+$0x270] =	vst v16  }
0x380: {  	v5 =	vadd.f32 v15, v10;
	[tilespmem:s20+$0x300] =	vst v17  }
0x381: {  	v9 =	vadd.f32 v13, v9;
	[tilespmem:s20+$0x310] =	vst v12  }
0x382: {  	v7 =	vadd.f32 v14, v7;
	[tilespmem:s20+$0x320] =	vst v5  }
0x383: {  	v5 =	vadd.f32 v11, v8;
	[tilespmem:s20+$0x330] =	vst v9  }
0x384: {  	v4 =	vadd.f32 v4, v6;
	[tilespmem:s20+$0x340] =	vst v7  }
0x385: {  	s19 =	simm.s32 $0x10080;
	[tilespmem:s20+$0x350] =	vst v5  }
0x386: {  	s22 =	sadd.s32 $0x0, s8;
	s21 =	simm.s32 $0x10180;
	[tilespmem:s20+$0x360] =	vst v4;
	s20 =	simm.s32 $0x80  }
.LBB2_46:
0x387: {  	[hbm4b:s22+s2] =	stream.linear.scatter [tilespmem:s19], [sflag:$0x6], $0x80, $0x38;
	[tilespmem:$0x18C80] =	vst v63  }
0x388: {  	s22 =	smov.u32 s20;
	s19 =	smov.u32 s21;
	p0 =	sne.s32 s20, $0x3F80  }
.Ltmp25:
0x389: {  	s20 =	sadd.s32 $0x80, s20;
	(pc) =	sbr.rel @p0 .LBB2_46-.Ltmp25, $2  }
0x38a: {  	_ =	sdelay $0x2  }
0x38b: {  	s21 =	sadd.s32 $0x100, s21;
	s22 =	sadd.s32 s22, s8  }
0x38c: {  	[hbm4b:s22+s2] =	stream.linear.scatter [tilespmem:s19], [sflag:$0x6], $0x80, $0x38;
	[tilespmem:$0x18C80] =	vst v63  }
0x38d: {  	s18 =	sadd.s32 $0x1, s18  }
0x38e: {  	_ =	swait.ge [sflag:s16], $0x4000;
	p0 =	sne.s32 s18, s9  }
.Ltmp26:
0x38f: {  	[sflag:s16] =	ssyncset.done $0x0;
	(pc) =	sbr.rel @p0 .LBB2_1-.Ltmp26, $4  }
.Ltmp27:
0x390: {  	[sflag:s16] =	ssyncadd.s32 $0xFFFFC000;
	(pc) =	sbr.rel @!p0 .LBB2_48-.Ltmp27, $4  }
0x391: {  	_ =	swait.ge [sflag:s17], $0x4000  }
0x392: {  	[sflag:s17] =	ssyncset.done $0x0  }
0x393: {  	[sflag:s17] =	ssyncadd.s32 $0xFFFFC000  }
0x394: {  	_ = 	snop  }
.LBB2_16:
.Ltmp28:
0x395: {  	(pc) =	sbr.rel .LBB2_20-.Ltmp28, $2  }
0x396: {  	_ =	sdelay $0x2  }
0x397: {  	s21 =	simm.f32 $0.0e+00;
	s22 =	simm.s32 $0x18800;
	p1 =	por $0x0, $0x0  }
.LBB2_21:
.Ltmp29:
0x398: {  	(pc) =	sbr.rel .LBB2_24-.Ltmp29, $2  }
0x399: {  	_ =	sdelay $0x2  }
0x39a: {  	s21 =	simm.s32 $0x0  }
.LBB2_35:
.Ltmp30:
0x39b: {  	(pc) =	sbr.rel .LBB2_39-.Ltmp30, $2  }
0x39c: {  	_ =	sdelay $0x2  }
0x39d: {  	s21 =	smov.u32 s19;
	s22 =	simm.s32 $0x18800;
	p1 =	por $0x0, $0x0  }
.LBB2_40:
.Ltmp31:
0x39e: {  	(pc) =	sbr.rel .LBB2_43-.Ltmp31, $2  }
0x39f: {  	_ =	sdelay $0x2  }
0x3a0: {  	s20 =	simm.s32 $0x0  }
.LBB2_18:
.Ltmp32:
0x3a1: {  	(pc) =	sbr.rel .LBB2_20-.Ltmp32, $2  }
0x3a2: {  	_ =	sdelay $0x2  }
0x3a3: {  	s21 =	simm.f32 $0.0e+00;
	s22 =	simm.s32 $0x18800  }
.LBB2_37:
.Ltmp33:
0x3a4: {  	(pc) =	sbr.rel .LBB2_39-.Ltmp33, $2  }
0x3a5: {  	_ =	sdelay $0x2  }
0x3a6: {  	s21 =	smov.u32 s19;
	s22 =	simm.s32 $0x18800  }
.LBB2_48:
0x3a7: {  	_ =	sfence.sel $0x180000  }
0x3a8: {  	[bflag:$0x0] =	sbarrier.arrive $0xFFFF  }
0x3a9: {  	p0 =	sne.s32 s1, $0x0;
	_ =	strace $0x90000047  }
0x3aa: {  	s0 =	sadd.s32 @!p0 $0x100000, s0;
	[bflag:$0x2] =	sbarrier.arrive $0xFFFF  }
0x3ab: {  	[sflag:s0] =	ssyncadd.tile.s32 @!p0 $0x1;
	_ =	shalt  }
.Lfunc_end2:
_tile_overlayer_lowered:
.L_overlay_start_2:
0x3ac: {  	(tag) =	ssettag $0x2  }
0x3ad: {  	s0 =	rddreg [dreg:$0x0];
	s2 =	stileid.u32  }
0x3ae: {  	s1 =	rddreg [dreg:$0x1];
	p0 =	sne.s32 s2, $0x0  }
0x3af: {  	s3 =	rddreg [dreg:$0x2];
	[bflag:$0x3] =	sbarrier.arrive $0xFFFF;
	s2 =	simm.s32 @!p0 $0x1C07  }
0x3b0: {  	[timem:s3], [sflag:s2] =	dma.local @!p0 [hbm:s0], s1  }
0x3b1: {  	s0 =	simm.s32 @!p0 $0x7  }
0x3b2: {  	_ =	swait.ge @!p0 [sflag:s0], s1  }
0x3b3: {  	s1 =	ssub.s32 @!p0 $0x0, s1;
	[sflag:s0] =	ssyncset.done @!p0 $0x0  }
0x3b4: {  	[sflag:s0] =	ssyncadd.s32 @!p0 s1  }
0x3b5: {  	[bflag:$0x3] =	sbarrier.arrive $0xFFFF  }
0x3b6: {  	_ =	shalt  }

</sc_bundles>
